<compile_context>
chip_gen: v7x
topology: tpu7x:2x2x1
jax: 0.10.2.dev20260603
libtpu: 0.0.44.dev20260713+nightly
codegen_flags: <defaults>
</compile_context>

<pallas_src>
import jax
import jax.numpy as jnp
from jax import lax
from jax.experimental import pallas as pl
from jax.experimental.pallas import tpu as pltpu
from jax.experimental.pallas import tpu_sc as plsc

_B, _P, _C = 8, 16384, 21
_H = _W = 512
_N = _B * _P
_NW = 32
_CHUNK = _N // _NW
_NVEC = _CHUNK // 16
_WPB = _NW // _B


_NCH = 4
_CP = _CHUNK // _NCH
_JB = _CP // 128


def _sc_body(coords_hbm, labels_hbm, logits_hbm, out_hbm, cvec,
             idxl0, idxl1, idxp0, idxp1, labv0, labv1, pickv0, pickv1,
             accv, sl0, sl1, sp0, sp1):
    wid = lax.axis_index("s") * 2 + lax.axis_index("c")
    b = wid // _WPB
    pbase = (wid % _WPB) * _CHUNK
    pltpu.sync_copy(coords_hbm.at[pl.ds(b * (2 * _P) + pbase * 2,
                                        2 * _CHUNK)], cvec)
    boff = b * (_H * _W)
    lane = lax.iota(jnp.int32, 16)
    idxl = [idxl0, idxl1]
    idxp = [idxp0, idxp1]
    labv = [labv0, labv1]
    pickv = [pickv0, pickv1]
    sl = [sl0, sl1]
    sp = [sp0, sp1]

    def flat_idx(ch):
        def body(jb, carry):
            ox = (ch * _JB + jb) * 256
            for k in range(8):
                xi = (cvec[pl.ds(ox + k * 16, 16)] * 511.0
                      + 0.5).astype(jnp.int32)
                yi = (cvec[pl.ds(ox + 128 + k * 16, 16)] * 511.0
                      + 0.5).astype(jnp.int32)
                idxl[ch % 2][pl.ds(jb * 128 + k * 16, 16)] = (
                    boff + yi * _W + xi)
            return carry

        lax.fori_loop(0, _JB, body, 0)

    def logit_idx(ch):
        t0 = pbase // 128 + ch * _JB

        def body(jb, carry):
            for k in range(8):
                s = pl.ds(jb * 128 + k * 16, 16)
                idxp[ch % 2][s] = (labv[ch % 2][s] * _N
                                   + ((t0 + jb) * 1024 + b * 128 + k * 16)
                                   + lane)
            return carry

        lax.fori_loop(0, _JB, body, 0)

    def fire_lab(ch):
        return pltpu.async_copy(labels_hbm.at[idxl[ch % 2]], labv[ch % 2],
                                sl[ch % 2])

    def fire_pick(ch):
        return pltpu.async_copy(logits_hbm.at[idxp[ch % 2]], pickv[ch % 2],
                                sp[ch % 2])

    def accum(ch, acc):
        def body(jb, a):
            for k in range(8):
                a = a + pickv[ch % 2][pl.ds(jb * 128 + k * 16, 16)]
            return a

        return lax.fori_loop(0, _JB, body, acc)

    lh = [None] * _NCH
    ph = [None] * _NCH
    acc = jnp.zeros((16,), jnp.float32)
    flat_idx(0)
    lh[0] = fire_lab(0)
    flat_idx(1)
    lh[1] = fire_lab(1)
    for ch in range(_NCH):
        if ch >= 2:
            ph[ch - 2].wait()
            acc = accum(ch - 2, acc)
        lh[ch].wait()
        logit_idx(ch)
        ph[ch] = fire_pick(ch)
        if ch + 2 < _NCH:
            flat_idx(ch + 2)
            lh[ch + 2] = fire_lab(ch + 2)
    ph[_NCH - 2].wait()
    acc = accum(_NCH - 2, acc)
    ph[_NCH - 1].wait()
    acc = accum(_NCH - 1, acc)
    accv[...] = acc
    pltpu.sync_copy(accv, out_hbm.at[wid])


def _make_sc_pick():
    return pl.kernel(
        _sc_body,
        mesh=plsc.VectorSubcoreMesh(core_axis_name="c", subcore_axis_name="s"),
        out_type=jax.ShapeDtypeStruct((_NW, 16), jnp.float32),
        scratch_types=[
            pltpu.VMEM((2 * _CHUNK,), jnp.float32),
            pltpu.VMEM((_CP,), jnp.int32),
            pltpu.VMEM((_CP,), jnp.int32),
            pltpu.VMEM((_CP,), jnp.int32),
            pltpu.VMEM((_CP,), jnp.int32),
            pltpu.VMEM((_CP,), jnp.int32),
            pltpu.VMEM((_CP,), jnp.int32),
            pltpu.VMEM((_CP,), jnp.float32),
            pltpu.VMEM((_CP,), jnp.float32),
            pltpu.VMEM((16,), jnp.float32),
            pltpu.SemaphoreType.DMA,
            pltpu.SemaphoreType.DMA,
            pltpu.SemaphoreType.DMA,
            pltpu.SemaphoreType.DMA,
        ],
    )


_NT = _P // 128
_TB = 32
_G = _NT // _TB


def _tc_lse_body(lg_ref, out_ref):
    i = pl.program_id(0)
    lg = lg_ref[...]
    m = jnp.max(lg)
    s = jnp.sum(jnp.exp(lg - m), axis=0)
    part = jnp.sum(jnp.log(s)) + m * (_TB * _B * 128)

    @pl.when(i == 0)
    def _():
        out_ref[0, 0] = 0.0

    out_ref[0, 0] += part


_tc_lse = pl.pallas_call(
    _tc_lse_body,
    grid=(_G,),
    in_specs=[pl.BlockSpec((_C, _TB, _B, 128), lambda i: (0, i, 0, 0))],
    out_specs=pl.BlockSpec((1, 1), lambda i: (0, 0), memory_space=pltpu.SMEM),
    out_shape=jax.ShapeDtypeStruct((1, 1), jnp.float32),
)


def kernel(logits, coords, labels):
    lg4 = logits.reshape(_B, _NT, 128, _C).transpose(3, 1, 0, 2)
    coords_t = coords.reshape(_B, _NT, 128, 2).transpose(0, 1, 3, 2)
    psum = _make_sc_pick()(coords_t.reshape(-1), labels.reshape(-1),
                           lg4.reshape(-1))
    lse = _tc_lse(lg4)
    return (lse[0, 0] - jnp.sum(psum)) * (1.0 / _N)

# --- scband reference (transcript-rebuilt; emitter-appended) ---
"""Pipeline reference for scband-point-loss-57741540327805 (READ-ONLY COPY).

The authoritative reference and input builder live on the scoring server;
editing this copy changes nothing except your own understanding.
"""

import jax, jax.numpy as jnp
import numpy as np


def setup_inputs(seed: int = 0) -> dict:
    key = jax.random.key(seed)
    k1, k2, k3 = jax.random.split(key, 3)
    B, P, C = 8, 16384, 21
    H, W = 512, 512
    logits = jax.random.normal(k1, (B, P, C), dtype=jnp.float32)
    coords = jax.random.uniform(k2, (B, P, 2), dtype=jnp.float32)
    labels = jax.random.randint(k3, (B, H, W, 1), 0, C, dtype=jnp.int32)
    return {"logits": logits, "coords": coords, "labels": labels}


def _point_sample_nearest(feat, coords):
    # feat: [B, H, W, 1] (int labels), coords: [B, P, 2] in [0, 1], (x, y) order
    # align_corners=True -> pixel = coord * (size - 1); mode='nearest' -> round
    B, H, W, _ = feat.shape
    x = coords[..., 0] * (W - 1)
    y = coords[..., 1] * (H - 1)
    xi = jnp.clip(jnp.round(x).astype(jnp.int32), 0, W - 1)
    yi = jnp.clip(jnp.round(y).astype(jnp.int32), 0, H - 1)
    b_idx = jnp.arange(B)[:, None]  # [B, 1] broadcast over P
    return feat[b_idx, yi, xi, 0]  # [B, P]


def reference(logits, coords, labels):
    # point_sample labels at the given coords (nearest, align_corners)
    point_labels = _point_sample_nearest(labels, coords)  # [B, P] int
    # SparseCategoricalCrossentropy(from_logits=True, reduction=AUTO -> mean)
    logp = jax.nn.log_softmax(logits.astype(jnp.float32), axis=-1)  # [B, P, C]
    nll = -jnp.take_along_axis(logp, point_labels[..., None], axis=-1)[..., 0]  # [B, P]
    return jnp.mean(nll)

if __name__ == "__main__":
    import jax
    _d = setup_inputs()
    print(jax.jit(kernel)(*tuple(_d.values())))

</pallas_src>

<mosaic_0001>
#map = affine_map<(d0, d1) -> (0)>
#map1 = affine_map<(d0, d1) -> (0, 0)>
module attributes {stable_mosaic.version = 14 : i64} {
  func.func @_sc_body(%arg0: i32, %arg1: i32, %arg2: memref<262144xf32, #tpu.memory_space<hbm>>, %arg3: memref<2097152xi32, #tpu.memory_space<hbm>>, %arg4: memref<2752512xf32, #tpu.memory_space<hbm>>, %arg5: memref<32x16xf32, #tpu.memory_space<hbm>>, %arg6: memref<8192xf32, #tpu.memory_space<vmem>>, %arg7: memref<1024xi32, #tpu.memory_space<vmem>>, %arg8: memref<1024xi32, #tpu.memory_space<vmem>>, %arg9: memref<1024xi32, #tpu.memory_space<vmem>>, %arg10: memref<1024xi32, #tpu.memory_space<vmem>>, %arg11: memref<1024xi32, #tpu.memory_space<vmem>>, %arg12: memref<1024xi32, #tpu.memory_space<vmem>>, %arg13: memref<1024xf32, #tpu.memory_space<vmem>>, %arg14: memref<1024xf32, #tpu.memory_space<vmem>>, %arg15: memref<16xf32, #tpu.memory_space<vmem>>, %arg16: memref<!tpu.dma_semaphore, #tpu.memory_space<semaphore_mem>>, %arg17: memref<!tpu.dma_semaphore, #tpu.memory_space<semaphore_mem>>, %arg18: memref<!tpu.dma_semaphore, #tpu.memory_space<semaphore_mem>>, %arg19: memref<!tpu.dma_semaphore, #tpu.memory_space<semaphore_mem>>) attributes {dimension_semantics = [#tpu.dimension_semantics<core_parallel>, #tpu.dimension_semantics<subcore_parallel>], iteration_bounds = array<i64: 2, 16>, scalar_prefetch = 0 : i64, scratch_operands = 14 : i64, tpu.core_type = #tpu.core_type<sc_vector_subcore>, window_params = [{transform_indices = #map}, {transform_indices = #map}, {transform_indices = #map}, {transform_indices = #map1}]} {
    %mul3A = arith.constant 2 : i32
    %mul3A_0 = arith.muli %arg1, %mul3A : i32
    %add3A = arith.addi %mul3A_0, %arg0 : i32
    %jit3A = arith.constant 4 : i32
    %div3A = arith.divsi %add3A, %jit3A : i32
    %sign3A = arith.constant 0 : i32
    %sign3A_1 = arith.cmpi sgt, %add3A, %sign3A : i32
    %sign3A_2 = arith.extui %sign3A_1 : i1 to i32
    %sign3A_3 = arith.constant 0 : i32
    %sign3A_4 = arith.cmpi slt, %add3A, %sign3A_3 : i32
    %sign3A_5 = arith.extui %sign3A_4 : i1 to i32
    %sign3A_6 = arith.subi %sign3A_2, %sign3A_5 : i32
    %sign3A_7 = arith.constant 0 : i32
    %sign3A_8 = arith.cmpi sgt, %jit3A, %sign3A_7 : i32
    %sign3A_9 = arith.extui %sign3A_8 : i1 to i32
    %sign3A_10 = arith.constant 0 : i32
    %sign3A_11 = arith.cmpi slt, %jit3A, %sign3A_10 : i32
    %sign3A_12 = arith.extui %sign3A_11 : i1 to i32
    %sign3A_13 = arith.subi %sign3A_9, %sign3A_12 : i32
    %ne3A = arith.cmpi ne, %sign3A_6, %sign3A_13 : i32
    %rem3A = arith.remsi %add3A, %jit3A : i32
    %ne3A_14 = arith.constant 0 : i32
    %ne3A_15 = arith.cmpi ne, %rem3A, %ne3A_14 : i32
    %and3A = arith.andi %ne3A, %ne3A_15 : i1
    %sub3A = arith.constant 1 : i32
    %sub3A_16 = arith.subi %div3A, %sub3A : i32
    %select_n3A = arith.select %and3A, %sub3A_16, %div3A : i32
    %jit3A_17 = arith.constant 4 : i32
    %eq3A = arith.constant 0 : i32
    %eq3A_18 = arith.cmpi eq, %jit3A_17, %eq3A : i32
    %jit3A_19 = arith.constant 1 : i32
    %select_n3A_20 = arith.select %eq3A_18, %jit3A_19, %jit3A_17 : i32
    %rem3A_21 = arith.remsi %add3A, %select_n3A_20 : i32
    %ne3A_22 = arith.constant 0 : i32
    %ne3A_23 = arith.cmpi ne, %rem3A_21, %ne3A_22 : i32
    %lt3A = arith.constant 0 : i32
    %lt3A_24 = arith.cmpi slt, %rem3A_21, %lt3A : i32
    %lt3A_25 = arith.constant 0 : i32
    %lt3A_26 = arith.cmpi slt, %select_n3A_20, %lt3A_25 : i32
    %ne3A_27 = arith.xori %lt3A_24, %lt3A_26 : i1
    %and3A_28 = arith.andi %ne3A_27, %ne3A_23 : i1
    %add3A_29 = arith.addi %rem3A_21, %select_n3A_20 : i32
    %select_n3A_30 = arith.select %and3A_28, %add3A_29, %rem3A_21 : i32
    %mul3A_31 = arith.constant 4096 : i32
    %mul3A_32 = arith.muli %select_n3A_30, %mul3A_31 : i32
    %mul3A_33 = arith.constant 32768 : i32
    %mul3A_34 = arith.muli %select_n3A, %mul3A_33 : i32
    %mul3A_35 = arith.constant 2 : i32
    %mul3A_36 = arith.muli %mul3A_32, %mul3A_35 : i32
    %add3A_37 = arith.addi %mul3A_34, %mul3A_36 : i32
    "tpu.region"() ({
      %run_scoped3A = tpu.sem_alloc : memref<!tpu.dma_semaphore, #tpu.memory_space<semaphore_mem>>
      %dma_start3A_249 = tpu.memref_slice %arg2[%add3A_37] : memref<262144xf32, #tpu.memory_space<hbm>> -> memref<8192xf32, #tpu.memory_space<hbm>>
      %dma_start3A_250 = tpu.memref_slice %arg2[%add3A_37] : memref<262144xf32, #tpu.memory_space<hbm>> -> memref<8192xf32, #tpu.memory_space<hbm>>
      tpu.enqueue_dma source(%dma_start3A_250 : memref<8192xf32, #tpu.memory_space<hbm>>) target(%arg6 : memref<8192xf32, #tpu.memory_space<vmem>>) target_semaphore(%run_scoped3A : memref<!tpu.dma_semaphore, #tpu.memory_space<semaphore_mem>>)
      %dma_wait3A_251 = tpu.memref_slice %arg2[%add3A_37] : memref<262144xf32, #tpu.memory_space<hbm>> -> memref<8192xf32, #tpu.memory_space<hbm>>
      %dma_wait3A_252 = tpu.memref_slice %arg2[%add3A_37] : memref<262144xf32, #tpu.memory_space<hbm>> -> memref<8192xf32, #tpu.memory_space<hbm>>
      tpu.wait_dma2 semaphore(%run_scoped3A : memref<!tpu.dma_semaphore, #tpu.memory_space<semaphore_mem>>) src(%dma_wait3A_252 : memref<8192xf32, #tpu.memory_space<hbm>>) dst(%arg6 : memref<8192xf32, #tpu.memory_space<vmem>>)
      tpu.yield
    }) : () -> ()
    %mul3A_38 = arith.constant 262144 : i32
    %mul3A_39 = arith.muli %select_n3A, %mul3A_38 : i32
    %iota3A = tpu.iota {dimensions = array<i32: 0>} : vector<16xi32>
    %broadcast_in_dim3A = arith.constant 0.000000e+00 : f32
    %broadcast_in_dim3A_40 = vector.broadcast %broadcast_in_dim3A : f32 to vector<16xf32>
    %scan3A = arith.constant 0 : i32
    %scan3A_41 = arith.constant 0 : i32
    %scan3A_42 = arith.constant 8 : i32
    %scan3A_43 = arith.addi %scan3A_41, %scan3A_42 : i32
    %scan3A_44 = arith.constant 1 : i32
    scf.for %scan3A_249 = %scan3A_41 to %scan3A_43 step %scan3A_44  : i32 {
      %add3A_250 = arith.constant 0 : i32
      %add3A_251 = arith.addi %add3A_250, %scan3A_249 : i32
      %mul3A_252 = arith.constant 256 : i32
      %mul3A_253 = arith.muli %add3A_251, %mul3A_252 : i32
      %add3A_254 = arith.constant 0 : i32
      %add3A_255 = arith.addi %mul3A_253, %add3A_254 : i32
      %get3A = arith.index_cast %add3A_255 : i32 to index
      %get3A_256 = tpu.vector_load %arg6[%get3A] {strides = array<i32>} : memref<8192xf32, #tpu.memory_space<vmem>>, vector<16xf32>,
      %get3A_257 = vector.shape_cast %get3A_256 : vector<16xf32> to vector<16xf32>
      %mul3A_258 = arith.constant 5.110000e+02 : f32
      %mul3A_259 = vector.broadcast %mul3A_258 : f32 to vector<16xf32>
      %mul3A_260 = arith.mulf %get3A_257, %mul3A_259 : vector<16xf32>
      %add3A_261 = arith.constant 5.000000e-01 : f32
      %add3A_262 = vector.broadcast %add3A_261 : f32 to vector<16xf32>
      %add3A_263 = arith.addf %mul3A_260, %add3A_262 : vector<16xf32>
      %convert_element_type3A = arith.fptosi %add3A_263 : vector<16xf32> to vector<16xi32>
      %add3A_264 = arith.constant 128 : i32
      %add3A_265 = arith.addi %mul3A_253, %add3A_264 : i32
      %add3A_266 = arith.constant 0 : i32
      %add3A_267 = arith.addi %add3A_265, %add3A_266 : i32
      %get3A_268 = arith.index_cast %add3A_267 : i32 to index
      %get3A_269 = tpu.vector_load %arg6[%get3A_268] {strides = array<i32>} : memref<8192xf32, #tpu.memory_space<vmem>>, vector<16xf32>,
      %get3A_270 = vector.shape_cast %get3A_269 : vector<16xf32> to vector<16xf32>
      %mul3A_271 = arith.constant 5.110000e+02 : f32
      %mul3A_272 = vector.broadcast %mul3A_271 : f32 to vector<16xf32>
      %mul3A_273 = arith.mulf %get3A_270, %mul3A_272 : vector<16xf32>
      %add3A_274 = arith.constant 5.000000e-01 : f32
      %add3A_275 = vector.broadcast %add3A_274 : f32 to vector<16xf32>
      %add3A_276 = arith.addf %mul3A_273, %add3A_275 : vector<16xf32>
      %convert_element_type3A_277 = arith.fptosi %add3A_276 : vector<16xf32> to vector<16xi32>
      %mul3A_278 = arith.constant 512 : i32
      %mul3A_279 = vector.broadcast %mul3A_278 : i32 to vector<16xi32>
      %mul3A_280 = arith.muli %convert_element_type3A_277, %mul3A_279 : vector<16xi32>
      %add3A_281 = vector.broadcast %mul3A_39 : i32 to vector<16xi32>
      %add3A_282 = arith.addi %add3A_281, %mul3A_280 : vector<16xi32>
      %add3A_283 = arith.addi %add3A_282, %convert_element_type3A : vector<16xi32>
      %mul3A_284 = arith.constant 128 : i32
      %mul3A_285 = arith.muli %scan3A_249, %mul3A_284 : i32
      %add3A_286 = arith.constant 0 : i32
      %add3A_287 = arith.addi %mul3A_285, %add3A_286 : i32
      %swap3A_288 = arith.index_cast %add3A_287 : i32 to index
      %swap3A_289 = tpu.vector_load %arg7[%swap3A_288] {strides = array<i32>} : memref<1024xi32, #tpu.memory_space<vmem>>, vector<16xi32>,
      %swap3A_290 = vector.shape_cast %swap3A_289 : vector<16xi32> to vector<16xi32>
      %swap3A_291 = vector.shape_cast %add3A_283 : vector<16xi32> to vector<16xi32>
      tpu.vector_store %arg7[%swap3A_288], %swap3A_291 {strides = array<i32>} : memref<1024xi32, #tpu.memory_space<vmem>>, vector<16xi32>,
      %add3A_292 = arith.constant 16 : i32
      %add3A_293 = arith.addi %mul3A_253, %add3A_292 : i32
      %get3A_294 = arith.index_cast %add3A_293 : i32 to index
      %get3A_295 = tpu.vector_load %arg6[%get3A_294] {strides = array<i32>} : memref<8192xf32, #tpu.memory_space<vmem>>, vector<16xf32>,
      %get3A_296 = vector.shape_cast %get3A_295 : vector<16xf32> to vector<16xf32>
      %mul3A_297 = arith.constant 5.110000e+02 : f32
      %mul3A_298 = vector.broadcast %mul3A_297 : f32 to vector<16xf32>
      %mul3A_299 = arith.mulf %get3A_296, %mul3A_298 : vector<16xf32>
      %add3A_300 = arith.constant 5.000000e-01 : f32
      %add3A_301 = vector.broadcast %add3A_300 : f32 to vector<16xf32>
      %add3A_302 = arith.addf %mul3A_299, %add3A_301 : vector<16xf32>
      %convert_element_type3A_303 = arith.fptosi %add3A_302 : vector<16xf32> to vector<16xi32>
      %add3A_304 = arith.constant 128 : i32
      %add3A_305 = arith.addi %mul3A_253, %add3A_304 : i32
      %add3A_306 = arith.constant 16 : i32
      %add3A_307 = arith.addi %add3A_305, %add3A_306 : i32
      %get3A_308 = arith.index_cast %add3A_307 : i32 to index
      %get3A_309 = tpu.vector_load %arg6[%get3A_308] {strides = array<i32>} : memref<8192xf32, #tpu.memory_space<vmem>>, vector<16xf32>,
      %get3A_310 = vector.shape_cast %get3A_309 : vector<16xf32> to vector<16xf32>
      %mul3A_311 = arith.constant 5.110000e+02 : f32
      %mul3A_312 = vector.broadcast %mul3A_311 : f32 to vector<16xf32>
      %mul3A_313 = arith.mulf %get3A_310, %mul3A_312 : vector<16xf32>
      %add3A_314 = arith.constant 5.000000e-01 : f32
      %add3A_315 = vector.broadcast %add3A_314 : f32 to vector<16xf32>
      %add3A_316 = arith.addf %mul3A_313, %add3A_315 : vector<16xf32>
      %convert_element_type3A_317 = arith.fptosi %add3A_316 : vector<16xf32> to vector<16xi32>
      %mul3A_318 = arith.constant 512 : i32
      %mul3A_319 = vector.broadcast %mul3A_318 : i32 to vector<16xi32>
      %mul3A_320 = arith.muli %convert_element_type3A_317, %mul3A_319 : vector<16xi32>
      %add3A_321 = vector.broadcast %mul3A_39 : i32 to vector<16xi32>
      %add3A_322 = arith.addi %add3A_321, %mul3A_320 : vector<16xi32>
      %add3A_323 = arith.addi %add3A_322, %convert_element_type3A_303 : vector<16xi32>
      %mul3A_324 = arith.constant 128 : i32
      %mul3A_325 = arith.muli %scan3A_249, %mul3A_324 : i32
      %add3A_326 = arith.constant 16 : i32
      %add3A_327 = arith.addi %mul3A_325, %add3A_326 : i32
      %swap3A_328 = arith.index_cast %add3A_327 : i32 to index
      %swap3A_329 = tpu.vector_load %arg7[%swap3A_328] {strides = array<i32>} : memref<1024xi32, #tpu.memory_space<vmem>>, vector<16xi32>,
      %swap3A_330 = vector.shape_cast %swap3A_329 : vector<16xi32> to vector<16xi32>
      %swap3A_331 = vector.shape_cast %add3A_323 : vector<16xi32> to vector<16xi32>
      tpu.vector_store %arg7[%swap3A_328], %swap3A_331 {strides = array<i32>} : memref<1024xi32, #tpu.memory_space<vmem>>, vector<16xi32>,
      %add3A_332 = arith.constant 32 : i32
      %add3A_333 = arith.addi %mul3A_253, %add3A_332 : i32
      %get3A_334 = arith.index_cast %add3A_333 : i32 to index
      %get3A_335 = tpu.vector_load %arg6[%get3A_334] {strides = array<i32>} : memref<8192xf32, #tpu.memory_space<vmem>>, vector<16xf32>,
      %get3A_336 = vector.shape_cast %get3A_335 : vector<16xf32> to vector<16xf32>
      %mul3A_337 = arith.constant 5.110000e+02 : f32
      %mul3A_338 = vector.broadcast %mul3A_337 : f32 to vector<16xf32>
      %mul3A_339 = arith.mulf %get3A_336, %mul3A_338 : vector<16xf32>
      %add3A_340 = arith.constant 5.000000e-01 : f32
      %add3A_341 = vector.broadcast %add3A_340 : f32 to vector<16xf32>
      %add3A_342 = arith.addf %mul3A_339, %add3A_341 : vector<16xf32>
      %convert_element_type3A_343 = arith.fptosi %add3A_342 : vector<16xf32> to vector<16xi32>
      %add3A_344 = arith.constant 128 : i32
      %add3A_345 = arith.addi %mul3A_253, %add3A_344 : i32
      %add3A_346 = arith.constant 32 : i32
      %add3A_347 = arith.addi %add3A_345, %add3A_346 : i32
      %get3A_348 = arith.index_cast %add3A_347 : i32 to index
      %get3A_349 = tpu.vector_load %arg6[%get3A_348] {strides = array<i32>} : memref<8192xf32, #tpu.memory_space<vmem>>, vector<16xf32>,
      %get3A_350 = vector.shape_cast %get3A_349 : vector<16xf32> to vector<16xf32>
      %mul3A_351 = arith.constant 5.110000e+02 : f32
      %mul3A_352 = vector.broadcast %mul3A_351 : f32 to vector<16xf32>
      %mul3A_353 = arith.mulf %get3A_350, %mul3A_352 : vector<16xf32>
      %add3A_354 = arith.constant 5.000000e-01 : f32
      %add3A_355 = vector.broadcast %add3A_354 : f32 to vector<16xf32>
      %add3A_356 = arith.addf %mul3A_353, %add3A_355 : vector<16xf32>
      %convert_element_type3A_357 = arith.fptosi %add3A_356 : vector<16xf32> to vector<16xi32>
      %mul3A_358 = arith.constant 512 : i32
      %mul3A_359 = vector.broadcast %mul3A_358 : i32 to vector<16xi32>
      %mul3A_360 = arith.muli %convert_element_type3A_357, %mul3A_359 : vector<16xi32>
      %add3A_361 = vector.broadcast %mul3A_39 : i32 to vector<16xi32>
      %add3A_362 = arith.addi %add3A_361, %mul3A_360 : vector<16xi32>
      %add3A_363 = arith.addi %add3A_362, %convert_element_type3A_343 : vector<16xi32>
      %mul3A_364 = arith.constant 128 : i32
      %mul3A_365 = arith.muli %scan3A_249, %mul3A_364 : i32
      %add3A_366 = arith.constant 32 : i32
      %add3A_367 = arith.addi %mul3A_365, %add3A_366 : i32
      %swap3A_368 = arith.index_cast %add3A_367 : i32 to index
      %swap3A_369 = tpu.vector_load %arg7[%swap3A_368] {strides = array<i32>} : memref<1024xi32, #tpu.memory_space<vmem>>, vector<16xi32>,
      %swap3A_370 = vector.shape_cast %swap3A_369 : vector<16xi32> to vector<16xi32>
      %swap3A_371 = vector.shape_cast %add3A_363 : vector<16xi32> to vector<16xi32>
      tpu.vector_store %arg7[%swap3A_368], %swap3A_371 {strides = array<i32>} : memref<1024xi32, #tpu.memory_space<vmem>>, vector<16xi32>,
      %add3A_372 = arith.constant 48 : i32
      %add3A_373 = arith.addi %mul3A_253, %add3A_372 : i32
      %get3A_374 = arith.index_cast %add3A_373 : i32 to index
      %get3A_375 = tpu.vector_load %arg6[%get3A_374] {strides = array<i32>} : memref<8192xf32, #tpu.memory_space<vmem>>, vector<16xf32>,
      %get3A_376 = vector.shape_cast %get3A_375 : vector<16xf32> to vector<16xf32>
      %mul3A_377 = arith.constant 5.110000e+02 : f32
      %mul3A_378 = vector.broadcast %mul3A_377 : f32 to vector<16xf32>
      %mul3A_379 = arith.mulf %get3A_376, %mul3A_378 : vector<16xf32>
      %add3A_380 = arith.constant 5.000000e-01 : f32
      %add3A_381 = vector.broadcast %add3A_380 : f32 to vector<16xf32>
      %add3A_382 = arith.addf %mul3A_379, %add3A_381 : vector<16xf32>
      %convert_element_type3A_383 = arith.fptosi %add3A_382 : vector<16xf32> to vector<16xi32>
      %add3A_384 = arith.constant 128 : i32
      %add3A_385 = arith.addi %mul3A_253, %add3A_384 : i32
      %add3A_386 = arith.constant 48 : i32
      %add3A_387 = arith.addi %add3A_385, %add3A_386 : i32
      %get3A_388 = arith.index_cast %add3A_387 : i32 to index
      %get3A_389 = tpu.vector_load %arg6[%get3A_388] {strides = array<i32>} : memref<8192xf32, #tpu.memory_space<vmem>>, vector<16xf32>,
      %get3A_390 = vector.shape_cast %get3A_389 : vector<16xf32> to vector<16xf32>
      %mul3A_391 = arith.constant 5.110000e+02 : f32
      %mul3A_392 = vector.broadcast %mul3A_391 : f32 to vector<16xf32>
      %mul3A_393 = arith.mulf %get3A_390, %mul3A_392 : vector<16xf32>
      %add3A_394 = arith.constant 5.000000e-01 : f32
      %add3A_395 = vector.broadcast %add3A_394 : f32 to vector<16xf32>
      %add3A_396 = arith.addf %mul3A_393, %add3A_395 : vector<16xf32>
      %convert_element_type3A_397 = arith.fptosi %add3A_396 : vector<16xf32> to vector<16xi32>
      %mul3A_398 = arith.constant 512 : i32
      %mul3A_399 = vector.broadcast %mul3A_398 : i32 to vector<16xi32>
      %mul3A_400 = arith.muli %convert_element_type3A_397, %mul3A_399 : vector<16xi32>
      %add3A_401 = vector.broadcast %mul3A_39 : i32 to vector<16xi32>
      %add3A_402 = arith.addi %add3A_401, %mul3A_400 : vector<16xi32>
      %add3A_403 = arith.addi %add3A_402, %convert_element_type3A_383 : vector<16xi32>
      %mul3A_404 = arith.constant 128 : i32
      %mul3A_405 = arith.muli %scan3A_249, %mul3A_404 : i32
      %add3A_406 = arith.constant 48 : i32
      %add3A_407 = arith.addi %mul3A_405, %add3A_406 : i32
      %swap3A_408 = arith.index_cast %add3A_407 : i32 to index
      %swap3A_409 = tpu.vector_load %arg7[%swap3A_408] {strides = array<i32>} : memref<1024xi32, #tpu.memory_space<vmem>>, vector<16xi32>,
      %swap3A_410 = vector.shape_cast %swap3A_409 : vector<16xi32> to vector<16xi32>
      %swap3A_411 = vector.shape_cast %add3A_403 : vector<16xi32> to vector<16xi32>
      tpu.vector_store %arg7[%swap3A_408], %swap3A_411 {strides = array<i32>} : memref<1024xi32, #tpu.memory_space<vmem>>, vector<16xi32>,
      %add3A_412 = arith.constant 64 : i32
      %add3A_413 = arith.addi %mul3A_253, %add3A_412 : i32
      %get3A_414 = arith.index_cast %add3A_413 : i32 to index
      %get3A_415 = tpu.vector_load %arg6[%get3A_414] {strides = array<i32>} : memref<8192xf32, #tpu.memory_space<vmem>>, vector<16xf32>,
      %get3A_416 = vector.shape_cast %get3A_415 : vector<16xf32> to vector<16xf32>
      %mul3A_417 = arith.constant 5.110000e+02 : f32
      %mul3A_418 = vector.broadcast %mul3A_417 : f32 to vector<16xf32>
      %mul3A_419 = arith.mulf %get3A_416, %mul3A_418 : vector<16xf32>
      %add3A_420 = arith.constant 5.000000e-01 : f32
      %add3A_421 = vector.broadcast %add3A_420 : f32 to vector<16xf32>
      %add3A_422 = arith.addf %mul3A_419, %add3A_421 : vector<16xf32>
      %convert_element_type3A_423 = arith.fptosi %add3A_422 : vector<16xf32> to vector<16xi32>
      %add3A_424 = arith.constant 128 : i32
      %add3A_425 = arith.addi %mul3A_253, %add3A_424 : i32
      %add3A_426 = arith.constant 64 : i32
      %add3A_427 = arith.addi %add3A_425, %add3A_426 : i32
      %get3A_428 = arith.index_cast %add3A_427 : i32 to index
      %get3A_429 = tpu.vector_load %arg6[%get3A_428] {strides = array<i32>} : memref<8192xf32, #tpu.memory_space<vmem>>, vector<16xf32>,
      %get3A_430 = vector.shape_cast %get3A_429 : vector<16xf32> to vector<16xf32>
      %mul3A_431 = arith.constant 5.110000e+02 : f32
      %mul3A_432 = vector.broadcast %mul3A_431 : f32 to vector<16xf32>
      %mul3A_433 = arith.mulf %get3A_430, %mul3A_432 : vector<16xf32>
      %add3A_434 = arith.constant 5.000000e-01 : f32
      %add3A_435 = vector.broadcast %add3A_434 : f32 to vector<16xf32>
      %add3A_436 = arith.addf %mul3A_433, %add3A_435 : vector<16xf32>
      %convert_element_type3A_437 = arith.fptosi %add3A_436 : vector<16xf32> to vector<16xi32>
      %mul3A_438 = arith.constant 512 : i32
      %mul3A_439 = vector.broadcast %mul3A_438 : i32 to vector<16xi32>
      %mul3A_440 = arith.muli %convert_element_type3A_437, %mul3A_439 : vector<16xi32>
      %add3A_441 = vector.broadcast %mul3A_39 : i32 to vector<16xi32>
      %add3A_442 = arith.addi %add3A_441, %mul3A_440 : vector<16xi32>
      %add3A_443 = arith.addi %add3A_442, %convert_element_type3A_423 : vector<16xi32>
      %mul3A_444 = arith.constant 128 : i32
      %mul3A_445 = arith.muli %scan3A_249, %mul3A_444 : i32
      %add3A_446 = arith.constant 64 : i32
      %add3A_447 = arith.addi %mul3A_445, %add3A_446 : i32
      %swap3A_448 = arith.index_cast %add3A_447 : i32 to index
      %swap3A_449 = tpu.vector_load %arg7[%swap3A_448] {strides = array<i32>} : memref<1024xi32, #tpu.memory_space<vmem>>, vector<16xi32>,
      %swap3A_450 = vector.shape_cast %swap3A_449 : vector<16xi32> to vector<16xi32>
      %swap3A_451 = vector.shape_cast %add3A_443 : vector<16xi32> to vector<16xi32>
      tpu.vector_store %arg7[%swap3A_448], %swap3A_451 {strides = array<i32>} : memref<1024xi32, #tpu.memory_space<vmem>>, vector<16xi32>,
      %add3A_452 = arith.constant 80 : i32
      %add3A_453 = arith.addi %mul3A_253, %add3A_452 : i32
      %get3A_454 = arith.index_cast %add3A_453 : i32 to index
      %get3A_455 = tpu.vector_load %arg6[%get3A_454] {strides = array<i32>} : memref<8192xf32, #tpu.memory_space<vmem>>, vector<16xf32>,
      %get3A_456 = vector.shape_cast %get3A_455 : vector<16xf32> to vector<16xf32>
      %mul3A_457 = arith.constant 5.110000e+02 : f32
      %mul3A_458 = vector.broadcast %mul3A_457 : f32 to vector<16xf32>
      %mul3A_459 = arith.mulf %get3A_456, %mul3A_458 : vector<16xf32>
      %add3A_460 = arith.constant 5.000000e-01 : f32
      %add3A_461 = vector.broadcast %add3A_460 : f32 to vector<16xf32>
      %add3A_462 = arith.addf %mul3A_459, %add3A_461 : vector<16xf32>
      %convert_element_type3A_463 = arith.fptosi %add3A_462 : vector<16xf32> to vector<16xi32>
      %add3A_464 = arith.constant 128 : i32
      %add3A_465 = arith.addi %mul3A_253, %add3A_464 : i32
      %add3A_466 = arith.constant 80 : i32
      %add3A_467 = arith.addi %add3A_465, %add3A_466 : i32
      %get3A_468 = arith.index_cast %add3A_467 : i32 to index
      %get3A_469 = tpu.vector_load %arg6[%get3A_468] {strides = array<i32>} : memref<8192xf32, #tpu.memory_space<vmem>>, vector<16xf32>,
      %get3A_470 = vector.shape_cast %get3A_469 : vector<16xf32> to vector<16xf32>
      %mul3A_471 = arith.constant 5.110000e+02 : f32
      %mul3A_472 = vector.broadcast %mul3A_471 : f32 to vector<16xf32>
      %mul3A_473 = arith.mulf %get3A_470, %mul3A_472 : vector<16xf32>
      %add3A_474 = arith.constant 5.000000e-01 : f32
      %add3A_475 = vector.broadcast %add3A_474 : f32 to vector<16xf32>
      %add3A_476 = arith.addf %mul3A_473, %add3A_475 : vector<16xf32>
      %convert_element_type3A_477 = arith.fptosi %add3A_476 : vector<16xf32> to vector<16xi32>
      %mul3A_478 = arith.constant 512 : i32
      %mul3A_479 = vector.broadcast %mul3A_478 : i32 to vector<16xi32>
      %mul3A_480 = arith.muli %convert_element_type3A_477, %mul3A_479 : vector<16xi32>
      %add3A_481 = vector.broadcast %mul3A_39 : i32 to vector<16xi32>
      %add3A_482 = arith.addi %add3A_481, %mul3A_480 : vector<16xi32>
      %add3A_483 = arith.addi %add3A_482, %convert_element_type3A_463 : vector<16xi32>
      %mul3A_484 = arith.constant 128 : i32
      %mul3A_485 = arith.muli %scan3A_249, %mul3A_484 : i32
      %add3A_486 = arith.constant 80 : i32
      %add3A_487 = arith.addi %mul3A_485, %add3A_486 : i32
      %swap3A_488 = arith.index_cast %add3A_487 : i32 to index
      %swap3A_489 = tpu.vector_load %arg7[%swap3A_488] {strides = array<i32>} : memref<1024xi32, #tpu.memory_space<vmem>>, vector<16xi32>,
      %swap3A_490 = vector.shape_cast %swap3A_489 : vector<16xi32> to vector<16xi32>
      %swap3A_491 = vector.shape_cast %add3A_483 : vector<16xi32> to vector<16xi32>
      tpu.vector_store %arg7[%swap3A_488], %swap3A_491 {strides = array<i32>} : memref<1024xi32, #tpu.memory_space<vmem>>, vector<16xi32>,
      %add3A_492 = arith.constant 96 : i32
      %add3A_493 = arith.addi %mul3A_253, %add3A_492 : i32
      %get3A_494 = arith.index_cast %add3A_493 : i32 to index
      %get3A_495 = tpu.vector_load %arg6[%get3A_494] {strides = array<i32>} : memref<8192xf32, #tpu.memory_space<vmem>>, vector<16xf32>,
      %get3A_496 = vector.shape_cast %get3A_495 : vector<16xf32> to vector<16xf32>
      %mul3A_497 = arith.constant 5.110000e+02 : f32
      %mul3A_498 = vector.broadcast %mul3A_497 : f32 to vector<16xf32>
      %mul3A_499 = arith.mulf %get3A_496, %mul3A_498 : vector<16xf32>
      %add3A_500 = arith.constant 5.000000e-01 : f32
      %add3A_501 = vector.broadcast %add3A_500 : f32 to vector<16xf32>
      %add3A_502 = arith.addf %mul3A_499, %add3A_501 : vector<16xf32>
      %convert_element_type3A_503 = arith.fptosi %add3A_502 : vector<16xf32> to vector<16xi32>
      %add3A_504 = arith.constant 128 : i32
      %add3A_505 = arith.addi %mul3A_253, %add3A_504 : i32
      %add3A_506 = arith.constant 96 : i32
      %add3A_507 = arith.addi %add3A_505, %add3A_506 : i32
      %get3A_508 = arith.index_cast %add3A_507 : i32 to index
      %get3A_509 = tpu.vector_load %arg6[%get3A_508] {strides = array<i32>} : memref<8192xf32, #tpu.memory_space<vmem>>, vector<16xf32>,
      %get3A_510 = vector.shape_cast %get3A_509 : vector<16xf32> to vector<16xf32>
      %mul3A_511 = arith.constant 5.110000e+02 : f32
      %mul3A_512 = vector.broadcast %mul3A_511 : f32 to vector<16xf32>
      %mul3A_513 = arith.mulf %get3A_510, %mul3A_512 : vector<16xf32>
      %add3A_514 = arith.constant 5.000000e-01 : f32
      %add3A_515 = vector.broadcast %add3A_514 : f32 to vector<16xf32>
      %add3A_516 = arith.addf %mul3A_513, %add3A_515 : vector<16xf32>
      %convert_element_type3A_517 = arith.fptosi %add3A_516 : vector<16xf32> to vector<16xi32>
      %mul3A_518 = arith.constant 512 : i32
      %mul3A_519 = vector.broadcast %mul3A_518 : i32 to vector<16xi32>
      %mul3A_520 = arith.muli %convert_element_type3A_517, %mul3A_519 : vector<16xi32>
      %add3A_521 = vector.broadcast %mul3A_39 : i32 to vector<16xi32>
      %add3A_522 = arith.addi %add3A_521, %mul3A_520 : vector<16xi32>
      %add3A_523 = arith.addi %add3A_522, %convert_element_type3A_503 : vector<16xi32>
      %mul3A_524 = arith.constant 128 : i32
      %mul3A_525 = arith.muli %scan3A_249, %mul3A_524 : i32
      %add3A_526 = arith.constant 96 : i32
      %add3A_527 = arith.addi %mul3A_525, %add3A_526 : i32
      %swap3A_528 = arith.index_cast %add3A_527 : i32 to index
      %swap3A_529 = tpu.vector_load %arg7[%swap3A_528] {strides = array<i32>} : memref<1024xi32, #tpu.memory_space<vmem>>, vector<16xi32>,
      %swap3A_530 = vector.shape_cast %swap3A_529 : vector<16xi32> to vector<16xi32>
      %swap3A_531 = vector.shape_cast %add3A_523 : vector<16xi32> to vector<16xi32>
      tpu.vector_store %arg7[%swap3A_528], %swap3A_531 {strides = array<i32>} : memref<1024xi32, #tpu.memory_space<vmem>>, vector<16xi32>,
      %add3A_532 = arith.constant 112 : i32
      %add3A_533 = arith.addi %mul3A_253, %add3A_532 : i32
      %get3A_534 = arith.index_cast %add3A_533 : i32 to index
      %get3A_535 = tpu.vector_load %arg6[%get3A_534] {strides = array<i32>} : memref<8192xf32, #tpu.memory_space<vmem>>, vector<16xf32>,
      %get3A_536 = vector.shape_cast %get3A_535 : vector<16xf32> to vector<16xf32>
      %mul3A_537 = arith.constant 5.110000e+02 : f32
      %mul3A_538 = vector.broadcast %mul3A_537 : f32 to vector<16xf32>
      %mul3A_539 = arith.mulf %get3A_536, %mul3A_538 : vector<16xf32>
      %add3A_540 = arith.constant 5.000000e-01 : f32
      %add3A_541 = vector.broadcast %add3A_540 : f32 to vector<16xf32>
      %add3A_542 = arith.addf %mul3A_539, %add3A_541 : vector<16xf32>
      %convert_element_type3A_543 = arith.fptosi %add3A_542 : vector<16xf32> to vector<16xi32>
      %add3A_544 = arith.constant 128 : i32
      %add3A_545 = arith.addi %mul3A_253, %add3A_544 : i32
      %add3A_546 = arith.constant 112 : i32
      %add3A_547 = arith.addi %add3A_545, %add3A_546 : i32
      %get3A_548 = arith.index_cast %add3A_547 : i32 to index
      %get3A_549 = tpu.vector_load %arg6[%get3A_548] {strides = array<i32>} : memref<8192xf32, #tpu.memory_space<vmem>>, vector<16xf32>,
      %get3A_550 = vector.shape_cast %get3A_549 : vector<16xf32> to vector<16xf32>
      %mul3A_551 = arith.constant 5.110000e+02 : f32
      %mul3A_552 = vector.broadcast %mul3A_551 : f32 to vector<16xf32>
      %mul3A_553 = arith.mulf %get3A_550, %mul3A_552 : vector<16xf32>
      %add3A_554 = arith.constant 5.000000e-01 : f32
      %add3A_555 = vector.broadcast %add3A_554 : f32 to vector<16xf32>
      %add3A_556 = arith.addf %mul3A_553, %add3A_555 : vector<16xf32>
      %convert_element_type3A_557 = arith.fptosi %add3A_556 : vector<16xf32> to vector<16xi32>
      %mul3A_558 = arith.constant 512 : i32
      %mul3A_559 = vector.broadcast %mul3A_558 : i32 to vector<16xi32>
      %mul3A_560 = arith.muli %convert_element_type3A_557, %mul3A_559 : vector<16xi32>
      %add3A_561 = vector.broadcast %mul3A_39 : i32 to vector<16xi32>
      %add3A_562 = arith.addi %add3A_561, %mul3A_560 : vector<16xi32>
      %add3A_563 = arith.addi %add3A_562, %convert_element_type3A_543 : vector<16xi32>
      %mul3A_564 = arith.constant 128 : i32
      %mul3A_565 = arith.muli %scan3A_249, %mul3A_564 : i32
      %add3A_566 = arith.constant 112 : i32
      %add3A_567 = arith.addi %mul3A_565, %add3A_566 : i32
      %swap3A_568 = arith.index_cast %add3A_567 : i32 to index
      %swap3A_569 = tpu.vector_load %arg7[%swap3A_568] {strides = array<i32>} : memref<1024xi32, #tpu.memory_space<vmem>>, vector<16xi32>,
      %swap3A_570 = vector.shape_cast %swap3A_569 : vector<16xi32> to vector<16xi32>
      %swap3A_571 = vector.shape_cast %add3A_563 : vector<16xi32> to vector<16xi32>
      tpu.vector_store %arg7[%swap3A_568], %swap3A_571 {strides = array<i32>} : memref<1024xi32, #tpu.memory_space<vmem>>, vector<16xi32>,
    }
    %scan3A_45 = arith.constant 8 : i32
    %dma_start3A = arith.constant 0 : i32
    %dma_start3A_46 = tpu.memref_slice %arg3[%dma_start3A] : memref<2097152xi32, #tpu.memory_space<hbm>> -> memref<2097152xi32, #tpu.memory_space<hbm>>
    tpu.enqueue_indirect_dma source(%dma_start3A_46 : memref<2097152xi32, #tpu.memory_space<hbm>>) target(%arg11 : memref<1024xi32, #tpu.memory_space<vmem>>) offsets(%arg7 : memref<1024xi32, #tpu.memory_space<vmem>>) semaphore(%arg16 : memref<!tpu.dma_semaphore, #tpu.memory_space<semaphore_mem>>)
    %scan3A_47 = arith.constant 0 : i32
    %scan3A_48 = arith.constant 0 : i32
    %scan3A_49 = arith.constant 8 : i32
    %scan3A_50 = arith.addi %scan3A_48, %scan3A_49 : i32
    %scan3A_51 = arith.constant 1 : i32
    scf.for %scan3A_249 = %scan3A_48 to %scan3A_50 step %scan3A_51  : i32 {
      %add3A_250 = arith.constant 8 : i32
      %add3A_251 = arith.addi %add3A_250, %scan3A_249 : i32
      %mul3A_252 = arith.constant 256 : i32
      %mul3A_253 = arith.muli %add3A_251, %mul3A_252 : i32
      %add3A_254 = arith.constant 0 : i32
      %add3A_255 = arith.addi %mul3A_253, %add3A_254 : i32
      %get3A = arith.index_cast %add3A_255 : i32 to index
      %get3A_256 = tpu.vector_load %arg6[%get3A] {strides = array<i32>} : memref<8192xf32, #tpu.memory_space<vmem>>, vector<16xf32>,
      %get3A_257 = vector.shape_cast %get3A_256 : vector<16xf32> to vector<16xf32>
      %mul3A_258 = arith.constant 5.110000e+02 : f32
      %mul3A_259 = vector.broadcast %mul3A_258 : f32 to vector<16xf32>
      %mul3A_260 = arith.mulf %get3A_257, %mul3A_259 : vector<16xf32>
      %add3A_261 = arith.constant 5.000000e-01 : f32
      %add3A_262 = vector.broadcast %add3A_261 : f32 to vector<16xf32>
      %add3A_263 = arith.addf %mul3A_260, %add3A_262 : vector<16xf32>
      %convert_element_type3A = arith.fptosi %add3A_263 : vector<16xf32> to vector<16xi32>
      %add3A_264 = arith.constant 128 : i32
      %add3A_265 = arith.addi %mul3A_253, %add3A_264 : i32
      %add3A_266 = arith.constant 0 : i32
      %add3A_267 = arith.addi %add3A_265, %add3A_266 : i32
      %get3A_268 = arith.index_cast %add3A_267 : i32 to index
      %get3A_269 = tpu.vector_load %arg6[%get3A_268] {strides = array<i32>} : memref<8192xf32, #tpu.memory_space<vmem>>, vector<16xf32>,
      %get3A_270 = vector.shape_cast %get3A_269 : vector<16xf32> to vector<16xf32>
      %mul3A_271 = arith.constant 5.110000e+02 : f32
      %mul3A_272 = vector.broadcast %mul3A_271 : f32 to vector<16xf32>
      %mul3A_273 = arith.mulf %get3A_270, %mul3A_272 : vector<16xf32>
      %add3A_274 = arith.constant 5.000000e-01 : f32
      %add3A_275 = vector.broadcast %add3A_274 : f32 to vector<16xf32>
      %add3A_276 = arith.addf %mul3A_273, %add3A_275 : vector<16xf32>
      %convert_element_type3A_277 = arith.fptosi %add3A_276 : vector<16xf32> to vector<16xi32>
      %mul3A_278 = arith.constant 512 : i32
      %mul3A_279 = vector.broadcast %mul3A_278 : i32 to vector<16xi32>
      %mul3A_280 = arith.muli %convert_element_type3A_277, %mul3A_279 : vector<16xi32>
      %add3A_281 = vector.broadcast %mul3A_39 : i32 to vector<16xi32>
      %add3A_282 = arith.addi %add3A_281, %mul3A_280 : vector<16xi32>
      %add3A_283 = arith.addi %add3A_282, %convert_element_type3A : vector<16xi32>
      %mul3A_284 = arith.constant 128 : i32
      %mul3A_285 = arith.muli %scan3A_249, %mul3A_284 : i32
      %add3A_286 = arith.constant 0 : i32
      %add3A_287 = arith.addi %mul3A_285, %add3A_286 : i32
      %swap3A_288 = arith.index_cast %add3A_287 : i32 to index
      %swap3A_289 = tpu.vector_load %arg8[%swap3A_288] {strides = array<i32>} : memref<1024xi32, #tpu.memory_space<vmem>>, vector<16xi32>,
      %swap3A_290 = vector.shape_cast %swap3A_289 : vector<16xi32> to vector<16xi32>
      %swap3A_291 = vector.shape_cast %add3A_283 : vector<16xi32> to vector<16xi32>
      tpu.vector_store %arg8[%swap3A_288], %swap3A_291 {strides = array<i32>} : memref<1024xi32, #tpu.memory_space<vmem>>, vector<16xi32>,
      %add3A_292 = arith.constant 16 : i32
      %add3A_293 = arith.addi %mul3A_253, %add3A_292 : i32
      %get3A_294 = arith.index_cast %add3A_293 : i32 to index
      %get3A_295 = tpu.vector_load %arg6[%get3A_294] {strides = array<i32>} : memref<8192xf32, #tpu.memory_space<vmem>>, vector<16xf32>,
      %get3A_296 = vector.shape_cast %get3A_295 : vector<16xf32> to vector<16xf32>
      %mul3A_297 = arith.constant 5.110000e+02 : f32
      %mul3A_298 = vector.broadcast %mul3A_297 : f32 to vector<16xf32>
      %mul3A_299 = arith.mulf %get3A_296, %mul3A_298 : vector<16xf32>
      %add3A_300 = arith.constant 5.000000e-01 : f32
      %add3A_301 = vector.broadcast %add3A_300 : f32 to vector<16xf32>
      %add3A_302 = arith.addf %mul3A_299, %add3A_301 : vector<16xf32>
      %convert_element_type3A_303 = arith.fptosi %add3A_302 : vector<16xf32> to vector<16xi32>
      %add3A_304 = arith.constant 128 : i32
      %add3A_305 = arith.addi %mul3A_253, %add3A_304 : i32
      %add3A_306 = arith.constant 16 : i32
      %add3A_307 = arith.addi %add3A_305, %add3A_306 : i32
      %get3A_308 = arith.index_cast %add3A_307 : i32 to index
      %get3A_309 = tpu.vector_load %arg6[%get3A_308] {strides = array<i32>} : memref<8192xf32, #tpu.memory_space<vmem>>, vector<16xf32>,
      %get3A_310 = vector.shape_cast %get3A_309 : vector<16xf32> to vector<16xf32>
      %mul3A_311 = arith.constant 5.110000e+02 : f32
      %mul3A_312 = vector.broadcast %mul3A_311 : f32 to vector<16xf32>
      %mul3A_313 = arith.mulf %get3A_310, %mul3A_312 : vector<16xf32>
      %add3A_314 = arith.constant 5.000000e-01 : f32
      %add3A_315 = vector.broadcast %add3A_314 : f32 to vector<16xf32>
      %add3A_316 = arith.addf %mul3A_313, %add3A_315 : vector<16xf32>
      %convert_element_type3A_317 = arith.fptosi %add3A_316 : vector<16xf32> to vector<16xi32>
      %mul3A_318 = arith.constant 512 : i32
      %mul3A_319 = vector.broadcast %mul3A_318 : i32 to vector<16xi32>
      %mul3A_320 = arith.muli %convert_element_type3A_317, %mul3A_319 : vector<16xi32>
      %add3A_321 = vector.broadcast %mul3A_39 : i32 to vector<16xi32>
      %add3A_322 = arith.addi %add3A_321, %mul3A_320 : vector<16xi32>
      %add3A_323 = arith.addi %add3A_322, %convert_element_type3A_303 : vector<16xi32>
      %mul3A_324 = arith.constant 128 : i32
      %mul3A_325 = arith.muli %scan3A_249, %mul3A_324 : i32
      %add3A_326 = arith.constant 16 : i32
      %add3A_327 = arith.addi %mul3A_325, %add3A_326 : i32
      %swap3A_328 = arith.index_cast %add3A_327 : i32 to index
      %swap3A_329 = tpu.vector_load %arg8[%swap3A_328] {strides = array<i32>} : memref<1024xi32, #tpu.memory_space<vmem>>, vector<16xi32>,
      %swap3A_330 = vector.shape_cast %swap3A_329 : vector<16xi32> to vector<16xi32>
      %swap3A_331 = vector.shape_cast %add3A_323 : vector<16xi32> to vector<16xi32>
      tpu.vector_store %arg8[%swap3A_328], %swap3A_331 {strides = array<i32>} : memref<1024xi32, #tpu.memory_space<vmem>>, vector<16xi32>,
      %add3A_332 = arith.constant 32 : i32
      %add3A_333 = arith.addi %mul3A_253, %add3A_332 : i32
      %get3A_334 = arith.index_cast %add3A_333 : i32 to index
      %get3A_335 = tpu.vector_load %arg6[%get3A_334] {strides = array<i32>} : memref<8192xf32, #tpu.memory_space<vmem>>, vector<16xf32>,
      %get3A_336 = vector.shape_cast %get3A_335 : vector<16xf32> to vector<16xf32>
      %mul3A_337 = arith.constant 5.110000e+02 : f32
      %mul3A_338 = vector.broadcast %mul3A_337 : f32 to vector<16xf32>
      %mul3A_339 = arith.mulf %get3A_336, %mul3A_338 : vector<16xf32>
      %add3A_340 = arith.constant 5.000000e-01 : f32
      %add3A_341 = vector.broadcast %add3A_340 : f32 to vector<16xf32>
      %add3A_342 = arith.addf %mul3A_339, %add3A_341 : vector<16xf32>
      %convert_element_type3A_343 = arith.fptosi %add3A_342 : vector<16xf32> to vector<16xi32>
      %add3A_344 = arith.constant 128 : i32
      %add3A_345 = arith.addi %mul3A_253, %add3A_344 : i32
      %add3A_346 = arith.constant 32 : i32
      %add3A_347 = arith.addi %add3A_345, %add3A_346 : i32
      %get3A_348 = arith.index_cast %add3A_347 : i32 to index
      %get3A_349 = tpu.vector_load %arg6[%get3A_348] {strides = array<i32>} : memref<8192xf32, #tpu.memory_space<vmem>>, vector<16xf32>,
      %get3A_350 = vector.shape_cast %get3A_349 : vector<16xf32> to vector<16xf32>
      %mul3A_351 = arith.constant 5.110000e+02 : f32
      %mul3A_352 = vector.broadcast %mul3A_351 : f32 to vector<16xf32>
      %mul3A_353 = arith.mulf %get3A_350, %mul3A_352 : vector<16xf32>
      %add3A_354 = arith.constant 5.000000e-01 : f32
      %add3A_355 = vector.broadcast %add3A_354 : f32 to vector<16xf32>
      %add3A_356 = arith.addf %mul3A_353, %add3A_355 : vector<16xf32>
      %convert_element_type3A_357 = arith.fptosi %add3A_356 : vector<16xf32> to vector<16xi32>
      %mul3A_358 = arith.constant 512 : i32
      %mul3A_359 = vector.broadcast %mul3A_358 : i32 to vector<16xi32>
      %mul3A_360 = arith.muli %convert_element_type3A_357, %mul3A_359 : vector<16xi32>
      %add3A_361 = vector.broadcast %mul3A_39 : i32 to vector<16xi32>
      %add3A_362 = arith.addi %add3A_361, %mul3A_360 : vector<16xi32>
      %add3A_363 = arith.addi %add3A_362, %convert_element_type3A_343 : vector<16xi32>
      %mul3A_364 = arith.constant 128 : i32
      %mul3A_365 = arith.muli %scan3A_249, %mul3A_364 : i32
      %add3A_366 = arith.constant 32 : i32
      %add3A_367 = arith.addi %mul3A_365, %add3A_366 : i32
      %swap3A_368 = arith.index_cast %add3A_367 : i32 to index
      %swap3A_369 = tpu.vector_load %arg8[%swap3A_368] {strides = array<i32>} : memref<1024xi32, #tpu.memory_space<vmem>>, vector<16xi32>,
      %swap3A_370 = vector.shape_cast %swap3A_369 : vector<16xi32> to vector<16xi32>
      %swap3A_371 = vector.shape_cast %add3A_363 : vector<16xi32> to vector<16xi32>
      tpu.vector_store %arg8[%swap3A_368], %swap3A_371 {strides = array<i32>} : memref<1024xi32, #tpu.memory_space<vmem>>, vector<16xi32>,
      %add3A_372 = arith.constant 48 : i32
      %add3A_373 = arith.addi %mul3A_253, %add3A_372 : i32
      %get3A_374 = arith.index_cast %add3A_373 : i32 to index
      %get3A_375 = tpu.vector_load %arg6[%get3A_374] {strides = array<i32>} : memref<8192xf32, #tpu.memory_space<vmem>>, vector<16xf32>,
      %get3A_376 = vector.shape_cast %get3A_375 : vector<16xf32> to vector<16xf32>
      %mul3A_377 = arith.constant 5.110000e+02 : f32
      %mul3A_378 = vector.broadcast %mul3A_377 : f32 to vector<16xf32>
      %mul3A_379 = arith.mulf %get3A_376, %mul3A_378 : vector<16xf32>
      %add3A_380 = arith.constant 5.000000e-01 : f32
      %add3A_381 = vector.broadcast %add3A_380 : f32 to vector<16xf32>
      %add3A_382 = arith.addf %mul3A_379, %add3A_381 : vector<16xf32>
      %convert_element_type3A_383 = arith.fptosi %add3A_382 : vector<16xf32> to vector<16xi32>
      %add3A_384 = arith.constant 128 : i32
      %add3A_385 = arith.addi %mul3A_253, %add3A_384 : i32
      %add3A_386 = arith.constant 48 : i32
      %add3A_387 = arith.addi %add3A_385, %add3A_386 : i32
      %get3A_388 = arith.index_cast %add3A_387 : i32 to index
      %get3A_389 = tpu.vector_load %arg6[%get3A_388] {strides = array<i32>} : memref<8192xf32, #tpu.memory_space<vmem>>, vector<16xf32>,
      %get3A_390 = vector.shape_cast %get3A_389 : vector<16xf32> to vector<16xf32>
      %mul3A_391 = arith.constant 5.110000e+02 : f32
      %mul3A_392 = vector.broadcast %mul3A_391 : f32 to vector<16xf32>
      %mul3A_393 = arith.mulf %get3A_390, %mul3A_392 : vector<16xf32>
      %add3A_394 = arith.constant 5.000000e-01 : f32
      %add3A_395 = vector.broadcast %add3A_394 : f32 to vector<16xf32>
      %add3A_396 = arith.addf %mul3A_393, %add3A_395 : vector<16xf32>
      %convert_element_type3A_397 = arith.fptosi %add3A_396 : vector<16xf32> to vector<16xi32>
      %mul3A_398 = arith.constant 512 : i32
      %mul3A_399 = vector.broadcast %mul3A_398 : i32 to vector<16xi32>
      %mul3A_400 = arith.muli %convert_element_type3A_397, %mul3A_399 : vector<16xi32>
      %add3A_401 = vector.broadcast %mul3A_39 : i32 to vector<16xi32>
      %add3A_402 = arith.addi %add3A_401, %mul3A_400 : vector<16xi32>
      %add3A_403 = arith.addi %add3A_402, %convert_element_type3A_383 : vector<16xi32>
      %mul3A_404 = arith.constant 128 : i32
      %mul3A_405 = arith.muli %scan3A_249, %mul3A_404 : i32
      %add3A_406 = arith.constant 48 : i32
      %add3A_407 = arith.addi %mul3A_405, %add3A_406 : i32
      %swap3A_408 = arith.index_cast %add3A_407 : i32 to index
      %swap3A_409 = tpu.vector_load %arg8[%swap3A_408] {strides = array<i32>} : memref<1024xi32, #tpu.memory_space<vmem>>, vector<16xi32>,
      %swap3A_410 = vector.shape_cast %swap3A_409 : vector<16xi32> to vector<16xi32>
      %swap3A_411 = vector.shape_cast %add3A_403 : vector<16xi32> to vector<16xi32>
      tpu.vector_store %arg8[%swap3A_408], %swap3A_411 {strides = array<i32>} : memref<1024xi32, #tpu.memory_space<vmem>>, vector<16xi32>,
      %add3A_412 = arith.constant 64 : i32
      %add3A_413 = arith.addi %mul3A_253, %add3A_412 : i32
      %get3A_414 = arith.index_cast %add3A_413 : i32 to index
      %get3A_415 = tpu.vector_load %arg6[%get3A_414] {strides = array<i32>} : memref<8192xf32, #tpu.memory_space<vmem>>, vector<16xf32>,
      %get3A_416 = vector.shape_cast %get3A_415 : vector<16xf32> to vector<16xf32>
      %mul3A_417 = arith.constant 5.110000e+02 : f32
      %mul3A_418 = vector.broadcast %mul3A_417 : f32 to vector<16xf32>
      %mul3A_419 = arith.mulf %get3A_416, %mul3A_418 : vector<16xf32>
      %add3A_420 = arith.constant 5.000000e-01 : f32
      %add3A_421 = vector.broadcast %add3A_420 : f32 to vector<16xf32>
      %add3A_422 = arith.addf %mul3A_419, %add3A_421 : vector<16xf32>
      %convert_element_type3A_423 = arith.fptosi %add3A_422 : vector<16xf32> to vector<16xi32>
      %add3A_424 = arith.constant 128 : i32
      %add3A_425 = arith.addi %mul3A_253, %add3A_424 : i32
      %add3A_426 = arith.constant 64 : i32
      %add3A_427 = arith.addi %add3A_425, %add3A_426 : i32
      %get3A_428 = arith.index_cast %add3A_427 : i32 to index
      %get3A_429 = tpu.vector_load %arg6[%get3A_428] {strides = array<i32>} : memref<8192xf32, #tpu.memory_space<vmem>>, vector<16xf32>,
      %get3A_430 = vector.shape_cast %get3A_429 : vector<16xf32> to vector<16xf32>
      %mul3A_431 = arith.constant 5.110000e+02 : f32
      %mul3A_432 = vector.broadcast %mul3A_431 : f32 to vector<16xf32>
      %mul3A_433 = arith.mulf %get3A_430, %mul3A_432 : vector<16xf32>
      %add3A_434 = arith.constant 5.000000e-01 : f32
      %add3A_435 = vector.broadcast %add3A_434 : f32 to vector<16xf32>
      %add3A_436 = arith.addf %mul3A_433, %add3A_435 : vector<16xf32>
      %convert_element_type3A_437 = arith.fptosi %add3A_436 : vector<16xf32> to vector<16xi32>
      %mul3A_438 = arith.constant 512 : i32
      %mul3A_439 = vector.broadcast %mul3A_438 : i32 to vector<16xi32>
      %mul3A_440 = arith.muli %convert_element_type3A_437, %mul3A_439 : vector<16xi32>
      %add3A_441 = vector.broadcast %mul3A_39 : i32 to vector<16xi32>
      %add3A_442 = arith.addi %add3A_441, %mul3A_440 : vector<16xi32>
      %add3A_443 = arith.addi %add3A_442, %convert_element_type3A_423 : vector<16xi32>
      %mul3A_444 = arith.constant 128 : i32
      %mul3A_445 = arith.muli %scan3A_249, %mul3A_444 : i32
      %add3A_446 = arith.constant 64 : i32
      %add3A_447 = arith.addi %mul3A_445, %add3A_446 : i32
      %swap3A_448 = arith.index_cast %add3A_447 : i32 to index
      %swap3A_449 = tpu.vector_load %arg8[%swap3A_448] {strides = array<i32>} : memref<1024xi32, #tpu.memory_space<vmem>>, vector<16xi32>,
      %swap3A_450 = vector.shape_cast %swap3A_449 : vector<16xi32> to vector<16xi32>
      %swap3A_451 = vector.shape_cast %add3A_443 : vector<16xi32> to vector<16xi32>
      tpu.vector_store %arg8[%swap3A_448], %swap3A_451 {strides = array<i32>} : memref<1024xi32, #tpu.memory_space<vmem>>, vector<16xi32>,
      %add3A_452 = arith.constant 80 : i32
      %add3A_453 = arith.addi %mul3A_253, %add3A_452 : i32
      %get3A_454 = arith.index_cast %add3A_453 : i32 to index
      %get3A_455 = tpu.vector_load %arg6[%get3A_454] {strides = array<i32>} : memref<8192xf32, #tpu.memory_space<vmem>>, vector<16xf32>,
      %get3A_456 = vector.shape_cast %get3A_455 : vector<16xf32> to vector<16xf32>
      %mul3A_457 = arith.constant 5.110000e+02 : f32
      %mul3A_458 = vector.broadcast %mul3A_457 : f32 to vector<16xf32>
      %mul3A_459 = arith.mulf %get3A_456, %mul3A_458 : vector<16xf32>
      %add3A_460 = arith.constant 5.000000e-01 : f32
      %add3A_461 = vector.broadcast %add3A_460 : f32 to vector<16xf32>
      %add3A_462 = arith.addf %mul3A_459, %add3A_461 : vector<16xf32>
      %convert_element_type3A_463 = arith.fptosi %add3A_462 : vector<16xf32> to vector<16xi32>
      %add3A_464 = arith.constant 128 : i32
      %add3A_465 = arith.addi %mul3A_253, %add3A_464 : i32
      %add3A_466 = arith.constant 80 : i32
      %add3A_467 = arith.addi %add3A_465, %add3A_466 : i32
      %get3A_468 = arith.index_cast %add3A_467 : i32 to index
      %get3A_469 = tpu.vector_load %arg6[%get3A_468] {strides = array<i32>} : memref<8192xf32, #tpu.memory_space<vmem>>, vector<16xf32>,
      %get3A_470 = vector.shape_cast %get3A_469 : vector<16xf32> to vector<16xf32>
      %mul3A_471 = arith.constant 5.110000e+02 : f32
      %mul3A_472 = vector.broadcast %mul3A_471 : f32 to vector<16xf32>
      %mul3A_473 = arith.mulf %get3A_470, %mul3A_472 : vector<16xf32>
      %add3A_474 = arith.constant 5.000000e-01 : f32
      %add3A_475 = vector.broadcast %add3A_474 : f32 to vector<16xf32>
      %add3A_476 = arith.addf %mul3A_473, %add3A_475 : vector<16xf32>
      %convert_element_type3A_477 = arith.fptosi %add3A_476 : vector<16xf32> to vector<16xi32>
      %mul3A_478 = arith.constant 512 : i32
      %mul3A_479 = vector.broadcast %mul3A_478 : i32 to vector<16xi32>
      %mul3A_480 = arith.muli %convert_element_type3A_477, %mul3A_479 : vector<16xi32>
      %add3A_481 = vector.broadcast %mul3A_39 : i32 to vector<16xi32>
      %add3A_482 = arith.addi %add3A_481, %mul3A_480 : vector<16xi32>
      %add3A_483 = arith.addi %add3A_482, %convert_element_type3A_463 : vector<16xi32>
      %mul3A_484 = arith.constant 128 : i32
      %mul3A_485 = arith.muli %scan3A_249, %mul3A_484 : i32
      %add3A_486 = arith.constant 80 : i32
      %add3A_487 = arith.addi %mul3A_485, %add3A_486 : i32
      %swap3A_488 = arith.index_cast %add3A_487 : i32 to index
      %swap3A_489 = tpu.vector_load %arg8[%swap3A_488] {strides = array<i32>} : memref<1024xi32, #tpu.memory_space<vmem>>, vector<16xi32>,
      %swap3A_490 = vector.shape_cast %swap3A_489 : vector<16xi32> to vector<16xi32>
      %swap3A_491 = vector.shape_cast %add3A_483 : vector<16xi32> to vector<16xi32>
      tpu.vector_store %arg8[%swap3A_488], %swap3A_491 {strides = array<i32>} : memref<1024xi32, #tpu.memory_space<vmem>>, vector<16xi32>,
      %add3A_492 = arith.constant 96 : i32
      %add3A_493 = arith.addi %mul3A_253, %add3A_492 : i32
      %get3A_494 = arith.index_cast %add3A_493 : i32 to index
      %get3A_495 = tpu.vector_load %arg6[%get3A_494] {strides = array<i32>} : memref<8192xf32, #tpu.memory_space<vmem>>, vector<16xf32>,
      %get3A_496 = vector.shape_cast %get3A_495 : vector<16xf32> to vector<16xf32>
      %mul3A_497 = arith.constant 5.110000e+02 : f32
      %mul3A_498 = vector.broadcast %mul3A_497 : f32 to vector<16xf32>
      %mul3A_499 = arith.mulf %get3A_496, %mul3A_498 : vector<16xf32>
      %add3A_500 = arith.constant 5.000000e-01 : f32
      %add3A_501 = vector.broadcast %add3A_500 : f32 to vector<16xf32>
      %add3A_502 = arith.addf %mul3A_499, %add3A_501 : vector<16xf32>
      %convert_element_type3A_503 = arith.fptosi %add3A_502 : vector<16xf32> to vector<16xi32>
      %add3A_504 = arith.constant 128 : i32
      %add3A_505 = arith.addi %mul3A_253, %add3A_504 : i32
      %add3A_506 = arith.constant 96 : i32
      %add3A_507 = arith.addi %add3A_505, %add3A_506 : i32
      %get3A_508 = arith.index_cast %add3A_507 : i32 to index
      %get3A_509 = tpu.vector_load %arg6[%get3A_508] {strides = array<i32>} : memref<8192xf32, #tpu.memory_space<vmem>>, vector<16xf32>,
      %get3A_510 = vector.shape_cast %get3A_509 : vector<16xf32> to vector<16xf32>
      %mul3A_511 = arith.constant 5.110000e+02 : f32
      %mul3A_512 = vector.broadcast %mul3A_511 : f32 to vector<16xf32>
      %mul3A_513 = arith.mulf %get3A_510, %mul3A_512 : vector<16xf32>
      %add3A_514 = arith.constant 5.000000e-01 : f32
      %add3A_515 = vector.broadcast %add3A_514 : f32 to vector<16xf32>
      %add3A_516 = arith.addf %mul3A_513, %add3A_515 : vector<16xf32>
      %convert_element_type3A_517 = arith.fptosi %add3A_516 : vector<16xf32> to vector<16xi32>
      %mul3A_518 = arith.constant 512 : i32
      %mul3A_519 = vector.broadcast %mul3A_518 : i32 to vector<16xi32>
      %mul3A_520 = arith.muli %convert_element_type3A_517, %mul3A_519 : vector<16xi32>
      %add3A_521 = vector.broadcast %mul3A_39 : i32 to vector<16xi32>
      %add3A_522 = arith.addi %add3A_521, %mul3A_520 : vector<16xi32>
      %add3A_523 = arith.addi %add3A_522, %convert_element_type3A_503 : vector<16xi32>
      %mul3A_524 = arith.constant 128 : i32
      %mul3A_525 = arith.muli %scan3A_249, %mul3A_524 : i32
      %add3A_526 = arith.constant 96 : i32
      %add3A_527 = arith.addi %mul3A_525, %add3A_526 : i32
      %swap3A_528 = arith.index_cast %add3A_527 : i32 to index
      %swap3A_529 = tpu.vector_load %arg8[%swap3A_528] {strides = array<i32>} : memref<1024xi32, #tpu.memory_space<vmem>>, vector<16xi32>,
      %swap3A_530 = vector.shape_cast %swap3A_529 : vector<16xi32> to vector<16xi32>
      %swap3A_531 = vector.shape_cast %add3A_523 : vector<16xi32> to vector<16xi32>
      tpu.vector_store %arg8[%swap3A_528], %swap3A_531 {strides = array<i32>} : memref<1024xi32, #tpu.memory_space<vmem>>, vector<16xi32>,
      %add3A_532 = arith.constant 112 : i32
      %add3A_533 = arith.addi %mul3A_253, %add3A_532 : i32
      %get3A_534 = arith.index_cast %add3A_533 : i32 to index
      %get3A_535 = tpu.vector_load %arg6[%get3A_534] {strides = array<i32>} : memref<8192xf32, #tpu.memory_space<vmem>>, vector<16xf32>,
      %get3A_536 = vector.shape_cast %get3A_535 : vector<16xf32> to vector<16xf32>
      %mul3A_537 = arith.constant 5.110000e+02 : f32
      %mul3A_538 = vector.broadcast %mul3A_537 : f32 to vector<16xf32>
      %mul3A_539 = arith.mulf %get3A_536, %mul3A_538 : vector<16xf32>
      %add3A_540 = arith.constant 5.000000e-01 : f32
      %add3A_541 = vector.broadcast %add3A_540 : f32 to vector<16xf32>
      %add3A_542 = arith.addf %mul3A_539, %add3A_541 : vector<16xf32>
      %convert_element_type3A_543 = arith.fptosi %add3A_542 : vector<16xf32> to vector<16xi32>
      %add3A_544 = arith.constant 128 : i32
      %add3A_545 = arith.addi %mul3A_253, %add3A_544 : i32
      %add3A_546 = arith.constant 112 : i32
      %add3A_547 = arith.addi %add3A_545, %add3A_546 : i32
      %get3A_548 = arith.index_cast %add3A_547 : i32 to index
      %get3A_549 = tpu.vector_load %arg6[%get3A_548] {strides = array<i32>} : memref<8192xf32, #tpu.memory_space<vmem>>, vector<16xf32>,
      %get3A_550 = vector.shape_cast %get3A_549 : vector<16xf32> to vector<16xf32>
      %mul3A_551 = arith.constant 5.110000e+02 : f32
      %mul3A_552 = vector.broadcast %mul3A_551 : f32 to vector<16xf32>
      %mul3A_553 = arith.mulf %get3A_550, %mul3A_552 : vector<16xf32>
      %add3A_554 = arith.constant 5.000000e-01 : f32
      %add3A_555 = vector.broadcast %add3A_554 : f32 to vector<16xf32>
      %add3A_556 = arith.addf %mul3A_553, %add3A_555 : vector<16xf32>
      %convert_element_type3A_557 = arith.fptosi %add3A_556 : vector<16xf32> to vector<16xi32>
      %mul3A_558 = arith.constant 512 : i32
      %mul3A_559 = vector.broadcast %mul3A_558 : i32 to vector<16xi32>
      %mul3A_560 = arith.muli %convert_element_type3A_557, %mul3A_559 : vector<16xi32>
      %add3A_561 = vector.broadcast %mul3A_39 : i32 to vector<16xi32>
      %add3A_562 = arith.addi %add3A_561, %mul3A_560 : vector<16xi32>
      %add3A_563 = arith.addi %add3A_562, %convert_element_type3A_543 : vector<16xi32>
      %mul3A_564 = arith.constant 128 : i32
      %mul3A_565 = arith.muli %scan3A_249, %mul3A_564 : i32
      %add3A_566 = arith.constant 112 : i32
      %add3A_567 = arith.addi %mul3A_565, %add3A_566 : i32
      %swap3A_568 = arith.index_cast %add3A_567 : i32 to index
      %swap3A_569 = tpu.vector_load %arg8[%swap3A_568] {strides = array<i32>} : memref<1024xi32, #tpu.memory_space<vmem>>, vector<16xi32>,
      %swap3A_570 = vector.shape_cast %swap3A_569 : vector<16xi32> to vector<16xi32>
      %swap3A_571 = vector.shape_cast %add3A_563 : vector<16xi32> to vector<16xi32>
      tpu.vector_store %arg8[%swap3A_568], %swap3A_571 {strides = array<i32>} : memref<1024xi32, #tpu.memory_space<vmem>>, vector<16xi32>,
    }
    %scan3A_52 = arith.constant 8 : i32
    %dma_start3A_53 = arith.constant 0 : i32
    %dma_start3A_54 = tpu.memref_slice %arg3[%dma_start3A_53] : memref<2097152xi32, #tpu.memory_space<hbm>> -> memref<2097152xi32, #tpu.memory_space<hbm>>
    tpu.enqueue_indirect_dma source(%dma_start3A_54 : memref<2097152xi32, #tpu.memory_space<hbm>>) target(%arg12 : memref<1024xi32, #tpu.memory_space<vmem>>) offsets(%arg8 : memref<1024xi32, #tpu.memory_space<vmem>>) semaphore(%arg17 : memref<!tpu.dma_semaphore, #tpu.memory_space<semaphore_mem>>)
    %dma_wait3A = arith.constant 0 : i32
    %dma_wait3A_55 = tpu.memref_slice %arg3[%dma_wait3A] : memref<2097152xi32, #tpu.memory_space<hbm>> -> memref<2097152xi32, #tpu.memory_space<hbm>>
    tpu.wait_indirect_dma semaphore(%arg16 : memref<!tpu.dma_semaphore, #tpu.memory_space<semaphore_mem>>) src(%dma_wait3A_55 : memref<2097152xi32, #tpu.memory_space<hbm>>) dst(%arg11 : memref<1024xi32, #tpu.memory_space<vmem>>)
    %jit3A_56 = arith.constant 128 : i32
    %div3A_57 = arith.divsi %mul3A_32, %jit3A_56 : i32
    %sign3A_58 = arith.constant 0 : i32
    %sign3A_59 = arith.cmpi sgt, %mul3A_32, %sign3A_58 : i32
    %sign3A_60 = arith.extui %sign3A_59 : i1 to i32
    %sign3A_61 = arith.constant 0 : i32
    %sign3A_62 = arith.cmpi slt, %mul3A_32, %sign3A_61 : i32
    %sign3A_63 = arith.extui %sign3A_62 : i1 to i32
    %sign3A_64 = arith.subi %sign3A_60, %sign3A_63 : i32
    %sign3A_65 = arith.constant 0 : i32
    %sign3A_66 = arith.cmpi sgt, %jit3A_56, %sign3A_65 : i32
    %sign3A_67 = arith.extui %sign3A_66 : i1 to i32
    %sign3A_68 = arith.constant 0 : i32
    %sign3A_69 = arith.cmpi slt, %jit3A_56, %sign3A_68 : i32
    %sign3A_70 = arith.extui %sign3A_69 : i1 to i32
    %sign3A_71 = arith.subi %sign3A_67, %sign3A_70 : i32
    %ne3A_72 = arith.cmpi ne, %sign3A_64, %sign3A_71 : i32
    %rem3A_73 = arith.remsi %mul3A_32, %jit3A_56 : i32
    %ne3A_74 = arith.constant 0 : i32
    %ne3A_75 = arith.cmpi ne, %rem3A_73, %ne3A_74 : i32
    %and3A_76 = arith.andi %ne3A_72, %ne3A_75 : i1
    %sub3A_77 = arith.constant 1 : i32
    %sub3A_78 = arith.subi %div3A_57, %sub3A_77 : i32
    %select_n3A_79 = arith.select %and3A_76, %sub3A_78, %div3A_57 : i32
    %add3A_80 = arith.constant 0 : i32
    %add3A_81 = arith.addi %select_n3A_79, %add3A_80 : i32
    %scan3A_82 = arith.constant 0 : i32
    %scan3A_83 = arith.constant 0 : i32
    %scan3A_84 = arith.constant 8 : i32
    %scan3A_85 = arith.addi %scan3A_83, %scan3A_84 : i32
    %scan3A_86 = arith.constant 1 : i32
    scf.for %scan3A_249 = %scan3A_83 to %scan3A_85 step %scan3A_86  : i32 {
      %mul3A_250 = arith.constant 128 : i32
      %mul3A_251 = arith.muli %scan3A_249, %mul3A_250 : i32
      %add3A_252 = arith.constant 0 : i32
      %add3A_253 = arith.addi %mul3A_251, %add3A_252 : i32
      %get3A = arith.index_cast %add3A_253 : i32 to index
      %get3A_254 = tpu.vector_load %arg11[%get3A] {strides = array<i32>} : memref<1024xi32, #tpu.memory_space<vmem>>, vector<16xi32>,
      %get3A_255 = vector.shape_cast %get3A_254 : vector<16xi32> to vector<16xi32>
      %mul3A_256 = arith.constant 131072 : i32
      %mul3A_257 = vector.broadcast %mul3A_256 : i32 to vector<16xi32>
      %mul3A_258 = arith.muli %get3A_255, %mul3A_257 : vector<16xi32>
      %add3A_259 = arith.addi %add3A_81, %scan3A_249 : i32
      %mul3A_260 = arith.constant 1024 : i32
      %mul3A_261 = arith.muli %add3A_259, %mul3A_260 : i32
      %mul3A_262 = arith.constant 128 : i32
      %mul3A_263 = arith.muli %select_n3A, %mul3A_262 : i32
      %add3A_264 = arith.addi %mul3A_261, %mul3A_263 : i32
      %add3A_265 = arith.constant 0 : i32
      %add3A_266 = arith.addi %add3A_264, %add3A_265 : i32
      %add3A_267 = vector.broadcast %add3A_266 : i32 to vector<16xi32>
      %add3A_268 = arith.addi %mul3A_258, %add3A_267 : vector<16xi32>
      %add3A_269 = arith.addi %add3A_268, %iota3A : vector<16xi32>
      %swap3A_270 = arith.index_cast %add3A_253 : i32 to index
      %swap3A_271 = tpu.vector_load %arg9[%swap3A_270] {strides = array<i32>} : memref<1024xi32, #tpu.memory_space<vmem>>, vector<16xi32>,
      %swap3A_272 = vector.shape_cast %swap3A_271 : vector<16xi32> to vector<16xi32>
      %swap3A_273 = vector.shape_cast %add3A_269 : vector<16xi32> to vector<16xi32>
      tpu.vector_store %arg9[%swap3A_270], %swap3A_273 {strides = array<i32>} : memref<1024xi32, #tpu.memory_space<vmem>>, vector<16xi32>,
      %mul3A_274 = arith.constant 128 : i32
      %mul3A_275 = arith.muli %scan3A_249, %mul3A_274 : i32
      %add3A_276 = arith.constant 16 : i32
      %add3A_277 = arith.addi %mul3A_275, %add3A_276 : i32
      %get3A_278 = arith.index_cast %add3A_277 : i32 to index
      %get3A_279 = tpu.vector_load %arg11[%get3A_278] {strides = array<i32>} : memref<1024xi32, #tpu.memory_space<vmem>>, vector<16xi32>,
      %get3A_280 = vector.shape_cast %get3A_279 : vector<16xi32> to vector<16xi32>
      %mul3A_281 = arith.constant 131072 : i32
      %mul3A_282 = vector.broadcast %mul3A_281 : i32 to vector<16xi32>
      %mul3A_283 = arith.muli %get3A_280, %mul3A_282 : vector<16xi32>
      %add3A_284 = arith.addi %add3A_81, %scan3A_249 : i32
      %mul3A_285 = arith.constant 1024 : i32
      %mul3A_286 = arith.muli %add3A_284, %mul3A_285 : i32
      %mul3A_287 = arith.constant 128 : i32
      %mul3A_288 = arith.muli %select_n3A, %mul3A_287 : i32
      %add3A_289 = arith.addi %mul3A_286, %mul3A_288 : i32
      %add3A_290 = arith.constant 16 : i32
      %add3A_291 = arith.addi %add3A_289, %add3A_290 : i32
      %add3A_292 = vector.broadcast %add3A_291 : i32 to vector<16xi32>
      %add3A_293 = arith.addi %mul3A_283, %add3A_292 : vector<16xi32>
      %add3A_294 = arith.addi %add3A_293, %iota3A : vector<16xi32>
      %swap3A_295 = arith.index_cast %add3A_277 : i32 to index
      %swap3A_296 = tpu.vector_load %arg9[%swap3A_295] {strides = array<i32>} : memref<1024xi32, #tpu.memory_space<vmem>>, vector<16xi32>,
      %swap3A_297 = vector.shape_cast %swap3A_296 : vector<16xi32> to vector<16xi32>
      %swap3A_298 = vector.shape_cast %add3A_294 : vector<16xi32> to vector<16xi32>
      tpu.vector_store %arg9[%swap3A_295], %swap3A_298 {strides = array<i32>} : memref<1024xi32, #tpu.memory_space<vmem>>, vector<16xi32>,
      %mul3A_299 = arith.constant 128 : i32
      %mul3A_300 = arith.muli %scan3A_249, %mul3A_299 : i32
      %add3A_301 = arith.constant 32 : i32
      %add3A_302 = arith.addi %mul3A_300, %add3A_301 : i32
      %get3A_303 = arith.index_cast %add3A_302 : i32 to index
      %get3A_304 = tpu.vector_load %arg11[%get3A_303] {strides = array<i32>} : memref<1024xi32, #tpu.memory_space<vmem>>, vector<16xi32>,
      %get3A_305 = vector.shape_cast %get3A_304 : vector<16xi32> to vector<16xi32>
      %mul3A_306 = arith.constant 131072 : i32
      %mul3A_307 = vector.broadcast %mul3A_306 : i32 to vector<16xi32>
      %mul3A_308 = arith.muli %get3A_305, %mul3A_307 : vector<16xi32>
      %add3A_309 = arith.addi %add3A_81, %scan3A_249 : i32
      %mul3A_310 = arith.constant 1024 : i32
      %mul3A_311 = arith.muli %add3A_309, %mul3A_310 : i32
      %mul3A_312 = arith.constant 128 : i32
      %mul3A_313 = arith.muli %select_n3A, %mul3A_312 : i32
      %add3A_314 = arith.addi %mul3A_311, %mul3A_313 : i32
      %add3A_315 = arith.constant 32 : i32
      %add3A_316 = arith.addi %add3A_314, %add3A_315 : i32
      %add3A_317 = vector.broadcast %add3A_316 : i32 to vector<16xi32>
      %add3A_318 = arith.addi %mul3A_308, %add3A_317 : vector<16xi32>
      %add3A_319 = arith.addi %add3A_318, %iota3A : vector<16xi32>
      %swap3A_320 = arith.index_cast %add3A_302 : i32 to index
      %swap3A_321 = tpu.vector_load %arg9[%swap3A_320] {strides = array<i32>} : memref<1024xi32, #tpu.memory_space<vmem>>, vector<16xi32>,
      %swap3A_322 = vector.shape_cast %swap3A_321 : vector<16xi32> to vector<16xi32>
      %swap3A_323 = vector.shape_cast %add3A_319 : vector<16xi32> to vector<16xi32>
      tpu.vector_store %arg9[%swap3A_320], %swap3A_323 {strides = array<i32>} : memref<1024xi32, #tpu.memory_space<vmem>>, vector<16xi32>,
      %mul3A_324 = arith.constant 128 : i32
      %mul3A_325 = arith.muli %scan3A_249, %mul3A_324 : i32
      %add3A_326 = arith.constant 48 : i32
      %add3A_327 = arith.addi %mul3A_325, %add3A_326 : i32
      %get3A_328 = arith.index_cast %add3A_327 : i32 to index
      %get3A_329 = tpu.vector_load %arg11[%get3A_328] {strides = array<i32>} : memref<1024xi32, #tpu.memory_space<vmem>>, vector<16xi32>,
      %get3A_330 = vector.shape_cast %get3A_329 : vector<16xi32> to vector<16xi32>
      %mul3A_331 = arith.constant 131072 : i32
      %mul3A_332 = vector.broadcast %mul3A_331 : i32 to vector<16xi32>
      %mul3A_333 = arith.muli %get3A_330, %mul3A_332 : vector<16xi32>
      %add3A_334 = arith.addi %add3A_81, %scan3A_249 : i32
      %mul3A_335 = arith.constant 1024 : i32
      %mul3A_336 = arith.muli %add3A_334, %mul3A_335 : i32
      %mul3A_337 = arith.constant 128 : i32
      %mul3A_338 = arith.muli %select_n3A, %mul3A_337 : i32
      %add3A_339 = arith.addi %mul3A_336, %mul3A_338 : i32
      %add3A_340 = arith.constant 48 : i32
      %add3A_341 = arith.addi %add3A_339, %add3A_340 : i32
      %add3A_342 = vector.broadcast %add3A_341 : i32 to vector<16xi32>
      %add3A_343 = arith.addi %mul3A_333, %add3A_342 : vector<16xi32>
      %add3A_344 = arith.addi %add3A_343, %iota3A : vector<16xi32>
      %swap3A_345 = arith.index_cast %add3A_327 : i32 to index
      %swap3A_346 = tpu.vector_load %arg9[%swap3A_345] {strides = array<i32>} : memref<1024xi32, #tpu.memory_space<vmem>>, vector<16xi32>,
      %swap3A_347 = vector.shape_cast %swap3A_346 : vector<16xi32> to vector<16xi32>
      %swap3A_348 = vector.shape_cast %add3A_344 : vector<16xi32> to vector<16xi32>
      tpu.vector_store %arg9[%swap3A_345], %swap3A_348 {strides = array<i32>} : memref<1024xi32, #tpu.memory_space<vmem>>, vector<16xi32>,
      %mul3A_349 = arith.constant 128 : i32
      %mul3A_350 = arith.muli %scan3A_249, %mul3A_349 : i32
      %add3A_351 = arith.constant 64 : i32
      %add3A_352 = arith.addi %mul3A_350, %add3A_351 : i32
      %get3A_353 = arith.index_cast %add3A_352 : i32 to index
      %get3A_354 = tpu.vector_load %arg11[%get3A_353] {strides = array<i32>} : memref<1024xi32, #tpu.memory_space<vmem>>, vector<16xi32>,
      %get3A_355 = vector.shape_cast %get3A_354 : vector<16xi32> to vector<16xi32>
      %mul3A_356 = arith.constant 131072 : i32
      %mul3A_357 = vector.broadcast %mul3A_356 : i32 to vector<16xi32>
      %mul3A_358 = arith.muli %get3A_355, %mul3A_357 : vector<16xi32>
      %add3A_359 = arith.addi %add3A_81, %scan3A_249 : i32
      %mul3A_360 = arith.constant 1024 : i32
      %mul3A_361 = arith.muli %add3A_359, %mul3A_360 : i32
      %mul3A_362 = arith.constant 128 : i32
      %mul3A_363 = arith.muli %select_n3A, %mul3A_362 : i32
      %add3A_364 = arith.addi %mul3A_361, %mul3A_363 : i32
      %add3A_365 = arith.constant 64 : i32
      %add3A_366 = arith.addi %add3A_364, %add3A_365 : i32
      %add3A_367 = vector.broadcast %add3A_366 : i32 to vector<16xi32>
      %add3A_368 = arith.addi %mul3A_358, %add3A_367 : vector<16xi32>
      %add3A_369 = arith.addi %add3A_368, %iota3A : vector<16xi32>
      %swap3A_370 = arith.index_cast %add3A_352 : i32 to index
      %swap3A_371 = tpu.vector_load %arg9[%swap3A_370] {strides = array<i32>} : memref<1024xi32, #tpu.memory_space<vmem>>, vector<16xi32>,
      %swap3A_372 = vector.shape_cast %swap3A_371 : vector<16xi32> to vector<16xi32>
      %swap3A_373 = vector.shape_cast %add3A_369 : vector<16xi32> to vector<16xi32>
      tpu.vector_store %arg9[%swap3A_370], %swap3A_373 {strides = array<i32>} : memref<1024xi32, #tpu.memory_space<vmem>>, vector<16xi32>,
      %mul3A_374 = arith.constant 128 : i32
      %mul3A_375 = arith.muli %scan3A_249, %mul3A_374 : i32
      %add3A_376 = arith.constant 80 : i32
      %add3A_377 = arith.addi %mul3A_375, %add3A_376 : i32
      %get3A_378 = arith.index_cast %add3A_377 : i32 to index
      %get3A_379 = tpu.vector_load %arg11[%get3A_378] {strides = array<i32>} : memref<1024xi32, #tpu.memory_space<vmem>>, vector<16xi32>,
      %get3A_380 = vector.shape_cast %get3A_379 : vector<16xi32> to vector<16xi32>
      %mul3A_381 = arith.constant 131072 : i32
      %mul3A_382 = vector.broadcast %mul3A_381 : i32 to vector<16xi32>
      %mul3A_383 = arith.muli %get3A_380, %mul3A_382 : vector<16xi32>
      %add3A_384 = arith.addi %add3A_81, %scan3A_249 : i32
      %mul3A_385 = arith.constant 1024 : i32
      %mul3A_386 = arith.muli %add3A_384, %mul3A_385 : i32
      %mul3A_387 = arith.constant 128 : i32
      %mul3A_388 = arith.muli %select_n3A, %mul3A_387 : i32
      %add3A_389 = arith.addi %mul3A_386, %mul3A_388 : i32
      %add3A_390 = arith.constant 80 : i32
      %add3A_391 = arith.addi %add3A_389, %add3A_390 : i32
      %add3A_392 = vector.broadcast %add3A_391 : i32 to vector<16xi32>
      %add3A_393 = arith.addi %mul3A_383, %add3A_392 : vector<16xi32>
      %add3A_394 = arith.addi %add3A_393, %iota3A : vector<16xi32>
      %swap3A_395 = arith.index_cast %add3A_377 : i32 to index
      %swap3A_396 = tpu.vector_load %arg9[%swap3A_395] {strides = array<i32>} : memref<1024xi32, #tpu.memory_space<vmem>>, vector<16xi32>,
      %swap3A_397 = vector.shape_cast %swap3A_396 : vector<16xi32> to vector<16xi32>
      %swap3A_398 = vector.shape_cast %add3A_394 : vector<16xi32> to vector<16xi32>
      tpu.vector_store %arg9[%swap3A_395], %swap3A_398 {strides = array<i32>} : memref<1024xi32, #tpu.memory_space<vmem>>, vector<16xi32>,
      %mul3A_399 = arith.constant 128 : i32
      %mul3A_400 = arith.muli %scan3A_249, %mul3A_399 : i32
      %add3A_401 = arith.constant 96 : i32
      %add3A_402 = arith.addi %mul3A_400, %add3A_401 : i32
      %get3A_403 = arith.index_cast %add3A_402 : i32 to index
      %get3A_404 = tpu.vector_load %arg11[%get3A_403] {strides = array<i32>} : memref<1024xi32, #tpu.memory_space<vmem>>, vector<16xi32>,
      %get3A_405 = vector.shape_cast %get3A_404 : vector<16xi32> to vector<16xi32>
      %mul3A_406 = arith.constant 131072 : i32
      %mul3A_407 = vector.broadcast %mul3A_406 : i32 to vector<16xi32>
      %mul3A_408 = arith.muli %get3A_405, %mul3A_407 : vector<16xi32>
      %add3A_409 = arith.addi %add3A_81, %scan3A_249 : i32
      %mul3A_410 = arith.constant 1024 : i32
      %mul3A_411 = arith.muli %add3A_409, %mul3A_410 : i32
      %mul3A_412 = arith.constant 128 : i32
      %mul3A_413 = arith.muli %select_n3A, %mul3A_412 : i32
      %add3A_414 = arith.addi %mul3A_411, %mul3A_413 : i32
      %add3A_415 = arith.constant 96 : i32
      %add3A_416 = arith.addi %add3A_414, %add3A_415 : i32
      %add3A_417 = vector.broadcast %add3A_416 : i32 to vector<16xi32>
      %add3A_418 = arith.addi %mul3A_408, %add3A_417 : vector<16xi32>
      %add3A_419 = arith.addi %add3A_418, %iota3A : vector<16xi32>
      %swap3A_420 = arith.index_cast %add3A_402 : i32 to index
      %swap3A_421 = tpu.vector_load %arg9[%swap3A_420] {strides = array<i32>} : memref<1024xi32, #tpu.memory_space<vmem>>, vector<16xi32>,
      %swap3A_422 = vector.shape_cast %swap3A_421 : vector<16xi32> to vector<16xi32>
      %swap3A_423 = vector.shape_cast %add3A_419 : vector<16xi32> to vector<16xi32>
      tpu.vector_store %arg9[%swap3A_420], %swap3A_423 {strides = array<i32>} : memref<1024xi32, #tpu.memory_space<vmem>>, vector<16xi32>,
      %mul3A_424 = arith.constant 128 : i32
      %mul3A_425 = arith.muli %scan3A_249, %mul3A_424 : i32
      %add3A_426 = arith.constant 112 : i32
      %add3A_427 = arith.addi %mul3A_425, %add3A_426 : i32
      %get3A_428 = arith.index_cast %add3A_427 : i32 to index
      %get3A_429 = tpu.vector_load %arg11[%get3A_428] {strides = array<i32>} : memref<1024xi32, #tpu.memory_space<vmem>>, vector<16xi32>,
      %get3A_430 = vector.shape_cast %get3A_429 : vector<16xi32> to vector<16xi32>
      %mul3A_431 = arith.constant 131072 : i32
      %mul3A_432 = vector.broadcast %mul3A_431 : i32 to vector<16xi32>
      %mul3A_433 = arith.muli %get3A_430, %mul3A_432 : vector<16xi32>
      %add3A_434 = arith.addi %add3A_81, %scan3A_249 : i32
      %mul3A_435 = arith.constant 1024 : i32
      %mul3A_436 = arith.muli %add3A_434, %mul3A_435 : i32
      %mul3A_437 = arith.constant 128 : i32
      %mul3A_438 = arith.muli %select_n3A, %mul3A_437 : i32
      %add3A_439 = arith.addi %mul3A_436, %mul3A_438 : i32
      %add3A_440 = arith.constant 112 : i32
      %add3A_441 = arith.addi %add3A_439, %add3A_440 : i32
      %add3A_442 = vector.broadcast %add3A_441 : i32 to vector<16xi32>
      %add3A_443 = arith.addi %mul3A_433, %add3A_442 : vector<16xi32>
      %add3A_444 = arith.addi %add3A_443, %iota3A : vector<16xi32>
      %swap3A_445 = arith.index_cast %add3A_427 : i32 to index
      %swap3A_446 = tpu.vector_load %arg9[%swap3A_445] {strides = array<i32>} : memref<1024xi32, #tpu.memory_space<vmem>>, vector<16xi32>,
      %swap3A_447 = vector.shape_cast %swap3A_446 : vector<16xi32> to vector<16xi32>
      %swap3A_448 = vector.shape_cast %add3A_444 : vector<16xi32> to vector<16xi32>
      tpu.vector_store %arg9[%swap3A_445], %swap3A_448 {strides = array<i32>} : memref<1024xi32, #tpu.memory_space<vmem>>, vector<16xi32>,
    }
    %scan3A_87 = arith.constant 8 : i32
    %dma_start3A_88 = arith.constant 0 : i32
    %dma_start3A_89 = tpu.memref_slice %arg4[%dma_start3A_88] : memref<2752512xf32, #tpu.memory_space<hbm>> -> memref<2752512xf32, #tpu.memory_space<hbm>>
    tpu.enqueue_indirect_dma source(%dma_start3A_89 : memref<2752512xf32, #tpu.memory_space<hbm>>) target(%arg13 : memref<1024xf32, #tpu.memory_space<vmem>>) offsets(%arg9 : memref<1024xi32, #tpu.memory_space<vmem>>) semaphore(%arg18 : memref<!tpu.dma_semaphore, #tpu.memory_space<semaphore_mem>>)
    %scan3A_90 = arith.constant 0 : i32
    %scan3A_91 = arith.constant 0 : i32
    %scan3A_92 = arith.constant 8 : i32
    %scan3A_93 = arith.addi %scan3A_91, %scan3A_92 : i32
    %scan3A_94 = arith.constant 1 : i32
    scf.for %scan3A_249 = %scan3A_91 to %scan3A_93 step %scan3A_94  : i32 {
      %add3A_250 = arith.constant 16 : i32
      %add3A_251 = arith.addi %add3A_250, %scan3A_249 : i32
      %mul3A_252 = arith.constant 256 : i32
      %mul3A_253 = arith.muli %add3A_251, %mul3A_252 : i32
      %add3A_254 = arith.constant 0 : i32
      %add3A_255 = arith.addi %mul3A_253, %add3A_254 : i32
      %get3A = arith.index_cast %add3A_255 : i32 to index
      %get3A_256 = tpu.vector_load %arg6[%get3A] {strides = array<i32>} : memref<8192xf32, #tpu.memory_space<vmem>>, vector<16xf32>,
      %get3A_257 = vector.shape_cast %get3A_256 : vector<16xf32> to vector<16xf32>
      %mul3A_258 = arith.constant 5.110000e+02 : f32
      %mul3A_259 = vector.broadcast %mul3A_258 : f32 to vector<16xf32>
      %mul3A_260 = arith.mulf %get3A_257, %mul3A_259 : vector<16xf32>
      %add3A_261 = arith.constant 5.000000e-01 : f32
      %add3A_262 = vector.broadcast %add3A_261 : f32 to vector<16xf32>
      %add3A_263 = arith.addf %mul3A_260, %add3A_262 : vector<16xf32>
      %convert_element_type3A = arith.fptosi %add3A_263 : vector<16xf32> to vector<16xi32>
      %add3A_264 = arith.constant 128 : i32
      %add3A_265 = arith.addi %mul3A_253, %add3A_264 : i32
      %add3A_266 = arith.constant 0 : i32
      %add3A_267 = arith.addi %add3A_265, %add3A_266 : i32
      %get3A_268 = arith.index_cast %add3A_267 : i32 to index
      %get3A_269 = tpu.vector_load %arg6[%get3A_268] {strides = array<i32>} : memref<8192xf32, #tpu.memory_space<vmem>>, vector<16xf32>,
      %get3A_270 = vector.shape_cast %get3A_269 : vector<16xf32> to vector<16xf32>
      %mul3A_271 = arith.constant 5.110000e+02 : f32
      %mul3A_272 = vector.broadcast %mul3A_271 : f32 to vector<16xf32>
      %mul3A_273 = arith.mulf %get3A_270, %mul3A_272 : vector<16xf32>
      %add3A_274 = arith.constant 5.000000e-01 : f32
      %add3A_275 = vector.broadcast %add3A_274 : f32 to vector<16xf32>
      %add3A_276 = arith.addf %mul3A_273, %add3A_275 : vector<16xf32>
      %convert_element_type3A_277 = arith.fptosi %add3A_276 : vector<16xf32> to vector<16xi32>
      %mul3A_278 = arith.constant 512 : i32
      %mul3A_279 = vector.broadcast %mul3A_278 : i32 to vector<16xi32>
      %mul3A_280 = arith.muli %convert_element_type3A_277, %mul3A_279 : vector<16xi32>
      %add3A_281 = vector.broadcast %mul3A_39 : i32 to vector<16xi32>
      %add3A_282 = arith.addi %add3A_281, %mul3A_280 : vector<16xi32>
      %add3A_283 = arith.addi %add3A_282, %convert_element_type3A : vector<16xi32>
      %mul3A_284 = arith.constant 128 : i32
      %mul3A_285 = arith.muli %scan3A_249, %mul3A_284 : i32
      %add3A_286 = arith.constant 0 : i32
      %add3A_287 = arith.addi %mul3A_285, %add3A_286 : i32
      %swap3A_288 = arith.index_cast %add3A_287 : i32 to index
      %swap3A_289 = tpu.vector_load %arg7[%swap3A_288] {strides = array<i32>} : memref<1024xi32, #tpu.memory_space<vmem>>, vector<16xi32>,
      %swap3A_290 = vector.shape_cast %swap3A_289 : vector<16xi32> to vector<16xi32>
      %swap3A_291 = vector.shape_cast %add3A_283 : vector<16xi32> to vector<16xi32>
      tpu.vector_store %arg7[%swap3A_288], %swap3A_291 {strides = array<i32>} : memref<1024xi32, #tpu.memory_space<vmem>>, vector<16xi32>,
      %add3A_292 = arith.constant 16 : i32
      %add3A_293 = arith.addi %mul3A_253, %add3A_292 : i32
      %get3A_294 = arith.index_cast %add3A_293 : i32 to index
      %get3A_295 = tpu.vector_load %arg6[%get3A_294] {strides = array<i32>} : memref<8192xf32, #tpu.memory_space<vmem>>, vector<16xf32>,
      %get3A_296 = vector.shape_cast %get3A_295 : vector<16xf32> to vector<16xf32>
      %mul3A_297 = arith.constant 5.110000e+02 : f32
      %mul3A_298 = vector.broadcast %mul3A_297 : f32 to vector<16xf32>
      %mul3A_299 = arith.mulf %get3A_296, %mul3A_298 : vector<16xf32>
      %add3A_300 = arith.constant 5.000000e-01 : f32
      %add3A_301 = vector.broadcast %add3A_300 : f32 to vector<16xf32>
      %add3A_302 = arith.addf %mul3A_299, %add3A_301 : vector<16xf32>
      %convert_element_type3A_303 = arith.fptosi %add3A_302 : vector<16xf32> to vector<16xi32>
      %add3A_304 = arith.constant 128 : i32
      %add3A_305 = arith.addi %mul3A_253, %add3A_304 : i32
      %add3A_306 = arith.constant 16 : i32
      %add3A_307 = arith.addi %add3A_305, %add3A_306 : i32
      %get3A_308 = arith.index_cast %add3A_307 : i32 to index
      %get3A_309 = tpu.vector_load %arg6[%get3A_308] {strides = array<i32>} : memref<8192xf32, #tpu.memory_space<vmem>>, vector<16xf32>,
      %get3A_310 = vector.shape_cast %get3A_309 : vector<16xf32> to vector<16xf32>
      %mul3A_311 = arith.constant 5.110000e+02 : f32
      %mul3A_312 = vector.broadcast %mul3A_311 : f32 to vector<16xf32>
      %mul3A_313 = arith.mulf %get3A_310, %mul3A_312 : vector<16xf32>
      %add3A_314 = arith.constant 5.000000e-01 : f32
      %add3A_315 = vector.broadcast %add3A_314 : f32 to vector<16xf32>
      %add3A_316 = arith.addf %mul3A_313, %add3A_315 : vector<16xf32>
      %convert_element_type3A_317 = arith.fptosi %add3A_316 : vector<16xf32> to vector<16xi32>
      %mul3A_318 = arith.constant 512 : i32
      %mul3A_319 = vector.broadcast %mul3A_318 : i32 to vector<16xi32>
      %mul3A_320 = arith.muli %convert_element_type3A_317, %mul3A_319 : vector<16xi32>
      %add3A_321 = vector.broadcast %mul3A_39 : i32 to vector<16xi32>
      %add3A_322 = arith.addi %add3A_321, %mul3A_320 : vector<16xi32>
      %add3A_323 = arith.addi %add3A_322, %convert_element_type3A_303 : vector<16xi32>
      %mul3A_324 = arith.constant 128 : i32
      %mul3A_325 = arith.muli %scan3A_249, %mul3A_324 : i32
      %add3A_326 = arith.constant 16 : i32
      %add3A_327 = arith.addi %mul3A_325, %add3A_326 : i32
      %swap3A_328 = arith.index_cast %add3A_327 : i32 to index
      %swap3A_329 = tpu.vector_load %arg7[%swap3A_328] {strides = array<i32>} : memref<1024xi32, #tpu.memory_space<vmem>>, vector<16xi32>,
      %swap3A_330 = vector.shape_cast %swap3A_329 : vector<16xi32> to vector<16xi32>
      %swap3A_331 = vector.shape_cast %add3A_323 : vector<16xi32> to vector<16xi32>
      tpu.vector_store %arg7[%swap3A_328], %swap3A_331 {strides = array<i32>} : memref<1024xi32, #tpu.memory_space<vmem>>, vector<16xi32>,
      %add3A_332 = arith.constant 32 : i32
      %add3A_333 = arith.addi %mul3A_253, %add3A_332 : i32
      %get3A_334 = arith.index_cast %add3A_333 : i32 to index
      %get3A_335 = tpu.vector_load %arg6[%get3A_334] {strides = array<i32>} : memref<8192xf32, #tpu.memory_space<vmem>>, vector<16xf32>,
      %get3A_336 = vector.shape_cast %get3A_335 : vector<16xf32> to vector<16xf32>
      %mul3A_337 = arith.constant 5.110000e+02 : f32
      %mul3A_338 = vector.broadcast %mul3A_337 : f32 to vector<16xf32>
      %mul3A_339 = arith.mulf %get3A_336, %mul3A_338 : vector<16xf32>
      %add3A_340 = arith.constant 5.000000e-01 : f32
      %add3A_341 = vector.broadcast %add3A_340 : f32 to vector<16xf32>
      %add3A_342 = arith.addf %mul3A_339, %add3A_341 : vector<16xf32>
      %convert_element_type3A_343 = arith.fptosi %add3A_342 : vector<16xf32> to vector<16xi32>
      %add3A_344 = arith.constant 128 : i32
      %add3A_345 = arith.addi %mul3A_253, %add3A_344 : i32
      %add3A_346 = arith.constant 32 : i32
      %add3A_347 = arith.addi %add3A_345, %add3A_346 : i32
      %get3A_348 = arith.index_cast %add3A_347 : i32 to index
      %get3A_349 = tpu.vector_load %arg6[%get3A_348] {strides = array<i32>} : memref<8192xf32, #tpu.memory_space<vmem>>, vector<16xf32>,
      %get3A_350 = vector.shape_cast %get3A_349 : vector<16xf32> to vector<16xf32>
      %mul3A_351 = arith.constant 5.110000e+02 : f32
      %mul3A_352 = vector.broadcast %mul3A_351 : f32 to vector<16xf32>
      %mul3A_353 = arith.mulf %get3A_350, %mul3A_352 : vector<16xf32>
      %add3A_354 = arith.constant 5.000000e-01 : f32
      %add3A_355 = vector.broadcast %add3A_354 : f32 to vector<16xf32>
      %add3A_356 = arith.addf %mul3A_353, %add3A_355 : vector<16xf32>
      %convert_element_type3A_357 = arith.fptosi %add3A_356 : vector<16xf32> to vector<16xi32>
      %mul3A_358 = arith.constant 512 : i32
      %mul3A_359 = vector.broadcast %mul3A_358 : i32 to vector<16xi32>
      %mul3A_360 = arith.muli %convert_element_type3A_357, %mul3A_359 : vector<16xi32>
      %add3A_361 = vector.broadcast %mul3A_39 : i32 to vector<16xi32>
      %add3A_362 = arith.addi %add3A_361, %mul3A_360 : vector<16xi32>
      %add3A_363 = arith.addi %add3A_362, %convert_element_type3A_343 : vector<16xi32>
      %mul3A_364 = arith.constant 128 : i32
      %mul3A_365 = arith.muli %scan3A_249, %mul3A_364 : i32
      %add3A_366 = arith.constant 32 : i32
      %add3A_367 = arith.addi %mul3A_365, %add3A_366 : i32
      %swap3A_368 = arith.index_cast %add3A_367 : i32 to index
      %swap3A_369 = tpu.vector_load %arg7[%swap3A_368] {strides = array<i32>} : memref<1024xi32, #tpu.memory_space<vmem>>, vector<16xi32>,
      %swap3A_370 = vector.shape_cast %swap3A_369 : vector<16xi32> to vector<16xi32>
      %swap3A_371 = vector.shape_cast %add3A_363 : vector<16xi32> to vector<16xi32>
      tpu.vector_store %arg7[%swap3A_368], %swap3A_371 {strides = array<i32>} : memref<1024xi32, #tpu.memory_space<vmem>>, vector<16xi32>,
      %add3A_372 = arith.constant 48 : i32
      %add3A_373 = arith.addi %mul3A_253, %add3A_372 : i32
      %get3A_374 = arith.index_cast %add3A_373 : i32 to index
      %get3A_375 = tpu.vector_load %arg6[%get3A_374] {strides = array<i32>} : memref<8192xf32, #tpu.memory_space<vmem>>, vector<16xf32>,
      %get3A_376 = vector.shape_cast %get3A_375 : vector<16xf32> to vector<16xf32>
      %mul3A_377 = arith.constant 5.110000e+02 : f32
      %mul3A_378 = vector.broadcast %mul3A_377 : f32 to vector<16xf32>
      %mul3A_379 = arith.mulf %get3A_376, %mul3A_378 : vector<16xf32>
      %add3A_380 = arith.constant 5.000000e-01 : f32
      %add3A_381 = vector.broadcast %add3A_380 : f32 to vector<16xf32>
      %add3A_382 = arith.addf %mul3A_379, %add3A_381 : vector<16xf32>
      %convert_element_type3A_383 = arith.fptosi %add3A_382 : vector<16xf32> to vector<16xi32>
      %add3A_384 = arith.constant 128 : i32
      %add3A_385 = arith.addi %mul3A_253, %add3A_384 : i32
      %add3A_386 = arith.constant 48 : i32
      %add3A_387 = arith.addi %add3A_385, %add3A_386 : i32
      %get3A_388 = arith.index_cast %add3A_387 : i32 to index
      %get3A_389 = tpu.vector_load %arg6[%get3A_388] {strides = array<i32>} : memref<8192xf32, #tpu.memory_space<vmem>>, vector<16xf32>,
      %get3A_390 = vector.shape_cast %get3A_389 : vector<16xf32> to vector<16xf32>
      %mul3A_391 = arith.constant 5.110000e+02 : f32
      %mul3A_392 = vector.broadcast %mul3A_391 : f32 to vector<16xf32>
      %mul3A_393 = arith.mulf %get3A_390, %mul3A_392 : vector<16xf32>
      %add3A_394 = arith.constant 5.000000e-01 : f32
      %add3A_395 = vector.broadcast %add3A_394 : f32 to vector<16xf32>
      %add3A_396 = arith.addf %mul3A_393, %add3A_395 : vector<16xf32>
      %convert_element_type3A_397 = arith.fptosi %add3A_396 : vector<16xf32> to vector<16xi32>
      %mul3A_398 = arith.constant 512 : i32
      %mul3A_399 = vector.broadcast %mul3A_398 : i32 to vector<16xi32>
      %mul3A_400 = arith.muli %convert_element_type3A_397, %mul3A_399 : vector<16xi32>
      %add3A_401 = vector.broadcast %mul3A_39 : i32 to vector<16xi32>
      %add3A_402 = arith.addi %add3A_401, %mul3A_400 : vector<16xi32>
      %add3A_403 = arith.addi %add3A_402, %convert_element_type3A_383 : vector<16xi32>
      %mul3A_404 = arith.constant 128 : i32
      %mul3A_405 = arith.muli %scan3A_249, %mul3A_404 : i32
      %add3A_406 = arith.constant 48 : i32
      %add3A_407 = arith.addi %mul3A_405, %add3A_406 : i32
      %swap3A_408 = arith.index_cast %add3A_407 : i32 to index
      %swap3A_409 = tpu.vector_load %arg7[%swap3A_408] {strides = array<i32>} : memref<1024xi32, #tpu.memory_space<vmem>>, vector<16xi32>,
      %swap3A_410 = vector.shape_cast %swap3A_409 : vector<16xi32> to vector<16xi32>
      %swap3A_411 = vector.shape_cast %add3A_403 : vector<16xi32> to vector<16xi32>
      tpu.vector_store %arg7[%swap3A_408], %swap3A_411 {strides = array<i32>} : memref<1024xi32, #tpu.memory_space<vmem>>, vector<16xi32>,
      %add3A_412 = arith.constant 64 : i32
      %add3A_413 = arith.addi %mul3A_253, %add3A_412 : i32
      %get3A_414 = arith.index_cast %add3A_413 : i32 to index
      %get3A_415 = tpu.vector_load %arg6[%get3A_414] {strides = array<i32>} : memref<8192xf32, #tpu.memory_space<vmem>>, vector<16xf32>,
      %get3A_416 = vector.shape_cast %get3A_415 : vector<16xf32> to vector<16xf32>
      %mul3A_417 = arith.constant 5.110000e+02 : f32
      %mul3A_418 = vector.broadcast %mul3A_417 : f32 to vector<16xf32>
      %mul3A_419 = arith.mulf %get3A_416, %mul3A_418 : vector<16xf32>
      %add3A_420 = arith.constant 5.000000e-01 : f32
      %add3A_421 = vector.broadcast %add3A_420 : f32 to vector<16xf32>
      %add3A_422 = arith.addf %mul3A_419, %add3A_421 : vector<16xf32>
      %convert_element_type3A_423 = arith.fptosi %add3A_422 : vector<16xf32> to vector<16xi32>
      %add3A_424 = arith.constant 128 : i32
      %add3A_425 = arith.addi %mul3A_253, %add3A_424 : i32
      %add3A_426 = arith.constant 64 : i32
      %add3A_427 = arith.addi %add3A_425, %add3A_426 : i32
      %get3A_428 = arith.index_cast %add3A_427 : i32 to index
      %get3A_429 = tpu.vector_load %arg6[%get3A_428] {strides = array<i32>} : memref<8192xf32, #tpu.memory_space<vmem>>, vector<16xf32>,
      %get3A_430 = vector.shape_cast %get3A_429 : vector<16xf32> to vector<16xf32>
      %mul3A_431 = arith.constant 5.110000e+02 : f32
      %mul3A_432 = vector.broadcast %mul3A_431 : f32 to vector<16xf32>
      %mul3A_433 = arith.mulf %get3A_430, %mul3A_432 : vector<16xf32>
      %add3A_434 = arith.constant 5.000000e-01 : f32
      %add3A_435 = vector.broadcast %add3A_434 : f32 to vector<16xf32>
      %add3A_436 = arith.addf %mul3A_433, %add3A_435 : vector<16xf32>
      %convert_element_type3A_437 = arith.fptosi %add3A_436 : vector<16xf32> to vector<16xi32>
      %mul3A_438 = arith.constant 512 : i32
      %mul3A_439 = vector.broadcast %mul3A_438 : i32 to vector<16xi32>
      %mul3A_440 = arith.muli %convert_element_type3A_437, %mul3A_439 : vector<16xi32>
      %add3A_441 = vector.broadcast %mul3A_39 : i32 to vector<16xi32>
      %add3A_442 = arith.addi %add3A_441, %mul3A_440 : vector<16xi32>
      %add3A_443 = arith.addi %add3A_442, %convert_element_type3A_423 : vector<16xi32>
      %mul3A_444 = arith.constant 128 : i32
      %mul3A_445 = arith.muli %scan3A_249, %mul3A_444 : i32
      %add3A_446 = arith.constant 64 : i32
      %add3A_447 = arith.addi %mul3A_445, %add3A_446 : i32
      %swap3A_448 = arith.index_cast %add3A_447 : i32 to index
      %swap3A_449 = tpu.vector_load %arg7[%swap3A_448] {strides = array<i32>} : memref<1024xi32, #tpu.memory_space<vmem>>, vector<16xi32>,
      %swap3A_450 = vector.shape_cast %swap3A_449 : vector<16xi32> to vector<16xi32>
      %swap3A_451 = vector.shape_cast %add3A_443 : vector<16xi32> to vector<16xi32>
      tpu.vector_store %arg7[%swap3A_448], %swap3A_451 {strides = array<i32>} : memref<1024xi32, #tpu.memory_space<vmem>>, vector<16xi32>,
      %add3A_452 = arith.constant 80 : i32
      %add3A_453 = arith.addi %mul3A_253, %add3A_452 : i32
      %get3A_454 = arith.index_cast %add3A_453 : i32 to index
      %get3A_455 = tpu.vector_load %arg6[%get3A_454] {strides = array<i32>} : memref<8192xf32, #tpu.memory_space<vmem>>, vector<16xf32>,
      %get3A_456 = vector.shape_cast %get3A_455 : vector<16xf32> to vector<16xf32>
      %mul3A_457 = arith.constant 5.110000e+02 : f32
      %mul3A_458 = vector.broadcast %mul3A_457 : f32 to vector<16xf32>
      %mul3A_459 = arith.mulf %get3A_456, %mul3A_458 : vector<16xf32>
      %add3A_460 = arith.constant 5.000000e-01 : f32
      %add3A_461 = vector.broadcast %add3A_460 : f32 to vector<16xf32>
      %add3A_462 = arith.addf %mul3A_459, %add3A_461 : vector<16xf32>
      %convert_element_type3A_463 = arith.fptosi %add3A_462 : vector<16xf32> to vector<16xi32>
      %add3A_464 = arith.constant 128 : i32
      %add3A_465 = arith.addi %mul3A_253, %add3A_464 : i32
      %add3A_466 = arith.constant 80 : i32
      %add3A_467 = arith.addi %add3A_465, %add3A_466 : i32
      %get3A_468 = arith.index_cast %add3A_467 : i32 to index
      %get3A_469 = tpu.vector_load %arg6[%get3A_468] {strides = array<i32>} : memref<8192xf32, #tpu.memory_space<vmem>>, vector<16xf32>,
      %get3A_470 = vector.shape_cast %get3A_469 : vector<16xf32> to vector<16xf32>
      %mul3A_471 = arith.constant 5.110000e+02 : f32
      %mul3A_472 = vector.broadcast %mul3A_471 : f32 to vector<16xf32>
      %mul3A_473 = arith.mulf %get3A_470, %mul3A_472 : vector<16xf32>
      %add3A_474 = arith.constant 5.000000e-01 : f32
      %add3A_475 = vector.broadcast %add3A_474 : f32 to vector<16xf32>
      %add3A_476 = arith.addf %mul3A_473, %add3A_475 : vector<16xf32>
      %convert_element_type3A_477 = arith.fptosi %add3A_476 : vector<16xf32> to vector<16xi32>
      %mul3A_478 = arith.constant 512 : i32
      %mul3A_479 = vector.broadcast %mul3A_478 : i32 to vector<16xi32>
      %mul3A_480 = arith.muli %convert_element_type3A_477, %mul3A_479 : vector<16xi32>
      %add3A_481 = vector.broadcast %mul3A_39 : i32 to vector<16xi32>
      %add3A_482 = arith.addi %add3A_481, %mul3A_480 : vector<16xi32>
      %add3A_483 = arith.addi %add3A_482, %convert_element_type3A_463 : vector<16xi32>
      %mul3A_484 = arith.constant 128 : i32
      %mul3A_485 = arith.muli %scan3A_249, %mul3A_484 : i32
      %add3A_486 = arith.constant 80 : i32
      %add3A_487 = arith.addi %mul3A_485, %add3A_486 : i32
      %swap3A_488 = arith.index_cast %add3A_487 : i32 to index
      %swap3A_489 = tpu.vector_load %arg7[%swap3A_488] {strides = array<i32>} : memref<1024xi32, #tpu.memory_space<vmem>>, vector<16xi32>,
      %swap3A_490 = vector.shape_cast %swap3A_489 : vector<16xi32> to vector<16xi32>
      %swap3A_491 = vector.shape_cast %add3A_483 : vector<16xi32> to vector<16xi32>
      tpu.vector_store %arg7[%swap3A_488], %swap3A_491 {strides = array<i32>} : memref<1024xi32, #tpu.memory_space<vmem>>, vector<16xi32>,
      %add3A_492 = arith.constant 96 : i32
      %add3A_493 = arith.addi %mul3A_253, %add3A_492 : i32
      %get3A_494 = arith.index_cast %add3A_493 : i32 to index
      %get3A_495 = tpu.vector_load %arg6[%get3A_494] {strides = array<i32>} : memref<8192xf32, #tpu.memory_space<vmem>>, vector<16xf32>,
      %get3A_496 = vector.shape_cast %get3A_495 : vector<16xf32> to vector<16xf32>
      %mul3A_497 = arith.constant 5.110000e+02 : f32
      %mul3A_498 = vector.broadcast %mul3A_497 : f32 to vector<16xf32>
      %mul3A_499 = arith.mulf %get3A_496, %mul3A_498 : vector<16xf32>
      %add3A_500 = arith.constant 5.000000e-01 : f32
      %add3A_501 = vector.broadcast %add3A_500 : f32 to vector<16xf32>
      %add3A_502 = arith.addf %mul3A_499, %add3A_501 : vector<16xf32>
      %convert_element_type3A_503 = arith.fptosi %add3A_502 : vector<16xf32> to vector<16xi32>
      %add3A_504 = arith.constant 128 : i32
      %add3A_505 = arith.addi %mul3A_253, %add3A_504 : i32
      %add3A_506 = arith.constant 96 : i32
      %add3A_507 = arith.addi %add3A_505, %add3A_506 : i32
      %get3A_508 = arith.index_cast %add3A_507 : i32 to index
      %get3A_509 = tpu.vector_load %arg6[%get3A_508] {strides = array<i32>} : memref<8192xf32, #tpu.memory_space<vmem>>, vector<16xf32>,
      %get3A_510 = vector.shape_cast %get3A_509 : vector<16xf32> to vector<16xf32>
      %mul3A_511 = arith.constant 5.110000e+02 : f32
      %mul3A_512 = vector.broadcast %mul3A_511 : f32 to vector<16xf32>
      %mul3A_513 = arith.mulf %get3A_510, %mul3A_512 : vector<16xf32>
      %add3A_514 = arith.constant 5.000000e-01 : f32
      %add3A_515 = vector.broadcast %add3A_514 : f32 to vector<16xf32>
      %add3A_516 = arith.addf %mul3A_513, %add3A_515 : vector<16xf32>
      %convert_element_type3A_517 = arith.fptosi %add3A_516 : vector<16xf32> to vector<16xi32>
      %mul3A_518 = arith.constant 512 : i32
      %mul3A_519 = vector.broadcast %mul3A_518 : i32 to vector<16xi32>
      %mul3A_520 = arith.muli %convert_element_type3A_517, %mul3A_519 : vector<16xi32>
      %add3A_521 = vector.broadcast %mul3A_39 : i32 to vector<16xi32>
      %add3A_522 = arith.addi %add3A_521, %mul3A_520 : vector<16xi32>
      %add3A_523 = arith.addi %add3A_522, %convert_element_type3A_503 : vector<16xi32>
      %mul3A_524 = arith.constant 128 : i32
      %mul3A_525 = arith.muli %scan3A_249, %mul3A_524 : i32
      %add3A_526 = arith.constant 96 : i32
      %add3A_527 = arith.addi %mul3A_525, %add3A_526 : i32
      %swap3A_528 = arith.index_cast %add3A_527 : i32 to index
      %swap3A_529 = tpu.vector_load %arg7[%swap3A_528] {strides = array<i32>} : memref<1024xi32, #tpu.memory_space<vmem>>, vector<16xi32>,
      %swap3A_530 = vector.shape_cast %swap3A_529 : vector<16xi32> to vector<16xi32>
      %swap3A_531 = vector.shape_cast %add3A_523 : vector<16xi32> to vector<16xi32>
      tpu.vector_store %arg7[%swap3A_528], %swap3A_531 {strides = array<i32>} : memref<1024xi32, #tpu.memory_space<vmem>>, vector<16xi32>,
      %add3A_532 = arith.constant 112 : i32
      %add3A_533 = arith.addi %mul3A_253, %add3A_532 : i32
      %get3A_534 = arith.index_cast %add3A_533 : i32 to index
      %get3A_535 = tpu.vector_load %arg6[%get3A_534] {strides = array<i32>} : memref<8192xf32, #tpu.memory_space<vmem>>, vector<16xf32>,
      %get3A_536 = vector.shape_cast %get3A_535 : vector<16xf32> to vector<16xf32>
      %mul3A_537 = arith.constant 5.110000e+02 : f32
      %mul3A_538 = vector.broadcast %mul3A_537 : f32 to vector<16xf32>
      %mul3A_539 = arith.mulf %get3A_536, %mul3A_538 : vector<16xf32>
      %add3A_540 = arith.constant 5.000000e-01 : f32
      %add3A_541 = vector.broadcast %add3A_540 : f32 to vector<16xf32>
      %add3A_542 = arith.addf %mul3A_539, %add3A_541 : vector<16xf32>
      %convert_element_type3A_543 = arith.fptosi %add3A_542 : vector<16xf32> to vector<16xi32>
      %add3A_544 = arith.constant 128 : i32
      %add3A_545 = arith.addi %mul3A_253, %add3A_544 : i32
      %add3A_546 = arith.constant 112 : i32
      %add3A_547 = arith.addi %add3A_545, %add3A_546 : i32
      %get3A_548 = arith.index_cast %add3A_547 : i32 to index
      %get3A_549 = tpu.vector_load %arg6[%get3A_548] {strides = array<i32>} : memref<8192xf32, #tpu.memory_space<vmem>>, vector<16xf32>,
      %get3A_550 = vector.shape_cast %get3A_549 : vector<16xf32> to vector<16xf32>
      %mul3A_551 = arith.constant 5.110000e+02 : f32
      %mul3A_552 = vector.broadcast %mul3A_551 : f32 to vector<16xf32>
      %mul3A_553 = arith.mulf %get3A_550, %mul3A_552 : vector<16xf32>
      %add3A_554 = arith.constant 5.000000e-01 : f32
      %add3A_555 = vector.broadcast %add3A_554 : f32 to vector<16xf32>
      %add3A_556 = arith.addf %mul3A_553, %add3A_555 : vector<16xf32>
      %convert_element_type3A_557 = arith.fptosi %add3A_556 : vector<16xf32> to vector<16xi32>
      %mul3A_558 = arith.constant 512 : i32
      %mul3A_559 = vector.broadcast %mul3A_558 : i32 to vector<16xi32>
      %mul3A_560 = arith.muli %convert_element_type3A_557, %mul3A_559 : vector<16xi32>
      %add3A_561 = vector.broadcast %mul3A_39 : i32 to vector<16xi32>
      %add3A_562 = arith.addi %add3A_561, %mul3A_560 : vector<16xi32>
      %add3A_563 = arith.addi %add3A_562, %convert_element_type3A_543 : vector<16xi32>
      %mul3A_564 = arith.constant 128 : i32
      %mul3A_565 = arith.muli %scan3A_249, %mul3A_564 : i32
      %add3A_566 = arith.constant 112 : i32
      %add3A_567 = arith.addi %mul3A_565, %add3A_566 : i32
      %swap3A_568 = arith.index_cast %add3A_567 : i32 to index
      %swap3A_569 = tpu.vector_load %arg7[%swap3A_568] {strides = array<i32>} : memref<1024xi32, #tpu.memory_space<vmem>>, vector<16xi32>,
      %swap3A_570 = vector.shape_cast %swap3A_569 : vector<16xi32> to vector<16xi32>
      %swap3A_571 = vector.shape_cast %add3A_563 : vector<16xi32> to vector<16xi32>
      tpu.vector_store %arg7[%swap3A_568], %swap3A_571 {strides = array<i32>} : memref<1024xi32, #tpu.memory_space<vmem>>, vector<16xi32>,
    }
    %scan3A_95 = arith.constant 8 : i32
    %dma_start3A_96 = arith.constant 0 : i32
    %dma_start3A_97 = tpu.memref_slice %arg3[%dma_start3A_96] : memref<2097152xi32, #tpu.memory_space<hbm>> -> memref<2097152xi32, #tpu.memory_space<hbm>>
    tpu.enqueue_indirect_dma source(%dma_start3A_97 : memref<2097152xi32, #tpu.memory_space<hbm>>) target(%arg11 : memref<1024xi32, #tpu.memory_space<vmem>>) offsets(%arg7 : memref<1024xi32, #tpu.memory_space<vmem>>) semaphore(%arg16 : memref<!tpu.dma_semaphore, #tpu.memory_space<semaphore_mem>>)
    %dma_wait3A_98 = arith.constant 0 : i32
    %dma_wait3A_99 = tpu.memref_slice %arg3[%dma_wait3A_98] : memref<2097152xi32, #tpu.memory_space<hbm>> -> memref<2097152xi32, #tpu.memory_space<hbm>>
    tpu.wait_indirect_dma semaphore(%arg17 : memref<!tpu.dma_semaphore, #tpu.memory_space<semaphore_mem>>) src(%dma_wait3A_99 : memref<2097152xi32, #tpu.memory_space<hbm>>) dst(%arg12 : memref<1024xi32, #tpu.memory_space<vmem>>)
    %jit3A_100 = arith.constant 128 : i32
    %div3A_101 = arith.divsi %mul3A_32, %jit3A_100 : i32
    %sign3A_102 = arith.constant 0 : i32
    %sign3A_103 = arith.cmpi sgt, %mul3A_32, %sign3A_102 : i32
    %sign3A_104 = arith.extui %sign3A_103 : i1 to i32
    %sign3A_105 = arith.constant 0 : i32
    %sign3A_106 = arith.cmpi slt, %mul3A_32, %sign3A_105 : i32
    %sign3A_107 = arith.extui %sign3A_106 : i1 to i32
    %sign3A_108 = arith.subi %sign3A_104, %sign3A_107 : i32
    %sign3A_109 = arith.constant 0 : i32
    %sign3A_110 = arith.cmpi sgt, %jit3A_100, %sign3A_109 : i32
    %sign3A_111 = arith.extui %sign3A_110 : i1 to i32
    %sign3A_112 = arith.constant 0 : i32
    %sign3A_113 = arith.cmpi slt, %jit3A_100, %sign3A_112 : i32
    %sign3A_114 = arith.extui %sign3A_113 : i1 to i32
    %sign3A_115 = arith.subi %sign3A_111, %sign3A_114 : i32
    %ne3A_116 = arith.cmpi ne, %sign3A_108, %sign3A_115 : i32
    %rem3A_117 = arith.remsi %mul3A_32, %jit3A_100 : i32
    %ne3A_118 = arith.constant 0 : i32
    %ne3A_119 = arith.cmpi ne, %rem3A_117, %ne3A_118 : i32
    %and3A_120 = arith.andi %ne3A_116, %ne3A_119 : i1
    %sub3A_121 = arith.constant 1 : i32
    %sub3A_122 = arith.subi %div3A_101, %sub3A_121 : i32
    %select_n3A_123 = arith.select %and3A_120, %sub3A_122, %div3A_101 : i32
    %add3A_124 = arith.constant 8 : i32
    %add3A_125 = arith.addi %select_n3A_123, %add3A_124 : i32
    %scan3A_126 = arith.constant 0 : i32
    %scan3A_127 = arith.constant 0 : i32
    %scan3A_128 = arith.constant 8 : i32
    %scan3A_129 = arith.addi %scan3A_127, %scan3A_128 : i32
    %scan3A_130 = arith.constant 1 : i32
    scf.for %scan3A_249 = %scan3A_127 to %scan3A_129 step %scan3A_130  : i32 {
      %mul3A_250 = arith.constant 128 : i32
      %mul3A_251 = arith.muli %scan3A_249, %mul3A_250 : i32
      %add3A_252 = arith.constant 0 : i32
      %add3A_253 = arith.addi %mul3A_251, %add3A_252 : i32
      %get3A = arith.index_cast %add3A_253 : i32 to index
      %get3A_254 = tpu.vector_load %arg12[%get3A] {strides = array<i32>} : memref<1024xi32, #tpu.memory_space<vmem>>, vector<16xi32>,
      %get3A_255 = vector.shape_cast %get3A_254 : vector<16xi32> to vector<16xi32>
      %mul3A_256 = arith.constant 131072 : i32
      %mul3A_257 = vector.broadcast %mul3A_256 : i32 to vector<16xi32>
      %mul3A_258 = arith.muli %get3A_255, %mul3A_257 : vector<16xi32>
      %add3A_259 = arith.addi %add3A_125, %scan3A_249 : i32
      %mul3A_260 = arith.constant 1024 : i32
      %mul3A_261 = arith.muli %add3A_259, %mul3A_260 : i32
      %mul3A_262 = arith.constant 128 : i32
      %mul3A_263 = arith.muli %select_n3A, %mul3A_262 : i32
      %add3A_264 = arith.addi %mul3A_261, %mul3A_263 : i32
      %add3A_265 = arith.constant 0 : i32
      %add3A_266 = arith.addi %add3A_264, %add3A_265 : i32
      %add3A_267 = vector.broadcast %add3A_266 : i32 to vector<16xi32>
      %add3A_268 = arith.addi %mul3A_258, %add3A_267 : vector<16xi32>
      %add3A_269 = arith.addi %add3A_268, %iota3A : vector<16xi32>
      %swap3A_270 = arith.index_cast %add3A_253 : i32 to index
      %swap3A_271 = tpu.vector_load %arg10[%swap3A_270] {strides = array<i32>} : memref<1024xi32, #tpu.memory_space<vmem>>, vector<16xi32>,
      %swap3A_272 = vector.shape_cast %swap3A_271 : vector<16xi32> to vector<16xi32>
      %swap3A_273 = vector.shape_cast %add3A_269 : vector<16xi32> to vector<16xi32>
      tpu.vector_store %arg10[%swap3A_270], %swap3A_273 {strides = array<i32>} : memref<1024xi32, #tpu.memory_space<vmem>>, vector<16xi32>,
      %mul3A_274 = arith.constant 128 : i32
      %mul3A_275 = arith.muli %scan3A_249, %mul3A_274 : i32
      %add3A_276 = arith.constant 16 : i32
      %add3A_277 = arith.addi %mul3A_275, %add3A_276 : i32
      %get3A_278 = arith.index_cast %add3A_277 : i32 to index
      %get3A_279 = tpu.vector_load %arg12[%get3A_278] {strides = array<i32>} : memref<1024xi32, #tpu.memory_space<vmem>>, vector<16xi32>,
      %get3A_280 = vector.shape_cast %get3A_279 : vector<16xi32> to vector<16xi32>
      %mul3A_281 = arith.constant 131072 : i32
      %mul3A_282 = vector.broadcast %mul3A_281 : i32 to vector<16xi32>
      %mul3A_283 = arith.muli %get3A_280, %mul3A_282 : vector<16xi32>
      %add3A_284 = arith.addi %add3A_125, %scan3A_249 : i32
      %mul3A_285 = arith.constant 1024 : i32
      %mul3A_286 = arith.muli %add3A_284, %mul3A_285 : i32
      %mul3A_287 = arith.constant 128 : i32
      %mul3A_288 = arith.muli %select_n3A, %mul3A_287 : i32
      %add3A_289 = arith.addi %mul3A_286, %mul3A_288 : i32
      %add3A_290 = arith.constant 16 : i32
      %add3A_291 = arith.addi %add3A_289, %add3A_290 : i32
      %add3A_292 = vector.broadcast %add3A_291 : i32 to vector<16xi32>
      %add3A_293 = arith.addi %mul3A_283, %add3A_292 : vector<16xi32>
      %add3A_294 = arith.addi %add3A_293, %iota3A : vector<16xi32>
      %swap3A_295 = arith.index_cast %add3A_277 : i32 to index
      %swap3A_296 = tpu.vector_load %arg10[%swap3A_295] {strides = array<i32>} : memref<1024xi32, #tpu.memory_space<vmem>>, vector<16xi32>,
      %swap3A_297 = vector.shape_cast %swap3A_296 : vector<16xi32> to vector<16xi32>
      %swap3A_298 = vector.shape_cast %add3A_294 : vector<16xi32> to vector<16xi32>
      tpu.vector_store %arg10[%swap3A_295], %swap3A_298 {strides = array<i32>} : memref<1024xi32, #tpu.memory_space<vmem>>, vector<16xi32>,
      %mul3A_299 = arith.constant 128 : i32
      %mul3A_300 = arith.muli %scan3A_249, %mul3A_299 : i32
      %add3A_301 = arith.constant 32 : i32
      %add3A_302 = arith.addi %mul3A_300, %add3A_301 : i32
      %get3A_303 = arith.index_cast %add3A_302 : i32 to index
      %get3A_304 = tpu.vector_load %arg12[%get3A_303] {strides = array<i32>} : memref<1024xi32, #tpu.memory_space<vmem>>, vector<16xi32>,
      %get3A_305 = vector.shape_cast %get3A_304 : vector<16xi32> to vector<16xi32>
      %mul3A_306 = arith.constant 131072 : i32
      %mul3A_307 = vector.broadcast %mul3A_306 : i32 to vector<16xi32>
      %mul3A_308 = arith.muli %get3A_305, %mul3A_307 : vector<16xi32>
      %add3A_309 = arith.addi %add3A_125, %scan3A_249 : i32
      %mul3A_310 = arith.constant 1024 : i32
      %mul3A_311 = arith.muli %add3A_309, %mul3A_310 : i32
      %mul3A_312 = arith.constant 128 : i32
      %mul3A_313 = arith.muli %select_n3A, %mul3A_312 : i32
      %add3A_314 = arith.addi %mul3A_311, %mul3A_313 : i32
      %add3A_315 = arith.constant 32 : i32
      %add3A_316 = arith.addi %add3A_314, %add3A_315 : i32
      %add3A_317 = vector.broadcast %add3A_316 : i32 to vector<16xi32>
      %add3A_318 = arith.addi %mul3A_308, %add3A_317 : vector<16xi32>
      %add3A_319 = arith.addi %add3A_318, %iota3A : vector<16xi32>
      %swap3A_320 = arith.index_cast %add3A_302 : i32 to index
      %swap3A_321 = tpu.vector_load %arg10[%swap3A_320] {strides = array<i32>} : memref<1024xi32, #tpu.memory_space<vmem>>, vector<16xi32>,
      %swap3A_322 = vector.shape_cast %swap3A_321 : vector<16xi32> to vector<16xi32>
      %swap3A_323 = vector.shape_cast %add3A_319 : vector<16xi32> to vector<16xi32>
      tpu.vector_store %arg10[%swap3A_320], %swap3A_323 {strides = array<i32>} : memref<1024xi32, #tpu.memory_space<vmem>>, vector<16xi32>,
      %mul3A_324 = arith.constant 128 : i32
      %mul3A_325 = arith.muli %scan3A_249, %mul3A_324 : i32
      %add3A_326 = arith.constant 48 : i32
      %add3A_327 = arith.addi %mul3A_325, %add3A_326 : i32
      %get3A_328 = arith.index_cast %add3A_327 : i32 to index
      %get3A_329 = tpu.vector_load %arg12[%get3A_328] {strides = array<i32>} : memref<1024xi32, #tpu.memory_space<vmem>>, vector<16xi32>,
      %get3A_330 = vector.shape_cast %get3A_329 : vector<16xi32> to vector<16xi32>
      %mul3A_331 = arith.constant 131072 : i32
      %mul3A_332 = vector.broadcast %mul3A_331 : i32 to vector<16xi32>
      %mul3A_333 = arith.muli %get3A_330, %mul3A_332 : vector<16xi32>
      %add3A_334 = arith.addi %add3A_125, %scan3A_249 : i32
      %mul3A_335 = arith.constant 1024 : i32
      %mul3A_336 = arith.muli %add3A_334, %mul3A_335 : i32
      %mul3A_337 = arith.constant 128 : i32
      %mul3A_338 = arith.muli %select_n3A, %mul3A_337 : i32
      %add3A_339 = arith.addi %mul3A_336, %mul3A_338 : i32
      %add3A_340 = arith.constant 48 : i32
      %add3A_341 = arith.addi %add3A_339, %add3A_340 : i32
      %add3A_342 = vector.broadcast %add3A_341 : i32 to vector<16xi32>
      %add3A_343 = arith.addi %mul3A_333, %add3A_342 : vector<16xi32>
      %add3A_344 = arith.addi %add3A_343, %iota3A : vector<16xi32>
      %swap3A_345 = arith.index_cast %add3A_327 : i32 to index
      %swap3A_346 = tpu.vector_load %arg10[%swap3A_345] {strides = array<i32>} : memref<1024xi32, #tpu.memory_space<vmem>>, vector<16xi32>,
      %swap3A_347 = vector.shape_cast %swap3A_346 : vector<16xi32> to vector<16xi32>
      %swap3A_348 = vector.shape_cast %add3A_344 : vector<16xi32> to vector<16xi32>
      tpu.vector_store %arg10[%swap3A_345], %swap3A_348 {strides = array<i32>} : memref<1024xi32, #tpu.memory_space<vmem>>, vector<16xi32>,
      %mul3A_349 = arith.constant 128 : i32
      %mul3A_350 = arith.muli %scan3A_249, %mul3A_349 : i32
      %add3A_351 = arith.constant 64 : i32
      %add3A_352 = arith.addi %mul3A_350, %add3A_351 : i32
      %get3A_353 = arith.index_cast %add3A_352 : i32 to index
      %get3A_354 = tpu.vector_load %arg12[%get3A_353] {strides = array<i32>} : memref<1024xi32, #tpu.memory_space<vmem>>, vector<16xi32>,
      %get3A_355 = vector.shape_cast %get3A_354 : vector<16xi32> to vector<16xi32>
      %mul3A_356 = arith.constant 131072 : i32
      %mul3A_357 = vector.broadcast %mul3A_356 : i32 to vector<16xi32>
      %mul3A_358 = arith.muli %get3A_355, %mul3A_357 : vector<16xi32>
      %add3A_359 = arith.addi %add3A_125, %scan3A_249 : i32
      %mul3A_360 = arith.constant 1024 : i32
      %mul3A_361 = arith.muli %add3A_359, %mul3A_360 : i32
      %mul3A_362 = arith.constant 128 : i32
      %mul3A_363 = arith.muli %select_n3A, %mul3A_362 : i32
      %add3A_364 = arith.addi %mul3A_361, %mul3A_363 : i32
      %add3A_365 = arith.constant 64 : i32
      %add3A_366 = arith.addi %add3A_364, %add3A_365 : i32
      %add3A_367 = vector.broadcast %add3A_366 : i32 to vector<16xi32>
      %add3A_368 = arith.addi %mul3A_358, %add3A_367 : vector<16xi32>
      %add3A_369 = arith.addi %add3A_368, %iota3A : vector<16xi32>
      %swap3A_370 = arith.index_cast %add3A_352 : i32 to index
      %swap3A_371 = tpu.vector_load %arg10[%swap3A_370] {strides = array<i32>} : memref<1024xi32, #tpu.memory_space<vmem>>, vector<16xi32>,
      %swap3A_372 = vector.shape_cast %swap3A_371 : vector<16xi32> to vector<16xi32>
      %swap3A_373 = vector.shape_cast %add3A_369 : vector<16xi32> to vector<16xi32>
      tpu.vector_store %arg10[%swap3A_370], %swap3A_373 {strides = array<i32>} : memref<1024xi32, #tpu.memory_space<vmem>>, vector<16xi32>,
      %mul3A_374 = arith.constant 128 : i32
      %mul3A_375 = arith.muli %scan3A_249, %mul3A_374 : i32
      %add3A_376 = arith.constant 80 : i32
      %add3A_377 = arith.addi %mul3A_375, %add3A_376 : i32
      %get3A_378 = arith.index_cast %add3A_377 : i32 to index
      %get3A_379 = tpu.vector_load %arg12[%get3A_378] {strides = array<i32>} : memref<1024xi32, #tpu.memory_space<vmem>>, vector<16xi32>,
      %get3A_380 = vector.shape_cast %get3A_379 : vector<16xi32> to vector<16xi32>
      %mul3A_381 = arith.constant 131072 : i32
      %mul3A_382 = vector.broadcast %mul3A_381 : i32 to vector<16xi32>
      %mul3A_383 = arith.muli %get3A_380, %mul3A_382 : vector<16xi32>
      %add3A_384 = arith.addi %add3A_125, %scan3A_249 : i32
      %mul3A_385 = arith.constant 1024 : i32
      %mul3A_386 = arith.muli %add3A_384, %mul3A_385 : i32
      %mul3A_387 = arith.constant 128 : i32
      %mul3A_388 = arith.muli %select_n3A, %mul3A_387 : i32
      %add3A_389 = arith.addi %mul3A_386, %mul3A_388 : i32
      %add3A_390 = arith.constant 80 : i32
      %add3A_391 = arith.addi %add3A_389, %add3A_390 : i32
      %add3A_392 = vector.broadcast %add3A_391 : i32 to vector<16xi32>
      %add3A_393 = arith.addi %mul3A_383, %add3A_392 : vector<16xi32>
      %add3A_394 = arith.addi %add3A_393, %iota3A : vector<16xi32>
      %swap3A_395 = arith.index_cast %add3A_377 : i32 to index
      %swap3A_396 = tpu.vector_load %arg10[%swap3A_395] {strides = array<i32>} : memref<1024xi32, #tpu.memory_space<vmem>>, vector<16xi32>,
      %swap3A_397 = vector.shape_cast %swap3A_396 : vector<16xi32> to vector<16xi32>
      %swap3A_398 = vector.shape_cast %add3A_394 : vector<16xi32> to vector<16xi32>
      tpu.vector_store %arg10[%swap3A_395], %swap3A_398 {strides = array<i32>} : memref<1024xi32, #tpu.memory_space<vmem>>, vector<16xi32>,
      %mul3A_399 = arith.constant 128 : i32
      %mul3A_400 = arith.muli %scan3A_249, %mul3A_399 : i32
      %add3A_401 = arith.constant 96 : i32
      %add3A_402 = arith.addi %mul3A_400, %add3A_401 : i32
      %get3A_403 = arith.index_cast %add3A_402 : i32 to index
      %get3A_404 = tpu.vector_load %arg12[%get3A_403] {strides = array<i32>} : memref<1024xi32, #tpu.memory_space<vmem>>, vector<16xi32>,
      %get3A_405 = vector.shape_cast %get3A_404 : vector<16xi32> to vector<16xi32>
      %mul3A_406 = arith.constant 131072 : i32
      %mul3A_407 = vector.broadcast %mul3A_406 : i32 to vector<16xi32>
      %mul3A_408 = arith.muli %get3A_405, %mul3A_407 : vector<16xi32>
      %add3A_409 = arith.addi %add3A_125, %scan3A_249 : i32
      %mul3A_410 = arith.constant 1024 : i32
      %mul3A_411 = arith.muli %add3A_409, %mul3A_410 : i32
      %mul3A_412 = arith.constant 128 : i32
      %mul3A_413 = arith.muli %select_n3A, %mul3A_412 : i32
      %add3A_414 = arith.addi %mul3A_411, %mul3A_413 : i32
      %add3A_415 = arith.constant 96 : i32
      %add3A_416 = arith.addi %add3A_414, %add3A_415 : i32
      %add3A_417 = vector.broadcast %add3A_416 : i32 to vector<16xi32>
      %add3A_418 = arith.addi %mul3A_408, %add3A_417 : vector<16xi32>
      %add3A_419 = arith.addi %add3A_418, %iota3A : vector<16xi32>
      %swap3A_420 = arith.index_cast %add3A_402 : i32 to index
      %swap3A_421 = tpu.vector_load %arg10[%swap3A_420] {strides = array<i32>} : memref<1024xi32, #tpu.memory_space<vmem>>, vector<16xi32>,
      %swap3A_422 = vector.shape_cast %swap3A_421 : vector<16xi32> to vector<16xi32>
      %swap3A_423 = vector.shape_cast %add3A_419 : vector<16xi32> to vector<16xi32>
      tpu.vector_store %arg10[%swap3A_420], %swap3A_423 {strides = array<i32>} : memref<1024xi32, #tpu.memory_space<vmem>>, vector<16xi32>,
      %mul3A_424 = arith.constant 128 : i32
      %mul3A_425 = arith.muli %scan3A_249, %mul3A_424 : i32
      %add3A_426 = arith.constant 112 : i32
      %add3A_427 = arith.addi %mul3A_425, %add3A_426 : i32
      %get3A_428 = arith.index_cast %add3A_427 : i32 to index
      %get3A_429 = tpu.vector_load %arg12[%get3A_428] {strides = array<i32>} : memref<1024xi32, #tpu.memory_space<vmem>>, vector<16xi32>,
      %get3A_430 = vector.shape_cast %get3A_429 : vector<16xi32> to vector<16xi32>
      %mul3A_431 = arith.constant 131072 : i32
      %mul3A_432 = vector.broadcast %mul3A_431 : i32 to vector<16xi32>
      %mul3A_433 = arith.muli %get3A_430, %mul3A_432 : vector<16xi32>
      %add3A_434 = arith.addi %add3A_125, %scan3A_249 : i32
      %mul3A_435 = arith.constant 1024 : i32
      %mul3A_436 = arith.muli %add3A_434, %mul3A_435 : i32
      %mul3A_437 = arith.constant 128 : i32
      %mul3A_438 = arith.muli %select_n3A, %mul3A_437 : i32
      %add3A_439 = arith.addi %mul3A_436, %mul3A_438 : i32
      %add3A_440 = arith.constant 112 : i32
      %add3A_441 = arith.addi %add3A_439, %add3A_440 : i32
      %add3A_442 = vector.broadcast %add3A_441 : i32 to vector<16xi32>
      %add3A_443 = arith.addi %mul3A_433, %add3A_442 : vector<16xi32>
      %add3A_444 = arith.addi %add3A_443, %iota3A : vector<16xi32>
      %swap3A_445 = arith.index_cast %add3A_427 : i32 to index
      %swap3A_446 = tpu.vector_load %arg10[%swap3A_445] {strides = array<i32>} : memref<1024xi32, #tpu.memory_space<vmem>>, vector<16xi32>,
      %swap3A_447 = vector.shape_cast %swap3A_446 : vector<16xi32> to vector<16xi32>
      %swap3A_448 = vector.shape_cast %add3A_444 : vector<16xi32> to vector<16xi32>
      tpu.vector_store %arg10[%swap3A_445], %swap3A_448 {strides = array<i32>} : memref<1024xi32, #tpu.memory_space<vmem>>, vector<16xi32>,
    }
    %scan3A_131 = arith.constant 8 : i32
    %dma_start3A_132 = arith.constant 0 : i32
    %dma_start3A_133 = tpu.memref_slice %arg4[%dma_start3A_132] : memref<2752512xf32, #tpu.memory_space<hbm>> -> memref<2752512xf32, #tpu.memory_space<hbm>>
    tpu.enqueue_indirect_dma source(%dma_start3A_133 : memref<2752512xf32, #tpu.memory_space<hbm>>) target(%arg14 : memref<1024xf32, #tpu.memory_space<vmem>>) offsets(%arg10 : memref<1024xi32, #tpu.memory_space<vmem>>) semaphore(%arg19 : memref<!tpu.dma_semaphore, #tpu.memory_space<semaphore_mem>>)
    %scan3A_134 = arith.constant 0 : i32
    %scan3A_135 = arith.constant 0 : i32
    %scan3A_136 = arith.constant 8 : i32
    %scan3A_137 = arith.addi %scan3A_135, %scan3A_136 : i32
    %scan3A_138 = arith.constant 1 : i32
    scf.for %scan3A_249 = %scan3A_135 to %scan3A_137 step %scan3A_138  : i32 {
      %add3A_250 = arith.constant 24 : i32
      %add3A_251 = arith.addi %add3A_250, %scan3A_249 : i32
      %mul3A_252 = arith.constant 256 : i32
      %mul3A_253 = arith.muli %add3A_251, %mul3A_252 : i32
      %add3A_254 = arith.constant 0 : i32
      %add3A_255 = arith.addi %mul3A_253, %add3A_254 : i32
      %get3A = arith.index_cast %add3A_255 : i32 to index
      %get3A_256 = tpu.vector_load %arg6[%get3A] {strides = array<i32>} : memref<8192xf32, #tpu.memory_space<vmem>>, vector<16xf32>,
      %get3A_257 = vector.shape_cast %get3A_256 : vector<16xf32> to vector<16xf32>
      %mul3A_258 = arith.constant 5.110000e+02 : f32
      %mul3A_259 = vector.broadcast %mul3A_258 : f32 to vector<16xf32>
      %mul3A_260 = arith.mulf %get3A_257, %mul3A_259 : vector<16xf32>
      %add3A_261 = arith.constant 5.000000e-01 : f32
      %add3A_262 = vector.broadcast %add3A_261 : f32 to vector<16xf32>
      %add3A_263 = arith.addf %mul3A_260, %add3A_262 : vector<16xf32>
      %convert_element_type3A = arith.fptosi %add3A_263 : vector<16xf32> to vector<16xi32>
      %add3A_264 = arith.constant 128 : i32
      %add3A_265 = arith.addi %mul3A_253, %add3A_264 : i32
      %add3A_266 = arith.constant 0 : i32
      %add3A_267 = arith.addi %add3A_265, %add3A_266 : i32
      %get3A_268 = arith.index_cast %add3A_267 : i32 to index
      %get3A_269 = tpu.vector_load %arg6[%get3A_268] {strides = array<i32>} : memref<8192xf32, #tpu.memory_space<vmem>>, vector<16xf32>,
      %get3A_270 = vector.shape_cast %get3A_269 : vector<16xf32> to vector<16xf32>
      %mul3A_271 = arith.constant 5.110000e+02 : f32
      %mul3A_272 = vector.broadcast %mul3A_271 : f32 to vector<16xf32>
      %mul3A_273 = arith.mulf %get3A_270, %mul3A_272 : vector<16xf32>
      %add3A_274 = arith.constant 5.000000e-01 : f32
      %add3A_275 = vector.broadcast %add3A_274 : f32 to vector<16xf32>
      %add3A_276 = arith.addf %mul3A_273, %add3A_275 : vector<16xf32>
      %convert_element_type3A_277 = arith.fptosi %add3A_276 : vector<16xf32> to vector<16xi32>
      %mul3A_278 = arith.constant 512 : i32
      %mul3A_279 = vector.broadcast %mul3A_278 : i32 to vector<16xi32>
      %mul3A_280 = arith.muli %convert_element_type3A_277, %mul3A_279 : vector<16xi32>
      %add3A_281 = vector.broadcast %mul3A_39 : i32 to vector<16xi32>
      %add3A_282 = arith.addi %add3A_281, %mul3A_280 : vector<16xi32>
      %add3A_283 = arith.addi %add3A_282, %convert_element_type3A : vector<16xi32>
      %mul3A_284 = arith.constant 128 : i32
      %mul3A_285 = arith.muli %scan3A_249, %mul3A_284 : i32
      %add3A_286 = arith.constant 0 : i32
      %add3A_287 = arith.addi %mul3A_285, %add3A_286 : i32
      %swap3A_288 = arith.index_cast %add3A_287 : i32 to index
      %swap3A_289 = tpu.vector_load %arg8[%swap3A_288] {strides = array<i32>} : memref<1024xi32, #tpu.memory_space<vmem>>, vector<16xi32>,
      %swap3A_290 = vector.shape_cast %swap3A_289 : vector<16xi32> to vector<16xi32>
      %swap3A_291 = vector.shape_cast %add3A_283 : vector<16xi32> to vector<16xi32>
      tpu.vector_store %arg8[%swap3A_288], %swap3A_291 {strides = array<i32>} : memref<1024xi32, #tpu.memory_space<vmem>>, vector<16xi32>,
      %add3A_292 = arith.constant 16 : i32
      %add3A_293 = arith.addi %mul3A_253, %add3A_292 : i32
      %get3A_294 = arith.index_cast %add3A_293 : i32 to index
      %get3A_295 = tpu.vector_load %arg6[%get3A_294] {strides = array<i32>} : memref<8192xf32, #tpu.memory_space<vmem>>, vector<16xf32>,
      %get3A_296 = vector.shape_cast %get3A_295 : vector<16xf32> to vector<16xf32>
      %mul3A_297 = arith.constant 5.110000e+02 : f32
      %mul3A_298 = vector.broadcast %mul3A_297 : f32 to vector<16xf32>
      %mul3A_299 = arith.mulf %get3A_296, %mul3A_298 : vector<16xf32>
      %add3A_300 = arith.constant 5.000000e-01 : f32
      %add3A_301 = vector.broadcast %add3A_300 : f32 to vector<16xf32>
      %add3A_302 = arith.addf %mul3A_299, %add3A_301 : vector<16xf32>
      %convert_element_type3A_303 = arith.fptosi %add3A_302 : vector<16xf32> to vector<16xi32>
      %add3A_304 = arith.constant 128 : i32
      %add3A_305 = arith.addi %mul3A_253, %add3A_304 : i32
      %add3A_306 = arith.constant 16 : i32
      %add3A_307 = arith.addi %add3A_305, %add3A_306 : i32
      %get3A_308 = arith.index_cast %add3A_307 : i32 to index
      %get3A_309 = tpu.vector_load %arg6[%get3A_308] {strides = array<i32>} : memref<8192xf32, #tpu.memory_space<vmem>>, vector<16xf32>,
      %get3A_310 = vector.shape_cast %get3A_309 : vector<16xf32> to vector<16xf32>
      %mul3A_311 = arith.constant 5.110000e+02 : f32
      %mul3A_312 = vector.broadcast %mul3A_311 : f32 to vector<16xf32>
      %mul3A_313 = arith.mulf %get3A_310, %mul3A_312 : vector<16xf32>
      %add3A_314 = arith.constant 5.000000e-01 : f32
      %add3A_315 = vector.broadcast %add3A_314 : f32 to vector<16xf32>
      %add3A_316 = arith.addf %mul3A_313, %add3A_315 : vector<16xf32>
      %convert_element_type3A_317 = arith.fptosi %add3A_316 : vector<16xf32> to vector<16xi32>
      %mul3A_318 = arith.constant 512 : i32
      %mul3A_319 = vector.broadcast %mul3A_318 : i32 to vector<16xi32>
      %mul3A_320 = arith.muli %convert_element_type3A_317, %mul3A_319 : vector<16xi32>
      %add3A_321 = vector.broadcast %mul3A_39 : i32 to vector<16xi32>
      %add3A_322 = arith.addi %add3A_321, %mul3A_320 : vector<16xi32>
      %add3A_323 = arith.addi %add3A_322, %convert_element_type3A_303 : vector<16xi32>
      %mul3A_324 = arith.constant 128 : i32
      %mul3A_325 = arith.muli %scan3A_249, %mul3A_324 : i32
      %add3A_326 = arith.constant 16 : i32
      %add3A_327 = arith.addi %mul3A_325, %add3A_326 : i32
      %swap3A_328 = arith.index_cast %add3A_327 : i32 to index
      %swap3A_329 = tpu.vector_load %arg8[%swap3A_328] {strides = array<i32>} : memref<1024xi32, #tpu.memory_space<vmem>>, vector<16xi32>,
      %swap3A_330 = vector.shape_cast %swap3A_329 : vector<16xi32> to vector<16xi32>
      %swap3A_331 = vector.shape_cast %add3A_323 : vector<16xi32> to vector<16xi32>
      tpu.vector_store %arg8[%swap3A_328], %swap3A_331 {strides = array<i32>} : memref<1024xi32, #tpu.memory_space<vmem>>, vector<16xi32>,
      %add3A_332 = arith.constant 32 : i32
      %add3A_333 = arith.addi %mul3A_253, %add3A_332 : i32
      %get3A_334 = arith.index_cast %add3A_333 : i32 to index
      %get3A_335 = tpu.vector_load %arg6[%get3A_334] {strides = array<i32>} : memref<8192xf32, #tpu.memory_space<vmem>>, vector<16xf32>,
      %get3A_336 = vector.shape_cast %get3A_335 : vector<16xf32> to vector<16xf32>
      %mul3A_337 = arith.constant 5.110000e+02 : f32
      %mul3A_338 = vector.broadcast %mul3A_337 : f32 to vector<16xf32>
      %mul3A_339 = arith.mulf %get3A_336, %mul3A_338 : vector<16xf32>
      %add3A_340 = arith.constant 5.000000e-01 : f32
      %add3A_341 = vector.broadcast %add3A_340 : f32 to vector<16xf32>
      %add3A_342 = arith.addf %mul3A_339, %add3A_341 : vector<16xf32>
      %convert_element_type3A_343 = arith.fptosi %add3A_342 : vector<16xf32> to vector<16xi32>
      %add3A_344 = arith.constant 128 : i32
      %add3A_345 = arith.addi %mul3A_253, %add3A_344 : i32
      %add3A_346 = arith.constant 32 : i32
      %add3A_347 = arith.addi %add3A_345, %add3A_346 : i32
      %get3A_348 = arith.index_cast %add3A_347 : i32 to index
      %get3A_349 = tpu.vector_load %arg6[%get3A_348] {strides = array<i32>} : memref<8192xf32, #tpu.memory_space<vmem>>, vector<16xf32>,
      %get3A_350 = vector.shape_cast %get3A_349 : vector<16xf32> to vector<16xf32>
      %mul3A_351 = arith.constant 5.110000e+02 : f32
      %mul3A_352 = vector.broadcast %mul3A_351 : f32 to vector<16xf32>
      %mul3A_353 = arith.mulf %get3A_350, %mul3A_352 : vector<16xf32>
      %add3A_354 = arith.constant 5.000000e-01 : f32
      %add3A_355 = vector.broadcast %add3A_354 : f32 to vector<16xf32>
      %add3A_356 = arith.addf %mul3A_353, %add3A_355 : vector<16xf32>
      %convert_element_type3A_357 = arith.fptosi %add3A_356 : vector<16xf32> to vector<16xi32>
      %mul3A_358 = arith.constant 512 : i32
      %mul3A_359 = vector.broadcast %mul3A_358 : i32 to vector<16xi32>
      %mul3A_360 = arith.muli %convert_element_type3A_357, %mul3A_359 : vector<16xi32>
      %add3A_361 = vector.broadcast %mul3A_39 : i32 to vector<16xi32>
      %add3A_362 = arith.addi %add3A_361, %mul3A_360 : vector<16xi32>
      %add3A_363 = arith.addi %add3A_362, %convert_element_type3A_343 : vector<16xi32>
      %mul3A_364 = arith.constant 128 : i32
      %mul3A_365 = arith.muli %scan3A_249, %mul3A_364 : i32
      %add3A_366 = arith.constant 32 : i32
      %add3A_367 = arith.addi %mul3A_365, %add3A_366 : i32
      %swap3A_368 = arith.index_cast %add3A_367 : i32 to index
      %swap3A_369 = tpu.vector_load %arg8[%swap3A_368] {strides = array<i32>} : memref<1024xi32, #tpu.memory_space<vmem>>, vector<16xi32>,
      %swap3A_370 = vector.shape_cast %swap3A_369 : vector<16xi32> to vector<16xi32>
      %swap3A_371 = vector.shape_cast %add3A_363 : vector<16xi32> to vector<16xi32>
      tpu.vector_store %arg8[%swap3A_368], %swap3A_371 {strides = array<i32>} : memref<1024xi32, #tpu.memory_space<vmem>>, vector<16xi32>,
      %add3A_372 = arith.constant 48 : i32
      %add3A_373 = arith.addi %mul3A_253, %add3A_372 : i32
      %get3A_374 = arith.index_cast %add3A_373 : i32 to index
      %get3A_375 = tpu.vector_load %arg6[%get3A_374] {strides = array<i32>} : memref<8192xf32, #tpu.memory_space<vmem>>, vector<16xf32>,
      %get3A_376 = vector.shape_cast %get3A_375 : vector<16xf32> to vector<16xf32>
      %mul3A_377 = arith.constant 5.110000e+02 : f32
      %mul3A_378 = vector.broadcast %mul3A_377 : f32 to vector<16xf32>
      %mul3A_379 = arith.mulf %get3A_376, %mul3A_378 : vector<16xf32>
      %add3A_380 = arith.constant 5.000000e-01 : f32
      %add3A_381 = vector.broadcast %add3A_380 : f32 to vector<16xf32>
      %add3A_382 = arith.addf %mul3A_379, %add3A_381 : vector<16xf32>
      %convert_element_type3A_383 = arith.fptosi %add3A_382 : vector<16xf32> to vector<16xi32>
      %add3A_384 = arith.constant 128 : i32
      %add3A_385 = arith.addi %mul3A_253, %add3A_384 : i32
      %add3A_386 = arith.constant 48 : i32
      %add3A_387 = arith.addi %add3A_385, %add3A_386 : i32
      %get3A_388 = arith.index_cast %add3A_387 : i32 to index
      %get3A_389 = tpu.vector_load %arg6[%get3A_388] {strides = array<i32>} : memref<8192xf32, #tpu.memory_space<vmem>>, vector<16xf32>,
      %get3A_390 = vector.shape_cast %get3A_389 : vector<16xf32> to vector<16xf32>
      %mul3A_391 = arith.constant 5.110000e+02 : f32
      %mul3A_392 = vector.broadcast %mul3A_391 : f32 to vector<16xf32>
      %mul3A_393 = arith.mulf %get3A_390, %mul3A_392 : vector<16xf32>
      %add3A_394 = arith.constant 5.000000e-01 : f32
      %add3A_395 = vector.broadcast %add3A_394 : f32 to vector<16xf32>
      %add3A_396 = arith.addf %mul3A_393, %add3A_395 : vector<16xf32>
      %convert_element_type3A_397 = arith.fptosi %add3A_396 : vector<16xf32> to vector<16xi32>
      %mul3A_398 = arith.constant 512 : i32
      %mul3A_399 = vector.broadcast %mul3A_398 : i32 to vector<16xi32>
      %mul3A_400 = arith.muli %convert_element_type3A_397, %mul3A_399 : vector<16xi32>
      %add3A_401 = vector.broadcast %mul3A_39 : i32 to vector<16xi32>
      %add3A_402 = arith.addi %add3A_401, %mul3A_400 : vector<16xi32>
      %add3A_403 = arith.addi %add3A_402, %convert_element_type3A_383 : vector<16xi32>
      %mul3A_404 = arith.constant 128 : i32
      %mul3A_405 = arith.muli %scan3A_249, %mul3A_404 : i32
      %add3A_406 = arith.constant 48 : i32
      %add3A_407 = arith.addi %mul3A_405, %add3A_406 : i32
      %swap3A_408 = arith.index_cast %add3A_407 : i32 to index
      %swap3A_409 = tpu.vector_load %arg8[%swap3A_408] {strides = array<i32>} : memref<1024xi32, #tpu.memory_space<vmem>>, vector<16xi32>,
      %swap3A_410 = vector.shape_cast %swap3A_409 : vector<16xi32> to vector<16xi32>
      %swap3A_411 = vector.shape_cast %add3A_403 : vector<16xi32> to vector<16xi32>
      tpu.vector_store %arg8[%swap3A_408], %swap3A_411 {strides = array<i32>} : memref<1024xi32, #tpu.memory_space<vmem>>, vector<16xi32>,
      %add3A_412 = arith.constant 64 : i32
      %add3A_413 = arith.addi %mul3A_253, %add3A_412 : i32
      %get3A_414 = arith.index_cast %add3A_413 : i32 to index
      %get3A_415 = tpu.vector_load %arg6[%get3A_414] {strides = array<i32>} : memref<8192xf32, #tpu.memory_space<vmem>>, vector<16xf32>,
      %get3A_416 = vector.shape_cast %get3A_415 : vector<16xf32> to vector<16xf32>
      %mul3A_417 = arith.constant 5.110000e+02 : f32
      %mul3A_418 = vector.broadcast %mul3A_417 : f32 to vector<16xf32>
      %mul3A_419 = arith.mulf %get3A_416, %mul3A_418 : vector<16xf32>
      %add3A_420 = arith.constant 5.000000e-01 : f32
      %add3A_421 = vector.broadcast %add3A_420 : f32 to vector<16xf32>
      %add3A_422 = arith.addf %mul3A_419, %add3A_421 : vector<16xf32>
      %convert_element_type3A_423 = arith.fptosi %add3A_422 : vector<16xf32> to vector<16xi32>
      %add3A_424 = arith.constant 128 : i32
      %add3A_425 = arith.addi %mul3A_253, %add3A_424 : i32
      %add3A_426 = arith.constant 64 : i32
      %add3A_427 = arith.addi %add3A_425, %add3A_426 : i32
      %get3A_428 = arith.index_cast %add3A_427 : i32 to index
      %get3A_429 = tpu.vector_load %arg6[%get3A_428] {strides = array<i32>} : memref<8192xf32, #tpu.memory_space<vmem>>, vector<16xf32>,
      %get3A_430 = vector.shape_cast %get3A_429 : vector<16xf32> to vector<16xf32>
      %mul3A_431 = arith.constant 5.110000e+02 : f32
      %mul3A_432 = vector.broadcast %mul3A_431 : f32 to vector<16xf32>
      %mul3A_433 = arith.mulf %get3A_430, %mul3A_432 : vector<16xf32>
      %add3A_434 = arith.constant 5.000000e-01 : f32
      %add3A_435 = vector.broadcast %add3A_434 : f32 to vector<16xf32>
      %add3A_436 = arith.addf %mul3A_433, %add3A_435 : vector<16xf32>
      %convert_element_type3A_437 = arith.fptosi %add3A_436 : vector<16xf32> to vector<16xi32>
      %mul3A_438 = arith.constant 512 : i32
      %mul3A_439 = vector.broadcast %mul3A_438 : i32 to vector<16xi32>
      %mul3A_440 = arith.muli %convert_element_type3A_437, %mul3A_439 : vector<16xi32>
      %add3A_441 = vector.broadcast %mul3A_39 : i32 to vector<16xi32>
      %add3A_442 = arith.addi %add3A_441, %mul3A_440 : vector<16xi32>
      %add3A_443 = arith.addi %add3A_442, %convert_element_type3A_423 : vector<16xi32>
      %mul3A_444 = arith.constant 128 : i32
      %mul3A_445 = arith.muli %scan3A_249, %mul3A_444 : i32
      %add3A_446 = arith.constant 64 : i32
      %add3A_447 = arith.addi %mul3A_445, %add3A_446 : i32
      %swap3A_448 = arith.index_cast %add3A_447 : i32 to index
      %swap3A_449 = tpu.vector_load %arg8[%swap3A_448] {strides = array<i32>} : memref<1024xi32, #tpu.memory_space<vmem>>, vector<16xi32>,
      %swap3A_450 = vector.shape_cast %swap3A_449 : vector<16xi32> to vector<16xi32>
      %swap3A_451 = vector.shape_cast %add3A_443 : vector<16xi32> to vector<16xi32>
      tpu.vector_store %arg8[%swap3A_448], %swap3A_451 {strides = array<i32>} : memref<1024xi32, #tpu.memory_space<vmem>>, vector<16xi32>,
      %add3A_452 = arith.constant 80 : i32
      %add3A_453 = arith.addi %mul3A_253, %add3A_452 : i32
      %get3A_454 = arith.index_cast %add3A_453 : i32 to index
      %get3A_455 = tpu.vector_load %arg6[%get3A_454] {strides = array<i32>} : memref<8192xf32, #tpu.memory_space<vmem>>, vector<16xf32>,
      %get3A_456 = vector.shape_cast %get3A_455 : vector<16xf32> to vector<16xf32>
      %mul3A_457 = arith.constant 5.110000e+02 : f32
      %mul3A_458 = vector.broadcast %mul3A_457 : f32 to vector<16xf32>
      %mul3A_459 = arith.mulf %get3A_456, %mul3A_458 : vector<16xf32>
      %add3A_460 = arith.constant 5.000000e-01 : f32
      %add3A_461 = vector.broadcast %add3A_460 : f32 to vector<16xf32>
      %add3A_462 = arith.addf %mul3A_459, %add3A_461 : vector<16xf32>
      %convert_element_type3A_463 = arith.fptosi %add3A_462 : vector<16xf32> to vector<16xi32>
      %add3A_464 = arith.constant 128 : i32
      %add3A_465 = arith.addi %mul3A_253, %add3A_464 : i32
      %add3A_466 = arith.constant 80 : i32
      %add3A_467 = arith.addi %add3A_465, %add3A_466 : i32
      %get3A_468 = arith.index_cast %add3A_467 : i32 to index
      %get3A_469 = tpu.vector_load %arg6[%get3A_468] {strides = array<i32>} : memref<8192xf32, #tpu.memory_space<vmem>>, vector<16xf32>,
      %get3A_470 = vector.shape_cast %get3A_469 : vector<16xf32> to vector<16xf32>
      %mul3A_471 = arith.constant 5.110000e+02 : f32
      %mul3A_472 = vector.broadcast %mul3A_471 : f32 to vector<16xf32>
      %mul3A_473 = arith.mulf %get3A_470, %mul3A_472 : vector<16xf32>
      %add3A_474 = arith.constant 5.000000e-01 : f32
      %add3A_475 = vector.broadcast %add3A_474 : f32 to vector<16xf32>
      %add3A_476 = arith.addf %mul3A_473, %add3A_475 : vector<16xf32>
      %convert_element_type3A_477 = arith.fptosi %add3A_476 : vector<16xf32> to vector<16xi32>
      %mul3A_478 = arith.constant 512 : i32
      %mul3A_479 = vector.broadcast %mul3A_478 : i32 to vector<16xi32>
      %mul3A_480 = arith.muli %convert_element_type3A_477, %mul3A_479 : vector<16xi32>
      %add3A_481 = vector.broadcast %mul3A_39 : i32 to vector<16xi32>
      %add3A_482 = arith.addi %add3A_481, %mul3A_480 : vector<16xi32>
      %add3A_483 = arith.addi %add3A_482, %convert_element_type3A_463 : vector<16xi32>
      %mul3A_484 = arith.constant 128 : i32
      %mul3A_485 = arith.muli %scan3A_249, %mul3A_484 : i32
      %add3A_486 = arith.constant 80 : i32
      %add3A_487 = arith.addi %mul3A_485, %add3A_486 : i32
      %swap3A_488 = arith.index_cast %add3A_487 : i32 to index
      %swap3A_489 = tpu.vector_load %arg8[%swap3A_488] {strides = array<i32>} : memref<1024xi32, #tpu.memory_space<vmem>>, vector<16xi32>,
      %swap3A_490 = vector.shape_cast %swap3A_489 : vector<16xi32> to vector<16xi32>
      %swap3A_491 = vector.shape_cast %add3A_483 : vector<16xi32> to vector<16xi32>
      tpu.vector_store %arg8[%swap3A_488], %swap3A_491 {strides = array<i32>} : memref<1024xi32, #tpu.memory_space<vmem>>, vector<16xi32>,
      %add3A_492 = arith.constant 96 : i32
      %add3A_493 = arith.addi %mul3A_253, %add3A_492 : i32
      %get3A_494 = arith.index_cast %add3A_493 : i32 to index
      %get3A_495 = tpu.vector_load %arg6[%get3A_494] {strides = array<i32>} : memref<8192xf32, #tpu.memory_space<vmem>>, vector<16xf32>,
      %get3A_496 = vector.shape_cast %get3A_495 : vector<16xf32> to vector<16xf32>
      %mul3A_497 = arith.constant 5.110000e+02 : f32
      %mul3A_498 = vector.broadcast %mul3A_497 : f32 to vector<16xf32>
      %mul3A_499 = arith.mulf %get3A_496, %mul3A_498 : vector<16xf32>
      %add3A_500 = arith.constant 5.000000e-01 : f32
      %add3A_501 = vector.broadcast %add3A_500 : f32 to vector<16xf32>
      %add3A_502 = arith.addf %mul3A_499, %add3A_501 : vector<16xf32>
      %convert_element_type3A_503 = arith.fptosi %add3A_502 : vector<16xf32> to vector<16xi32>
      %add3A_504 = arith.constant 128 : i32
      %add3A_505 = arith.addi %mul3A_253, %add3A_504 : i32
      %add3A_506 = arith.constant 96 : i32
      %add3A_507 = arith.addi %add3A_505, %add3A_506 : i32
      %get3A_508 = arith.index_cast %add3A_507 : i32 to index
      %get3A_509 = tpu.vector_load %arg6[%get3A_508] {strides = array<i32>} : memref<8192xf32, #tpu.memory_space<vmem>>, vector<16xf32>,
      %get3A_510 = vector.shape_cast %get3A_509 : vector<16xf32> to vector<16xf32>
      %mul3A_511 = arith.constant 5.110000e+02 : f32
      %mul3A_512 = vector.broadcast %mul3A_511 : f32 to vector<16xf32>
      %mul3A_513 = arith.mulf %get3A_510, %mul3A_512 : vector<16xf32>
      %add3A_514 = arith.constant 5.000000e-01 : f32
      %add3A_515 = vector.broadcast %add3A_514 : f32 to vector<16xf32>
      %add3A_516 = arith.addf %mul3A_513, %add3A_515 : vector<16xf32>
      %convert_element_type3A_517 = arith.fptosi %add3A_516 : vector<16xf32> to vector<16xi32>
      %mul3A_518 = arith.constant 512 : i32
      %mul3A_519 = vector.broadcast %mul3A_518 : i32 to vector<16xi32>
      %mul3A_520 = arith.muli %convert_element_type3A_517, %mul3A_519 : vector<16xi32>
      %add3A_521 = vector.broadcast %mul3A_39 : i32 to vector<16xi32>
      %add3A_522 = arith.addi %add3A_521, %mul3A_520 : vector<16xi32>
      %add3A_523 = arith.addi %add3A_522, %convert_element_type3A_503 : vector<16xi32>
      %mul3A_524 = arith.constant 128 : i32
      %mul3A_525 = arith.muli %scan3A_249, %mul3A_524 : i32
      %add3A_526 = arith.constant 96 : i32
      %add3A_527 = arith.addi %mul3A_525, %add3A_526 : i32
      %swap3A_528 = arith.index_cast %add3A_527 : i32 to index
      %swap3A_529 = tpu.vector_load %arg8[%swap3A_528] {strides = array<i32>} : memref<1024xi32, #tpu.memory_space<vmem>>, vector<16xi32>,
      %swap3A_530 = vector.shape_cast %swap3A_529 : vector<16xi32> to vector<16xi32>
      %swap3A_531 = vector.shape_cast %add3A_523 : vector<16xi32> to vector<16xi32>
      tpu.vector_store %arg8[%swap3A_528], %swap3A_531 {strides = array<i32>} : memref<1024xi32, #tpu.memory_space<vmem>>, vector<16xi32>,
      %add3A_532 = arith.constant 112 : i32
      %add3A_533 = arith.addi %mul3A_253, %add3A_532 : i32
      %get3A_534 = arith.index_cast %add3A_533 : i32 to index
      %get3A_535 = tpu.vector_load %arg6[%get3A_534] {strides = array<i32>} : memref<8192xf32, #tpu.memory_space<vmem>>, vector<16xf32>,
      %get3A_536 = vector.shape_cast %get3A_535 : vector<16xf32> to vector<16xf32>
      %mul3A_537 = arith.constant 5.110000e+02 : f32
      %mul3A_538 = vector.broadcast %mul3A_537 : f32 to vector<16xf32>
      %mul3A_539 = arith.mulf %get3A_536, %mul3A_538 : vector<16xf32>
      %add3A_540 = arith.constant 5.000000e-01 : f32
      %add3A_541 = vector.broadcast %add3A_540 : f32 to vector<16xf32>
      %add3A_542 = arith.addf %mul3A_539, %add3A_541 : vector<16xf32>
      %convert_element_type3A_543 = arith.fptosi %add3A_542 : vector<16xf32> to vector<16xi32>
      %add3A_544 = arith.constant 128 : i32
      %add3A_545 = arith.addi %mul3A_253, %add3A_544 : i32
      %add3A_546 = arith.constant 112 : i32
      %add3A_547 = arith.addi %add3A_545, %add3A_546 : i32
      %get3A_548 = arith.index_cast %add3A_547 : i32 to index
      %get3A_549 = tpu.vector_load %arg6[%get3A_548] {strides = array<i32>} : memref<8192xf32, #tpu.memory_space<vmem>>, vector<16xf32>,
      %get3A_550 = vector.shape_cast %get3A_549 : vector<16xf32> to vector<16xf32>
      %mul3A_551 = arith.constant 5.110000e+02 : f32
      %mul3A_552 = vector.broadcast %mul3A_551 : f32 to vector<16xf32>
      %mul3A_553 = arith.mulf %get3A_550, %mul3A_552 : vector<16xf32>
      %add3A_554 = arith.constant 5.000000e-01 : f32
      %add3A_555 = vector.broadcast %add3A_554 : f32 to vector<16xf32>
      %add3A_556 = arith.addf %mul3A_553, %add3A_555 : vector<16xf32>
      %convert_element_type3A_557 = arith.fptosi %add3A_556 : vector<16xf32> to vector<16xi32>
      %mul3A_558 = arith.constant 512 : i32
      %mul3A_559 = vector.broadcast %mul3A_558 : i32 to vector<16xi32>
      %mul3A_560 = arith.muli %convert_element_type3A_557, %mul3A_559 : vector<16xi32>
      %add3A_561 = vector.broadcast %mul3A_39 : i32 to vector<16xi32>
      %add3A_562 = arith.addi %add3A_561, %mul3A_560 : vector<16xi32>
      %add3A_563 = arith.addi %add3A_562, %convert_element_type3A_543 : vector<16xi32>
      %mul3A_564 = arith.constant 128 : i32
      %mul3A_565 = arith.muli %scan3A_249, %mul3A_564 : i32
      %add3A_566 = arith.constant 112 : i32
      %add3A_567 = arith.addi %mul3A_565, %add3A_566 : i32
      %swap3A_568 = arith.index_cast %add3A_567 : i32 to index
      %swap3A_569 = tpu.vector_load %arg8[%swap3A_568] {strides = array<i32>} : memref<1024xi32, #tpu.memory_space<vmem>>, vector<16xi32>,
      %swap3A_570 = vector.shape_cast %swap3A_569 : vector<16xi32> to vector<16xi32>
      %swap3A_571 = vector.shape_cast %add3A_563 : vector<16xi32> to vector<16xi32>
      tpu.vector_store %arg8[%swap3A_568], %swap3A_571 {strides = array<i32>} : memref<1024xi32, #tpu.memory_space<vmem>>, vector<16xi32>,
    }
    %scan3A_139 = arith.constant 8 : i32
    %dma_start3A_140 = arith.constant 0 : i32
    %dma_start3A_141 = tpu.memref_slice %arg3[%dma_start3A_140] : memref<2097152xi32, #tpu.memory_space<hbm>> -> memref<2097152xi32, #tpu.memory_space<hbm>>
    tpu.enqueue_indirect_dma source(%dma_start3A_141 : memref<2097152xi32, #tpu.memory_space<hbm>>) target(%arg12 : memref<1024xi32, #tpu.memory_space<vmem>>) offsets(%arg8 : memref<1024xi32, #tpu.memory_space<vmem>>) semaphore(%arg17 : memref<!tpu.dma_semaphore, #tpu.memory_space<semaphore_mem>>)
    %dma_wait3A_142 = arith.constant 0 : i32
    %dma_wait3A_143 = tpu.memref_slice %arg4[%dma_wait3A_142] : memref<2752512xf32, #tpu.memory_space<hbm>> -> memref<2752512xf32, #tpu.memory_space<hbm>>
    tpu.wait_indirect_dma semaphore(%arg18 : memref<!tpu.dma_semaphore, #tpu.memory_space<semaphore_mem>>) src(%dma_wait3A_143 : memref<2752512xf32, #tpu.memory_space<hbm>>) dst(%arg13 : memref<1024xf32, #tpu.memory_space<vmem>>)
    %scan3A_144 = arith.constant 0 : i32
    %scan3A_145 = arith.constant 8 : i32
    %scan3A_146 = arith.addi %scan3A_144, %scan3A_145 : i32
    %scan3A_147 = arith.constant 1 : i32
    %scan3A_148 = scf.for %scan3A_249 = %scan3A_144 to %scan3A_146 step %scan3A_147 iter_args(%scan3A_250 = %broadcast_in_dim3A_40) -> (vector<16xf32>)  : i32 {
      %mul3A_251 = arith.constant 128 : i32
      %mul3A_252 = arith.muli %scan3A_249, %mul3A_251 : i32
      %add3A_253 = arith.constant 0 : i32
      %add3A_254 = arith.addi %mul3A_252, %add3A_253 : i32
      %get3A = arith.index_cast %add3A_254 : i32 to index
      %get3A_255 = tpu.vector_load %arg13[%get3A] {strides = array<i32>} : memref<1024xf32, #tpu.memory_space<vmem>>, vector<16xf32>,
      %get3A_256 = vector.shape_cast %get3A_255 : vector<16xf32> to vector<16xf32>
      %add3A_257 = arith.addf %scan3A_250, %get3A_256 : vector<16xf32>
      %mul3A_258 = arith.constant 128 : i32
      %mul3A_259 = arith.muli %scan3A_249, %mul3A_258 : i32
      %add3A_260 = arith.constant 16 : i32
      %add3A_261 = arith.addi %mul3A_259, %add3A_260 : i32
      %get3A_262 = arith.index_cast %add3A_261 : i32 to index
      %get3A_263 = tpu.vector_load %arg13[%get3A_262] {strides = array<i32>} : memref<1024xf32, #tpu.memory_space<vmem>>, vector<16xf32>,
      %get3A_264 = vector.shape_cast %get3A_263 : vector<16xf32> to vector<16xf32>
      %add3A_265 = arith.addf %add3A_257, %get3A_264 : vector<16xf32>
      %mul3A_266 = arith.constant 128 : i32
      %mul3A_267 = arith.muli %scan3A_249, %mul3A_266 : i32
      %add3A_268 = arith.constant 32 : i32
      %add3A_269 = arith.addi %mul3A_267, %add3A_268 : i32
      %get3A_270 = arith.index_cast %add3A_269 : i32 to index
      %get3A_271 = tpu.vector_load %arg13[%get3A_270] {strides = array<i32>} : memref<1024xf32, #tpu.memory_space<vmem>>, vector<16xf32>,
      %get3A_272 = vector.shape_cast %get3A_271 : vector<16xf32> to vector<16xf32>
      %add3A_273 = arith.addf %add3A_265, %get3A_272 : vector<16xf32>
      %mul3A_274 = arith.constant 128 : i32
      %mul3A_275 = arith.muli %scan3A_249, %mul3A_274 : i32
      %add3A_276 = arith.constant 48 : i32
      %add3A_277 = arith.addi %mul3A_275, %add3A_276 : i32
      %get3A_278 = arith.index_cast %add3A_277 : i32 to index
      %get3A_279 = tpu.vector_load %arg13[%get3A_278] {strides = array<i32>} : memref<1024xf32, #tpu.memory_space<vmem>>, vector<16xf32>,
      %get3A_280 = vector.shape_cast %get3A_279 : vector<16xf32> to vector<16xf32>
      %add3A_281 = arith.addf %add3A_273, %get3A_280 : vector<16xf32>
      %mul3A_282 = arith.constant 128 : i32
      %mul3A_283 = arith.muli %scan3A_249, %mul3A_282 : i32
      %add3A_284 = arith.constant 64 : i32
      %add3A_285 = arith.addi %mul3A_283, %add3A_284 : i32
      %get3A_286 = arith.index_cast %add3A_285 : i32 to index
      %get3A_287 = tpu.vector_load %arg13[%get3A_286] {strides = array<i32>} : memref<1024xf32, #tpu.memory_space<vmem>>, vector<16xf32>,
      %get3A_288 = vector.shape_cast %get3A_287 : vector<16xf32> to vector<16xf32>
      %add3A_289 = arith.addf %add3A_281, %get3A_288 : vector<16xf32>
      %mul3A_290 = arith.constant 128 : i32
      %mul3A_291 = arith.muli %scan3A_249, %mul3A_290 : i32
      %add3A_292 = arith.constant 80 : i32
      %add3A_293 = arith.addi %mul3A_291, %add3A_292 : i32
      %get3A_294 = arith.index_cast %add3A_293 : i32 to index
      %get3A_295 = tpu.vector_load %arg13[%get3A_294] {strides = array<i32>} : memref<1024xf32, #tpu.memory_space<vmem>>, vector<16xf32>,
      %get3A_296 = vector.shape_cast %get3A_295 : vector<16xf32> to vector<16xf32>
      %add3A_297 = arith.addf %add3A_289, %get3A_296 : vector<16xf32>
      %mul3A_298 = arith.constant 128 : i32
      %mul3A_299 = arith.muli %scan3A_249, %mul3A_298 : i32
      %add3A_300 = arith.constant 96 : i32
      %add3A_301 = arith.addi %mul3A_299, %add3A_300 : i32
      %get3A_302 = arith.index_cast %add3A_301 : i32 to index
      %get3A_303 = tpu.vector_load %arg13[%get3A_302] {strides = array<i32>} : memref<1024xf32, #tpu.memory_space<vmem>>, vector<16xf32>,
      %get3A_304 = vector.shape_cast %get3A_303 : vector<16xf32> to vector<16xf32>
      %add3A_305 = arith.addf %add3A_297, %get3A_304 : vector<16xf32>
      %mul3A_306 = arith.constant 128 : i32
      %mul3A_307 = arith.muli %scan3A_249, %mul3A_306 : i32
      %add3A_308 = arith.constant 112 : i32
      %add3A_309 = arith.addi %mul3A_307, %add3A_308 : i32
      %get3A_310 = arith.index_cast %add3A_309 : i32 to index
      %get3A_311 = tpu.vector_load %arg13[%get3A_310] {strides = array<i32>} : memref<1024xf32, #tpu.memory_space<vmem>>, vector<16xf32>,
      %get3A_312 = vector.shape_cast %get3A_311 : vector<16xf32> to vector<16xf32>
      %add3A_313 = arith.addf %add3A_305, %get3A_312 : vector<16xf32>
      scf.yield %add3A_313 : vector<16xf32>
    }
    %scan3A_149 = arith.constant 8 : i32
    %dma_wait3A_150 = arith.constant 0 : i32
    %dma_wait3A_151 = tpu.memref_slice %arg3[%dma_wait3A_150] : memref<2097152xi32, #tpu.memory_space<hbm>> -> memref<2097152xi32, #tpu.memory_space<hbm>>
    tpu.wait_indirect_dma semaphore(%arg16 : memref<!tpu.dma_semaphore, #tpu.memory_space<semaphore_mem>>) src(%dma_wait3A_151 : memref<2097152xi32, #tpu.memory_space<hbm>>) dst(%arg11 : memref<1024xi32, #tpu.memory_space<vmem>>)
    %jit3A_152 = arith.constant 128 : i32
    %div3A_153 = arith.divsi %mul3A_32, %jit3A_152 : i32
    %sign3A_154 = arith.constant 0 : i32
    %sign3A_155 = arith.cmpi sgt, %mul3A_32, %sign3A_154 : i32
    %sign3A_156 = arith.extui %sign3A_155 : i1 to i32
    %sign3A_157 = arith.constant 0 : i32
    %sign3A_158 = arith.cmpi slt, %mul3A_32, %sign3A_157 : i32
    %sign3A_159 = arith.extui %sign3A_158 : i1 to i32
    %sign3A_160 = arith.subi %sign3A_156, %sign3A_159 : i32
    %sign3A_161 = arith.constant 0 : i32
    %sign3A_162 = arith.cmpi sgt, %jit3A_152, %sign3A_161 : i32
    %sign3A_163 = arith.extui %sign3A_162 : i1 to i32
    %sign3A_164 = arith.constant 0 : i32
    %sign3A_165 = arith.cmpi slt, %jit3A_152, %sign3A_164 : i32
    %sign3A_166 = arith.extui %sign3A_165 : i1 to i32
    %sign3A_167 = arith.subi %sign3A_163, %sign3A_166 : i32
    %ne3A_168 = arith.cmpi ne, %sign3A_160, %sign3A_167 : i32
    %rem3A_169 = arith.remsi %mul3A_32, %jit3A_152 : i32
    %ne3A_170 = arith.constant 0 : i32
    %ne3A_171 = arith.cmpi ne, %rem3A_169, %ne3A_170 : i32
    %and3A_172 = arith.andi %ne3A_168, %ne3A_171 : i1
    %sub3A_173 = arith.constant 1 : i32
    %sub3A_174 = arith.subi %div3A_153, %sub3A_173 : i32
    %select_n3A_175 = arith.select %and3A_172, %sub3A_174, %div3A_153 : i32
    %add3A_176 = arith.constant 16 : i32
    %add3A_177 = arith.addi %select_n3A_175, %add3A_176 : i32
    %scan3A_178 = arith.constant 0 : i32
    %scan3A_179 = arith.constant 0 : i32
    %scan3A_180 = arith.constant 8 : i32
    %scan3A_181 = arith.addi %scan3A_179, %scan3A_180 : i32
    %scan3A_182 = arith.constant 1 : i32
    scf.for %scan3A_249 = %scan3A_179 to %scan3A_181 step %scan3A_182  : i32 {
      %mul3A_250 = arith.constant 128 : i32
      %mul3A_251 = arith.muli %scan3A_249, %mul3A_250 : i32
      %add3A_252 = arith.constant 0 : i32
      %add3A_253 = arith.addi %mul3A_251, %add3A_252 : i32
      %get3A = arith.index_cast %add3A_253 : i32 to index
      %get3A_254 = tpu.vector_load %arg11[%get3A] {strides = array<i32>} : memref<1024xi32, #tpu.memory_space<vmem>>, vector<16xi32>,
      %get3A_255 = vector.shape_cast %get3A_254 : vector<16xi32> to vector<16xi32>
      %mul3A_256 = arith.constant 131072 : i32
      %mul3A_257 = vector.broadcast %mul3A_256 : i32 to vector<16xi32>
      %mul3A_258 = arith.muli %get3A_255, %mul3A_257 : vector<16xi32>
      %add3A_259 = arith.addi %add3A_177, %scan3A_249 : i32
      %mul3A_260 = arith.constant 1024 : i32
      %mul3A_261 = arith.muli %add3A_259, %mul3A_260 : i32
      %mul3A_262 = arith.constant 128 : i32
      %mul3A_263 = arith.muli %select_n3A, %mul3A_262 : i32
      %add3A_264 = arith.addi %mul3A_261, %mul3A_263 : i32
      %add3A_265 = arith.constant 0 : i32
      %add3A_266 = arith.addi %add3A_264, %add3A_265 : i32
      %add3A_267 = vector.broadcast %add3A_266 : i32 to vector<16xi32>
      %add3A_268 = arith.addi %mul3A_258, %add3A_267 : vector<16xi32>
      %add3A_269 = arith.addi %add3A_268, %iota3A : vector<16xi32>
      %swap3A_270 = arith.index_cast %add3A_253 : i32 to index
      %swap3A_271 = tpu.vector_load %arg9[%swap3A_270] {strides = array<i32>} : memref<1024xi32, #tpu.memory_space<vmem>>, vector<16xi32>,
      %swap3A_272 = vector.shape_cast %swap3A_271 : vector<16xi32> to vector<16xi32>
      %swap3A_273 = vector.shape_cast %add3A_269 : vector<16xi32> to vector<16xi32>
      tpu.vector_store %arg9[%swap3A_270], %swap3A_273 {strides = array<i32>} : memref<1024xi32, #tpu.memory_space<vmem>>, vector<16xi32>,
      %mul3A_274 = arith.constant 128 : i32
      %mul3A_275 = arith.muli %scan3A_249, %mul3A_274 : i32
      %add3A_276 = arith.constant 16 : i32
      %add3A_277 = arith.addi %mul3A_275, %add3A_276 : i32
      %get3A_278 = arith.index_cast %add3A_277 : i32 to index
      %get3A_279 = tpu.vector_load %arg11[%get3A_278] {strides = array<i32>} : memref<1024xi32, #tpu.memory_space<vmem>>, vector<16xi32>,
      %get3A_280 = vector.shape_cast %get3A_279 : vector<16xi32> to vector<16xi32>
      %mul3A_281 = arith.constant 131072 : i32
      %mul3A_282 = vector.broadcast %mul3A_281 : i32 to vector<16xi32>
      %mul3A_283 = arith.muli %get3A_280, %mul3A_282 : vector<16xi32>
      %add3A_284 = arith.addi %add3A_177, %scan3A_249 : i32
      %mul3A_285 = arith.constant 1024 : i32
      %mul3A_286 = arith.muli %add3A_284, %mul3A_285 : i32
      %mul3A_287 = arith.constant 128 : i32
      %mul3A_288 = arith.muli %select_n3A, %mul3A_287 : i32
      %add3A_289 = arith.addi %mul3A_286, %mul3A_288 : i32
      %add3A_290 = arith.constant 16 : i32
      %add3A_291 = arith.addi %add3A_289, %add3A_290 : i32
      %add3A_292 = vector.broadcast %add3A_291 : i32 to vector<16xi32>
      %add3A_293 = arith.addi %mul3A_283, %add3A_292 : vector<16xi32>
      %add3A_294 = arith.addi %add3A_293, %iota3A : vector<16xi32>
      %swap3A_295 = arith.index_cast %add3A_277 : i32 to index
      %swap3A_296 = tpu.vector_load %arg9[%swap3A_295] {strides = array<i32>} : memref<1024xi32, #tpu.memory_space<vmem>>, vector<16xi32>,
      %swap3A_297 = vector.shape_cast %swap3A_296 : vector<16xi32> to vector<16xi32>
      %swap3A_298 = vector.shape_cast %add3A_294 : vector<16xi32> to vector<16xi32>
      tpu.vector_store %arg9[%swap3A_295], %swap3A_298 {strides = array<i32>} : memref<1024xi32, #tpu.memory_space<vmem>>, vector<16xi32>,
      %mul3A_299 = arith.constant 128 : i32
      %mul3A_300 = arith.muli %scan3A_249, %mul3A_299 : i32
      %add3A_301 = arith.constant 32 : i32
      %add3A_302 = arith.addi %mul3A_300, %add3A_301 : i32
      %get3A_303 = arith.index_cast %add3A_302 : i32 to index
      %get3A_304 = tpu.vector_load %arg11[%get3A_303] {strides = array<i32>} : memref<1024xi32, #tpu.memory_space<vmem>>, vector<16xi32>,
      %get3A_305 = vector.shape_cast %get3A_304 : vector<16xi32> to vector<16xi32>
      %mul3A_306 = arith.constant 131072 : i32
      %mul3A_307 = vector.broadcast %mul3A_306 : i32 to vector<16xi32>
      %mul3A_308 = arith.muli %get3A_305, %mul3A_307 : vector<16xi32>
      %add3A_309 = arith.addi %add3A_177, %scan3A_249 : i32
      %mul3A_310 = arith.constant 1024 : i32
      %mul3A_311 = arith.muli %add3A_309, %mul3A_310 : i32
      %mul3A_312 = arith.constant 128 : i32
      %mul3A_313 = arith.muli %select_n3A, %mul3A_312 : i32
      %add3A_314 = arith.addi %mul3A_311, %mul3A_313 : i32
      %add3A_315 = arith.constant 32 : i32
      %add3A_316 = arith.addi %add3A_314, %add3A_315 : i32
      %add3A_317 = vector.broadcast %add3A_316 : i32 to vector<16xi32>
      %add3A_318 = arith.addi %mul3A_308, %add3A_317 : vector<16xi32>
      %add3A_319 = arith.addi %add3A_318, %iota3A : vector<16xi32>
      %swap3A_320 = arith.index_cast %add3A_302 : i32 to index
      %swap3A_321 = tpu.vector_load %arg9[%swap3A_320] {strides = array<i32>} : memref<1024xi32, #tpu.memory_space<vmem>>, vector<16xi32>,
      %swap3A_322 = vector.shape_cast %swap3A_321 : vector<16xi32> to vector<16xi32>
      %swap3A_323 = vector.shape_cast %add3A_319 : vector<16xi32> to vector<16xi32>
      tpu.vector_store %arg9[%swap3A_320], %swap3A_323 {strides = array<i32>} : memref<1024xi32, #tpu.memory_space<vmem>>, vector<16xi32>,
      %mul3A_324 = arith.constant 128 : i32
      %mul3A_325 = arith.muli %scan3A_249, %mul3A_324 : i32
      %add3A_326 = arith.constant 48 : i32
      %add3A_327 = arith.addi %mul3A_325, %add3A_326 : i32
      %get3A_328 = arith.index_cast %add3A_327 : i32 to index
      %get3A_329 = tpu.vector_load %arg11[%get3A_328] {strides = array<i32>} : memref<1024xi32, #tpu.memory_space<vmem>>, vector<16xi32>,
      %get3A_330 = vector.shape_cast %get3A_329 : vector<16xi32> to vector<16xi32>
      %mul3A_331 = arith.constant 131072 : i32
      %mul3A_332 = vector.broadcast %mul3A_331 : i32 to vector<16xi32>
      %mul3A_333 = arith.muli %get3A_330, %mul3A_332 : vector<16xi32>
      %add3A_334 = arith.addi %add3A_177, %scan3A_249 : i32
      %mul3A_335 = arith.constant 1024 : i32
      %mul3A_336 = arith.muli %add3A_334, %mul3A_335 : i32
      %mul3A_337 = arith.constant 128 : i32
      %mul3A_338 = arith.muli %select_n3A, %mul3A_337 : i32
      %add3A_339 = arith.addi %mul3A_336, %mul3A_338 : i32
      %add3A_340 = arith.constant 48 : i32
      %add3A_341 = arith.addi %add3A_339, %add3A_340 : i32
      %add3A_342 = vector.broadcast %add3A_341 : i32 to vector<16xi32>
      %add3A_343 = arith.addi %mul3A_333, %add3A_342 : vector<16xi32>
      %add3A_344 = arith.addi %add3A_343, %iota3A : vector<16xi32>
      %swap3A_345 = arith.index_cast %add3A_327 : i32 to index
      %swap3A_346 = tpu.vector_load %arg9[%swap3A_345] {strides = array<i32>} : memref<1024xi32, #tpu.memory_space<vmem>>, vector<16xi32>,
      %swap3A_347 = vector.shape_cast %swap3A_346 : vector<16xi32> to vector<16xi32>
      %swap3A_348 = vector.shape_cast %add3A_344 : vector<16xi32> to vector<16xi32>
      tpu.vector_store %arg9[%swap3A_345], %swap3A_348 {strides = array<i32>} : memref<1024xi32, #tpu.memory_space<vmem>>, vector<16xi32>,
      %mul3A_349 = arith.constant 128 : i32
      %mul3A_350 = arith.muli %scan3A_249, %mul3A_349 : i32
      %add3A_351 = arith.constant 64 : i32
      %add3A_352 = arith.addi %mul3A_350, %add3A_351 : i32
      %get3A_353 = arith.index_cast %add3A_352 : i32 to index
      %get3A_354 = tpu.vector_load %arg11[%get3A_353] {strides = array<i32>} : memref<1024xi32, #tpu.memory_space<vmem>>, vector<16xi32>,
      %get3A_355 = vector.shape_cast %get3A_354 : vector<16xi32> to vector<16xi32>
      %mul3A_356 = arith.constant 131072 : i32
      %mul3A_357 = vector.broadcast %mul3A_356 : i32 to vector<16xi32>
      %mul3A_358 = arith.muli %get3A_355, %mul3A_357 : vector<16xi32>
      %add3A_359 = arith.addi %add3A_177, %scan3A_249 : i32
      %mul3A_360 = arith.constant 1024 : i32
      %mul3A_361 = arith.muli %add3A_359, %mul3A_360 : i32
      %mul3A_362 = arith.constant 128 : i32
      %mul3A_363 = arith.muli %select_n3A, %mul3A_362 : i32
      %add3A_364 = arith.addi %mul3A_361, %mul3A_363 : i32
      %add3A_365 = arith.constant 64 : i32
      %add3A_366 = arith.addi %add3A_364, %add3A_365 : i32
      %add3A_367 = vector.broadcast %add3A_366 : i32 to vector<16xi32>
      %add3A_368 = arith.addi %mul3A_358, %add3A_367 : vector<16xi32>
      %add3A_369 = arith.addi %add3A_368, %iota3A : vector<16xi32>
      %swap3A_370 = arith.index_cast %add3A_352 : i32 to index
      %swap3A_371 = tpu.vector_load %arg9[%swap3A_370] {strides = array<i32>} : memref<1024xi32, #tpu.memory_space<vmem>>, vector<16xi32>,
      %swap3A_372 = vector.shape_cast %swap3A_371 : vector<16xi32> to vector<16xi32>
      %swap3A_373 = vector.shape_cast %add3A_369 : vector<16xi32> to vector<16xi32>
      tpu.vector_store %arg9[%swap3A_370], %swap3A_373 {strides = array<i32>} : memref<1024xi32, #tpu.memory_space<vmem>>, vector<16xi32>,
      %mul3A_374 = arith.constant 128 : i32
      %mul3A_375 = arith.muli %scan3A_249, %mul3A_374 : i32
      %add3A_376 = arith.constant 80 : i32
      %add3A_377 = arith.addi %mul3A_375, %add3A_376 : i32
      %get3A_378 = arith.index_cast %add3A_377 : i32 to index
      %get3A_379 = tpu.vector_load %arg11[%get3A_378] {strides = array<i32>} : memref<1024xi32, #tpu.memory_space<vmem>>, vector<16xi32>,
      %get3A_380 = vector.shape_cast %get3A_379 : vector<16xi32> to vector<16xi32>
      %mul3A_381 = arith.constant 131072 : i32
      %mul3A_382 = vector.broadcast %mul3A_381 : i32 to vector<16xi32>
      %mul3A_383 = arith.muli %get3A_380, %mul3A_382 : vector<16xi32>
      %add3A_384 = arith.addi %add3A_177, %scan3A_249 : i32
      %mul3A_385 = arith.constant 1024 : i32
      %mul3A_386 = arith.muli %add3A_384, %mul3A_385 : i32
      %mul3A_387 = arith.constant 128 : i32
      %mul3A_388 = arith.muli %select_n3A, %mul3A_387 : i32
      %add3A_389 = arith.addi %mul3A_386, %mul3A_388 : i32
      %add3A_390 = arith.constant 80 : i32
      %add3A_391 = arith.addi %add3A_389, %add3A_390 : i32
      %add3A_392 = vector.broadcast %add3A_391 : i32 to vector<16xi32>
      %add3A_393 = arith.addi %mul3A_383, %add3A_392 : vector<16xi32>
      %add3A_394 = arith.addi %add3A_393, %iota3A : vector<16xi32>
      %swap3A_395 = arith.index_cast %add3A_377 : i32 to index
      %swap3A_396 = tpu.vector_load %arg9[%swap3A_395] {strides = array<i32>} : memref<1024xi32, #tpu.memory_space<vmem>>, vector<16xi32>,
      %swap3A_397 = vector.shape_cast %swap3A_396 : vector<16xi32> to vector<16xi32>
      %swap3A_398 = vector.shape_cast %add3A_394 : vector<16xi32> to vector<16xi32>
      tpu.vector_store %arg9[%swap3A_395], %swap3A_398 {strides = array<i32>} : memref<1024xi32, #tpu.memory_space<vmem>>, vector<16xi32>,
      %mul3A_399 = arith.constant 128 : i32
      %mul3A_400 = arith.muli %scan3A_249, %mul3A_399 : i32
      %add3A_401 = arith.constant 96 : i32
      %add3A_402 = arith.addi %mul3A_400, %add3A_401 : i32
      %get3A_403 = arith.index_cast %add3A_402 : i32 to index
      %get3A_404 = tpu.vector_load %arg11[%get3A_403] {strides = array<i32>} : memref<1024xi32, #tpu.memory_space<vmem>>, vector<16xi32>,
      %get3A_405 = vector.shape_cast %get3A_404 : vector<16xi32> to vector<16xi32>
      %mul3A_406 = arith.constant 131072 : i32
      %mul3A_407 = vector.broadcast %mul3A_406 : i32 to vector<16xi32>
      %mul3A_408 = arith.muli %get3A_405, %mul3A_407 : vector<16xi32>
      %add3A_409 = arith.addi %add3A_177, %scan3A_249 : i32
      %mul3A_410 = arith.constant 1024 : i32
      %mul3A_411 = arith.muli %add3A_409, %mul3A_410 : i32
      %mul3A_412 = arith.constant 128 : i32
      %mul3A_413 = arith.muli %select_n3A, %mul3A_412 : i32
      %add3A_414 = arith.addi %mul3A_411, %mul3A_413 : i32
      %add3A_415 = arith.constant 96 : i32
      %add3A_416 = arith.addi %add3A_414, %add3A_415 : i32
      %add3A_417 = vector.broadcast %add3A_416 : i32 to vector<16xi32>
      %add3A_418 = arith.addi %mul3A_408, %add3A_417 : vector<16xi32>
      %add3A_419 = arith.addi %add3A_418, %iota3A : vector<16xi32>
      %swap3A_420 = arith.index_cast %add3A_402 : i32 to index
      %swap3A_421 = tpu.vector_load %arg9[%swap3A_420] {strides = array<i32>} : memref<1024xi32, #tpu.memory_space<vmem>>, vector<16xi32>,
      %swap3A_422 = vector.shape_cast %swap3A_421 : vector<16xi32> to vector<16xi32>
      %swap3A_423 = vector.shape_cast %add3A_419 : vector<16xi32> to vector<16xi32>
      tpu.vector_store %arg9[%swap3A_420], %swap3A_423 {strides = array<i32>} : memref<1024xi32, #tpu.memory_space<vmem>>, vector<16xi32>,
      %mul3A_424 = arith.constant 128 : i32
      %mul3A_425 = arith.muli %scan3A_249, %mul3A_424 : i32
      %add3A_426 = arith.constant 112 : i32
      %add3A_427 = arith.addi %mul3A_425, %add3A_426 : i32
      %get3A_428 = arith.index_cast %add3A_427 : i32 to index
      %get3A_429 = tpu.vector_load %arg11[%get3A_428] {strides = array<i32>} : memref<1024xi32, #tpu.memory_space<vmem>>, vector<16xi32>,
      %get3A_430 = vector.shape_cast %get3A_429 : vector<16xi32> to vector<16xi32>
      %mul3A_431 = arith.constant 131072 : i32
      %mul3A_432 = vector.broadcast %mul3A_431 : i32 to vector<16xi32>
      %mul3A_433 = arith.muli %get3A_430, %mul3A_432 : vector<16xi32>
      %add3A_434 = arith.addi %add3A_177, %scan3A_249 : i32
      %mul3A_435 = arith.constant 1024 : i32
      %mul3A_436 = arith.muli %add3A_434, %mul3A_435 : i32
      %mul3A_437 = arith.constant 128 : i32
      %mul3A_438 = arith.muli %select_n3A, %mul3A_437 : i32
      %add3A_439 = arith.addi %mul3A_436, %mul3A_438 : i32
      %add3A_440 = arith.constant 112 : i32
      %add3A_441 = arith.addi %add3A_439, %add3A_440 : i32
      %add3A_442 = vector.broadcast %add3A_441 : i32 to vector<16xi32>
      %add3A_443 = arith.addi %mul3A_433, %add3A_442 : vector<16xi32>
      %add3A_444 = arith.addi %add3A_443, %iota3A : vector<16xi32>
      %swap3A_445 = arith.index_cast %add3A_427 : i32 to index
      %swap3A_446 = tpu.vector_load %arg9[%swap3A_445] {strides = array<i32>} : memref<1024xi32, #tpu.memory_space<vmem>>, vector<16xi32>,
      %swap3A_447 = vector.shape_cast %swap3A_446 : vector<16xi32> to vector<16xi32>
      %swap3A_448 = vector.shape_cast %add3A_444 : vector<16xi32> to vector<16xi32>
      tpu.vector_store %arg9[%swap3A_445], %swap3A_448 {strides = array<i32>} : memref<1024xi32, #tpu.memory_space<vmem>>, vector<16xi32>,
    }
    %scan3A_183 = arith.constant 8 : i32
    %dma_start3A_184 = arith.constant 0 : i32
    %dma_start3A_185 = tpu.memref_slice %arg4[%dma_start3A_184] : memref<2752512xf32, #tpu.memory_space<hbm>> -> memref<2752512xf32, #tpu.memory_space<hbm>>
    tpu.enqueue_indirect_dma source(%dma_start3A_185 : memref<2752512xf32, #tpu.memory_space<hbm>>) target(%arg13 : memref<1024xf32, #tpu.memory_space<vmem>>) offsets(%arg9 : memref<1024xi32, #tpu.memory_space<vmem>>) semaphore(%arg18 : memref<!tpu.dma_semaphore, #tpu.memory_space<semaphore_mem>>)
    %dma_wait3A_186 = arith.constant 0 : i32
    %dma_wait3A_187 = tpu.memref_slice %arg4[%dma_wait3A_186] : memref<2752512xf32, #tpu.memory_space<hbm>> -> memref<2752512xf32, #tpu.memory_space<hbm>>
    tpu.wait_indirect_dma semaphore(%arg19 : memref<!tpu.dma_semaphore, #tpu.memory_space<semaphore_mem>>) src(%dma_wait3A_187 : memref<2752512xf32, #tpu.memory_space<hbm>>) dst(%arg14 : memref<1024xf32, #tpu.memory_space<vmem>>)
    %scan3A_188 = arith.constant 0 : i32
    %scan3A_189 = arith.constant 8 : i32
    %scan3A_190 = arith.addi %scan3A_188, %scan3A_189 : i32
    %scan3A_191 = arith.constant 1 : i32
    %scan3A_192 = scf.for %scan3A_249 = %scan3A_188 to %scan3A_190 step %scan3A_191 iter_args(%scan3A_250 = %scan3A_148) -> (vector<16xf32>)  : i32 {
      %mul3A_251 = arith.constant 128 : i32
      %mul3A_252 = arith.muli %scan3A_249, %mul3A_251 : i32
      %add3A_253 = arith.constant 0 : i32
      %add3A_254 = arith.addi %mul3A_252, %add3A_253 : i32
      %get3A = arith.index_cast %add3A_254 : i32 to index
      %get3A_255 = tpu.vector_load %arg14[%get3A] {strides = array<i32>} : memref<1024xf32, #tpu.memory_space<vmem>>, vector<16xf32>,
      %get3A_256 = vector.shape_cast %get3A_255 : vector<16xf32> to vector<16xf32>
      %add3A_257 = arith.addf %scan3A_250, %get3A_256 : vector<16xf32>
      %mul3A_258 = arith.constant 128 : i32
      %mul3A_259 = arith.muli %scan3A_249, %mul3A_258 : i32
      %add3A_260 = arith.constant 16 : i32
      %add3A_261 = arith.addi %mul3A_259, %add3A_260 : i32
      %get3A_262 = arith.index_cast %add3A_261 : i32 to index
      %get3A_263 = tpu.vector_load %arg14[%get3A_262] {strides = array<i32>} : memref<1024xf32, #tpu.memory_space<vmem>>, vector<16xf32>,
      %get3A_264 = vector.shape_cast %get3A_263 : vector<16xf32> to vector<16xf32>
      %add3A_265 = arith.addf %add3A_257, %get3A_264 : vector<16xf32>
      %mul3A_266 = arith.constant 128 : i32
      %mul3A_267 = arith.muli %scan3A_249, %mul3A_266 : i32
      %add3A_268 = arith.constant 32 : i32
      %add3A_269 = arith.addi %mul3A_267, %add3A_268 : i32
      %get3A_270 = arith.index_cast %add3A_269 : i32 to index
      %get3A_271 = tpu.vector_load %arg14[%get3A_270] {strides = array<i32>} : memref<1024xf32, #tpu.memory_space<vmem>>, vector<16xf32>,
      %get3A_272 = vector.shape_cast %get3A_271 : vector<16xf32> to vector<16xf32>
      %add3A_273 = arith.addf %add3A_265, %get3A_272 : vector<16xf32>
      %mul3A_274 = arith.constant 128 : i32
      %mul3A_275 = arith.muli %scan3A_249, %mul3A_274 : i32
      %add3A_276 = arith.constant 48 : i32
      %add3A_277 = arith.addi %mul3A_275, %add3A_276 : i32
      %get3A_278 = arith.index_cast %add3A_277 : i32 to index
      %get3A_279 = tpu.vector_load %arg14[%get3A_278] {strides = array<i32>} : memref<1024xf32, #tpu.memory_space<vmem>>, vector<16xf32>,
      %get3A_280 = vector.shape_cast %get3A_279 : vector<16xf32> to vector<16xf32>
      %add3A_281 = arith.addf %add3A_273, %get3A_280 : vector<16xf32>
      %mul3A_282 = arith.constant 128 : i32
      %mul3A_283 = arith.muli %scan3A_249, %mul3A_282 : i32
      %add3A_284 = arith.constant 64 : i32
      %add3A_285 = arith.addi %mul3A_283, %add3A_284 : i32
      %get3A_286 = arith.index_cast %add3A_285 : i32 to index
      %get3A_287 = tpu.vector_load %arg14[%get3A_286] {strides = array<i32>} : memref<1024xf32, #tpu.memory_space<vmem>>, vector<16xf32>,
      %get3A_288 = vector.shape_cast %get3A_287 : vector<16xf32> to vector<16xf32>
      %add3A_289 = arith.addf %add3A_281, %get3A_288 : vector<16xf32>
      %mul3A_290 = arith.constant 128 : i32
      %mul3A_291 = arith.muli %scan3A_249, %mul3A_290 : i32
      %add3A_292 = arith.constant 80 : i32
      %add3A_293 = arith.addi %mul3A_291, %add3A_292 : i32
      %get3A_294 = arith.index_cast %add3A_293 : i32 to index
      %get3A_295 = tpu.vector_load %arg14[%get3A_294] {strides = array<i32>} : memref<1024xf32, #tpu.memory_space<vmem>>, vector<16xf32>,
      %get3A_296 = vector.shape_cast %get3A_295 : vector<16xf32> to vector<16xf32>
      %add3A_297 = arith.addf %add3A_289, %get3A_296 : vector<16xf32>
      %mul3A_298 = arith.constant 128 : i32
      %mul3A_299 = arith.muli %scan3A_249, %mul3A_298 : i32
      %add3A_300 = arith.constant 96 : i32
      %add3A_301 = arith.addi %mul3A_299, %add3A_300 : i32
      %get3A_302 = arith.index_cast %add3A_301 : i32 to index
      %get3A_303 = tpu.vector_load %arg14[%get3A_302] {strides = array<i32>} : memref<1024xf32, #tpu.memory_space<vmem>>, vector<16xf32>,
      %get3A_304 = vector.shape_cast %get3A_303 : vector<16xf32> to vector<16xf32>
      %add3A_305 = arith.addf %add3A_297, %get3A_304 : vector<16xf32>
      %mul3A_306 = arith.constant 128 : i32
      %mul3A_307 = arith.muli %scan3A_249, %mul3A_306 : i32
      %add3A_308 = arith.constant 112 : i32
      %add3A_309 = arith.addi %mul3A_307, %add3A_308 : i32
      %get3A_310 = arith.index_cast %add3A_309 : i32 to index
      %get3A_311 = tpu.vector_load %arg14[%get3A_310] {strides = array<i32>} : memref<1024xf32, #tpu.memory_space<vmem>>, vector<16xf32>,
      %get3A_312 = vector.shape_cast %get3A_311 : vector<16xf32> to vector<16xf32>
      %add3A_313 = arith.addf %add3A_305, %get3A_312 : vector<16xf32>
      scf.yield %add3A_313 : vector<16xf32>
    }
    %scan3A_193 = arith.constant 8 : i32
    %dma_wait3A_194 = arith.constant 0 : i32
    %dma_wait3A_195 = tpu.memref_slice %arg3[%dma_wait3A_194] : memref<2097152xi32, #tpu.memory_space<hbm>> -> memref<2097152xi32, #tpu.memory_space<hbm>>
    tpu.wait_indirect_dma semaphore(%arg17 : memref<!tpu.dma_semaphore, #tpu.memory_space<semaphore_mem>>) src(%dma_wait3A_195 : memref<2097152xi32, #tpu.memory_space<hbm>>) dst(%arg12 : memref<1024xi32, #tpu.memory_space<vmem>>)
    %jit3A_196 = arith.constant 128 : i32
    %div3A_197 = arith.divsi %mul3A_32, %jit3A_196 : i32
    %sign3A_198 = arith.constant 0 : i32
    %sign3A_199 = arith.cmpi sgt, %mul3A_32, %sign3A_198 : i32
    %sign3A_200 = arith.extui %sign3A_199 : i1 to i32
    %sign3A_201 = arith.constant 0 : i32
    %sign3A_202 = arith.cmpi slt, %mul3A_32, %sign3A_201 : i32
    %sign3A_203 = arith.extui %sign3A_202 : i1 to i32
    %sign3A_204 = arith.subi %sign3A_200, %sign3A_203 : i32
    %sign3A_205 = arith.constant 0 : i32
    %sign3A_206 = arith.cmpi sgt, %jit3A_196, %sign3A_205 : i32
    %sign3A_207 = arith.extui %sign3A_206 : i1 to i32
    %sign3A_208 = arith.constant 0 : i32
    %sign3A_209 = arith.cmpi slt, %jit3A_196, %sign3A_208 : i32
    %sign3A_210 = arith.extui %sign3A_209 : i1 to i32
    %sign3A_211 = arith.subi %sign3A_207, %sign3A_210 : i32
    %ne3A_212 = arith.cmpi ne, %sign3A_204, %sign3A_211 : i32
    %rem3A_213 = arith.remsi %mul3A_32, %jit3A_196 : i32
    %ne3A_214 = arith.constant 0 : i32
    %ne3A_215 = arith.cmpi ne, %rem3A_213, %ne3A_214 : i32
    %and3A_216 = arith.andi %ne3A_212, %ne3A_215 : i1
    %sub3A_217 = arith.constant 1 : i32
    %sub3A_218 = arith.subi %div3A_197, %sub3A_217 : i32
    %select_n3A_219 = arith.select %and3A_216, %sub3A_218, %div3A_197 : i32
    %add3A_220 = arith.constant 24 : i32
    %add3A_221 = arith.addi %select_n3A_219, %add3A_220 : i32
    %scan3A_222 = arith.constant 0 : i32
    %scan3A_223 = arith.constant 0 : i32
    %scan3A_224 = arith.constant 8 : i32
    %scan3A_225 = arith.addi %scan3A_223, %scan3A_224 : i32
    %scan3A_226 = arith.constant 1 : i32
    scf.for %scan3A_249 = %scan3A_223 to %scan3A_225 step %scan3A_226  : i32 {
      %mul3A_250 = arith.constant 128 : i32
      %mul3A_251 = arith.muli %scan3A_249, %mul3A_250 : i32
      %add3A_252 = arith.constant 0 : i32
      %add3A_253 = arith.addi %mul3A_251, %add3A_252 : i32
      %get3A = arith.index_cast %add3A_253 : i32 to index
      %get3A_254 = tpu.vector_load %arg12[%get3A] {strides = array<i32>} : memref<1024xi32, #tpu.memory_space<vmem>>, vector<16xi32>,
      %get3A_255 = vector.shape_cast %get3A_254 : vector<16xi32> to vector<16xi32>
      %mul3A_256 = arith.constant 131072 : i32
      %mul3A_257 = vector.broadcast %mul3A_256 : i32 to vector<16xi32>
      %mul3A_258 = arith.muli %get3A_255, %mul3A_257 : vector<16xi32>
      %add3A_259 = arith.addi %add3A_221, %scan3A_249 : i32
      %mul3A_260 = arith.constant 1024 : i32
      %mul3A_261 = arith.muli %add3A_259, %mul3A_260 : i32
      %mul3A_262 = arith.constant 128 : i32
      %mul3A_263 = arith.muli %select_n3A, %mul3A_262 : i32
      %add3A_264 = arith.addi %mul3A_261, %mul3A_263 : i32
      %add3A_265 = arith.constant 0 : i32
      %add3A_266 = arith.addi %add3A_264, %add3A_265 : i32
      %add3A_267 = vector.broadcast %add3A_266 : i32 to vector<16xi32>
      %add3A_268 = arith.addi %mul3A_258, %add3A_267 : vector<16xi32>
      %add3A_269 = arith.addi %add3A_268, %iota3A : vector<16xi32>
      %swap3A_270 = arith.index_cast %add3A_253 : i32 to index
      %swap3A_271 = tpu.vector_load %arg10[%swap3A_270] {strides = array<i32>} : memref<1024xi32, #tpu.memory_space<vmem>>, vector<16xi32>,
      %swap3A_272 = vector.shape_cast %swap3A_271 : vector<16xi32> to vector<16xi32>
      %swap3A_273 = vector.shape_cast %add3A_269 : vector<16xi32> to vector<16xi32>
      tpu.vector_store %arg10[%swap3A_270], %swap3A_273 {strides = array<i32>} : memref<1024xi32, #tpu.memory_space<vmem>>, vector<16xi32>,
      %mul3A_274 = arith.constant 128 : i32
      %mul3A_275 = arith.muli %scan3A_249, %mul3A_274 : i32
      %add3A_276 = arith.constant 16 : i32
      %add3A_277 = arith.addi %mul3A_275, %add3A_276 : i32
      %get3A_278 = arith.index_cast %add3A_277 : i32 to index
      %get3A_279 = tpu.vector_load %arg12[%get3A_278] {strides = array<i32>} : memref<1024xi32, #tpu.memory_space<vmem>>, vector<16xi32>,
      %get3A_280 = vector.shape_cast %get3A_279 : vector<16xi32> to vector<16xi32>
      %mul3A_281 = arith.constant 131072 : i32
      %mul3A_282 = vector.broadcast %mul3A_281 : i32 to vector<16xi32>
      %mul3A_283 = arith.muli %get3A_280, %mul3A_282 : vector<16xi32>
      %add3A_284 = arith.addi %add3A_221, %scan3A_249 : i32
      %mul3A_285 = arith.constant 1024 : i32
      %mul3A_286 = arith.muli %add3A_284, %mul3A_285 : i32
      %mul3A_287 = arith.constant 128 : i32
      %mul3A_288 = arith.muli %select_n3A, %mul3A_287 : i32
      %add3A_289 = arith.addi %mul3A_286, %mul3A_288 : i32
      %add3A_290 = arith.constant 16 : i32
      %add3A_291 = arith.addi %add3A_289, %add3A_290 : i32
      %add3A_292 = vector.broadcast %add3A_291 : i32 to vector<16xi32>
      %add3A_293 = arith.addi %mul3A_283, %add3A_292 : vector<16xi32>
      %add3A_294 = arith.addi %add3A_293, %iota3A : vector<16xi32>
      %swap3A_295 = arith.index_cast %add3A_277 : i32 to index
      %swap3A_296 = tpu.vector_load %arg10[%swap3A_295] {strides = array<i32>} : memref<1024xi32, #tpu.memory_space<vmem>>, vector<16xi32>,
      %swap3A_297 = vector.shape_cast %swap3A_296 : vector<16xi32> to vector<16xi32>
      %swap3A_298 = vector.shape_cast %add3A_294 : vector<16xi32> to vector<16xi32>
      tpu.vector_store %arg10[%swap3A_295], %swap3A_298 {strides = array<i32>} : memref<1024xi32, #tpu.memory_space<vmem>>, vector<16xi32>,
      %mul3A_299 = arith.constant 128 : i32
      %mul3A_300 = arith.muli %scan3A_249, %mul3A_299 : i32
      %add3A_301 = arith.constant 32 : i32
      %add3A_302 = arith.addi %mul3A_300, %add3A_301 : i32
      %get3A_303 = arith.index_cast %add3A_302 : i32 to index
      %get3A_304 = tpu.vector_load %arg12[%get3A_303] {strides = array<i32>} : memref<1024xi32, #tpu.memory_space<vmem>>, vector<16xi32>,
      %get3A_305 = vector.shape_cast %get3A_304 : vector<16xi32> to vector<16xi32>
      %mul3A_306 = arith.constant 131072 : i32
      %mul3A_307 = vector.broadcast %mul3A_306 : i32 to vector<16xi32>
      %mul3A_308 = arith.muli %get3A_305, %mul3A_307 : vector<16xi32>
      %add3A_309 = arith.addi %add3A_221, %scan3A_249 : i32
      %mul3A_310 = arith.constant 1024 : i32
      %mul3A_311 = arith.muli %add3A_309, %mul3A_310 : i32
      %mul3A_312 = arith.constant 128 : i32
      %mul3A_313 = arith.muli %select_n3A, %mul3A_312 : i32
      %add3A_314 = arith.addi %mul3A_311, %mul3A_313 : i32
      %add3A_315 = arith.constant 32 : i32
      %add3A_316 = arith.addi %add3A_314, %add3A_315 : i32
      %add3A_317 = vector.broadcast %add3A_316 : i32 to vector<16xi32>
      %add3A_318 = arith.addi %mul3A_308, %add3A_317 : vector<16xi32>
      %add3A_319 = arith.addi %add3A_318, %iota3A : vector<16xi32>
      %swap3A_320 = arith.index_cast %add3A_302 : i32 to index
      %swap3A_321 = tpu.vector_load %arg10[%swap3A_320] {strides = array<i32>} : memref<1024xi32, #tpu.memory_space<vmem>>, vector<16xi32>,
      %swap3A_322 = vector.shape_cast %swap3A_321 : vector<16xi32> to vector<16xi32>
      %swap3A_323 = vector.shape_cast %add3A_319 : vector<16xi32> to vector<16xi32>
      tpu.vector_store %arg10[%swap3A_320], %swap3A_323 {strides = array<i32>} : memref<1024xi32, #tpu.memory_space<vmem>>, vector<16xi32>,
      %mul3A_324 = arith.constant 128 : i32
      %mul3A_325 = arith.muli %scan3A_249, %mul3A_324 : i32
      %add3A_326 = arith.constant 48 : i32
      %add3A_327 = arith.addi %mul3A_325, %add3A_326 : i32
      %get3A_328 = arith.index_cast %add3A_327 : i32 to index
      %get3A_329 = tpu.vector_load %arg12[%get3A_328] {strides = array<i32>} : memref<1024xi32, #tpu.memory_space<vmem>>, vector<16xi32>,
      %get3A_330 = vector.shape_cast %get3A_329 : vector<16xi32> to vector<16xi32>
      %mul3A_331 = arith.constant 131072 : i32
      %mul3A_332 = vector.broadcast %mul3A_331 : i32 to vector<16xi32>
      %mul3A_333 = arith.muli %get3A_330, %mul3A_332 : vector<16xi32>
      %add3A_334 = arith.addi %add3A_221, %scan3A_249 : i32
      %mul3A_335 = arith.constant 1024 : i32
      %mul3A_336 = arith.muli %add3A_334, %mul3A_335 : i32
      %mul3A_337 = arith.constant 128 : i32
      %mul3A_338 = arith.muli %select_n3A, %mul3A_337 : i32
      %add3A_339 = arith.addi %mul3A_336, %mul3A_338 : i32
      %add3A_340 = arith.constant 48 : i32
      %add3A_341 = arith.addi %add3A_339, %add3A_340 : i32
      %add3A_342 = vector.broadcast %add3A_341 : i32 to vector<16xi32>
      %add3A_343 = arith.addi %mul3A_333, %add3A_342 : vector<16xi32>
      %add3A_344 = arith.addi %add3A_343, %iota3A : vector<16xi32>
      %swap3A_345 = arith.index_cast %add3A_327 : i32 to index
      %swap3A_346 = tpu.vector_load %arg10[%swap3A_345] {strides = array<i32>} : memref<1024xi32, #tpu.memory_space<vmem>>, vector<16xi32>,
      %swap3A_347 = vector.shape_cast %swap3A_346 : vector<16xi32> to vector<16xi32>
      %swap3A_348 = vector.shape_cast %add3A_344 : vector<16xi32> to vector<16xi32>
      tpu.vector_store %arg10[%swap3A_345], %swap3A_348 {strides = array<i32>} : memref<1024xi32, #tpu.memory_space<vmem>>, vector<16xi32>,
      %mul3A_349 = arith.constant 128 : i32
      %mul3A_350 = arith.muli %scan3A_249, %mul3A_349 : i32
      %add3A_351 = arith.constant 64 : i32
      %add3A_352 = arith.addi %mul3A_350, %add3A_351 : i32
      %get3A_353 = arith.index_cast %add3A_352 : i32 to index
      %get3A_354 = tpu.vector_load %arg12[%get3A_353] {strides = array<i32>} : memref<1024xi32, #tpu.memory_space<vmem>>, vector<16xi32>,
      %get3A_355 = vector.shape_cast %get3A_354 : vector<16xi32> to vector<16xi32>
      %mul3A_356 = arith.constant 131072 : i32
      %mul3A_357 = vector.broadcast %mul3A_356 : i32 to vector<16xi32>
      %mul3A_358 = arith.muli %get3A_355, %mul3A_357 : vector<16xi32>
      %add3A_359 = arith.addi %add3A_221, %scan3A_249 : i32
      %mul3A_360 = arith.constant 1024 : i32
      %mul3A_361 = arith.muli %add3A_359, %mul3A_360 : i32
      %mul3A_362 = arith.constant 128 : i32
      %mul3A_363 = arith.muli %select_n3A, %mul3A_362 : i32
      %add3A_364 = arith.addi %mul3A_361, %mul3A_363 : i32
      %add3A_365 = arith.constant 64 : i32
      %add3A_366 = arith.addi %add3A_364, %add3A_365 : i32
      %add3A_367 = vector.broadcast %add3A_366 : i32 to vector<16xi32>
      %add3A_368 = arith.addi %mul3A_358, %add3A_367 : vector<16xi32>
      %add3A_369 = arith.addi %add3A_368, %iota3A : vector<16xi32>
      %swap3A_370 = arith.index_cast %add3A_352 : i32 to index
      %swap3A_371 = tpu.vector_load %arg10[%swap3A_370] {strides = array<i32>} : memref<1024xi32, #tpu.memory_space<vmem>>, vector<16xi32>,
      %swap3A_372 = vector.shape_cast %swap3A_371 : vector<16xi32> to vector<16xi32>
      %swap3A_373 = vector.shape_cast %add3A_369 : vector<16xi32> to vector<16xi32>
      tpu.vector_store %arg10[%swap3A_370], %swap3A_373 {strides = array<i32>} : memref<1024xi32, #tpu.memory_space<vmem>>, vector<16xi32>,
      %mul3A_374 = arith.constant 128 : i32
      %mul3A_375 = arith.muli %scan3A_249, %mul3A_374 : i32
      %add3A_376 = arith.constant 80 : i32
      %add3A_377 = arith.addi %mul3A_375, %add3A_376 : i32
      %get3A_378 = arith.index_cast %add3A_377 : i32 to index
      %get3A_379 = tpu.vector_load %arg12[%get3A_378] {strides = array<i32>} : memref<1024xi32, #tpu.memory_space<vmem>>, vector<16xi32>,
      %get3A_380 = vector.shape_cast %get3A_379 : vector<16xi32> to vector<16xi32>
      %mul3A_381 = arith.constant 131072 : i32
      %mul3A_382 = vector.broadcast %mul3A_381 : i32 to vector<16xi32>
      %mul3A_383 = arith.muli %get3A_380, %mul3A_382 : vector<16xi32>
      %add3A_384 = arith.addi %add3A_221, %scan3A_249 : i32
      %mul3A_385 = arith.constant 1024 : i32
      %mul3A_386 = arith.muli %add3A_384, %mul3A_385 : i32
      %mul3A_387 = arith.constant 128 : i32
      %mul3A_388 = arith.muli %select_n3A, %mul3A_387 : i32
      %add3A_389 = arith.addi %mul3A_386, %mul3A_388 : i32
      %add3A_390 = arith.constant 80 : i32
      %add3A_391 = arith.addi %add3A_389, %add3A_390 : i32
      %add3A_392 = vector.broadcast %add3A_391 : i32 to vector<16xi32>
      %add3A_393 = arith.addi %mul3A_383, %add3A_392 : vector<16xi32>
      %add3A_394 = arith.addi %add3A_393, %iota3A : vector<16xi32>
      %swap3A_395 = arith.index_cast %add3A_377 : i32 to index
      %swap3A_396 = tpu.vector_load %arg10[%swap3A_395] {strides = array<i32>} : memref<1024xi32, #tpu.memory_space<vmem>>, vector<16xi32>,
      %swap3A_397 = vector.shape_cast %swap3A_396 : vector<16xi32> to vector<16xi32>
      %swap3A_398 = vector.shape_cast %add3A_394 : vector<16xi32> to vector<16xi32>
      tpu.vector_store %arg10[%swap3A_395], %swap3A_398 {strides = array<i32>} : memref<1024xi32, #tpu.memory_space<vmem>>, vector<16xi32>,
      %mul3A_399 = arith.constant 128 : i32
      %mul3A_400 = arith.muli %scan3A_249, %mul3A_399 : i32
      %add3A_401 = arith.constant 96 : i32
      %add3A_402 = arith.addi %mul3A_400, %add3A_401 : i32
      %get3A_403 = arith.index_cast %add3A_402 : i32 to index
      %get3A_404 = tpu.vector_load %arg12[%get3A_403] {strides = array<i32>} : memref<1024xi32, #tpu.memory_space<vmem>>, vector<16xi32>,
      %get3A_405 = vector.shape_cast %get3A_404 : vector<16xi32> to vector<16xi32>
      %mul3A_406 = arith.constant 131072 : i32
      %mul3A_407 = vector.broadcast %mul3A_406 : i32 to vector<16xi32>
      %mul3A_408 = arith.muli %get3A_405, %mul3A_407 : vector<16xi32>
      %add3A_409 = arith.addi %add3A_221, %scan3A_249 : i32
      %mul3A_410 = arith.constant 1024 : i32
      %mul3A_411 = arith.muli %add3A_409, %mul3A_410 : i32
      %mul3A_412 = arith.constant 128 : i32
      %mul3A_413 = arith.muli %select_n3A, %mul3A_412 : i32
      %add3A_414 = arith.addi %mul3A_411, %mul3A_413 : i32
      %add3A_415 = arith.constant 96 : i32
      %add3A_416 = arith.addi %add3A_414, %add3A_415 : i32
      %add3A_417 = vector.broadcast %add3A_416 : i32 to vector<16xi32>
      %add3A_418 = arith.addi %mul3A_408, %add3A_417 : vector<16xi32>
      %add3A_419 = arith.addi %add3A_418, %iota3A : vector<16xi32>
      %swap3A_420 = arith.index_cast %add3A_402 : i32 to index
      %swap3A_421 = tpu.vector_load %arg10[%swap3A_420] {strides = array<i32>} : memref<1024xi32, #tpu.memory_space<vmem>>, vector<16xi32>,
      %swap3A_422 = vector.shape_cast %swap3A_421 : vector<16xi32> to vector<16xi32>
      %swap3A_423 = vector.shape_cast %add3A_419 : vector<16xi32> to vector<16xi32>
      tpu.vector_store %arg10[%swap3A_420], %swap3A_423 {strides = array<i32>} : memref<1024xi32, #tpu.memory_space<vmem>>, vector<16xi32>,
      %mul3A_424 = arith.constant 128 : i32
      %mul3A_425 = arith.muli %scan3A_249, %mul3A_424 : i32
      %add3A_426 = arith.constant 112 : i32
      %add3A_427 = arith.addi %mul3A_425, %add3A_426 : i32
      %get3A_428 = arith.index_cast %add3A_427 : i32 to index
      %get3A_429 = tpu.vector_load %arg12[%get3A_428] {strides = array<i32>} : memref<1024xi32, #tpu.memory_space<vmem>>, vector<16xi32>,
      %get3A_430 = vector.shape_cast %get3A_429 : vector<16xi32> to vector<16xi32>
      %mul3A_431 = arith.constant 131072 : i32
      %mul3A_432 = vector.broadcast %mul3A_431 : i32 to vector<16xi32>
      %mul3A_433 = arith.muli %get3A_430, %mul3A_432 : vector<16xi32>
      %add3A_434 = arith.addi %add3A_221, %scan3A_249 : i32
      %mul3A_435 = arith.constant 1024 : i32
      %mul3A_436 = arith.muli %add3A_434, %mul3A_435 : i32
      %mul3A_437 = arith.constant 128 : i32
      %mul3A_438 = arith.muli %select_n3A, %mul3A_437 : i32
      %add3A_439 = arith.addi %mul3A_436, %mul3A_438 : i32
      %add3A_440 = arith.constant 112 : i32
      %add3A_441 = arith.addi %add3A_439, %add3A_440 : i32
      %add3A_442 = vector.broadcast %add3A_441 : i32 to vector<16xi32>
      %add3A_443 = arith.addi %mul3A_433, %add3A_442 : vector<16xi32>
      %add3A_444 = arith.addi %add3A_443, %iota3A : vector<16xi32>
      %swap3A_445 = arith.index_cast %add3A_427 : i32 to index
      %swap3A_446 = tpu.vector_load %arg10[%swap3A_445] {strides = array<i32>} : memref<1024xi32, #tpu.memory_space<vmem>>, vector<16xi32>,
      %swap3A_447 = vector.shape_cast %swap3A_446 : vector<16xi32> to vector<16xi32>
      %swap3A_448 = vector.shape_cast %add3A_444 : vector<16xi32> to vector<16xi32>
      tpu.vector_store %arg10[%swap3A_445], %swap3A_448 {strides = array<i32>} : memref<1024xi32, #tpu.memory_space<vmem>>, vector<16xi32>,
    }
    %scan3A_227 = arith.constant 8 : i32
    %dma_start3A_228 = arith.constant 0 : i32
    %dma_start3A_229 = tpu.memref_slice %arg4[%dma_start3A_228] : memref<2752512xf32, #tpu.memory_space<hbm>> -> memref<2752512xf32, #tpu.memory_space<hbm>>
    tpu.enqueue_indirect_dma source(%dma_start3A_229 : memref<2752512xf32, #tpu.memory_space<hbm>>) target(%arg14 : memref<1024xf32, #tpu.memory_space<vmem>>) offsets(%arg10 : memref<1024xi32, #tpu.memory_space<vmem>>) semaphore(%arg19 : memref<!tpu.dma_semaphore, #tpu.memory_space<semaphore_mem>>)
    %dma_wait3A_230 = arith.constant 0 : i32
    %dma_wait3A_231 = tpu.memref_slice %arg4[%dma_wait3A_230] : memref<2752512xf32, #tpu.memory_space<hbm>> -> memref<2752512xf32, #tpu.memory_space<hbm>>
    tpu.wait_indirect_dma semaphore(%arg18 : memref<!tpu.dma_semaphore, #tpu.memory_space<semaphore_mem>>) src(%dma_wait3A_231 : memref<2752512xf32, #tpu.memory_space<hbm>>) dst(%arg13 : memref<1024xf32, #tpu.memory_space<vmem>>)
    %scan3A_232 = arith.constant 0 : i32
    %scan3A_233 = arith.constant 8 : i32
    %scan3A_234 = arith.addi %scan3A_232, %scan3A_233 : i32
    %scan3A_235 = arith.constant 1 : i32
    %scan3A_236 = scf.for %scan3A_249 = %scan3A_232 to %scan3A_234 step %scan3A_235 iter_args(%scan3A_250 = %scan3A_192) -> (vector<16xf32>)  : i32 {
      %mul3A_251 = arith.constant 128 : i32
      %mul3A_252 = arith.muli %scan3A_249, %mul3A_251 : i32
      %add3A_253 = arith.constant 0 : i32
      %add3A_254 = arith.addi %mul3A_252, %add3A_253 : i32
      %get3A = arith.index_cast %add3A_254 : i32 to index
      %get3A_255 = tpu.vector_load %arg13[%get3A] {strides = array<i32>} : memref<1024xf32, #tpu.memory_space<vmem>>, vector<16xf32>,
      %get3A_256 = vector.shape_cast %get3A_255 : vector<16xf32> to vector<16xf32>
      %add3A_257 = arith.addf %scan3A_250, %get3A_256 : vector<16xf32>
      %mul3A_258 = arith.constant 128 : i32
      %mul3A_259 = arith.muli %scan3A_249, %mul3A_258 : i32
      %add3A_260 = arith.constant 16 : i32
      %add3A_261 = arith.addi %mul3A_259, %add3A_260 : i32
      %get3A_262 = arith.index_cast %add3A_261 : i32 to index
      %get3A_263 = tpu.vector_load %arg13[%get3A_262] {strides = array<i32>} : memref<1024xf32, #tpu.memory_space<vmem>>, vector<16xf32>,
      %get3A_264 = vector.shape_cast %get3A_263 : vector<16xf32> to vector<16xf32>
      %add3A_265 = arith.addf %add3A_257, %get3A_264 : vector<16xf32>
      %mul3A_266 = arith.constant 128 : i32
      %mul3A_267 = arith.muli %scan3A_249, %mul3A_266 : i32
      %add3A_268 = arith.constant 32 : i32
      %add3A_269 = arith.addi %mul3A_267, %add3A_268 : i32
      %get3A_270 = arith.index_cast %add3A_269 : i32 to index
      %get3A_271 = tpu.vector_load %arg13[%get3A_270] {strides = array<i32>} : memref<1024xf32, #tpu.memory_space<vmem>>, vector<16xf32>,
      %get3A_272 = vector.shape_cast %get3A_271 : vector<16xf32> to vector<16xf32>
      %add3A_273 = arith.addf %add3A_265, %get3A_272 : vector<16xf32>
      %mul3A_274 = arith.constant 128 : i32
      %mul3A_275 = arith.muli %scan3A_249, %mul3A_274 : i32
      %add3A_276 = arith.constant 48 : i32
      %add3A_277 = arith.addi %mul3A_275, %add3A_276 : i32
      %get3A_278 = arith.index_cast %add3A_277 : i32 to index
      %get3A_279 = tpu.vector_load %arg13[%get3A_278] {strides = array<i32>} : memref<1024xf32, #tpu.memory_space<vmem>>, vector<16xf32>,
      %get3A_280 = vector.shape_cast %get3A_279 : vector<16xf32> to vector<16xf32>
      %add3A_281 = arith.addf %add3A_273, %get3A_280 : vector<16xf32>
      %mul3A_282 = arith.constant 128 : i32
      %mul3A_283 = arith.muli %scan3A_249, %mul3A_282 : i32
      %add3A_284 = arith.constant 64 : i32
      %add3A_285 = arith.addi %mul3A_283, %add3A_284 : i32
      %get3A_286 = arith.index_cast %add3A_285 : i32 to index
      %get3A_287 = tpu.vector_load %arg13[%get3A_286] {strides = array<i32>} : memref<1024xf32, #tpu.memory_space<vmem>>, vector<16xf32>,
      %get3A_288 = vector.shape_cast %get3A_287 : vector<16xf32> to vector<16xf32>
      %add3A_289 = arith.addf %add3A_281, %get3A_288 : vector<16xf32>
      %mul3A_290 = arith.constant 128 : i32
      %mul3A_291 = arith.muli %scan3A_249, %mul3A_290 : i32
      %add3A_292 = arith.constant 80 : i32
      %add3A_293 = arith.addi %mul3A_291, %add3A_292 : i32
      %get3A_294 = arith.index_cast %add3A_293 : i32 to index
      %get3A_295 = tpu.vector_load %arg13[%get3A_294] {strides = array<i32>} : memref<1024xf32, #tpu.memory_space<vmem>>, vector<16xf32>,
      %get3A_296 = vector.shape_cast %get3A_295 : vector<16xf32> to vector<16xf32>
      %add3A_297 = arith.addf %add3A_289, %get3A_296 : vector<16xf32>
      %mul3A_298 = arith.constant 128 : i32
      %mul3A_299 = arith.muli %scan3A_249, %mul3A_298 : i32
      %add3A_300 = arith.constant 96 : i32
      %add3A_301 = arith.addi %mul3A_299, %add3A_300 : i32
      %get3A_302 = arith.index_cast %add3A_301 : i32 to index
      %get3A_303 = tpu.vector_load %arg13[%get3A_302] {strides = array<i32>} : memref<1024xf32, #tpu.memory_space<vmem>>, vector<16xf32>,
      %get3A_304 = vector.shape_cast %get3A_303 : vector<16xf32> to vector<16xf32>
      %add3A_305 = arith.addf %add3A_297, %get3A_304 : vector<16xf32>
      %mul3A_306 = arith.constant 128 : i32
      %mul3A_307 = arith.muli %scan3A_249, %mul3A_306 : i32
      %add3A_308 = arith.constant 112 : i32
      %add3A_309 = arith.addi %mul3A_307, %add3A_308 : i32
      %get3A_310 = arith.index_cast %add3A_309 : i32 to index
      %get3A_311 = tpu.vector_load %arg13[%get3A_310] {strides = array<i32>} : memref<1024xf32, #tpu.memory_space<vmem>>, vector<16xf32>,
      %get3A_312 = vector.shape_cast %get3A_311 : vector<16xf32> to vector<16xf32>
      %add3A_313 = arith.addf %add3A_305, %get3A_312 : vector<16xf32>
      scf.yield %add3A_313 : vector<16xf32>
    }
    %scan3A_237 = arith.constant 8 : i32
    %dma_wait3A_238 = arith.constant 0 : i32
    %dma_wait3A_239 = tpu.memref_slice %arg4[%dma_wait3A_238] : memref<2752512xf32, #tpu.memory_space<hbm>> -> memref<2752512xf32, #tpu.memory_space<hbm>>
    tpu.wait_indirect_dma semaphore(%arg19 : memref<!tpu.dma_semaphore, #tpu.memory_space<semaphore_mem>>) src(%dma_wait3A_239 : memref<2752512xf32, #tpu.memory_space<hbm>>) dst(%arg14 : memref<1024xf32, #tpu.memory_space<vmem>>)
    %scan3A_240 = arith.constant 0 : i32
    %scan3A_241 = arith.constant 8 : i32
    %scan3A_242 = arith.addi %scan3A_240, %scan3A_241 : i32
    %scan3A_243 = arith.constant 1 : i32
    %scan3A_244 = scf.for %scan3A_249 = %scan3A_240 to %scan3A_242 step %scan3A_243 iter_args(%scan3A_250 = %scan3A_236) -> (vector<16xf32>)  : i32 {
      %mul3A_251 = arith.constant 128 : i32
      %mul3A_252 = arith.muli %scan3A_249, %mul3A_251 : i32
      %add3A_253 = arith.constant 0 : i32
      %add3A_254 = arith.addi %mul3A_252, %add3A_253 : i32
      %get3A = arith.index_cast %add3A_254 : i32 to index
      %get3A_255 = tpu.vector_load %arg14[%get3A] {strides = array<i32>} : memref<1024xf32, #tpu.memory_space<vmem>>, vector<16xf32>,
      %get3A_256 = vector.shape_cast %get3A_255 : vector<16xf32> to vector<16xf32>
      %add3A_257 = arith.addf %scan3A_250, %get3A_256 : vector<16xf32>
      %mul3A_258 = arith.constant 128 : i32
      %mul3A_259 = arith.muli %scan3A_249, %mul3A_258 : i32
      %add3A_260 = arith.constant 16 : i32
      %add3A_261 = arith.addi %mul3A_259, %add3A_260 : i32
      %get3A_262 = arith.index_cast %add3A_261 : i32 to index
      %get3A_263 = tpu.vector_load %arg14[%get3A_262] {strides = array<i32>} : memref<1024xf32, #tpu.memory_space<vmem>>, vector<16xf32>,
      %get3A_264 = vector.shape_cast %get3A_263 : vector<16xf32> to vector<16xf32>
      %add3A_265 = arith.addf %add3A_257, %get3A_264 : vector<16xf32>
      %mul3A_266 = arith.constant 128 : i32
      %mul3A_267 = arith.muli %scan3A_249, %mul3A_266 : i32
      %add3A_268 = arith.constant 32 : i32
      %add3A_269 = arith.addi %mul3A_267, %add3A_268 : i32
      %get3A_270 = arith.index_cast %add3A_269 : i32 to index
      %get3A_271 = tpu.vector_load %arg14[%get3A_270] {strides = array<i32>} : memref<1024xf32, #tpu.memory_space<vmem>>, vector<16xf32>,
      %get3A_272 = vector.shape_cast %get3A_271 : vector<16xf32> to vector<16xf32>
      %add3A_273 = arith.addf %add3A_265, %get3A_272 : vector<16xf32>
      %mul3A_274 = arith.constant 128 : i32
      %mul3A_275 = arith.muli %scan3A_249, %mul3A_274 : i32
      %add3A_276 = arith.constant 48 : i32
      %add3A_277 = arith.addi %mul3A_275, %add3A_276 : i32
      %get3A_278 = arith.index_cast %add3A_277 : i32 to index
      %get3A_279 = tpu.vector_load %arg14[%get3A_278] {strides = array<i32>} : memref<1024xf32, #tpu.memory_space<vmem>>, vector<16xf32>,
      %get3A_280 = vector.shape_cast %get3A_279 : vector<16xf32> to vector<16xf32>
      %add3A_281 = arith.addf %add3A_273, %get3A_280 : vector<16xf32>
      %mul3A_282 = arith.constant 128 : i32
      %mul3A_283 = arith.muli %scan3A_249, %mul3A_282 : i32
      %add3A_284 = arith.constant 64 : i32
      %add3A_285 = arith.addi %mul3A_283, %add3A_284 : i32
      %get3A_286 = arith.index_cast %add3A_285 : i32 to index
      %get3A_287 = tpu.vector_load %arg14[%get3A_286] {strides = array<i32>} : memref<1024xf32, #tpu.memory_space<vmem>>, vector<16xf32>,
      %get3A_288 = vector.shape_cast %get3A_287 : vector<16xf32> to vector<16xf32>
      %add3A_289 = arith.addf %add3A_281, %get3A_288 : vector<16xf32>
      %mul3A_290 = arith.constant 128 : i32
      %mul3A_291 = arith.muli %scan3A_249, %mul3A_290 : i32
      %add3A_292 = arith.constant 80 : i32
      %add3A_293 = arith.addi %mul3A_291, %add3A_292 : i32
      %get3A_294 = arith.index_cast %add3A_293 : i32 to index
      %get3A_295 = tpu.vector_load %arg14[%get3A_294] {strides = array<i32>} : memref<1024xf32, #tpu.memory_space<vmem>>, vector<16xf32>,
      %get3A_296 = vector.shape_cast %get3A_295 : vector<16xf32> to vector<16xf32>
      %add3A_297 = arith.addf %add3A_289, %get3A_296 : vector<16xf32>
      %mul3A_298 = arith.constant 128 : i32
      %mul3A_299 = arith.muli %scan3A_249, %mul3A_298 : i32
      %add3A_300 = arith.constant 96 : i32
      %add3A_301 = arith.addi %mul3A_299, %add3A_300 : i32
      %get3A_302 = arith.index_cast %add3A_301 : i32 to index
      %get3A_303 = tpu.vector_load %arg14[%get3A_302] {strides = array<i32>} : memref<1024xf32, #tpu.memory_space<vmem>>, vector<16xf32>,
      %get3A_304 = vector.shape_cast %get3A_303 : vector<16xf32> to vector<16xf32>
      %add3A_305 = arith.addf %add3A_297, %get3A_304 : vector<16xf32>
      %mul3A_306 = arith.constant 128 : i32
      %mul3A_307 = arith.muli %scan3A_249, %mul3A_306 : i32
      %add3A_308 = arith.constant 112 : i32
      %add3A_309 = arith.addi %mul3A_307, %add3A_308 : i32
      %get3A_310 = arith.index_cast %add3A_309 : i32 to index
      %get3A_311 = tpu.vector_load %arg14[%get3A_310] {strides = array<i32>} : memref<1024xf32, #tpu.memory_space<vmem>>, vector<16xf32>,
      %get3A_312 = vector.shape_cast %get3A_311 : vector<16xf32> to vector<16xf32>
      %add3A_313 = arith.addf %add3A_305, %get3A_312 : vector<16xf32>
      scf.yield %add3A_313 : vector<16xf32>
    }
    %scan3A_245 = arith.constant 8 : i32
    %swap3A = arith.constant 0 : index
    %swap3A_246 = tpu.vector_load %arg15[%swap3A] {strides = array<i32>} : memref<16xf32, #tpu.memory_space<vmem>>, vector<16xf32>,
    %swap3A_247 = vector.shape_cast %swap3A_246 : vector<16xf32> to vector<16xf32>
    %swap3A_248 = vector.shape_cast %scan3A_244 : vector<16xf32> to vector<16xf32>
    tpu.vector_store %arg15[%swap3A], %swap3A_248 {strides = array<i32>} : memref<16xf32, #tpu.memory_space<vmem>>, vector<16xf32>,
    "tpu.region"() ({
      %run_scoped3A = tpu.sem_alloc : memref<!tpu.dma_semaphore, #tpu.memory_space<semaphore_mem>>
      %dma_start3A_249 = arith.constant 0 : i32
      %dma_start3A_250 = tpu.memref_slice %arg5[%add3A, %dma_start3A_249] : memref<32x16xf32, #tpu.memory_space<hbm>> -> memref<1x16xf32, #tpu.memory_space<hbm>>
      %dma_start3A_251 = tpu.memref_squeeze %dma_start3A_250 : memref<1x16xf32, #tpu.memory_space<hbm>> -> memref<16xf32, #tpu.memory_space<hbm>>
      %dma_start3A_252 = arith.constant 0 : i32
      %dma_start3A_253 = tpu.memref_slice %arg5[%add3A, %dma_start3A_252] : memref<32x16xf32, #tpu.memory_space<hbm>> -> memref<1x16xf32, #tpu.memory_space<hbm>>
      %dma_start3A_254 = tpu.memref_squeeze %dma_start3A_253 : memref<1x16xf32, #tpu.memory_space<hbm>> -> memref<16xf32, #tpu.memory_space<hbm>>
      tpu.enqueue_dma source(%arg15 : memref<16xf32, #tpu.memory_space<vmem>>) target(%dma_start3A_254 : memref<16xf32, #tpu.memory_space<hbm>>) target_semaphore(%run_scoped3A : memref<!tpu.dma_semaphore, #tpu.memory_space<semaphore_mem>>)
      %dma_wait3A_255 = arith.constant 0 : i32
      %dma_wait3A_256 = tpu.memref_slice %arg5[%add3A, %dma_wait3A_255] : memref<32x16xf32, #tpu.memory_space<hbm>> -> memref<1x16xf32, #tpu.memory_space<hbm>>
      %dma_wait3A_257 = tpu.memref_squeeze %dma_wait3A_256 : memref<1x16xf32, #tpu.memory_space<hbm>> -> memref<16xf32, #tpu.memory_space<hbm>>
      %dma_wait3A_258 = arith.constant 0 : i32
      %dma_wait3A_259 = tpu.memref_slice %arg5[%add3A, %dma_wait3A_258] : memref<32x16xf32, #tpu.memory_space<hbm>> -> memref<1x16xf32, #tpu.memory_space<hbm>>
      %dma_wait3A_260 = tpu.memref_squeeze %dma_wait3A_259 : memref<1x16xf32, #tpu.memory_space<hbm>> -> memref<16xf32, #tpu.memory_space<hbm>>
      tpu.wait_dma2 semaphore(%run_scoped3A : memref<!tpu.dma_semaphore, #tpu.memory_space<semaphore_mem>>) src(%arg15 : memref<16xf32, #tpu.memory_space<vmem>>) dst(%dma_wait3A_260 : memref<16xf32, #tpu.memory_space<hbm>>)
      tpu.yield
    }) : () -> ()
    return
  }
}

module attributes {stable_mosaic.version = 14 : i64} {
  func.func @_tc_lse_body(%arg0: i32, %arg1: memref<21x32x8x128xf32, #tpu.memory_space<vmem>>, %arg2: memref<1x1xf32, #tpu.memory_space<smem>>) attributes {dimension_semantics = [#tpu.dimension_semantics<arbitrary>], iteration_bounds = array<i64: 4>, scalar_prefetch = 0 : i64, scratch_operands = 0 : i64, tpu.core_type = #tpu.core_type<tc>, window_params = [{transform_indices = @transform_0, window_bounds = array<i64: 21, 32, 8, 128>}, {transform_indices = @transform_1, window_bounds = array<i64: 1, 1>}]} {
    %get3A = arith.constant 0 : index
    %get3A_0 = arith.constant 0 : index
    %get3A_1 = arith.constant 0 : index
    %get3A_2 = arith.constant 0 : index
    %get3A_3 = vector.load %arg1[%get3A, %get3A_0, %get3A_1, %get3A_2] : memref<21x32x8x128xf32, #tpu.memory_space<vmem>>, vector<21x32x8x128xf32>
    %reduce_max3A = vector.shape_cast %get3A_3 : vector<21x32x8x128xf32> to vector<1x21x32x8x128xf32>
    %reduce_max3A_4 = arith.constant dense<0xFF800000> : vector<1xf32>
    %reduce_max3A_5 = vector.multi_reduction <maximumf>, %reduce_max3A, %reduce_max3A_4 [1, 2, 3, 4] : vector<1x21x32x8x128xf32> to vector<1xf32>
    %reduce_max3A_6 = vector.shape_cast %reduce_max3A_5 : vector<1xf32> to vector<1x1x1x1x1xf32>
    %reduce_max3A_7 = vector.extract %reduce_max3A_6[0, 0, 0, 0, 0] : f32 from vector<1x1x1x1x1xf32>
    %sub3A = vector.broadcast %reduce_max3A_7 : f32 to vector<21x32x8x128xf32>
    %sub3A_8 = arith.subf %get3A_3, %sub3A : vector<21x32x8x128xf32>
    %exp3A = math.exp %sub3A_8 : vector<21x32x8x128xf32>
    %reduce_sum3A = arith.constant dense<0.000000e+00> : vector<32x8x128xf32>
    %reduce_sum3A_9 = vector.multi_reduction <add>, %exp3A, %reduce_sum3A [0] : vector<21x32x8x128xf32> to vector<32x8x128xf32>
    %log3A = math.log %reduce_sum3A_9 : vector<32x8x128xf32>
    %reduce_sum3A_10 = vector.shape_cast %log3A : vector<32x8x128xf32> to vector<1x32x8x128xf32>
    %reduce_sum3A_11 = arith.constant dense<0.000000e+00> : vector<1xf32>
    %reduce_sum3A_12 = vector.multi_reduction <add>, %reduce_sum3A_10, %reduce_sum3A_11 [1, 2, 3] : vector<1x32x8x128xf32> to vector<1xf32>
    %reduce_sum3A_13 = vector.shape_cast %reduce_sum3A_12 : vector<1xf32> to vector<1x1x1x1xf32>
    %reduce_sum3A_14 = vector.extract %reduce_sum3A_13[0, 0, 0, 0] : f32 from vector<1x1x1x1xf32>
    %mul3A = arith.constant 3.276800e+04 : f32
    %mul3A_15 = arith.mulf %reduce_max3A_7, %mul3A : f32
    %add3A = arith.addf %reduce_sum3A_14, %mul3A_15 : f32
    %eq3A = arith.constant 0 : i32
    %eq3A_16 = arith.cmpi eq, %arg0, %eq3A : i32
    %convert_element_type3A = arith.extui %eq3A_16 : i1 to i32
    %cond3A = arith.constant 0 : i32
    %cond3A_17 = arith.cmpi ne, %convert_element_type3A, %cond3A : i32
    scf.if %cond3A_17 {
      %swap3A_24 = arith.constant 0.000000e+00 : f32
      %swap3A_25 = arith.constant 0 : index
      %swap3A_26 = arith.constant 0 : index
      %swap3A_27 = memref.load %arg2[%swap3A_25, %swap3A_26] : memref<1x1xf32, #tpu.memory_space<smem>>
      memref.store %swap3A_24, %arg2[%swap3A_25, %swap3A_26] : memref<1x1xf32, #tpu.memory_space<smem>>
    } else {
    }
    %get3A_18 = arith.constant 0 : index
    %get3A_19 = arith.constant 0 : index
    %get3A_20 = memref.load %arg2[%get3A_18, %get3A_19] : memref<1x1xf32, #tpu.memory_space<smem>>
    %add3A_21 = arith.addf %get3A_20, %add3A : f32
    %swap3A = arith.constant 0 : index
    %swap3A_22 = arith.constant 0 : index
    %swap3A_23 = memref.load %arg2[%swap3A, %swap3A_22] : memref<1x1xf32, #tpu.memory_space<smem>>
    memref.store %add3A_21, %arg2[%swap3A, %swap3A_22] : memref<1x1xf32, #tpu.memory_space<smem>>
    return
  }
  func.func @transform_0(%arg0: i32) -> (i32, i32, i32, i32) {
    %c0_i32 = arith.constant 0 : i32
    %c0_i32_0 = arith.constant 0 : i32
    %c0_i32_1 = arith.constant 0 : i32
    %c0_i32_2 = arith.constant 0 : i32
    return %c0_i32, %arg0, %c0_i32_0, %c0_i32_1 : i32, i32, i32, i32
  }
  func.func @transform_1(%arg0: i32) -> (i32, i32) {
    %c0_i32 = arith.constant 0 : i32
    %c0_i32_0 = arith.constant 0 : i32
    %c0_i32_1 = arith.constant 0 : i32
    return %c0_i32, %c0_i32_0 : i32, i32
  }
}

</mosaic_0001>

<sc_bundles>
// kernel: kernel.4.cloned.1.call-start
scs
__scs_entry_jumppad:
0x0: {  	(pc) =	sbr.rel $0x88, $3  }
0x1: {  	(tag) =	ssettag $0x0;
	lr =	simm.s32 $0x1  }
0x2: {  	[smem:$0x3F9E] =	sst lr;
	_ =	strace $0xD0000000  }
0x3: {  	_ = 	snop  }
0x4: {  	_ = 	snop  }
0x5: {  	_ = 	snop  }
0x6: {  	_ = 	snop  }
0x7: {  	_ = 	snop  }
__scs_overlays_trampoline_lowered:
0x8: {  	[smem:$0x3FAD] =	sst s0  }
0x9: {  	[smem:$0x3FAE] =	sst s1  }
0xa: {  	[smem:$0x3FAF] =	sst s2  }
0xb: {  	[smem:$0x3FB0] =	sst s3  }
0xc: {  	[smem:$0x3FB1] =	sst s4  }
0xd: {  	[smem:$0x3FB2] =	sst s5  }
0xe: {  	[smem:$0x3FB3] =	sst s6  }
0xf: {  	[smem:$0x3FB4] =	sst s7  }
0x10: {  	[smem:$0x3FB5] =	sst s8  }
0x11: {  	[smem:$0x3FB6] =	sst s9;
	s0 =	simm.s32 @!p0 $0x0  }
0x12: {  	s1 =	sld [smem:$0x3F9C];
	s0 =	simm.s32 @p0 $0x1  }
0x13: {  	[smem:$0x3FB7] =	sst s0;
	s0 =	simm.s32 @!p1 $0x0  }
0x14: {  	s2 =	sld [smem:$0x3F9B];
	s0 =	simm.s32 @p1 $0x1  }
0x15: {  	[smem:$0x3FB8] =	sst s0;
	s0 =	simm.s32 @!p2 $0x0  }
0x16: {  	s3 =	sld [smem:$0x3FDB];
	s0 =	simm.s32 @p2 $0x1  }
0x17: {  	s4 =	simm.s32 $0x1BF5;
	[smem:$0x3FBA] =	sst s0  }
0x18: {  	s0 =	sld [smem:$0x3F9D];
	_ =	swait.ge [sflag:s4], $0x0  }
0x19: {  	s7 =	sld [smem:$0x3F9E]  }
0x1a: {  	s8 =	sadd.s32 $0xFFFFE003, lr  }
0x1b: {  	s9 =	sadd.s32 $0xFFFFFEF7, lr;
	s5 =	simm.s32 $0xFFFFFFFF;
	p2 =	slt.u32 s8, $0xFFFFF086  }
0x1c: {  	p1 =	slt.u32 s9, $0xF7A;
	s5 =	simm.s32 @!p2 $0x0  }
0x1d: {  	s5 =	simm.s32 @p1 $0x1;
	p0 =	seq.s32 s7, s2  }
0x1e: {  	s7 =	smul.u32 @!p0 $0xF7A, s2;
	p2 =	seq.s32 @!p0 s5, $0x0  }
0x1f: {  	s9 =	smul.u32 $0xF7A, s1;
	s8 =	simm.s32 @!p0 $0x1BF5;
	p2 =	por !p2, p0  }
0x20: {  	[sflag:s8] =	ssyncset.s32 @!p0 $0xFFFFF086;
	s6 =	sadd.s32 @!p0 s3, s7;
	s7 =	simm.s32 @!p0 $0x108  }
0x21: {  	s3 =	sadd.s32 s3, s9;
	s6 =	sadd.s32 @!p0 $0x88, s6;
	s7 =	simm.s32 @p2 $0x1082  }
0x22: {  	[simem:s7], [sflag:s8] =	dma.local @!p0 [hbm:s6], $0xF7A  }
0x23: {  	s9 =	sor.u32 $0xD0000000, s2;
	s6 =	simm.s32 $0x108;
	_ =	swait.ge @!p0 [sflag:s8], $0x0  }
0x24: {  	s3 =	sadd.s32 $0x88, s3;
	s6 =	simm.s32 @!p1 $0x1082;
	[sflag:s4] =	ssyncset.s32 $0xFFFFF086  }
0x25: {  	[simem:s6], [sflag:s4] =	dma.local [hbm:s3], $0xF7A  }
0x26: {  	[smem:$0x3F9E] =	sst s1;
	(tag) =	ssettag s2;
	_ =	strace s9  }
0x27: {  	s1 =	sld [smem:$0x3FAE]  }
0x28: {  	s2 =	sld [smem:$0x3FAF]  }
0x29: {  	s4 =	sld [smem:$0x3FB1]  }
0x2a: {  	p0 =	seq.s32 s5, $0x0;
	s5 =	sld [smem:$0x3FB2]  }
0x2b: {  	s6 =	sld [smem:$0x3FB3]  }
0x2c: {  	s7 =	sld [smem:$0x3FB4]  }
0x2d: {  	s3 =	simm.s32 $0x108;
	s8 =	sld [smem:$0x3FB5]  }
0x2e: {  	s3 =	simm.s32 @!p0 $0x1082;
	s9 =	sld [smem:$0x3FB6]  }
0x2f: {  	lr =	sadd.s32 s0, s3;
	s0 =	sld [smem:$0x3FAD]  }
0x30: {  	s3 =	sld [smem:$0x3FB0]  }
0x31: {  	[smem:$0x3FB9] =	sst s10  }
0x32: {  	s10 =	sld [smem:$0x3FB7];
	_ =	sdelay $0x3  }
0x33: {  	p0 =	seq.s32 s10, $0x1;
	s10 =	sld [smem:$0x3FB9];
	_ =	sdelay $0x3  }
0x34: {  	[smem:$0x3FB9] =	sst s10  }
0x35: {  	s10 =	sld [smem:$0x3FB8];
	_ =	sdelay $0x3  }
0x36: {  	p1 =	seq.s32 s10, $0x1;
	s10 =	sld [smem:$0x3FB9];
	_ =	sdelay $0x3  }
0x37: {  	[smem:$0x3FB9] =	sst s10  }
0x38: {  	s10 =	sld [smem:$0x3FBA]  }
0x39: {  	_ = 	snop;
	(pc) =	sbr.ind lr, $3  }
0x3a: {  	_ = 	snop  }
0x3b: {  	_ = 	snop  }
0x3c: {  	p2 =	seq.s32 s10, $0x1;
	s10 =	sld [smem:$0x3FB9]  }
0x3d: {  	_ =	shalt  }
0x3e: {  	_ =	shalt  }
0x3f: {  	_ =	shalt  }
0x40: {  	_ =	shalt  }
0x41: {  	_ =	shalt  }
0x42: {  	_ =	shalt  }
0x43: {  	_ =	shalt  }
0x44: {  	_ =	shalt  }
0x45: {  	_ =	shalt  }
0x46: {  	_ =	shalt  }
0x47: {  	_ =	shalt  }
0x48: {  	_ =	shalt  }
0x49: {  	_ =	shalt  }
0x4a: {  	_ =	shalt  }
0x4b: {  	_ =	shalt  }
0x4c: {  	_ =	shalt  }
0x4d: {  	_ =	shalt  }
0x4e: {  	_ =	shalt  }
0x4f: {  	_ =	shalt  }
0x50: {  	_ =	shalt  }
0x51: {  	_ =	shalt  }
0x52: {  	_ =	shalt  }
0x53: {  	_ =	shalt  }
0x54: {  	_ =	shalt  }
0x55: {  	_ =	shalt  }
0x56: {  	_ =	shalt  }
0x57: {  	_ =	shalt  }
0x58: {  	_ =	shalt  }
0x59: {  	_ =	shalt  }
0x5a: {  	_ =	shalt  }
0x5b: {  	_ =	shalt  }
0x5c: {  	_ =	shalt  }
0x5d: {  	_ =	shalt  }
0x5e: {  	_ =	shalt  }
0x5f: {  	_ =	shalt  }
0x60: {  	_ =	shalt  }
0x61: {  	_ =	shalt  }
0x62: {  	_ =	shalt  }
0x63: {  	_ =	shalt  }
0x64: {  	_ =	shalt  }
0x65: {  	_ =	shalt  }
0x66: {  	_ =	shalt  }
0x67: {  	_ =	shalt  }
0x68: {  	_ =	shalt  }
0x69: {  	_ =	shalt  }
0x6a: {  	_ =	shalt  }
0x6b: {  	_ =	shalt  }
0x6c: {  	_ =	shalt  }
0x6d: {  	_ =	shalt  }
0x6e: {  	_ =	shalt  }
0x6f: {  	_ =	shalt  }
0x70: {  	_ =	shalt  }
0x71: {  	_ =	shalt  }
0x72: {  	_ =	shalt  }
0x73: {  	_ =	shalt  }
0x74: {  	_ =	shalt  }
0x75: {  	_ =	shalt  }
0x76: {  	_ =	shalt  }
0x77: {  	_ =	shalt  }
0x78: {  	_ =	shalt  }
0x79: {  	_ =	shalt  }
0x7a: {  	_ =	shalt  }
0x7b: {  	_ =	shalt  }
0x7c: {  	_ =	shalt  }
0x7d: {  	_ =	shalt  }
0x7e: {  	_ =	shalt  }
0x7f: {  	_ =	shalt  }
0x80: {  	_ =	shalt  }
0x81: {  	_ =	shalt  }
0x82: {  	_ =	shalt  }
0x83: {  	_ =	shalt  }
0x84: {  	_ =	shalt  }
0x85: {  	_ =	shalt  }
0x86: {  	_ =	shalt  }
0x87: {  	_ =	shalt  }
.Lfunc_end0:
.L_simem_size_0:
called_computation_lowered:
.L_overlay_start_0:
0x88: {  	s2 =	sld [smem:$0x3FD9]  }
0x89: {  	s3 =	sld [smem:$0x3FFE];
	_ =	sdelay $0x1  }
0x8a: {  	s1 =	srdreg.scid  }
0x8b: {  	s0 =	sand.u32 $0x1, s1  }
0x8c: {  	s17 =	sshll.u32 s0, $0xA;
	s2 =	sadd.s32 s3, s2  }
0x8d: {  	s2 =	sadd.s32 s2, s17  }
0x8e: {  	[smem:$0x3FC5] =	sst s2  }
0x8f: {  	_ = 	snop  }
0x90: {  	s2 =	sld [smem:$0x3FC9]  }
0x91: {  	s18 =	sld [smem:$0x3FC8]  }
0x92: {  	s4 =	sld [smem:$0x3FC7];
	(tm) =	ssettm $0x1  }
0x93: {  	s5 =	sld [smem:$0x3FFB];
	_ =	sdelay $0x3  }
0x94: {  	_ =	strace s5  }
0x95: {  	s5 =	sld [smem:$0x3FFC];
	_ =	sdelay $0x3  }
0x96: {  	_ =	strace s5  }
0x97: {  	s5 =	sld [smem:$0x3FFD];
	_ =	sdelay $0x3  }
0x98: {  	_ =	strace s5  }
0x99: {  	_ =	strace $0x8FFFFFFF  }
0x9a: {  	s19 =	sld [smem:$0x3FDB];
	_ =	sdelay $0x1  }
0x9b: {  	s6 =	simm.s32 $_scs_section_size  }
0x9c: {  	s7 =	simm.s32 $_size__tile_overlayer_lowered;
	s8 =	simm.s32 $_tile_overlayer_lowered  }
0x9d: {  	s22 =	simm.s32 $0x1BFF;
	s21 =	sshll.u32 s8, $0x1;
	s5 =	sadd.s32 s6, s19  }
0x9e: {  	s9 =	simm.s32 $0x0;
	s20 =	sshll.u32 s7, $0x1;
	s7 =	sadd.s32 s21, s5  }
0x9f: {  	[timem:s9], [sflag:s22] =	dma.local [hbm:s7], s20  }
0xa0: {  	_ =	swait.ge [sflag:s22], s20  }
0xa1: {  	s6 =	ssub.s32 $0x0, s20;
	[sflag:s22] =	ssyncset.done $0x0  }
0xa2: {  	[sflag:s22] =	ssyncadd.s32 s6;
	_ =	sdelay $0x1  }
0xa3: {  	s23 =	simm.s32 $0x1B8B  }
0xa4: {  	_ =	swait.ge [sflag:s23], $0x1  }
0xa5: {  	[sflag:s23] =	ssyncset.done $0x0  }
0xa6: {  	s25 =	simm.s32 $0x1B8E;
	s24 =	sld [smem:$0x3FFE];
	[sflag:s23] =	ssyncadd.s32 $0xFFFFFFFF  }
0xa7: {  	s26 =	simm.s32 $execute0_lowered;
	[smem:$0x3FD2] =	sst s25  }
0xa8: {  	s7 =	sshll.u32 s26, $0x1;
	_ =	strace $0x80000046;
	[dreg:$0x1] =	wrdreg $0xFFFFFFFF  }
0xa9: {  	s28 =	simm.s32 $_size_execute0_lowered;
	s5 =	sadd.s32 s5, s7;
	[dreg:$0x0] =	wrdreg $0x0  }
0xaa: {  	s7 =	sshll.u32 s28, $0x1;
	[dreg:$0x2] =	wrdreg s5  }
0xab: {  	[dreg:$0x3] =	wrdreg s7  }
0xac: {  	[dreg:$0x4] =	wrdreg $0xC0  }
0xad: {  	_ =	task [dreg:s9], $0x5FFFF  }
0xae: {  	[dreg:$0x1] =	wrdreg $0xFFFFFFFF  }
0xaf: {  	[dreg:$0x0] =	wrdreg $0x60  }
0xb0: {  	[dreg:$0x2] =	wrdreg s18  }
0xb1: {  	[dreg:$0x3] =	wrdreg s4  }
0xb2: {  	[dreg:$0x4] =	wrdreg s2  }
0xb3: {  	[dreg:$0x5] =	wrdreg s24  }
0xb4: {  	[dreg:$0x6] =	wrdreg $0x9  }
0xb5: {  	_ =	task.clear_ibuf [dreg:s9], $0x7FFFF;
	_ =	strace $0x90000046  }
0xb6: {  	s29 =	simm.s32 $0x9;
	_ =	strace $0x80000048  }
0xb7: {  	_ =	swait.ge [sflag:s29], $0x1  }
0xb8: {  	[sflag:s29] =	ssyncadd.s32 $0xFFFFFFFF  }
0xb9: {  	_ =	strace $0x90000048  }
0xba: {  	_ =	sfence  }
0xbb: {  	s30 =	sld [smem:$0x0];
	_ =	sdelay $0x2  }
0xbc: {  	s31 =	sshll.u32 s1, $0xD;
	s1 =	sshrl.u32 s1, $0x2  }
0xbd: {  	s3 =	sand.u32 $0x4000, s31;
	s1 =	sadd.s32 s1, s30  }
0xbe: {  	s0 =	sor.u32 s3, s0;
	s1 =	sshll.u32 s1, $0x11  }
0xbf: {  	s0 =	sor.u32 s1, s0  }
0xc0: {  	s0 =	sadd.s32 $0x8F2B, s0  }
0xc1: {  	[sflag:s0] =	ssyncadd.remote.s32 $0x1  }
0xc2: {  	_ =	sfence.sel $0xFFFF  }
0xc3: {  	[dreg:$0x0] =	wrdreg $0xFFFFFFFF;
	(pc) =	sbr.abs _section_cstart, $3  }
0xc4: {  	[dreg:$0x1] =	wrdreg $0xFFFFFFFF  }
0xc5: {  	_ =	task.clear_ibuf [dreg:s9], $0x2FFFF;
	_ =	strace $0x9FFFFFFF  }
0xc6: {  	(tm) =	ssettm $0x7FFFFFFF  }
0xc7: {  	_ =	shalt  }
tec
execute0_lowered:
.L_overlay_start_1:
0x0: {  	(tag) =	ssettag $0x1  }
0x1: {  	s5 =	rddreg [dreg:$0x0]  }
0x2: {  	s1 =	rddreg [dreg:$0x1]  }
0x3: {  	s3 =	rddreg [dreg:$0x2];
	s2 =	srdreg.scid  }
0x4: {  	s0 =	stileid.u32;
	s6 =	rddreg [dreg:$0x3];
	s4 =	simm.s32 $0x0  }
0x5: {  	s13 =	simm.s32 $0x2400;
	s14 =	simm.s32 $0x3400;
	s15 =	simm.s32 $0x1  }
0x6: {  	s16 =	simm.s32 $0x2800;
	s17 =	simm.s32 $0x3800;
	s18 =	simm.s32 $0x2  }
0x7: {  	s19 =	simm.s32 $0x2C00;
	s20 =	simm.s32 $0x3C00;
	s21 =	simm.s32 $0x3  }
0x8: {  	s23 =	simm.s32 $0x4000;
	s7 =	sand.u32 $0x1, s2;
	s2 =	rddreg [dreg:$0x4]  }
0x9: {  	s24 =	simm.s32 $0x0;
	s8 =	sshll.u32 s0, $0x1;
	[smem:$0x7FF] =	sst s4  }
0xa: {  	s31 =	sshrl.u32 s0, $0x1;
	s8 =	sor.u32 s7, s8;
	_ =	strace $0x80000047  }
0xb: {  	s7 =	ssub.s32 $0x2, s7;
	s10 =	sshll.u32 s31, $0xC;
	s22 =	sshll.u32 s31, $0x12  }
0xc: {  	s9 =	sshll.u32 s8, $0x4;
	s8 =	sand.u32 $0x3, s8;
	s11 =	sshrl.u32 s7, $0x1  }
0xd: {  	s5 =	sadd.s32 s5, s10;
	s10 =	simm.s32 $0x400;
	v0 =	vmov s22;
	s22 =	simm.s32 $0x4  }
0xe: {  	s6 =	sadd.s32 s9, s6;
	s12 =	sshll.u32 s8, $0xA;
	s7 =	ssub.s32 s7, s11  }
0xf: {  	s9 =	sshll.u32 s31, $0x7;
	s8 =	sshll.u32 s8, $0xF;
	s11 =	simm.s32 $0x2000  }
0x10: {  	s5 =	sadd.s32 s12, s5;
	s6 =	sadd.s32 $0x200, s6;
	s7 =	smax.u32 s7, $0x1  }
0x11: {  	v1 =	vlaneseq.u32;
	s8 =	sor.u32 s9, s8;
	s9 =	simm.s32 $0x5;
	s12 =	simm.s32 $0x3000  }
.LBB2_1:
0x12: {  	[tilespmem:s4], [sflag:$0x5] =	stream.linear.gather [hbm4b:s5+s4], $0x2000, $0x38;
	[tilespmem:$0x4080] =	vst v63  }
0x13: {  	_ =	swait.ge [sflag:s9], $0x2000  }
0x14: {  	[sflag:s9] =	ssyncset.done $0x0  }
0x15: {  	s25 =	simm.s32 $0x80;
	[sflag:s9] =	ssyncadd.s32 $0xFFFFE000  }
0x16: {  	v2 =	vld [tilespmem:s25+$0xFFFFFF80]  }
0x17: {  	v3 =	vld [tilespmem:s25+$0x0];
	_ =	sdelay $0x4  }
0x18: {  	v2 =	vmul.f32 $5.110000000e+02, v2;
	v3 =	vmul.f32 $5.110000000e+02, v3;
	_ =	sdelay $0x1  }
0x19: {  	v2 =	vadd.f32 $5.000000000e-01, v2;
	v3 =	vadd.f32 $5.000000000e-01, v3;
	_ =	sdelay $0x1  }
0x1a: {  	v2 =	vtrunc.f32 v2;
	v3 =	vtrunc.f32 v3  }
0x1b: {  	v2 =	vcvt.f32.s32 v2;
	v3 =	vcvt.f32.s32 v3;
	_ =	sdelay $0x1  }
0x1c: {  	v3 =	vshll.u32 v3, $0x9;
	v2 =	vadd.s32 v2, v0  }
0x1d: {  	s26 =	simm.s32 $0x0;
	v2 =	vadd.s32 v3, v2  }
0x1e: {  	[tilespmem:s26+$0x2000] =	vst v2  }
0x1f: {  	v2 =	vld [tilespmem:s25+$0xFFFFFF90]  }
0x20: {  	v3 =	vld [tilespmem:s25+$0x10];
	_ =	sdelay $0x4  }
0x21: {  	v2 =	vmul.f32 $5.110000000e+02, v2;
	v3 =	vmul.f32 $5.110000000e+02, v3;
	_ =	sdelay $0x1  }
0x22: {  	v2 =	vadd.f32 $5.000000000e-01, v2;
	v3 =	vadd.f32 $5.000000000e-01, v3;
	_ =	sdelay $0x1  }
0x23: {  	v2 =	vtrunc.f32 v2;
	v3 =	vtrunc.f32 v3  }
0x24: {  	v2 =	vcvt.f32.s32 v2;
	v3 =	vcvt.f32.s32 v3;
	_ =	sdelay $0x1  }
0x25: {  	v2 =	vadd.s32 v2, v0;
	v3 =	vshll.u32 v3, $0x9  }
0x26: {  	v2 =	vadd.s32 v3, v2  }
0x27: {  	[tilespmem:s26+$0x2010] =	vst v2  }
0x28: {  	v2 =	vld [tilespmem:s25+$0xFFFFFFA0]  }
0x29: {  	v3 =	vld [tilespmem:s25+$0x20];
	_ =	sdelay $0x4  }
0x2a: {  	v2 =	vmul.f32 $5.110000000e+02, v2;
	v3 =	vmul.f32 $5.110000000e+02, v3;
	_ =	sdelay $0x1  }
0x2b: {  	v2 =	vadd.f32 $5.000000000e-01, v2;
	v3 =	vadd.f32 $5.000000000e-01, v3;
	_ =	sdelay $0x1  }
0x2c: {  	v2 =	vtrunc.f32 v2;
	v3 =	vtrunc.f32 v3  }
0x2d: {  	v2 =	vcvt.f32.s32 v2;
	v3 =	vcvt.f32.s32 v3;
	_ =	sdelay $0x1  }
0x2e: {  	v2 =	vadd.s32 v2, v0;
	v3 =	vshll.u32 v3, $0x9  }
0x2f: {  	v2 =	vadd.s32 v3, v2  }
0x30: {  	[tilespmem:s26+$0x2020] =	vst v2  }
0x31: {  	v2 =	vld [tilespmem:s25+$0xFFFFFFB0]  }
0x32: {  	v3 =	vld [tilespmem:s25+$0x30];
	_ =	sdelay $0x4  }
0x33: {  	v2 =	vmul.f32 $5.110000000e+02, v2;
	v3 =	vmul.f32 $5.110000000e+02, v3;
	_ =	sdelay $0x1  }
0x34: {  	v2 =	vadd.f32 $5.000000000e-01, v2;
	v3 =	vadd.f32 $5.000000000e-01, v3;
	_ =	sdelay $0x1  }
0x35: {  	v2 =	vtrunc.f32 v2;
	v3 =	vtrunc.f32 v3  }
0x36: {  	v2 =	vcvt.f32.s32 v2;
	v3 =	vcvt.f32.s32 v3;
	_ =	sdelay $0x1  }
0x37: {  	v2 =	vadd.s32 v2, v0;
	v3 =	vshll.u32 v3, $0x9  }
0x38: {  	v2 =	vadd.s32 v3, v2  }
0x39: {  	[tilespmem:s26+$0x2030] =	vst v2  }
0x3a: {  	v2 =	vld [tilespmem:s25+$0xFFFFFFC0]  }
0x3b: {  	v3 =	vld [tilespmem:s25+$0x40];
	_ =	sdelay $0x4  }
0x3c: {  	v2 =	vmul.f32 $5.110000000e+02, v2;
	v3 =	vmul.f32 $5.110000000e+02, v3;
	_ =	sdelay $0x1  }
0x3d: {  	v2 =	vadd.f32 $5.000000000e-01, v2;
	v3 =	vadd.f32 $5.000000000e-01, v3;
	_ =	sdelay $0x1  }
0x3e: {  	v2 =	vtrunc.f32 v2;
	v3 =	vtrunc.f32 v3  }
0x3f: {  	v2 =	vcvt.f32.s32 v2;
	v3 =	vcvt.f32.s32 v3;
	_ =	sdelay $0x1  }
0x40: {  	v2 =	vadd.s32 v2, v0;
	v3 =	vshll.u32 v3, $0x9  }
0x41: {  	v2 =	vadd.s32 v3, v2  }
0x42: {  	[tilespmem:s26+$0x2040] =	vst v2  }
0x43: {  	v2 =	vld [tilespmem:s25+$0xFFFFFFD0]  }
0x44: {  	v3 =	vld [tilespmem:s25+$0x50];
	_ =	sdelay $0x4  }
0x45: {  	v2 =	vmul.f32 $5.110000000e+02, v2;
	v3 =	vmul.f32 $5.110000000e+02, v3;
	_ =	sdelay $0x1  }
0x46: {  	v2 =	vadd.f32 $5.000000000e-01, v2;
	v3 =	vadd.f32 $5.000000000e-01, v3;
	_ =	sdelay $0x1  }
0x47: {  	v2 =	vtrunc.f32 v2;
	v3 =	vtrunc.f32 v3  }
0x48: {  	v2 =	vcvt.f32.s32 v2;
	v3 =	vcvt.f32.s32 v3;
	_ =	sdelay $0x1  }
0x49: {  	v2 =	vadd.s32 v2, v0;
	v3 =	vshll.u32 v3, $0x9  }
0x4a: {  	v2 =	vadd.s32 v3, v2  }
0x4b: {  	[tilespmem:s26+$0x2050] =	vst v2  }
0x4c: {  	v2 =	vld [tilespmem:s25+$0xFFFFFFE0]  }
0x4d: {  	v3 =	vld [tilespmem:s25+$0x60];
	_ =	sdelay $0x4  }
0x4e: {  	v2 =	vmul.f32 $5.110000000e+02, v2;
	v3 =	vmul.f32 $5.110000000e+02, v3;
	_ =	sdelay $0x1  }
0x4f: {  	v2 =	vadd.f32 $5.000000000e-01, v2;
	v3 =	vadd.f32 $5.000000000e-01, v3;
	_ =	sdelay $0x1  }
0x50: {  	v2 =	vtrunc.f32 v2;
	v3 =	vtrunc.f32 v3  }
0x51: {  	v2 =	vcvt.f32.s32 v2;
	v3 =	vcvt.f32.s32 v3;
	_ =	sdelay $0x1  }
0x52: {  	v2 =	vadd.s32 v2, v0;
	v3 =	vshll.u32 v3, $0x9  }
0x53: {  	v2 =	vadd.s32 v3, v2  }
0x54: {  	[tilespmem:s26+$0x2060] =	vst v2  }
0x55: {  	v2 =	vld [tilespmem:s25+$0xFFFFFFF0];
	_ =	sdelay $0x1  }
0x56: {  	v3 =	vld [tilespmem:s25+$0x70];
	_ =	sdelay $0x2  }
0x57: {  	v2 =	vmul.f32 $5.110000000e+02, v2;
	_ =	sdelay $0x1  }
0x58: {  	s28 =	simm.s32 $0x200;
	v3 =	vmul.f32 $5.110000000e+02, v3;
	v2 =	vadd.f32 $5.000000000e-01, v2  }
.LBB2_2:
0x59: {  	p0 =	sne.s32 s28, $0xE00  }
0x5a: {  	v3 =	vadd.f32 $5.000000000e-01, v3;
	s25 =	sadd.s32 $0x100, s25;
	s29 =	smov.u32 s28;
	s28 =	sadd.s32 $0x200, s28  }
0x5b: {  	v2 =	vtrunc.f32 v2  }
0x5c: {  	v2 =	vcvt.f32.s32 v2;
	v3 =	vtrunc.f32 v3  }
0x5d: {  	v3 =	vcvt.f32.s32 v3  }
0x5e: {  	v2 =	vadd.s32 v2, v0  }
0x5f: {  	v3 =	vshll.u32 v3, $0x9  }
0x60: {  	v2 =	vadd.s32 v3, v2  }
0x61: {  	[tilespmem:s26+$0x2070] =	vst v2  }
0x62: {  	v2 =	vld [tilespmem:s25+$0xFFFFFF80]  }
0x63: {  	v3 =	vld [tilespmem:s25+$0x0];
	_ =	sdelay $0x3  }
0x64: {  	v2 =	vmul.f32 $5.110000000e+02, v2  }
0x65: {  	v3 =	vmul.f32 $5.110000000e+02, v3  }
0x66: {  	v2 =	vadd.f32 $5.000000000e-01, v2  }
0x67: {  	v3 =	vadd.f32 $5.000000000e-01, v3  }
0x68: {  	v2 =	vtrunc.f32 v2  }
0x69: {  	v2 =	vcvt.f32.s32 v2;
	v3 =	vtrunc.f32 v3  }
0x6a: {  	v3 =	vcvt.f32.s32 v3;
	_ =	sdelay $0x1  }
0x6b: {  	v2 =	vadd.s32 v2, v0;
	v3 =	vshll.u32 v3, $0x9  }
0x6c: {  	s26 =	sshra.s32 s29, $0x2;
	v2 =	vadd.s32 v3, v2  }
0x6d: {  	[tilespmem:s26+$0x2000] =	vst v2  }
0x6e: {  	v2 =	vld [tilespmem:s25+$0xFFFFFF90]  }
0x6f: {  	v3 =	vld [tilespmem:s25+$0x10];
	_ =	sdelay $0x3  }
0x70: {  	v2 =	vmul.f32 $5.110000000e+02, v2  }
0x71: {  	v3 =	vmul.f32 $5.110000000e+02, v3  }
0x72: {  	v2 =	vadd.f32 $5.000000000e-01, v2  }
0x73: {  	v3 =	vadd.f32 $5.000000000e-01, v3  }
0x74: {  	v2 =	vtrunc.f32 v2  }
0x75: {  	v2 =	vcvt.f32.s32 v2;
	v3 =	vtrunc.f32 v3  }
0x76: {  	v3 =	vcvt.f32.s32 v3  }
0x77: {  	v2 =	vadd.s32 v2, v0  }
0x78: {  	v3 =	vshll.u32 v3, $0x9  }
0x79: {  	v2 =	vadd.s32 v3, v2  }
0x7a: {  	[tilespmem:s26+$0x2010] =	vst v2  }
0x7b: {  	v2 =	vld [tilespmem:s25+$0xFFFFFFA0]  }
0x7c: {  	v3 =	vld [tilespmem:s25+$0x20];
	_ =	sdelay $0x3  }
0x7d: {  	v2 =	vmul.f32 $5.110000000e+02, v2  }
0x7e: {  	v3 =	vmul.f32 $5.110000000e+02, v3  }
0x7f: {  	v2 =	vadd.f32 $5.000000000e-01, v2  }
0x80: {  	v3 =	vadd.f32 $5.000000000e-01, v3  }
0x81: {  	v2 =	vtrunc.f32 v2  }
0x82: {  	v2 =	vcvt.f32.s32 v2;
	v3 =	vtrunc.f32 v3  }
0x83: {  	v3 =	vcvt.f32.s32 v3  }
0x84: {  	v2 =	vadd.s32 v2, v0  }
0x85: {  	v3 =	vshll.u32 v3, $0x9  }
0x86: {  	v2 =	vadd.s32 v3, v2  }
0x87: {  	[tilespmem:s26+$0x2020] =	vst v2  }
0x88: {  	v2 =	vld [tilespmem:s25+$0xFFFFFFB0]  }
0x89: {  	v3 =	vld [tilespmem:s25+$0x30];
	_ =	sdelay $0x3  }
0x8a: {  	v2 =	vmul.f32 $5.110000000e+02, v2  }
0x8b: {  	v3 =	vmul.f32 $5.110000000e+02, v3  }
0x8c: {  	v2 =	vadd.f32 $5.000000000e-01, v2  }
0x8d: {  	v3 =	vadd.f32 $5.000000000e-01, v3  }
0x8e: {  	v2 =	vtrunc.f32 v2  }
0x8f: {  	v2 =	vcvt.f32.s32 v2;
	v3 =	vtrunc.f32 v3  }
0x90: {  	v3 =	vcvt.f32.s32 v3  }
0x91: {  	v2 =	vadd.s32 v2, v0  }
0x92: {  	v3 =	vshll.u32 v3, $0x9  }
0x93: {  	v2 =	vadd.s32 v3, v2  }
0x94: {  	[tilespmem:s26+$0x2030] =	vst v2  }
0x95: {  	v2 =	vld [tilespmem:s25+$0xFFFFFFC0]  }
0x96: {  	v3 =	vld [tilespmem:s25+$0x40];
	_ =	sdelay $0x3  }
0x97: {  	v2 =	vmul.f32 $5.110000000e+02, v2  }
0x98: {  	v3 =	vmul.f32 $5.110000000e+02, v3  }
0x99: {  	v2 =	vadd.f32 $5.000000000e-01, v2  }
0x9a: {  	v3 =	vadd.f32 $5.000000000e-01, v3  }
0x9b: {  	v2 =	vtrunc.f32 v2  }
0x9c: {  	v2 =	vcvt.f32.s32 v2;
	v3 =	vtrunc.f32 v3  }
0x9d: {  	v3 =	vcvt.f32.s32 v3  }
0x9e: {  	v2 =	vadd.s32 v2, v0  }
0x9f: {  	v3 =	vshll.u32 v3, $0x9  }
0xa0: {  	v2 =	vadd.s32 v3, v2  }
0xa1: {  	[tilespmem:s26+$0x2040] =	vst v2  }
0xa2: {  	v2 =	vld [tilespmem:s25+$0xFFFFFFD0]  }
0xa3: {  	v3 =	vld [tilespmem:s25+$0x50];
	_ =	sdelay $0x3  }
0xa4: {  	v2 =	vmul.f32 $5.110000000e+02, v2  }
0xa5: {  	v3 =	vmul.f32 $5.110000000e+02, v3  }
0xa6: {  	v2 =	vadd.f32 $5.000000000e-01, v2  }
0xa7: {  	v3 =	vadd.f32 $5.000000000e-01, v3  }
0xa8: {  	v2 =	vtrunc.f32 v2  }
0xa9: {  	v2 =	vcvt.f32.s32 v2;
	v3 =	vtrunc.f32 v3  }
0xaa: {  	v3 =	vcvt.f32.s32 v3  }
0xab: {  	v2 =	vadd.s32 v2, v0  }
0xac: {  	v3 =	vshll.u32 v3, $0x9  }
0xad: {  	v2 =	vadd.s32 v3, v2  }
0xae: {  	[tilespmem:s26+$0x2050] =	vst v2  }
0xaf: {  	v2 =	vld [tilespmem:s25+$0xFFFFFFE0]  }
0xb0: {  	v3 =	vld [tilespmem:s25+$0x60];
	_ =	sdelay $0x3  }
0xb1: {  	v2 =	vmul.f32 $5.110000000e+02, v2  }
0xb2: {  	v3 =	vmul.f32 $5.110000000e+02, v3  }
0xb3: {  	v2 =	vadd.f32 $5.000000000e-01, v2  }
0xb4: {  	v3 =	vadd.f32 $5.000000000e-01, v3  }
0xb5: {  	v2 =	vtrunc.f32 v2  }
0xb6: {  	v2 =	vcvt.f32.s32 v2;
	v3 =	vtrunc.f32 v3  }
0xb7: {  	v3 =	vcvt.f32.s32 v3  }
0xb8: {  	v2 =	vadd.s32 v2, v0  }
0xb9: {  	v3 =	vshll.u32 v3, $0x9  }
0xba: {  	v2 =	vadd.s32 v3, v2  }
0xbb: {  	[tilespmem:s26+$0x2060] =	vst v2  }
0xbc: {  	v2 =	vld [tilespmem:s25+$0xFFFFFFF0]  }
0xbd: {  	v3 =	vld [tilespmem:s25+$0x70];
	_ =	sdelay $0x1  }
.Ltmp0:
0xbe: {  	(pc) =	sbr.rel @p0 .LBB2_2-.Ltmp0, $4  }
0xbf: {  	_ = 	snop  }
0xc0: {  	v2 =	vmul.f32 $5.110000000e+02, v2  }
0xc1: {  	v3 =	vmul.f32 $5.110000000e+02, v3  }
0xc2: {  	v2 =	vadd.f32 $5.000000000e-01, v2  }
0xc3: {  	v3 =	vadd.f32 $5.000000000e-01, v3;
	_ =	sdelay $0x1  }
0xc4: {  	v2 =	vtrunc.f32 v2;
	v3 =	vtrunc.f32 v3  }
0xc5: {  	v2 =	vcvt.f32.s32 v2;
	v3 =	vcvt.f32.s32 v3;
	_ =	sdelay $0x1  }
0xc6: {  	v2 =	vadd.s32 v2, v0;
	v3 =	vshll.u32 v3, $0x9  }
0xc7: {  	v2 =	vadd.s32 v3, v2  }
0xc8: {  	s25 =	simm.s32 $0x8F0;
	[tilespmem:s26+$0x2070] =	vst v2  }
0xc9: {  	[tilespmem:s12], [sflag:$0x1] =	stream.indirect.gather [hbm4b:s1+s10], $0x1, s11, s10, $0xb8;
	[tilespmem:$0x4080] =	vst v63  }
0xca: {  	v2 =	vld [tilespmem:s25+$0xFFFFFF10]  }
0xcb: {  	v3 =	vld [tilespmem:s25+$0xFFFFFF90];
	_ =	sdelay $0x4  }
0xcc: {  	v2 =	vmul.f32 $5.110000000e+02, v2;
	v3 =	vmul.f32 $5.110000000e+02, v3;
	_ =	sdelay $0x1  }
0xcd: {  	v2 =	vadd.f32 $5.000000000e-01, v2;
	v3 =	vadd.f32 $5.000000000e-01, v3;
	_ =	sdelay $0x1  }
0xce: {  	v2 =	vtrunc.f32 v2;
	v3 =	vtrunc.f32 v3  }
0xcf: {  	v2 =	vcvt.f32.s32 v2;
	v3 =	vcvt.f32.s32 v3;
	_ =	sdelay $0x1  }
0xd0: {  	v3 =	vshll.u32 v3, $0x9;
	v2 =	vadd.s32 v2, v0  }
0xd1: {  	s26 =	simm.s32 $0x0;
	v2 =	vadd.s32 v3, v2  }
0xd2: {  	[tilespmem:s26+$0x2400] =	vst v2  }
0xd3: {  	v2 =	vld [tilespmem:s25+$0xFFFFFF20]  }
0xd4: {  	v3 =	vld [tilespmem:s25+$0xFFFFFFA0];
	_ =	sdelay $0x4  }
0xd5: {  	v2 =	vmul.f32 $5.110000000e+02, v2;
	v3 =	vmul.f32 $5.110000000e+02, v3;
	_ =	sdelay $0x1  }
0xd6: {  	v2 =	vadd.f32 $5.000000000e-01, v2;
	v3 =	vadd.f32 $5.000000000e-01, v3;
	_ =	sdelay $0x1  }
0xd7: {  	v2 =	vtrunc.f32 v2;
	v3 =	vtrunc.f32 v3  }
0xd8: {  	v2 =	vcvt.f32.s32 v2;
	v3 =	vcvt.f32.s32 v3;
	_ =	sdelay $0x1  }
0xd9: {  	v2 =	vadd.s32 v2, v0;
	v3 =	vshll.u32 v3, $0x9  }
0xda: {  	v2 =	vadd.s32 v3, v2  }
0xdb: {  	[tilespmem:s26+$0x2410] =	vst v2  }
0xdc: {  	v2 =	vld [tilespmem:s25+$0xFFFFFF30]  }
0xdd: {  	v3 =	vld [tilespmem:s25+$0xFFFFFFB0];
	_ =	sdelay $0x4  }
0xde: {  	v2 =	vmul.f32 $5.110000000e+02, v2;
	v3 =	vmul.f32 $5.110000000e+02, v3;
	_ =	sdelay $0x1  }
0xdf: {  	v2 =	vadd.f32 $5.000000000e-01, v2;
	v3 =	vadd.f32 $5.000000000e-01, v3;
	_ =	sdelay $0x1  }
0xe0: {  	v2 =	vtrunc.f32 v2;
	v3 =	vtrunc.f32 v3  }
0xe1: {  	v2 =	vcvt.f32.s32 v2;
	v3 =	vcvt.f32.s32 v3;
	_ =	sdelay $0x1  }
0xe2: {  	v2 =	vadd.s32 v2, v0;
	v3 =	vshll.u32 v3, $0x9  }
0xe3: {  	v2 =	vadd.s32 v3, v2  }
0xe4: {  	[tilespmem:s26+$0x2420] =	vst v2  }
0xe5: {  	v2 =	vld [tilespmem:s25+$0xFFFFFF40]  }
0xe6: {  	v3 =	vld [tilespmem:s25+$0xFFFFFFC0];
	_ =	sdelay $0x4  }
0xe7: {  	v2 =	vmul.f32 $5.110000000e+02, v2;
	v3 =	vmul.f32 $5.110000000e+02, v3;
	_ =	sdelay $0x1  }
0xe8: {  	v2 =	vadd.f32 $5.000000000e-01, v2;
	v3 =	vadd.f32 $5.000000000e-01, v3;
	_ =	sdelay $0x1  }
0xe9: {  	v2 =	vtrunc.f32 v2;
	v3 =	vtrunc.f32 v3  }
0xea: {  	v2 =	vcvt.f32.s32 v2;
	v3 =	vcvt.f32.s32 v3;
	_ =	sdelay $0x1  }
0xeb: {  	v2 =	vadd.s32 v2, v0;
	v3 =	vshll.u32 v3, $0x9  }
0xec: {  	v2 =	vadd.s32 v3, v2  }
0xed: {  	[tilespmem:s26+$0x2430] =	vst v2  }
0xee: {  	v2 =	vld [tilespmem:s25+$0xFFFFFF50]  }
0xef: {  	v3 =	vld [tilespmem:s25+$0xFFFFFFD0];
	_ =	sdelay $0x4  }
0xf0: {  	v2 =	vmul.f32 $5.110000000e+02, v2;
	v3 =	vmul.f32 $5.110000000e+02, v3;
	_ =	sdelay $0x1  }
0xf1: {  	v2 =	vadd.f32 $5.000000000e-01, v2;
	v3 =	vadd.f32 $5.000000000e-01, v3;
	_ =	sdelay $0x1  }
0xf2: {  	v2 =	vtrunc.f32 v2;
	v3 =	vtrunc.f32 v3  }
0xf3: {  	v2 =	vcvt.f32.s32 v2;
	v3 =	vcvt.f32.s32 v3;
	_ =	sdelay $0x1  }
0xf4: {  	v2 =	vadd.s32 v2, v0;
	v3 =	vshll.u32 v3, $0x9  }
0xf5: {  	v2 =	vadd.s32 v3, v2  }
0xf6: {  	[tilespmem:s26+$0x2440] =	vst v2  }
0xf7: {  	v2 =	vld [tilespmem:s25+$0xFFFFFF60]  }
0xf8: {  	v3 =	vld [tilespmem:s25+$0xFFFFFFE0];
	_ =	sdelay $0x4  }
0xf9: {  	v2 =	vmul.f32 $5.110000000e+02, v2;
	v3 =	vmul.f32 $5.110000000e+02, v3;
	_ =	sdelay $0x1  }
0xfa: {  	v2 =	vadd.f32 $5.000000000e-01, v2;
	v3 =	vadd.f32 $5.000000000e-01, v3;
	_ =	sdelay $0x1  }
0xfb: {  	v2 =	vtrunc.f32 v2;
	v3 =	vtrunc.f32 v3  }
0xfc: {  	v2 =	vcvt.f32.s32 v2;
	v3 =	vcvt.f32.s32 v3;
	_ =	sdelay $0x1  }
0xfd: {  	v2 =	vadd.s32 v2, v0;
	v3 =	vshll.u32 v3, $0x9  }
0xfe: {  	v2 =	vadd.s32 v3, v2  }
0xff: {  	[tilespmem:s26+$0x2450] =	vst v2  }
0x100: {  	v2 =	vld [tilespmem:s25+$0xFFFFFF70]  }
0x101: {  	v3 =	vld [tilespmem:s25+$0xFFFFFFF0];
	_ =	sdelay $0x4  }
0x102: {  	v2 =	vmul.f32 $5.110000000e+02, v2;
	v3 =	vmul.f32 $5.110000000e+02, v3;
	_ =	sdelay $0x1  }
0x103: {  	v2 =	vadd.f32 $5.000000000e-01, v2;
	v3 =	vadd.f32 $5.000000000e-01, v3;
	_ =	sdelay $0x1  }
0x104: {  	v2 =	vtrunc.f32 v2;
	v3 =	vtrunc.f32 v3  }
0x105: {  	v2 =	vcvt.f32.s32 v2;
	v3 =	vcvt.f32.s32 v3;
	_ =	sdelay $0x1  }
0x106: {  	v2 =	vadd.s32 v2, v0;
	v3 =	vshll.u32 v3, $0x9  }
0x107: {  	v2 =	vadd.s32 v3, v2  }
0x108: {  	[tilespmem:s26+$0x2460] =	vst v2  }
0x109: {  	v2 =	vld [tilespmem:s25+$0xFFFFFF80];
	_ =	sdelay $0x1  }
0x10a: {  	v3 =	vld [tilespmem:s25+$0x0];
	_ =	sdelay $0x2  }
0x10b: {  	v2 =	vmul.f32 $5.110000000e+02, v2;
	_ =	sdelay $0x1  }
0x10c: {  	s28 =	simm.s32 $0x200;
	v3 =	vmul.f32 $5.110000000e+02, v3;
	v2 =	vadd.f32 $5.000000000e-01, v2  }
.LBB2_4:
0x10d: {  	p0 =	sne.s32 s28, $0xE00  }
0x10e: {  	v3 =	vadd.f32 $5.000000000e-01, v3;
	s25 =	sadd.s32 $0x100, s25;
	s29 =	smov.u32 s28;
	s28 =	sadd.s32 $0x200, s28  }
0x10f: {  	v2 =	vtrunc.f32 v2  }
0x110: {  	v2 =	vcvt.f32.s32 v2;
	v3 =	vtrunc.f32 v3  }
0x111: {  	v3 =	vcvt.f32.s32 v3  }
0x112: {  	v2 =	vadd.s32 v2, v0  }
0x113: {  	v3 =	vshll.u32 v3, $0x9  }
0x114: {  	v2 =	vadd.s32 v3, v2  }
0x115: {  	[tilespmem:s26+$0x2470] =	vst v2  }
0x116: {  	v2 =	vld [tilespmem:s25+$0xFFFFFF10]  }
0x117: {  	v3 =	vld [tilespmem:s25+$0xFFFFFF90];
	_ =	sdelay $0x3  }
0x118: {  	v2 =	vmul.f32 $5.110000000e+02, v2  }
0x119: {  	v3 =	vmul.f32 $5.110000000e+02, v3  }
0x11a: {  	v2 =	vadd.f32 $5.000000000e-01, v2  }
0x11b: {  	v3 =	vadd.f32 $5.000000000e-01, v3  }
0x11c: {  	v2 =	vtrunc.f32 v2  }
0x11d: {  	v2 =	vcvt.f32.s32 v2;
	v3 =	vtrunc.f32 v3  }
0x11e: {  	v3 =	vcvt.f32.s32 v3;
	_ =	sdelay $0x1  }
0x11f: {  	v2 =	vadd.s32 v2, v0;
	v3 =	vshll.u32 v3, $0x9  }
0x120: {  	s26 =	sshra.s32 s29, $0x2;
	v2 =	vadd.s32 v3, v2  }
0x121: {  	[tilespmem:s26+$0x2400] =	vst v2  }
0x122: {  	v2 =	vld [tilespmem:s25+$0xFFFFFF20]  }
0x123: {  	v3 =	vld [tilespmem:s25+$0xFFFFFFA0];
	_ =	sdelay $0x3  }
0x124: {  	v2 =	vmul.f32 $5.110000000e+02, v2  }
0x125: {  	v3 =	vmul.f32 $5.110000000e+02, v3  }
0x126: {  	v2 =	vadd.f32 $5.000000000e-01, v2  }
0x127: {  	v3 =	vadd.f32 $5.000000000e-01, v3  }
0x128: {  	v2 =	vtrunc.f32 v2  }
0x129: {  	v2 =	vcvt.f32.s32 v2;
	v3 =	vtrunc.f32 v3  }
0x12a: {  	v3 =	vcvt.f32.s32 v3  }
0x12b: {  	v2 =	vadd.s32 v2, v0  }
0x12c: {  	v3 =	vshll.u32 v3, $0x9  }
0x12d: {  	v2 =	vadd.s32 v3, v2  }
0x12e: {  	[tilespmem:s26+$0x2410] =	vst v2  }
0x12f: {  	v2 =	vld [tilespmem:s25+$0xFFFFFF30]  }
0x130: {  	v3 =	vld [tilespmem:s25+$0xFFFFFFB0];
	_ =	sdelay $0x3  }
0x131: {  	v2 =	vmul.f32 $5.110000000e+02, v2  }
0x132: {  	v3 =	vmul.f32 $5.110000000e+02, v3  }
0x133: {  	v2 =	vadd.f32 $5.000000000e-01, v2  }
0x134: {  	v3 =	vadd.f32 $5.000000000e-01, v3  }
0x135: {  	v2 =	vtrunc.f32 v2  }
0x136: {  	v2 =	vcvt.f32.s32 v2;
	v3 =	vtrunc.f32 v3  }
0x137: {  	v3 =	vcvt.f32.s32 v3  }
0x138: {  	v2 =	vadd.s32 v2, v0  }
0x139: {  	v3 =	vshll.u32 v3, $0x9  }
0x13a: {  	v2 =	vadd.s32 v3, v2  }
0x13b: {  	[tilespmem:s26+$0x2420] =	vst v2  }
0x13c: {  	v2 =	vld [tilespmem:s25+$0xFFFFFF40]  }
0x13d: {  	v3 =	vld [tilespmem:s25+$0xFFFFFFC0];
	_ =	sdelay $0x3  }
0x13e: {  	v2 =	vmul.f32 $5.110000000e+02, v2  }
0x13f: {  	v3 =	vmul.f32 $5.110000000e+02, v3  }
0x140: {  	v2 =	vadd.f32 $5.000000000e-01, v2  }
0x141: {  	v3 =	vadd.f32 $5.000000000e-01, v3  }
0x142: {  	v2 =	vtrunc.f32 v2  }
0x143: {  	v2 =	vcvt.f32.s32 v2;
	v3 =	vtrunc.f32 v3  }
0x144: {  	v3 =	vcvt.f32.s32 v3  }
0x145: {  	v2 =	vadd.s32 v2, v0  }
0x146: {  	v3 =	vshll.u32 v3, $0x9  }
0x147: {  	v2 =	vadd.s32 v3, v2  }
0x148: {  	[tilespmem:s26+$0x2430] =	vst v2  }
0x149: {  	v2 =	vld [tilespmem:s25+$0xFFFFFF50]  }
0x14a: {  	v3 =	vld [tilespmem:s25+$0xFFFFFFD0];
	_ =	sdelay $0x3  }
0x14b: {  	v2 =	vmul.f32 $5.110000000e+02, v2  }
0x14c: {  	v3 =	vmul.f32 $5.110000000e+02, v3  }
0x14d: {  	v2 =	vadd.f32 $5.000000000e-01, v2  }
0x14e: {  	v3 =	vadd.f32 $5.000000000e-01, v3  }
0x14f: {  	v2 =	vtrunc.f32 v2  }
0x150: {  	v2 =	vcvt.f32.s32 v2;
	v3 =	vtrunc.f32 v3  }
0x151: {  	v3 =	vcvt.f32.s32 v3  }
0x152: {  	v2 =	vadd.s32 v2, v0  }
0x153: {  	v3 =	vshll.u32 v3, $0x9  }
0x154: {  	v2 =	vadd.s32 v3, v2  }
0x155: {  	[tilespmem:s26+$0x2440] =	vst v2  }
0x156: {  	v2 =	vld [tilespmem:s25+$0xFFFFFF60]  }
0x157: {  	v3 =	vld [tilespmem:s25+$0xFFFFFFE0];
	_ =	sdelay $0x3  }
0x158: {  	v2 =	vmul.f32 $5.110000000e+02, v2  }
0x159: {  	v3 =	vmul.f32 $5.110000000e+02, v3  }
0x15a: {  	v2 =	vadd.f32 $5.000000000e-01, v2  }
0x15b: {  	v3 =	vadd.f32 $5.000000000e-01, v3  }
0x15c: {  	v2 =	vtrunc.f32 v2  }
0x15d: {  	v2 =	vcvt.f32.s32 v2;
	v3 =	vtrunc.f32 v3  }
0x15e: {  	v3 =	vcvt.f32.s32 v3  }
0x15f: {  	v2 =	vadd.s32 v2, v0  }
0x160: {  	v3 =	vshll.u32 v3, $0x9  }
0x161: {  	v2 =	vadd.s32 v3, v2  }
0x162: {  	[tilespmem:s26+$0x2450] =	vst v2  }
0x163: {  	v2 =	vld [tilespmem:s25+$0xFFFFFF70]  }
0x164: {  	v3 =	vld [tilespmem:s25+$0xFFFFFFF0];
	_ =	sdelay $0x3  }
0x165: {  	v2 =	vmul.f32 $5.110000000e+02, v2  }
0x166: {  	v3 =	vmul.f32 $5.110000000e+02, v3  }
0x167: {  	v2 =	vadd.f32 $5.000000000e-01, v2  }
0x168: {  	v3 =	vadd.f32 $5.000000000e-01, v3  }
0x169: {  	v2 =	vtrunc.f32 v2  }
0x16a: {  	v2 =	vcvt.f32.s32 v2;
	v3 =	vtrunc.f32 v3  }
0x16b: {  	v3 =	vcvt.f32.s32 v3  }
0x16c: {  	v2 =	vadd.s32 v2, v0  }
0x16d: {  	v3 =	vshll.u32 v3, $0x9  }
0x16e: {  	v2 =	vadd.s32 v3, v2  }
0x16f: {  	[tilespmem:s26+$0x2460] =	vst v2  }
0x170: {  	v2 =	vld [tilespmem:s25+$0xFFFFFF80]  }
0x171: {  	v3 =	vld [tilespmem:s25+$0x0];
	_ =	sdelay $0x1  }
.Ltmp1:
0x172: {  	(pc) =	sbr.rel @p0 .LBB2_4-.Ltmp1, $4  }
0x173: {  	_ = 	snop  }
0x174: {  	v2 =	vmul.f32 $5.110000000e+02, v2  }
0x175: {  	v3 =	vmul.f32 $5.110000000e+02, v3  }
0x176: {  	v2 =	vadd.f32 $5.000000000e-01, v2  }
0x177: {  	v3 =	vadd.f32 $5.000000000e-01, v3;
	_ =	sdelay $0x1  }
0x178: {  	v2 =	vtrunc.f32 v2;
	v3 =	vtrunc.f32 v3  }
0x179: {  	v2 =	vcvt.f32.s32 v2;
	v3 =	vcvt.f32.s32 v3;
	_ =	sdelay $0x1  }
0x17a: {  	v2 =	vadd.s32 v2, v0;
	v3 =	vshll.u32 v3, $0x9  }
0x17b: {  	v2 =	vadd.s32 v3, v2  }
0x17c: {  	[tilespmem:s26+$0x2470] =	vst v2  }
0x17d: {  	[tilespmem:s14], [sflag:$0x2] =	stream.indirect.gather [hbm4b:s1+s10], $0x1, s13, s10, $0xb8;
	[tilespmem:$0x4080] =	vst v63  }
0x17e: {  	_ =	swait.ge [sflag:s15], $0x400  }
0x17f: {  	[sflag:s15] =	ssyncset.done $0x0  }
0x180: {  	s30 =	simm.s32 $0x3040;
	[sflag:s15] =	ssyncadd.s32 $0xFFFFFC00  }
0x181: {  	v2 =	vld [tilespmem:s30+$0xFFFFFFC0];
	_ =	sdelay $0x4  }
0x182: {  	s28 =	sadd.s32 $0x0, s8;
	v2 =	vshll.u32 v2, $0x11  }
0x183: {  	v2 =	vadd.s32 s28, v2  }
0x184: {  	s25 =	simm.s32 $0x2840;
	v2 =	vor.u32 v1, v2  }
0x185: {  	[tilespmem:s25+$0xFFFFFFC0] =	vst v2  }
0x186: {  	v2 =	vld [tilespmem:s30+$0xFFFFFFD0];
	_ =	sdelay $0x4  }
0x187: {  	s29 =	sadd.s32 $0x10, s28;
	v2 =	vshll.u32 v2, $0x11  }
0x188: {  	v2 =	vadd.s32 s29, v2  }
0x189: {  	v2 =	vor.u32 v1, v2  }
0x18a: {  	[tilespmem:s25+$0xFFFFFFD0] =	vst v2  }
0x18b: {  	v2 =	vld [tilespmem:s30+$0xFFFFFFE0];
	_ =	sdelay $0x4  }
0x18c: {  	s29 =	sadd.s32 $0x20, s28;
	v2 =	vshll.u32 v2, $0x11  }
0x18d: {  	v2 =	vadd.s32 s29, v2  }
0x18e: {  	v2 =	vor.u32 v1, v2  }
0x18f: {  	[tilespmem:s25+$0xFFFFFFE0] =	vst v2  }
0x190: {  	v2 =	vld [tilespmem:s30+$0xFFFFFFF0];
	_ =	sdelay $0x4  }
0x191: {  	s29 =	sadd.s32 $0x30, s28;
	v2 =	vshll.u32 v2, $0x11  }
0x192: {  	v2 =	vadd.s32 s29, v2  }
0x193: {  	v2 =	vor.u32 v1, v2  }
0x194: {  	[tilespmem:s25+$0xFFFFFFF0] =	vst v2  }
0x195: {  	v2 =	vld [tilespmem:s30+$0x0];
	_ =	sdelay $0x4  }
0x196: {  	s29 =	sadd.s32 $0x40, s28;
	v2 =	vshll.u32 v2, $0x11  }
0x197: {  	v2 =	vadd.s32 s29, v2  }
0x198: {  	v2 =	vor.u32 v1, v2  }
0x199: {  	[tilespmem:s25+$0x0] =	vst v2  }
0x19a: {  	v2 =	vld [tilespmem:s30+$0x10];
	_ =	sdelay $0x4  }
0x19b: {  	s29 =	sadd.s32 $0x50, s28;
	v2 =	vshll.u32 v2, $0x11  }
0x19c: {  	v2 =	vadd.s32 s29, v2  }
0x19d: {  	v2 =	vor.u32 v1, v2  }
0x19e: {  	[tilespmem:s25+$0x10] =	vst v2  }
0x19f: {  	v2 =	vld [tilespmem:s30+$0x20];
	_ =	sdelay $0x4  }
0x1a0: {  	s29 =	sadd.s32 $0x60, s28;
	v2 =	vshll.u32 v2, $0x11  }
0x1a1: {  	v2 =	vadd.s32 s29, v2  }
0x1a2: {  	v2 =	vor.u32 v1, v2  }
0x1a3: {  	[tilespmem:s25+$0x20] =	vst v2  }
0x1a4: {  	v2 =	vld [tilespmem:s30+$0x30];
	_ =	sdelay $0x4  }
0x1a5: {  	s31 =	sadd.s32 $0x70, s28;
	v2 =	vshll.u32 v2, $0x11  }
0x1a6: {  	v2 =	vadd.s32 s31, v2  }
0x1a7: {  	v2 =	vor.u32 v1, v2  }
0x1a8: {  	s26 =	simm.s32 $0x30C0;
	[tilespmem:s25+$0x30] =	vst v2  }
0x1a9: {  	s28 =	simm.s32 $0x400;
	s29 =	simm.s32 $0x800;
	v2 =	vld [tilespmem:s26+$0xFFFFFFC0]  }
.LBB2_6:
0x1aa: {  	p0 =	sne.s32 s29, $0x1C00;
	_ =	sdelay $0x3  }
0x1ab: {  	s30 =	sadd.s32 s28, s8;
	s28 =	smov.u32 s29;
	v2 =	vshll.u32 v2, $0x11  }
0x1ac: {  	v2 =	vadd.s32 s30, v2  }
0x1ad: {  	s25 =	sadd.s32 $0x80, s25;
	v2 =	vor.u32 v1, v2  }
0x1ae: {  	[tilespmem:s25+$0xFFFFFFC0] =	vst v2  }
0x1af: {  	v2 =	vld [tilespmem:s26+$0xFFFFFFD0];
	_ =	sdelay $0x4  }
0x1b0: {  	s31 =	sadd.s32 $0x10, s30;
	v2 =	vshll.u32 v2, $0x11  }
0x1b1: {  	v2 =	vadd.s32 s31, v2  }
0x1b2: {  	v2 =	vor.u32 v1, v2  }
0x1b3: {  	[tilespmem:s25+$0xFFFFFFD0] =	vst v2  }
0x1b4: {  	v2 =	vld [tilespmem:s26+$0xFFFFFFE0];
	_ =	sdelay $0x4  }
0x1b5: {  	s31 =	sadd.s32 $0x20, s30;
	v2 =	vshll.u32 v2, $0x11  }
0x1b6: {  	v2 =	vadd.s32 s31, v2  }
0x1b7: {  	v2 =	vor.u32 v1, v2  }
0x1b8: {  	[tilespmem:s25+$0xFFFFFFE0] =	vst v2  }
0x1b9: {  	v2 =	vld [tilespmem:s26+$0xFFFFFFF0];
	_ =	sdelay $0x4  }
0x1ba: {  	s31 =	sadd.s32 $0x30, s30;
	v2 =	vshll.u32 v2, $0x11  }
0x1bb: {  	v2 =	vadd.s32 s31, v2  }
0x1bc: {  	v2 =	vor.u32 v1, v2  }
0x1bd: {  	[tilespmem:s25+$0xFFFFFFF0] =	vst v2  }
0x1be: {  	v2 =	vld [tilespmem:s26+$0x0];
	_ =	sdelay $0x4  }
0x1bf: {  	s31 =	sadd.s32 $0x40, s30;
	v2 =	vshll.u32 v2, $0x11  }
0x1c0: {  	v2 =	vadd.s32 s31, v2  }
0x1c1: {  	v2 =	vor.u32 v1, v2  }
0x1c2: {  	[tilespmem:s25+$0x0] =	vst v2  }
0x1c3: {  	v2 =	vld [tilespmem:s26+$0x10];
	_ =	sdelay $0x4  }
0x1c4: {  	s31 =	sadd.s32 $0x50, s30;
	v2 =	vshll.u32 v2, $0x11  }
0x1c5: {  	v2 =	vadd.s32 s31, v2  }
0x1c6: {  	v2 =	vor.u32 v1, v2  }
0x1c7: {  	[tilespmem:s25+$0x10] =	vst v2  }
0x1c8: {  	v2 =	vld [tilespmem:s26+$0x20];
	_ =	sdelay $0x4  }
0x1c9: {  	s31 =	sadd.s32 $0x60, s30;
	v2 =	vshll.u32 v2, $0x11  }
0x1ca: {  	v2 =	vadd.s32 s31, v2  }
0x1cb: {  	v2 =	vor.u32 v1, v2  }
0x1cc: {  	[tilespmem:s25+$0x20] =	vst v2  }
0x1cd: {  	v2 =	vld [tilespmem:s26+$0x30];
	_ =	sdelay $0x4  }
.Ltmp2:
0x1ce: {  	s30 =	sadd.s32 $0x70, s30;
	v2 =	vshll.u32 v2, $0x11;
	(pc) =	sbr.rel @p0 .LBB2_6-.Ltmp2, $4  }
0x1cf: {  	v2 =	vadd.s32 s30, v2  }
0x1d0: {  	v2 =	vor.u32 v1, v2  }
0x1d1: {  	s26 =	sadd.s32 $0x80, s26;
	[tilespmem:s25+$0x30] =	vst v2  }
0x1d2: {  	s29 =	sadd.s32 $0x400, s29;
	v2 =	vld [tilespmem:s26+$0xFFFFFFC0]  }
0x1d3: {  	_ =	sdelay $0x3  }
0x1d4: {  	s28 =	sadd.s32 s28, s8;
	v2 =	vshll.u32 v2, $0x11  }
0x1d5: {  	v2 =	vadd.s32 s28, v2  }
0x1d6: {  	s25 =	sadd.s32 $0x80, s25;
	v2 =	vor.u32 v1, v2  }
0x1d7: {  	[tilespmem:s25+$0xFFFFFFC0] =	vst v2  }
0x1d8: {  	v2 =	vld [tilespmem:s26+$0xFFFFFFD0];
	_ =	sdelay $0x4  }
0x1d9: {  	s29 =	sadd.s32 $0x10, s28;
	v2 =	vshll.u32 v2, $0x11  }
0x1da: {  	v2 =	vadd.s32 s29, v2  }
0x1db: {  	v2 =	vor.u32 v1, v2  }
0x1dc: {  	[tilespmem:s25+$0xFFFFFFD0] =	vst v2  }
0x1dd: {  	v2 =	vld [tilespmem:s26+$0xFFFFFFE0];
	_ =	sdelay $0x4  }
0x1de: {  	s30 =	sadd.s32 $0x20, s28;
	v2 =	vshll.u32 v2, $0x11  }
0x1df: {  	v2 =	vadd.s32 s30, v2  }
0x1e0: {  	v2 =	vor.u32 v1, v2  }
0x1e1: {  	[tilespmem:s25+$0xFFFFFFE0] =	vst v2  }
0x1e2: {  	v2 =	vld [tilespmem:s26+$0xFFFFFFF0];
	_ =	sdelay $0x4  }
0x1e3: {  	s31 =	sadd.s32 $0x30, s28;
	v2 =	vshll.u32 v2, $0x11  }
0x1e4: {  	v2 =	vadd.s32 s31, v2  }
0x1e5: {  	v2 =	vor.u32 v1, v2  }
0x1e6: {  	[tilespmem:s25+$0xFFFFFFF0] =	vst v2  }
0x1e7: {  	v2 =	vld [tilespmem:s26+$0x0];
	_ =	sdelay $0x4  }
0x1e8: {  	s30 =	sadd.s32 $0x40, s28;
	v2 =	vshll.u32 v2, $0x11  }
0x1e9: {  	v2 =	vadd.s32 s30, v2  }
0x1ea: {  	v2 =	vor.u32 v1, v2  }
0x1eb: {  	[tilespmem:s25+$0x0] =	vst v2  }
0x1ec: {  	v2 =	vld [tilespmem:s26+$0x10];
	_ =	sdelay $0x4  }
0x1ed: {  	s31 =	sadd.s32 $0x50, s28;
	v2 =	vshll.u32 v2, $0x11  }
0x1ee: {  	v2 =	vadd.s32 s31, v2  }
0x1ef: {  	v2 =	vor.u32 v1, v2  }
0x1f0: {  	[tilespmem:s25+$0x10] =	vst v2  }
0x1f1: {  	v2 =	vld [tilespmem:s26+$0x20];
	_ =	sdelay $0x4  }
0x1f2: {  	s30 =	sadd.s32 $0x60, s28;
	v2 =	vshll.u32 v2, $0x11  }
0x1f3: {  	v2 =	vadd.s32 s30, v2  }
0x1f4: {  	v2 =	vor.u32 v1, v2  }
0x1f5: {  	[tilespmem:s25+$0x20] =	vst v2  }
0x1f6: {  	v2 =	vld [tilespmem:s26+$0x30];
	_ =	sdelay $0x4  }
0x1f7: {  	s31 =	sadd.s32 $0x70, s28;
	v2 =	vshll.u32 v2, $0x11  }
0x1f8: {  	v2 =	vadd.s32 s31, v2  }
0x1f9: {  	v2 =	vor.u32 v1, v2  }
0x1fa: {  	[tilespmem:s25+$0x30] =	vst v2;
	s25 =	simm.s32 $0x10F0  }
0x1fb: {  	[tilespmem:s17], [sflag:$0x3] =	stream.indirect.gather [hbm4b:s3+s10], $0x1, s16, s10, $0xb8;
	[tilespmem:$0x4080] =	vst v63  }
0x1fc: {  	v2 =	vld [tilespmem:s25+$0xFFFFFF10]  }
0x1fd: {  	v3 =	vld [tilespmem:s25+$0xFFFFFF90];
	_ =	sdelay $0x4  }
0x1fe: {  	v2 =	vmul.f32 $5.110000000e+02, v2;
	v3 =	vmul.f32 $5.110000000e+02, v3;
	_ =	sdelay $0x1  }
0x1ff: {  	v2 =	vadd.f32 $5.000000000e-01, v2;
	v3 =	vadd.f32 $5.000000000e-01, v3;
	_ =	sdelay $0x1  }
0x200: {  	v2 =	vtrunc.f32 v2;
	v3 =	vtrunc.f32 v3  }
0x201: {  	v2 =	vcvt.f32.s32 v2;
	v3 =	vcvt.f32.s32 v3;
	_ =	sdelay $0x1  }
0x202: {  	v3 =	vshll.u32 v3, $0x9;
	v2 =	vadd.s32 v2, v0  }
0x203: {  	s26 =	simm.s32 $0x0;
	v2 =	vadd.s32 v3, v2  }
0x204: {  	[tilespmem:s26+$0x2000] =	vst v2  }
0x205: {  	v2 =	vld [tilespmem:s25+$0xFFFFFF20]  }
0x206: {  	v3 =	vld [tilespmem:s25+$0xFFFFFFA0];
	_ =	sdelay $0x4  }
0x207: {  	v2 =	vmul.f32 $5.110000000e+02, v2;
	v3 =	vmul.f32 $5.110000000e+02, v3;
	_ =	sdelay $0x1  }
0x208: {  	v2 =	vadd.f32 $5.000000000e-01, v2;
	v3 =	vadd.f32 $5.000000000e-01, v3;
	_ =	sdelay $0x1  }
0x209: {  	v2 =	vtrunc.f32 v2;
	v3 =	vtrunc.f32 v3  }
0x20a: {  	v2 =	vcvt.f32.s32 v2;
	v3 =	vcvt.f32.s32 v3;
	_ =	sdelay $0x1  }
0x20b: {  	v2 =	vadd.s32 v2, v0;
	v3 =	vshll.u32 v3, $0x9  }
0x20c: {  	v2 =	vadd.s32 v3, v2  }
0x20d: {  	[tilespmem:s26+$0x2010] =	vst v2  }
0x20e: {  	v2 =	vld [tilespmem:s25+$0xFFFFFF30]  }
0x20f: {  	v3 =	vld [tilespmem:s25+$0xFFFFFFB0];
	_ =	sdelay $0x4  }
0x210: {  	v2 =	vmul.f32 $5.110000000e+02, v2;
	v3 =	vmul.f32 $5.110000000e+02, v3;
	_ =	sdelay $0x1  }
0x211: {  	v2 =	vadd.f32 $5.000000000e-01, v2;
	v3 =	vadd.f32 $5.000000000e-01, v3;
	_ =	sdelay $0x1  }
0x212: {  	v2 =	vtrunc.f32 v2;
	v3 =	vtrunc.f32 v3  }
0x213: {  	v2 =	vcvt.f32.s32 v2;
	v3 =	vcvt.f32.s32 v3;
	_ =	sdelay $0x1  }
0x214: {  	v2 =	vadd.s32 v2, v0;
	v3 =	vshll.u32 v3, $0x9  }
0x215: {  	v2 =	vadd.s32 v3, v2  }
0x216: {  	[tilespmem:s26+$0x2020] =	vst v2  }
0x217: {  	v2 =	vld [tilespmem:s25+$0xFFFFFF40]  }
0x218: {  	v3 =	vld [tilespmem:s25+$0xFFFFFFC0];
	_ =	sdelay $0x4  }
0x219: {  	v2 =	vmul.f32 $5.110000000e+02, v2;
	v3 =	vmul.f32 $5.110000000e+02, v3;
	_ =	sdelay $0x1  }
0x21a: {  	v2 =	vadd.f32 $5.000000000e-01, v2;
	v3 =	vadd.f32 $5.000000000e-01, v3;
	_ =	sdelay $0x1  }
0x21b: {  	v2 =	vtrunc.f32 v2;
	v3 =	vtrunc.f32 v3  }
0x21c: {  	v2 =	vcvt.f32.s32 v2;
	v3 =	vcvt.f32.s32 v3;
	_ =	sdelay $0x1  }
0x21d: {  	v2 =	vadd.s32 v2, v0;
	v3 =	vshll.u32 v3, $0x9  }
0x21e: {  	v2 =	vadd.s32 v3, v2  }
0x21f: {  	[tilespmem:s26+$0x2030] =	vst v2  }
0x220: {  	v2 =	vld [tilespmem:s25+$0xFFFFFF50]  }
0x221: {  	v3 =	vld [tilespmem:s25+$0xFFFFFFD0];
	_ =	sdelay $0x4  }
0x222: {  	v2 =	vmul.f32 $5.110000000e+02, v2;
	v3 =	vmul.f32 $5.110000000e+02, v3;
	_ =	sdelay $0x1  }
0x223: {  	v2 =	vadd.f32 $5.000000000e-01, v2;
	v3 =	vadd.f32 $5.000000000e-01, v3;
	_ =	sdelay $0x1  }
0x224: {  	v2 =	vtrunc.f32 v2;
	v3 =	vtrunc.f32 v3  }
0x225: {  	v2 =	vcvt.f32.s32 v2;
	v3 =	vcvt.f32.s32 v3;
	_ =	sdelay $0x1  }
0x226: {  	v2 =	vadd.s32 v2, v0;
	v3 =	vshll.u32 v3, $0x9  }
0x227: {  	v2 =	vadd.s32 v3, v2  }
0x228: {  	[tilespmem:s26+$0x2040] =	vst v2  }
0x229: {  	v2 =	vld [tilespmem:s25+$0xFFFFFF60]  }
0x22a: {  	v3 =	vld [tilespmem:s25+$0xFFFFFFE0];
	_ =	sdelay $0x4  }
0x22b: {  	v2 =	vmul.f32 $5.110000000e+02, v2;
	v3 =	vmul.f32 $5.110000000e+02, v3;
	_ =	sdelay $0x1  }
0x22c: {  	v2 =	vadd.f32 $5.000000000e-01, v2;
	v3 =	vadd.f32 $5.000000000e-01, v3;
	_ =	sdelay $0x1  }
0x22d: {  	v2 =	vtrunc.f32 v2;
	v3 =	vtrunc.f32 v3  }
0x22e: {  	v2 =	vcvt.f32.s32 v2;
	v3 =	vcvt.f32.s32 v3;
	_ =	sdelay $0x1  }
0x22f: {  	v2 =	vadd.s32 v2, v0;
	v3 =	vshll.u32 v3, $0x9  }
0x230: {  	v2 =	vadd.s32 v3, v2  }
0x231: {  	[tilespmem:s26+$0x2050] =	vst v2  }
0x232: {  	v2 =	vld [tilespmem:s25+$0xFFFFFF70]  }
0x233: {  	v3 =	vld [tilespmem:s25+$0xFFFFFFF0];
	_ =	sdelay $0x4  }
0x234: {  	v2 =	vmul.f32 $5.110000000e+02, v2;
	v3 =	vmul.f32 $5.110000000e+02, v3;
	_ =	sdelay $0x1  }
0x235: {  	v2 =	vadd.f32 $5.000000000e-01, v2;
	v3 =	vadd.f32 $5.000000000e-01, v3;
	_ =	sdelay $0x1  }
0x236: {  	v2 =	vtrunc.f32 v2;
	v3 =	vtrunc.f32 v3  }
0x237: {  	v2 =	vcvt.f32.s32 v2;
	v3 =	vcvt.f32.s32 v3;
	_ =	sdelay $0x1  }
0x238: {  	v2 =	vadd.s32 v2, v0;
	v3 =	vshll.u32 v3, $0x9  }
0x239: {  	v2 =	vadd.s32 v3, v2  }
0x23a: {  	[tilespmem:s26+$0x2060] =	vst v2  }
0x23b: {  	v2 =	vld [tilespmem:s25+$0xFFFFFF80];
	_ =	sdelay $0x1  }
0x23c: {  	v3 =	vld [tilespmem:s25+$0x0];
	_ =	sdelay $0x2  }
0x23d: {  	v2 =	vmul.f32 $5.110000000e+02, v2;
	_ =	sdelay $0x1  }
0x23e: {  	s28 =	simm.s32 $0x200;
	v3 =	vmul.f32 $5.110000000e+02, v3;
	v2 =	vadd.f32 $5.000000000e-01, v2  }
.LBB2_8:
0x23f: {  	p0 =	sne.s32 s28, $0xE00  }
0x240: {  	v3 =	vadd.f32 $5.000000000e-01, v3;
	s25 =	sadd.s32 $0x100, s25;
	s29 =	smov.u32 s28;
	s28 =	sadd.s32 $0x200, s28  }
0x241: {  	v2 =	vtrunc.f32 v2  }
0x242: {  	v2 =	vcvt.f32.s32 v2;
	v3 =	vtrunc.f32 v3  }
0x243: {  	v3 =	vcvt.f32.s32 v3  }
0x244: {  	v2 =	vadd.s32 v2, v0  }
0x245: {  	v3 =	vshll.u32 v3, $0x9  }
0x246: {  	v2 =	vadd.s32 v3, v2  }
0x247: {  	[tilespmem:s26+$0x2070] =	vst v2  }
0x248: {  	v2 =	vld [tilespmem:s25+$0xFFFFFF10]  }
0x249: {  	v3 =	vld [tilespmem:s25+$0xFFFFFF90];
	_ =	sdelay $0x3  }
0x24a: {  	v2 =	vmul.f32 $5.110000000e+02, v2  }
0x24b: {  	v3 =	vmul.f32 $5.110000000e+02, v3  }
0x24c: {  	v2 =	vadd.f32 $5.000000000e-01, v2  }
0x24d: {  	v3 =	vadd.f32 $5.000000000e-01, v3  }
0x24e: {  	v2 =	vtrunc.f32 v2  }
0x24f: {  	v2 =	vcvt.f32.s32 v2;
	v3 =	vtrunc.f32 v3  }
0x250: {  	v3 =	vcvt.f32.s32 v3;
	_ =	sdelay $0x1  }
0x251: {  	v2 =	vadd.s32 v2, v0;
	v3 =	vshll.u32 v3, $0x9  }
0x252: {  	s26 =	sshra.s32 s29, $0x2;
	v2 =	vadd.s32 v3, v2  }
0x253: {  	[tilespmem:s26+$0x2000] =	vst v2  }
0x254: {  	v2 =	vld [tilespmem:s25+$0xFFFFFF20]  }
0x255: {  	v3 =	vld [tilespmem:s25+$0xFFFFFFA0];
	_ =	sdelay $0x3  }
0x256: {  	v2 =	vmul.f32 $5.110000000e+02, v2  }
0x257: {  	v3 =	vmul.f32 $5.110000000e+02, v3  }
0x258: {  	v2 =	vadd.f32 $5.000000000e-01, v2  }
0x259: {  	v3 =	vadd.f32 $5.000000000e-01, v3  }
0x25a: {  	v2 =	vtrunc.f32 v2  }
0x25b: {  	v2 =	vcvt.f32.s32 v2;
	v3 =	vtrunc.f32 v3  }
0x25c: {  	v3 =	vcvt.f32.s32 v3  }
0x25d: {  	v2 =	vadd.s32 v2, v0  }
0x25e: {  	v3 =	vshll.u32 v3, $0x9  }
0x25f: {  	v2 =	vadd.s32 v3, v2  }
0x260: {  	[tilespmem:s26+$0x2010] =	vst v2  }
0x261: {  	v2 =	vld [tilespmem:s25+$0xFFFFFF30]  }
0x262: {  	v3 =	vld [tilespmem:s25+$0xFFFFFFB0];
	_ =	sdelay $0x3  }
0x263: {  	v2 =	vmul.f32 $5.110000000e+02, v2  }
0x264: {  	v3 =	vmul.f32 $5.110000000e+02, v3  }
0x265: {  	v2 =	vadd.f32 $5.000000000e-01, v2  }
0x266: {  	v3 =	vadd.f32 $5.000000000e-01, v3  }
0x267: {  	v2 =	vtrunc.f32 v2  }
0x268: {  	v2 =	vcvt.f32.s32 v2;
	v3 =	vtrunc.f32 v3  }
0x269: {  	v3 =	vcvt.f32.s32 v3  }
0x26a: {  	v2 =	vadd.s32 v2, v0  }
0x26b: {  	v3 =	vshll.u32 v3, $0x9  }
0x26c: {  	v2 =	vadd.s32 v3, v2  }
0x26d: {  	[tilespmem:s26+$0x2020] =	vst v2  }
0x26e: {  	v2 =	vld [tilespmem:s25+$0xFFFFFF40]  }
0x26f: {  	v3 =	vld [tilespmem:s25+$0xFFFFFFC0];
	_ =	sdelay $0x3  }
0x270: {  	v2 =	vmul.f32 $5.110000000e+02, v2  }
0x271: {  	v3 =	vmul.f32 $5.110000000e+02, v3  }
0x272: {  	v2 =	vadd.f32 $5.000000000e-01, v2  }
0x273: {  	v3 =	vadd.f32 $5.000000000e-01, v3  }
0x274: {  	v2 =	vtrunc.f32 v2  }
0x275: {  	v2 =	vcvt.f32.s32 v2;
	v3 =	vtrunc.f32 v3  }
0x276: {  	v3 =	vcvt.f32.s32 v3  }
0x277: {  	v2 =	vadd.s32 v2, v0  }
0x278: {  	v3 =	vshll.u32 v3, $0x9  }
0x279: {  	v2 =	vadd.s32 v3, v2  }
0x27a: {  	[tilespmem:s26+$0x2030] =	vst v2  }
0x27b: {  	v2 =	vld [tilespmem:s25+$0xFFFFFF50]  }
0x27c: {  	v3 =	vld [tilespmem:s25+$0xFFFFFFD0];
	_ =	sdelay $0x3  }
0x27d: {  	v2 =	vmul.f32 $5.110000000e+02, v2  }
0x27e: {  	v3 =	vmul.f32 $5.110000000e+02, v3  }
0x27f: {  	v2 =	vadd.f32 $5.000000000e-01, v2  }
0x280: {  	v3 =	vadd.f32 $5.000000000e-01, v3  }
0x281: {  	v2 =	vtrunc.f32 v2  }
0x282: {  	v2 =	vcvt.f32.s32 v2;
	v3 =	vtrunc.f32 v3  }
0x283: {  	v3 =	vcvt.f32.s32 v3  }
0x284: {  	v2 =	vadd.s32 v2, v0  }
0x285: {  	v3 =	vshll.u32 v3, $0x9  }
0x286: {  	v2 =	vadd.s32 v3, v2  }
0x287: {  	[tilespmem:s26+$0x2040] =	vst v2  }
0x288: {  	v2 =	vld [tilespmem:s25+$0xFFFFFF60]  }
0x289: {  	v3 =	vld [tilespmem:s25+$0xFFFFFFE0];
	_ =	sdelay $0x3  }
0x28a: {  	v2 =	vmul.f32 $5.110000000e+02, v2  }
0x28b: {  	v3 =	vmul.f32 $5.110000000e+02, v3  }
0x28c: {  	v2 =	vadd.f32 $5.000000000e-01, v2  }
0x28d: {  	v3 =	vadd.f32 $5.000000000e-01, v3  }
0x28e: {  	v2 =	vtrunc.f32 v2  }
0x28f: {  	v2 =	vcvt.f32.s32 v2;
	v3 =	vtrunc.f32 v3  }
0x290: {  	v3 =	vcvt.f32.s32 v3  }
0x291: {  	v2 =	vadd.s32 v2, v0  }
0x292: {  	v3 =	vshll.u32 v3, $0x9  }
0x293: {  	v2 =	vadd.s32 v3, v2  }
0x294: {  	[tilespmem:s26+$0x2050] =	vst v2  }
0x295: {  	v2 =	vld [tilespmem:s25+$0xFFFFFF70]  }
0x296: {  	v3 =	vld [tilespmem:s25+$0xFFFFFFF0];
	_ =	sdelay $0x3  }
0x297: {  	v2 =	vmul.f32 $5.110000000e+02, v2  }
0x298: {  	v3 =	vmul.f32 $5.110000000e+02, v3  }
0x299: {  	v2 =	vadd.f32 $5.000000000e-01, v2  }
0x29a: {  	v3 =	vadd.f32 $5.000000000e-01, v3  }
0x29b: {  	v2 =	vtrunc.f32 v2  }
0x29c: {  	v2 =	vcvt.f32.s32 v2;
	v3 =	vtrunc.f32 v3  }
0x29d: {  	v3 =	vcvt.f32.s32 v3  }
0x29e: {  	v2 =	vadd.s32 v2, v0  }
0x29f: {  	v3 =	vshll.u32 v3, $0x9  }
0x2a0: {  	v2 =	vadd.s32 v3, v2  }
0x2a1: {  	[tilespmem:s26+$0x2060] =	vst v2  }
0x2a2: {  	v2 =	vld [tilespmem:s25+$0xFFFFFF80]  }
0x2a3: {  	v3 =	vld [tilespmem:s25+$0x0];
	_ =	sdelay $0x1  }
.Ltmp3:
0x2a4: {  	(pc) =	sbr.rel @p0 .LBB2_8-.Ltmp3, $4  }
0x2a5: {  	_ = 	snop  }
0x2a6: {  	v2 =	vmul.f32 $5.110000000e+02, v2  }
0x2a7: {  	v3 =	vmul.f32 $5.110000000e+02, v3  }
0x2a8: {  	v2 =	vadd.f32 $5.000000000e-01, v2  }
0x2a9: {  	v3 =	vadd.f32 $5.000000000e-01, v3;
	_ =	sdelay $0x1  }
0x2aa: {  	v2 =	vtrunc.f32 v2;
	v3 =	vtrunc.f32 v3  }
0x2ab: {  	v2 =	vcvt.f32.s32 v2;
	v3 =	vcvt.f32.s32 v3;
	_ =	sdelay $0x1  }
0x2ac: {  	v2 =	vadd.s32 v2, v0;
	v3 =	vshll.u32 v3, $0x9  }
0x2ad: {  	v2 =	vadd.s32 v3, v2  }
0x2ae: {  	[tilespmem:s26+$0x2070] =	vst v2  }
0x2af: {  	[tilespmem:s12], [sflag:$0x1] =	stream.indirect.gather [hbm4b:s1+s10], $0x1, s11, s10, $0xb8;
	[tilespmem:$0x4080] =	vst v63  }
0x2b0: {  	_ =	swait.ge [sflag:s18], $0x400  }
0x2b1: {  	[sflag:s18] =	ssyncset.done $0x0  }
0x2b2: {  	s30 =	simm.s32 $0x3440;
	[sflag:s18] =	ssyncadd.s32 $0xFFFFFC00  }
0x2b3: {  	v2 =	vld [tilespmem:s30+$0xFFFFFFC0];
	_ =	sdelay $0x3  }
0x2b4: {  	s28 =	sadd.s32 $0x0, s8  }
0x2b5: {  	s25 =	sadd.s32 $0x2000, s28;
	v2 =	vshll.u32 v2, $0x11  }
0x2b6: {  	v2 =	vadd.s32 s25, v2  }
0x2b7: {  	s25 =	simm.s32 $0x2C40;
	v2 =	vor.u32 v1, v2  }
0x2b8: {  	[tilespmem:s25+$0xFFFFFFC0] =	vst v2  }
0x2b9: {  	v2 =	vld [tilespmem:s30+$0xFFFFFFD0];
	_ =	sdelay $0x4  }
0x2ba: {  	s29 =	sadd.s32 $0x2010, s28;
	v2 =	vshll.u32 v2, $0x11  }
0x2bb: {  	v2 =	vadd.s32 s29, v2  }
0x2bc: {  	v2 =	vor.u32 v1, v2  }
0x2bd: {  	[tilespmem:s25+$0xFFFFFFD0] =	vst v2  }
0x2be: {  	v2 =	vld [tilespmem:s30+$0xFFFFFFE0];
	_ =	sdelay $0x4  }
0x2bf: {  	s29 =	sadd.s32 $0x2020, s28;
	v2 =	vshll.u32 v2, $0x11  }
0x2c0: {  	v2 =	vadd.s32 s29, v2  }
0x2c1: {  	v2 =	vor.u32 v1, v2  }
0x2c2: {  	[tilespmem:s25+$0xFFFFFFE0] =	vst v2  }
0x2c3: {  	v2 =	vld [tilespmem:s30+$0xFFFFFFF0];
	_ =	sdelay $0x4  }
0x2c4: {  	s29 =	sadd.s32 $0x2030, s28;
	v2 =	vshll.u32 v2, $0x11  }
0x2c5: {  	v2 =	vadd.s32 s29, v2  }
0x2c6: {  	v2 =	vor.u32 v1, v2  }
0x2c7: {  	[tilespmem:s25+$0xFFFFFFF0] =	vst v2  }
0x2c8: {  	v2 =	vld [tilespmem:s30+$0x0];
	_ =	sdelay $0x4  }
0x2c9: {  	s29 =	sadd.s32 $0x2040, s28;
	v2 =	vshll.u32 v2, $0x11  }
0x2ca: {  	v2 =	vadd.s32 s29, v2  }
0x2cb: {  	v2 =	vor.u32 v1, v2  }
0x2cc: {  	[tilespmem:s25+$0x0] =	vst v2  }
0x2cd: {  	v2 =	vld [tilespmem:s30+$0x10];
	_ =	sdelay $0x4  }
0x2ce: {  	s29 =	sadd.s32 $0x2050, s28;
	v2 =	vshll.u32 v2, $0x11  }
0x2cf: {  	v2 =	vadd.s32 s29, v2  }
0x2d0: {  	v2 =	vor.u32 v1, v2  }
0x2d1: {  	[tilespmem:s25+$0x10] =	vst v2  }
0x2d2: {  	v2 =	vld [tilespmem:s30+$0x20];
	_ =	sdelay $0x4  }
0x2d3: {  	s29 =	sadd.s32 $0x2060, s28;
	v2 =	vshll.u32 v2, $0x11  }
0x2d4: {  	v2 =	vadd.s32 s29, v2  }
0x2d5: {  	v2 =	vor.u32 v1, v2  }
0x2d6: {  	[tilespmem:s25+$0x20] =	vst v2  }
0x2d7: {  	v2 =	vld [tilespmem:s30+$0x30];
	_ =	sdelay $0x4  }
0x2d8: {  	s31 =	sadd.s32 $0x2070, s28;
	v2 =	vshll.u32 v2, $0x11  }
0x2d9: {  	v2 =	vadd.s32 s31, v2  }
0x2da: {  	v2 =	vor.u32 v1, v2  }
0x2db: {  	s26 =	simm.s32 $0x34C0;
	[tilespmem:s25+$0x30] =	vst v2  }
0x2dc: {  	s28 =	simm.s32 $0x400;
	s29 =	simm.s32 $0x800;
	v2 =	vld [tilespmem:s26+$0xFFFFFFC0]  }
.LBB2_10:
0x2dd: {  	p0 =	sne.s32 s29, $0x1C00;
	_ =	sdelay $0x2  }
0x2de: {  	s30 =	sadd.s32 s28, s8;
	s28 =	smov.u32 s29  }
0x2df: {  	s31 =	sadd.s32 $0x2000, s30;
	v2 =	vshll.u32 v2, $0x11  }
0x2e0: {  	v2 =	vadd.s32 s31, v2  }
0x2e1: {  	s25 =	sadd.s32 $0x80, s25;
	v2 =	vor.u32 v1, v2  }
0x2e2: {  	[tilespmem:s25+$0xFFFFFFC0] =	vst v2  }
0x2e3: {  	v2 =	vld [tilespmem:s26+$0xFFFFFFD0];
	_ =	sdelay $0x4  }
0x2e4: {  	s31 =	sadd.s32 $0x2010, s30;
	v2 =	vshll.u32 v2, $0x11  }
0x2e5: {  	v2 =	vadd.s32 s31, v2  }
0x2e6: {  	v2 =	vor.u32 v1, v2  }
0x2e7: {  	[tilespmem:s25+$0xFFFFFFD0] =	vst v2  }
0x2e8: {  	v2 =	vld [tilespmem:s26+$0xFFFFFFE0];
	_ =	sdelay $0x4  }
0x2e9: {  	s31 =	sadd.s32 $0x2020, s30;
	v2 =	vshll.u32 v2, $0x11  }
0x2ea: {  	v2 =	vadd.s32 s31, v2  }
0x2eb: {  	v2 =	vor.u32 v1, v2  }
0x2ec: {  	[tilespmem:s25+$0xFFFFFFE0] =	vst v2  }
0x2ed: {  	v2 =	vld [tilespmem:s26+$0xFFFFFFF0];
	_ =	sdelay $0x4  }
0x2ee: {  	s31 =	sadd.s32 $0x2030, s30;
	v2 =	vshll.u32 v2, $0x11  }
0x2ef: {  	v2 =	vadd.s32 s31, v2  }
0x2f0: {  	v2 =	vor.u32 v1, v2  }
0x2f1: {  	[tilespmem:s25+$0xFFFFFFF0] =	vst v2  }
0x2f2: {  	v2 =	vld [tilespmem:s26+$0x0];
	_ =	sdelay $0x4  }
0x2f3: {  	s31 =	sadd.s32 $0x2040, s30;
	v2 =	vshll.u32 v2, $0x11  }
0x2f4: {  	v2 =	vadd.s32 s31, v2  }
0x2f5: {  	v2 =	vor.u32 v1, v2  }
0x2f6: {  	[tilespmem:s25+$0x0] =	vst v2  }
0x2f7: {  	v2 =	vld [tilespmem:s26+$0x10];
	_ =	sdelay $0x4  }
0x2f8: {  	s31 =	sadd.s32 $0x2050, s30;
	v2 =	vshll.u32 v2, $0x11  }
0x2f9: {  	v2 =	vadd.s32 s31, v2  }
0x2fa: {  	v2 =	vor.u32 v1, v2  }
0x2fb: {  	[tilespmem:s25+$0x10] =	vst v2  }
0x2fc: {  	v2 =	vld [tilespmem:s26+$0x20];
	_ =	sdelay $0x4  }
0x2fd: {  	s31 =	sadd.s32 $0x2060, s30;
	v2 =	vshll.u32 v2, $0x11  }
0x2fe: {  	v2 =	vadd.s32 s31, v2  }
0x2ff: {  	v2 =	vor.u32 v1, v2  }
0x300: {  	[tilespmem:s25+$0x20] =	vst v2  }
0x301: {  	v2 =	vld [tilespmem:s26+$0x30];
	_ =	sdelay $0x4  }
.Ltmp4:
0x302: {  	s30 =	sadd.s32 $0x2070, s30;
	v2 =	vshll.u32 v2, $0x11;
	(pc) =	sbr.rel @p0 .LBB2_10-.Ltmp4, $4  }
0x303: {  	v2 =	vadd.s32 s30, v2  }
0x304: {  	v2 =	vor.u32 v1, v2  }
0x305: {  	s26 =	sadd.s32 $0x80, s26;
	[tilespmem:s25+$0x30] =	vst v2  }
0x306: {  	s29 =	sadd.s32 $0x400, s29;
	v2 =	vld [tilespmem:s26+$0xFFFFFFC0]  }
0x307: {  	_ =	sdelay $0x2  }
0x308: {  	s28 =	sadd.s32 s28, s8  }
0x309: {  	s29 =	sadd.s32 $0x2000, s28;
	v2 =	vshll.u32 v2, $0x11  }
0x30a: {  	v2 =	vadd.s32 s29, v2  }
0x30b: {  	s25 =	sadd.s32 $0x80, s25;
	v2 =	vor.u32 v1, v2  }
0x30c: {  	[tilespmem:s25+$0xFFFFFFC0] =	vst v2  }
0x30d: {  	v2 =	vld [tilespmem:s26+$0xFFFFFFD0];
	_ =	sdelay $0x4  }
0x30e: {  	s31 =	sadd.s32 $0x2010, s28;
	v2 =	vshll.u32 v2, $0x11  }
0x30f: {  	v2 =	vadd.s32 s31, v2  }
0x310: {  	v2 =	vor.u32 v1, v2  }
0x311: {  	[tilespmem:s25+$0xFFFFFFD0] =	vst v2  }
0x312: {  	v2 =	vld [tilespmem:s26+$0xFFFFFFE0];
	_ =	sdelay $0x4  }
0x313: {  	s30 =	sadd.s32 $0x2020, s28;
	v2 =	vshll.u32 v2, $0x11  }
0x314: {  	v2 =	vadd.s32 s30, v2  }
0x315: {  	v2 =	vor.u32 v1, v2  }
0x316: {  	[tilespmem:s25+$0xFFFFFFE0] =	vst v2  }
0x317: {  	v2 =	vld [tilespmem:s26+$0xFFFFFFF0];
	_ =	sdelay $0x4  }
0x318: {  	s31 =	sadd.s32 $0x2030, s28;
	v2 =	vshll.u32 v2, $0x11  }
0x319: {  	v2 =	vadd.s32 s31, v2  }
0x31a: {  	v2 =	vor.u32 v1, v2  }
0x31b: {  	[tilespmem:s25+$0xFFFFFFF0] =	vst v2  }
0x31c: {  	v2 =	vld [tilespmem:s26+$0x0];
	_ =	sdelay $0x4  }
0x31d: {  	s30 =	sadd.s32 $0x2040, s28;
	v2 =	vshll.u32 v2, $0x11  }
0x31e: {  	v2 =	vadd.s32 s30, v2  }
0x31f: {  	v2 =	vor.u32 v1, v2  }
0x320: {  	[tilespmem:s25+$0x0] =	vst v2  }
0x321: {  	v2 =	vld [tilespmem:s26+$0x10];
	_ =	sdelay $0x4  }
0x322: {  	s31 =	sadd.s32 $0x2050, s28;
	v2 =	vshll.u32 v2, $0x11  }
0x323: {  	v2 =	vadd.s32 s31, v2  }
0x324: {  	v2 =	vor.u32 v1, v2  }
0x325: {  	[tilespmem:s25+$0x10] =	vst v2  }
0x326: {  	v2 =	vld [tilespmem:s26+$0x20];
	_ =	sdelay $0x4  }
0x327: {  	s30 =	sadd.s32 $0x2060, s28;
	v2 =	vshll.u32 v2, $0x11  }
0x328: {  	v2 =	vadd.s32 s30, v2  }
0x329: {  	v2 =	vor.u32 v1, v2  }
0x32a: {  	[tilespmem:s25+$0x20] =	vst v2  }
0x32b: {  	v2 =	vld [tilespmem:s26+$0x30];
	_ =	sdelay $0x4  }
0x32c: {  	s31 =	sadd.s32 $0x2070, s28;
	v2 =	vshll.u32 v2, $0x11  }
0x32d: {  	v2 =	vadd.s32 s31, v2  }
0x32e: {  	v2 =	vor.u32 v1, v2  }
0x32f: {  	[tilespmem:s25+$0x30] =	vst v2;
	s25 =	simm.s32 $0x18F0  }
0x330: {  	[tilespmem:s20], [sflag:$0x4] =	stream.indirect.gather [hbm4b:s3+s10], $0x1, s19, s10, $0xb8;
	[tilespmem:$0x4080] =	vst v63  }
0x331: {  	v2 =	vld [tilespmem:s25+$0xFFFFFF10]  }
0x332: {  	v3 =	vld [tilespmem:s25+$0xFFFFFF90];
	_ =	sdelay $0x4  }
0x333: {  	v2 =	vmul.f32 $5.110000000e+02, v2;
	v3 =	vmul.f32 $5.110000000e+02, v3;
	_ =	sdelay $0x1  }
0x334: {  	v2 =	vadd.f32 $5.000000000e-01, v2;
	v3 =	vadd.f32 $5.000000000e-01, v3;
	_ =	sdelay $0x1  }
0x335: {  	v2 =	vtrunc.f32 v2;
	v3 =	vtrunc.f32 v3  }
0x336: {  	v2 =	vcvt.f32.s32 v2;
	v3 =	vcvt.f32.s32 v3;
	_ =	sdelay $0x1  }
0x337: {  	v3 =	vshll.u32 v3, $0x9;
	v2 =	vadd.s32 v2, v0  }
0x338: {  	s26 =	simm.s32 $0x0;
	v2 =	vadd.s32 v3, v2  }
0x339: {  	[tilespmem:s26+$0x2400] =	vst v2  }
0x33a: {  	v2 =	vld [tilespmem:s25+$0xFFFFFF20]  }
0x33b: {  	v3 =	vld [tilespmem:s25+$0xFFFFFFA0];
	_ =	sdelay $0x4  }
0x33c: {  	v2 =	vmul.f32 $5.110000000e+02, v2;
	v3 =	vmul.f32 $5.110000000e+02, v3;
	_ =	sdelay $0x1  }
0x33d: {  	v2 =	vadd.f32 $5.000000000e-01, v2;
	v3 =	vadd.f32 $5.000000000e-01, v3;
	_ =	sdelay $0x1  }
0x33e: {  	v2 =	vtrunc.f32 v2;
	v3 =	vtrunc.f32 v3  }
0x33f: {  	v2 =	vcvt.f32.s32 v2;
	v3 =	vcvt.f32.s32 v3;
	_ =	sdelay $0x1  }
0x340: {  	v2 =	vadd.s32 v2, v0;
	v3 =	vshll.u32 v3, $0x9  }
0x341: {  	v2 =	vadd.s32 v3, v2  }
0x342: {  	[tilespmem:s26+$0x2410] =	vst v2  }
0x343: {  	v2 =	vld [tilespmem:s25+$0xFFFFFF30]  }
0x344: {  	v3 =	vld [tilespmem:s25+$0xFFFFFFB0];
	_ =	sdelay $0x4  }
0x345: {  	v2 =	vmul.f32 $5.110000000e+02, v2;
	v3 =	vmul.f32 $5.110000000e+02, v3;
	_ =	sdelay $0x1  }
0x346: {  	v2 =	vadd.f32 $5.000000000e-01, v2;
	v3 =	vadd.f32 $5.000000000e-01, v3;
	_ =	sdelay $0x1  }
0x347: {  	v2 =	vtrunc.f32 v2;
	v3 =	vtrunc.f32 v3  }
0x348: {  	v2 =	vcvt.f32.s32 v2;
	v3 =	vcvt.f32.s32 v3;
	_ =	sdelay $0x1  }
0x349: {  	v2 =	vadd.s32 v2, v0;
	v3 =	vshll.u32 v3, $0x9  }
0x34a: {  	v2 =	vadd.s32 v3, v2  }
0x34b: {  	[tilespmem:s26+$0x2420] =	vst v2  }
0x34c: {  	v2 =	vld [tilespmem:s25+$0xFFFFFF40]  }
0x34d: {  	v3 =	vld [tilespmem:s25+$0xFFFFFFC0];
	_ =	sdelay $0x4  }
0x34e: {  	v2 =	vmul.f32 $5.110000000e+02, v2;
	v3 =	vmul.f32 $5.110000000e+02, v3;
	_ =	sdelay $0x1  }
0x34f: {  	v2 =	vadd.f32 $5.000000000e-01, v2;
	v3 =	vadd.f32 $5.000000000e-01, v3;
	_ =	sdelay $0x1  }
0x350: {  	v2 =	vtrunc.f32 v2;
	v3 =	vtrunc.f32 v3  }
0x351: {  	v2 =	vcvt.f32.s32 v2;
	v3 =	vcvt.f32.s32 v3;
	_ =	sdelay $0x1  }
0x352: {  	v2 =	vadd.s32 v2, v0;
	v3 =	vshll.u32 v3, $0x9  }
0x353: {  	v2 =	vadd.s32 v3, v2  }
0x354: {  	[tilespmem:s26+$0x2430] =	vst v2  }
0x355: {  	v2 =	vld [tilespmem:s25+$0xFFFFFF50]  }
0x356: {  	v3 =	vld [tilespmem:s25+$0xFFFFFFD0];
	_ =	sdelay $0x4  }
0x357: {  	v2 =	vmul.f32 $5.110000000e+02, v2;
	v3 =	vmul.f32 $5.110000000e+02, v3;
	_ =	sdelay $0x1  }
0x358: {  	v2 =	vadd.f32 $5.000000000e-01, v2;
	v3 =	vadd.f32 $5.000000000e-01, v3;
	_ =	sdelay $0x1  }
0x359: {  	v2 =	vtrunc.f32 v2;
	v3 =	vtrunc.f32 v3  }
0x35a: {  	v2 =	vcvt.f32.s32 v2;
	v3 =	vcvt.f32.s32 v3;
	_ =	sdelay $0x1  }
0x35b: {  	v2 =	vadd.s32 v2, v0;
	v3 =	vshll.u32 v3, $0x9  }
0x35c: {  	v2 =	vadd.s32 v3, v2  }
0x35d: {  	[tilespmem:s26+$0x2440] =	vst v2  }
0x35e: {  	v2 =	vld [tilespmem:s25+$0xFFFFFF60]  }
0x35f: {  	v3 =	vld [tilespmem:s25+$0xFFFFFFE0];
	_ =	sdelay $0x4  }
0x360: {  	v2 =	vmul.f32 $5.110000000e+02, v2;
	v3 =	vmul.f32 $5.110000000e+02, v3;
	_ =	sdelay $0x1  }
0x361: {  	v2 =	vadd.f32 $5.000000000e-01, v2;
	v3 =	vadd.f32 $5.000000000e-01, v3;
	_ =	sdelay $0x1  }
0x362: {  	v2 =	vtrunc.f32 v2;
	v3 =	vtrunc.f32 v3  }
0x363: {  	v2 =	vcvt.f32.s32 v2;
	v3 =	vcvt.f32.s32 v3;
	_ =	sdelay $0x1  }
0x364: {  	v2 =	vadd.s32 v2, v0;
	v3 =	vshll.u32 v3, $0x9  }
0x365: {  	v2 =	vadd.s32 v3, v2  }
0x366: {  	[tilespmem:s26+$0x2450] =	vst v2  }
0x367: {  	v2 =	vld [tilespmem:s25+$0xFFFFFF70]  }
0x368: {  	v3 =	vld [tilespmem:s25+$0xFFFFFFF0];
	_ =	sdelay $0x4  }
0x369: {  	v2 =	vmul.f32 $5.110000000e+02, v2;
	v3 =	vmul.f32 $5.110000000e+02, v3;
	_ =	sdelay $0x1  }
0x36a: {  	v2 =	vadd.f32 $5.000000000e-01, v2;
	v3 =	vadd.f32 $5.000000000e-01, v3;
	_ =	sdelay $0x1  }
0x36b: {  	v2 =	vtrunc.f32 v2;
	v3 =	vtrunc.f32 v3  }
0x36c: {  	v2 =	vcvt.f32.s32 v2;
	v3 =	vcvt.f32.s32 v3;
	_ =	sdelay $0x1  }
0x36d: {  	v2 =	vadd.s32 v2, v0;
	v3 =	vshll.u32 v3, $0x9  }
0x36e: {  	v2 =	vadd.s32 v3, v2  }
0x36f: {  	[tilespmem:s26+$0x2460] =	vst v2  }
0x370: {  	v2 =	vld [tilespmem:s25+$0xFFFFFF80];
	_ =	sdelay $0x1  }
0x371: {  	v3 =	vld [tilespmem:s25+$0x0];
	_ =	sdelay $0x2  }
0x372: {  	v2 =	vmul.f32 $5.110000000e+02, v2;
	_ =	sdelay $0x1  }
0x373: {  	s28 =	simm.s32 $0x200;
	v3 =	vmul.f32 $5.110000000e+02, v3;
	v2 =	vadd.f32 $5.000000000e-01, v2  }
.LBB2_12:
0x374: {  	p0 =	sne.s32 s28, $0xE00  }
0x375: {  	v3 =	vadd.f32 $5.000000000e-01, v3;
	s25 =	sadd.s32 $0x100, s25;
	s29 =	smov.u32 s28;
	s28 =	sadd.s32 $0x200, s28  }
0x376: {  	v2 =	vtrunc.f32 v2  }
0x377: {  	v2 =	vcvt.f32.s32 v2;
	v3 =	vtrunc.f32 v3  }
0x378: {  	v3 =	vcvt.f32.s32 v3  }
0x379: {  	v2 =	vadd.s32 v2, v0  }
0x37a: {  	v3 =	vshll.u32 v3, $0x9  }
0x37b: {  	v2 =	vadd.s32 v3, v2  }
0x37c: {  	[tilespmem:s26+$0x2470] =	vst v2  }
0x37d: {  	v2 =	vld [tilespmem:s25+$0xFFFFFF10]  }
0x37e: {  	v3 =	vld [tilespmem:s25+$0xFFFFFF90];
	_ =	sdelay $0x3  }
0x37f: {  	v2 =	vmul.f32 $5.110000000e+02, v2  }
0x380: {  	v3 =	vmul.f32 $5.110000000e+02, v3  }
0x381: {  	v2 =	vadd.f32 $5.000000000e-01, v2  }
0x382: {  	v3 =	vadd.f32 $5.000000000e-01, v3  }
0x383: {  	v2 =	vtrunc.f32 v2  }
0x384: {  	v2 =	vcvt.f32.s32 v2;
	v3 =	vtrunc.f32 v3  }
0x385: {  	v3 =	vcvt.f32.s32 v3;
	_ =	sdelay $0x1  }
0x386: {  	v2 =	vadd.s32 v2, v0;
	v3 =	vshll.u32 v3, $0x9  }
0x387: {  	s26 =	sshra.s32 s29, $0x2;
	v2 =	vadd.s32 v3, v2  }
0x388: {  	[tilespmem:s26+$0x2400] =	vst v2  }
0x389: {  	v2 =	vld [tilespmem:s25+$0xFFFFFF20]  }
0x38a: {  	v3 =	vld [tilespmem:s25+$0xFFFFFFA0];
	_ =	sdelay $0x3  }
0x38b: {  	v2 =	vmul.f32 $5.110000000e+02, v2  }
0x38c: {  	v3 =	vmul.f32 $5.110000000e+02, v3  }
0x38d: {  	v2 =	vadd.f32 $5.000000000e-01, v2  }
0x38e: {  	v3 =	vadd.f32 $5.000000000e-01, v3  }
0x38f: {  	v2 =	vtrunc.f32 v2  }
0x390: {  	v2 =	vcvt.f32.s32 v2;
	v3 =	vtrunc.f32 v3  }
0x391: {  	v3 =	vcvt.f32.s32 v3  }
0x392: {  	v2 =	vadd.s32 v2, v0  }
0x393: {  	v3 =	vshll.u32 v3, $0x9  }
0x394: {  	v2 =	vadd.s32 v3, v2  }
0x395: {  	[tilespmem:s26+$0x2410] =	vst v2  }
0x396: {  	v2 =	vld [tilespmem:s25+$0xFFFFFF30]  }
0x397: {  	v3 =	vld [tilespmem:s25+$0xFFFFFFB0];
	_ =	sdelay $0x3  }
0x398: {  	v2 =	vmul.f32 $5.110000000e+02, v2  }
0x399: {  	v3 =	vmul.f32 $5.110000000e+02, v3  }
0x39a: {  	v2 =	vadd.f32 $5.000000000e-01, v2  }
0x39b: {  	v3 =	vadd.f32 $5.000000000e-01, v3  }
0x39c: {  	v2 =	vtrunc.f32 v2  }
0x39d: {  	v2 =	vcvt.f32.s32 v2;
	v3 =	vtrunc.f32 v3  }
0x39e: {  	v3 =	vcvt.f32.s32 v3  }
0x39f: {  	v2 =	vadd.s32 v2, v0  }
0x3a0: {  	v3 =	vshll.u32 v3, $0x9  }
0x3a1: {  	v2 =	vadd.s32 v3, v2  }
0x3a2: {  	[tilespmem:s26+$0x2420] =	vst v2  }
0x3a3: {  	v2 =	vld [tilespmem:s25+$0xFFFFFF40]  }
0x3a4: {  	v3 =	vld [tilespmem:s25+$0xFFFFFFC0];
	_ =	sdelay $0x3  }
0x3a5: {  	v2 =	vmul.f32 $5.110000000e+02, v2  }
0x3a6: {  	v3 =	vmul.f32 $5.110000000e+02, v3  }
0x3a7: {  	v2 =	vadd.f32 $5.000000000e-01, v2  }
0x3a8: {  	v3 =	vadd.f32 $5.000000000e-01, v3  }
0x3a9: {  	v2 =	vtrunc.f32 v2  }
0x3aa: {  	v2 =	vcvt.f32.s32 v2;
	v3 =	vtrunc.f32 v3  }
0x3ab: {  	v3 =	vcvt.f32.s32 v3  }
0x3ac: {  	v2 =	vadd.s32 v2, v0  }
0x3ad: {  	v3 =	vshll.u32 v3, $0x9  }
0x3ae: {  	v2 =	vadd.s32 v3, v2  }
0x3af: {  	[tilespmem:s26+$0x2430] =	vst v2  }
0x3b0: {  	v2 =	vld [tilespmem:s25+$0xFFFFFF50]  }
0x3b1: {  	v3 =	vld [tilespmem:s25+$0xFFFFFFD0];
	_ =	sdelay $0x3  }
0x3b2: {  	v2 =	vmul.f32 $5.110000000e+02, v2  }
0x3b3: {  	v3 =	vmul.f32 $5.110000000e+02, v3  }
0x3b4: {  	v2 =	vadd.f32 $5.000000000e-01, v2  }
0x3b5: {  	v3 =	vadd.f32 $5.000000000e-01, v3  }
0x3b6: {  	v2 =	vtrunc.f32 v2  }
0x3b7: {  	v2 =	vcvt.f32.s32 v2;
	v3 =	vtrunc.f32 v3  }
0x3b8: {  	v3 =	vcvt.f32.s32 v3  }
0x3b9: {  	v2 =	vadd.s32 v2, v0  }
0x3ba: {  	v3 =	vshll.u32 v3, $0x9  }
0x3bb: {  	v2 =	vadd.s32 v3, v2  }
0x3bc: {  	[tilespmem:s26+$0x2440] =	vst v2  }
0x3bd: {  	v2 =	vld [tilespmem:s25+$0xFFFFFF60]  }
0x3be: {  	v3 =	vld [tilespmem:s25+$0xFFFFFFE0];
	_ =	sdelay $0x3  }
0x3bf: {  	v2 =	vmul.f32 $5.110000000e+02, v2  }
0x3c0: {  	v3 =	vmul.f32 $5.110000000e+02, v3  }
0x3c1: {  	v2 =	vadd.f32 $5.000000000e-01, v2  }
0x3c2: {  	v3 =	vadd.f32 $5.000000000e-01, v3  }
0x3c3: {  	v2 =	vtrunc.f32 v2  }
0x3c4: {  	v2 =	vcvt.f32.s32 v2;
	v3 =	vtrunc.f32 v3  }
0x3c5: {  	v3 =	vcvt.f32.s32 v3  }
0x3c6: {  	v2 =	vadd.s32 v2, v0  }
0x3c7: {  	v3 =	vshll.u32 v3, $0x9  }
0x3c8: {  	v2 =	vadd.s32 v3, v2  }
0x3c9: {  	[tilespmem:s26+$0x2450] =	vst v2  }
0x3ca: {  	v2 =	vld [tilespmem:s25+$0xFFFFFF70]  }
0x3cb: {  	v3 =	vld [tilespmem:s25+$0xFFFFFFF0];
	_ =	sdelay $0x3  }
0x3cc: {  	v2 =	vmul.f32 $5.110000000e+02, v2  }
0x3cd: {  	v3 =	vmul.f32 $5.110000000e+02, v3  }
0x3ce: {  	v2 =	vadd.f32 $5.000000000e-01, v2  }
0x3cf: {  	v3 =	vadd.f32 $5.000000000e-01, v3  }
0x3d0: {  	v2 =	vtrunc.f32 v2  }
0x3d1: {  	v2 =	vcvt.f32.s32 v2;
	v3 =	vtrunc.f32 v3  }
0x3d2: {  	v3 =	vcvt.f32.s32 v3  }
0x3d3: {  	v2 =	vadd.s32 v2, v0  }
0x3d4: {  	v3 =	vshll.u32 v3, $0x9  }
0x3d5: {  	v2 =	vadd.s32 v3, v2  }
0x3d6: {  	[tilespmem:s26+$0x2460] =	vst v2  }
0x3d7: {  	v2 =	vld [tilespmem:s25+$0xFFFFFF80]  }
0x3d8: {  	v3 =	vld [tilespmem:s25+$0x0];
	_ =	sdelay $0x1  }
.Ltmp5:
0x3d9: {  	(pc) =	sbr.rel @p0 .LBB2_12-.Ltmp5, $4  }
0x3da: {  	_ = 	snop  }
0x3db: {  	v2 =	vmul.f32 $5.110000000e+02, v2  }
0x3dc: {  	v3 =	vmul.f32 $5.110000000e+02, v3  }
0x3dd: {  	v2 =	vadd.f32 $5.000000000e-01, v2  }
0x3de: {  	v3 =	vadd.f32 $5.000000000e-01, v3;
	_ =	sdelay $0x1  }
0x3df: {  	v2 =	vtrunc.f32 v2;
	v3 =	vtrunc.f32 v3  }
0x3e0: {  	v2 =	vcvt.f32.s32 v2;
	v3 =	vcvt.f32.s32 v3;
	_ =	sdelay $0x1  }
0x3e1: {  	v2 =	vadd.s32 v2, v0;
	v3 =	vshll.u32 v3, $0x9  }
0x3e2: {  	v2 =	vadd.s32 v3, v2  }
0x3e3: {  	[tilespmem:s26+$0x2470] =	vst v2  }
0x3e4: {  	[tilespmem:s14], [sflag:$0x2] =	stream.indirect.gather [hbm4b:s1+s10], $0x1, s13, s10, $0xb8;
	[tilespmem:$0x4080] =	vst v63  }
0x3e5: {  	_ =	swait.ge [sflag:s21], $0x400  }
0x3e6: {  	[sflag:s21] =	ssyncset.done $0x0  }
0x3e7: {  	[sflag:s21] =	ssyncadd.s32 $0xFFFFFC00  }
0x3e8: {  	v5 =	vld [tilespmem:$0x3980];
	_ =	sdelay $0x4  }
0x3e9: {  	[tilespmem:$0x1FD80] =	vst v5;
	v5 =	vld [tilespmem:$0x3990];
	_ =	sdelay $0x4  }
0x3ea: {  	[tilespmem:$0x1FD90] =	vst v5;
	v5 =	vld [tilespmem:$0x39A0];
	_ =	sdelay $0x4  }
0x3eb: {  	[tilespmem:$0x1FDA0] =	vst v5;
	v5 =	vld [tilespmem:$0x39B0];
	_ =	sdelay $0x4  }
0x3ec: {  	[tilespmem:$0x1FDB0] =	vst v5;
	v5 =	vld [tilespmem:$0x39C0];
	_ =	sdelay $0x4  }
0x3ed: {  	[tilespmem:$0x1FDC0] =	vst v5;
	v5 =	vld [tilespmem:$0x39D0];
	_ =	sdelay $0x4  }
0x3ee: {  	[tilespmem:$0x1FDD0] =	vst v5;
	v5 =	vld [tilespmem:$0x39E0];
	_ =	sdelay $0x4  }
0x3ef: {  	[tilespmem:$0x1FDE0] =	vst v5;
	v5 =	vld [tilespmem:$0x39F0];
	_ =	sdelay $0x4  }
0x3f0: {  	[tilespmem:$0x1FDF0] =	vst v5;
	v5 =	vld [tilespmem:$0x3A00];
	_ =	sdelay $0x4  }
0x3f1: {  	[tilespmem:$0x1FE00] =	vst v5;
	v5 =	vld [tilespmem:$0x3A10];
	_ =	sdelay $0x4  }
0x3f2: {  	[tilespmem:$0x1FE10] =	vst v5;
	v5 =	vld [tilespmem:$0x3A20];
	_ =	sdelay $0x4  }
0x3f3: {  	[tilespmem:$0x1FE20] =	vst v5;
	v5 =	vld [tilespmem:$0x3A30];
	_ =	sdelay $0x4  }
0x3f4: {  	[tilespmem:$0x1FE30] =	vst v5;
	v5 =	vld [tilespmem:$0x3A40];
	_ =	sdelay $0x4  }
0x3f5: {  	[tilespmem:$0x1FE40] =	vst v5;
	v5 =	vld [tilespmem:$0x3A50];
	_ =	sdelay $0x4  }
0x3f6: {  	[tilespmem:$0x1FE50] =	vst v5;
	v5 =	vld [tilespmem:$0x3A60];
	_ =	sdelay $0x4  }
0x3f7: {  	[tilespmem:$0x1FE60] =	vst v5;
	v5 =	vld [tilespmem:$0x3A70];
	_ =	sdelay $0x4  }
0x3f8: {  	[tilespmem:$0x1FE70] =	vst v5;
	v5 =	vld [tilespmem:$0x3A80];
	_ =	sdelay $0x4  }
0x3f9: {  	[tilespmem:$0x1FE80] =	vst v5;
	v5 =	vld [tilespmem:$0x3A90];
	_ =	sdelay $0x4  }
0x3fa: {  	[tilespmem:$0x1FE90] =	vst v5;
	v5 =	vld [tilespmem:$0x3AA0];
	_ =	sdelay $0x4  }
0x3fb: {  	[tilespmem:$0x1FEA0] =	vst v5;
	v5 =	vld [tilespmem:$0x3AB0];
	_ =	sdelay $0x4  }
0x3fc: {  	[tilespmem:$0x1FEB0] =	vst v5;
	v5 =	vld [tilespmem:$0x3AC0];
	_ =	sdelay $0x4  }
0x3fd: {  	[tilespmem:$0x1FEC0] =	vst v5;
	v5 =	vld [tilespmem:$0x3AD0];
	_ =	sdelay $0x4  }
0x3fe: {  	[tilespmem:$0x1FED0] =	vst v5;
	v5 =	vld [tilespmem:$0x3AE0];
	_ =	sdelay $0x4  }
0x3ff: {  	[tilespmem:$0x1FEE0] =	vst v5;
	v5 =	vld [tilespmem:$0x3AF0];
	_ =	sdelay $0x4  }
0x400: {  	[tilespmem:$0x1FEF0] =	vst v5;
	v5 =	vld [tilespmem:$0x3B00];
	_ =	sdelay $0x4  }
0x401: {  	[tilespmem:$0x1FF00] =	vst v5;
	v5 =	vld [tilespmem:$0x3B10];
	_ =	sdelay $0x4  }
0x402: {  	[tilespmem:$0x1FF10] =	vst v5;
	v5 =	vld [tilespmem:$0x3B20];
	_ =	sdelay $0x4  }
0x403: {  	[tilespmem:$0x1FF20] =	vst v5;
	v5 =	vld [tilespmem:$0x3B30];
	_ =	sdelay $0x4  }
0x404: {  	[tilespmem:$0x1FF30] =	vst v5;
	v5 =	vld [tilespmem:$0x3B40];
	_ =	sdelay $0x4  }
0x405: {  	[tilespmem:$0x1FF40] =	vst v5;
	v5 =	vld [tilespmem:$0x3B50];
	_ =	sdelay $0x4  }
0x406: {  	[tilespmem:$0x1FF50] =	vst v5;
	v5 =	vld [tilespmem:$0x3B60];
	_ =	sdelay $0x4  }
0x407: {  	[tilespmem:$0x1FF60] =	vst v5;
	v5 =	vld [tilespmem:$0x3B70];
	_ =	sdelay $0x4  }
0x408: {  	[tilespmem:$0x1FF70] =	vst v5;
	v5 =	vld [tilespmem:$0x3B80];
	_ =	sdelay $0x4  }
0x409: {  	[tilespmem:$0x1FF80] =	vst v5;
	v5 =	vld [tilespmem:$0x3B90];
	_ =	sdelay $0x4  }
0x40a: {  	[tilespmem:$0x1FF90] =	vst v5;
	v5 =	vld [tilespmem:$0x3BA0];
	_ =	sdelay $0x2  }
0x40b: {  	v4 =	vld [tilespmem:$0x3800]  }
0x40c: {  	v3 =	vld [tilespmem:$0x3810]  }
0x40d: {  	[tilespmem:$0x1FFA0] =	vst v5;
	v5 =	vld [tilespmem:$0x3BB0]  }
0x40e: {  	v2 =	vld [tilespmem:$0x3820]  }
0x40f: {  	v62 =	vld [tilespmem:$0x3830]  }
0x410: {  	v61 =	vld [tilespmem:$0x3840]  }
0x411: {  	v60 =	vld [tilespmem:$0x3850]  }
0x412: {  	[tilespmem:$0x1FFB0] =	vst v5;
	v5 =	vld [tilespmem:$0x3BC0]  }
0x413: {  	v59 =	vld [tilespmem:$0x3860]  }
0x414: {  	v58 =	vld [tilespmem:$0x3870]  }
0x415: {  	v57 =	vld [tilespmem:$0x3880]  }
0x416: {  	v56 =	vld [tilespmem:$0x3890]  }
0x417: {  	[tilespmem:$0x1FFC0] =	vst v5;
	v5 =	vld [tilespmem:$0x3BD0]  }
0x418: {  	v55 =	vld [tilespmem:$0x38A0]  }
0x419: {  	v54 =	vld [tilespmem:$0x38B0]  }
0x41a: {  	v53 =	vld [tilespmem:$0x38C0]  }
0x41b: {  	v52 =	vld [tilespmem:$0x38D0]  }
0x41c: {  	[tilespmem:$0x1FFD0] =	vst v5;
	v5 =	vld [tilespmem:$0x3BE0]  }
0x41d: {  	v51 =	vld [tilespmem:$0x38E0]  }
0x41e: {  	v50 =	vld [tilespmem:$0x38F0]  }
0x41f: {  	v49 =	vld [tilespmem:$0x3900]  }
0x420: {  	v48 =	vld [tilespmem:$0x3910]  }
0x421: {  	[tilespmem:$0x1FFE0] =	vst v5;
	v5 =	vld [tilespmem:$0x3BF0]  }
0x422: {  	v47 =	vld [tilespmem:$0x3920]  }
0x423: {  	v46 =	vld [tilespmem:$0x3930]  }
0x424: {  	v45 =	vld [tilespmem:$0x3940]  }
0x425: {  	v44 =	vld [tilespmem:$0x3950]  }
0x426: {  	v43 =	vld [tilespmem:$0x3960];
	[tilespmem:$0x1FFF0] =	vst v5  }
0x427: {  	v42 =	vld [tilespmem:$0x3970];
	_ =	swait.ge [sflag:s15], $0x400  }
0x428: {  	[sflag:s15] =	ssyncset.done $0x0  }
0x429: {  	s30 =	simm.s32 $0x3040;
	[sflag:s15] =	ssyncadd.s32 $0xFFFFFC00  }
0x42a: {  	v5 =	vld [tilespmem:s30+$0xFFFFFFC0];
	_ =	sdelay $0x3  }
0x42b: {  	s28 =	sadd.s32 $0x0, s8  }
0x42c: {  	s25 =	sadd.s32 $0x4000, s28;
	v5 =	vshll.u32 v5, $0x11  }
0x42d: {  	v5 =	vadd.s32 s25, v5  }
0x42e: {  	s25 =	simm.s32 $0x2840;
	v5 =	vor.u32 v1, v5  }
0x42f: {  	[tilespmem:s25+$0xFFFFFFC0] =	vst v5  }
0x430: {  	v5 =	vld [tilespmem:s30+$0xFFFFFFD0];
	_ =	sdelay $0x4  }
0x431: {  	s29 =	sadd.s32 $0x4010, s28;
	v5 =	vshll.u32 v5, $0x11  }
0x432: {  	v5 =	vadd.s32 s29, v5  }
0x433: {  	v5 =	vor.u32 v1, v5  }
0x434: {  	[tilespmem:s25+$0xFFFFFFD0] =	vst v5  }
0x435: {  	v5 =	vld [tilespmem:s30+$0xFFFFFFE0];
	_ =	sdelay $0x4  }
0x436: {  	s29 =	sadd.s32 $0x4020, s28;
	v5 =	vshll.u32 v5, $0x11  }
0x437: {  	v5 =	vadd.s32 s29, v5  }
0x438: {  	v5 =	vor.u32 v1, v5  }
0x439: {  	[tilespmem:s25+$0xFFFFFFE0] =	vst v5  }
0x43a: {  	v5 =	vld [tilespmem:s30+$0xFFFFFFF0];
	_ =	sdelay $0x4  }
0x43b: {  	s29 =	sadd.s32 $0x4030, s28;
	v5 =	vshll.u32 v5, $0x11  }
0x43c: {  	v5 =	vadd.s32 s29, v5  }
0x43d: {  	v5 =	vor.u32 v1, v5  }
0x43e: {  	[tilespmem:s25+$0xFFFFFFF0] =	vst v5  }
0x43f: {  	v5 =	vld [tilespmem:s30+$0x0];
	_ =	sdelay $0x4  }
0x440: {  	s29 =	sadd.s32 $0x4040, s28;
	v5 =	vshll.u32 v5, $0x11  }
0x441: {  	v5 =	vadd.s32 s29, v5  }
0x442: {  	v5 =	vor.u32 v1, v5  }
0x443: {  	[tilespmem:s25+$0x0] =	vst v5  }
0x444: {  	v5 =	vld [tilespmem:s30+$0x10];
	_ =	sdelay $0x4  }
0x445: {  	s29 =	sadd.s32 $0x4050, s28;
	v5 =	vshll.u32 v5, $0x11  }
0x446: {  	v5 =	vadd.s32 s29, v5  }
0x447: {  	v5 =	vor.u32 v1, v5  }
0x448: {  	[tilespmem:s25+$0x10] =	vst v5  }
0x449: {  	v5 =	vld [tilespmem:s30+$0x20];
	_ =	sdelay $0x4  }
0x44a: {  	s29 =	sadd.s32 $0x4060, s28;
	v5 =	vshll.u32 v5, $0x11  }
0x44b: {  	v5 =	vadd.s32 s29, v5  }
0x44c: {  	v5 =	vor.u32 v1, v5  }
0x44d: {  	[tilespmem:s25+$0x20] =	vst v5  }
0x44e: {  	v5 =	vld [tilespmem:s30+$0x30];
	_ =	sdelay $0x4  }
0x44f: {  	s31 =	sadd.s32 $0x4070, s28;
	v5 =	vshll.u32 v5, $0x11  }
0x450: {  	v5 =	vadd.s32 s31, v5  }
0x451: {  	v5 =	vor.u32 v1, v5  }
0x452: {  	s26 =	simm.s32 $0x30C0;
	[tilespmem:s25+$0x30] =	vst v5  }
0x453: {  	s28 =	simm.s32 $0x400;
	s29 =	simm.s32 $0x800;
	v5 =	vld [tilespmem:s26+$0xFFFFFFC0]  }
.LBB2_14:
0x454: {  	p0 =	sne.s32 s29, $0x1C00;
	_ =	sdelay $0x2  }
0x455: {  	s30 =	sadd.s32 s28, s8;
	s28 =	smov.u32 s29  }
0x456: {  	s31 =	sadd.s32 $0x4000, s30;
	v5 =	vshll.u32 v5, $0x11  }
0x457: {  	v5 =	vadd.s32 s31, v5  }
0x458: {  	s25 =	sadd.s32 $0x80, s25;
	v5 =	vor.u32 v1, v5  }
0x459: {  	[tilespmem:s25+$0xFFFFFFC0] =	vst v5  }
0x45a: {  	v5 =	vld [tilespmem:s26+$0xFFFFFFD0];
	_ =	sdelay $0x4  }
0x45b: {  	s31 =	sadd.s32 $0x4010, s30;
	v5 =	vshll.u32 v5, $0x11  }
0x45c: {  	v5 =	vadd.s32 s31, v5  }
0x45d: {  	v5 =	vor.u32 v1, v5  }
0x45e: {  	[tilespmem:s25+$0xFFFFFFD0] =	vst v5  }
0x45f: {  	v5 =	vld [tilespmem:s26+$0xFFFFFFE0];
	_ =	sdelay $0x4  }
0x460: {  	s31 =	sadd.s32 $0x4020, s30;
	v5 =	vshll.u32 v5, $0x11  }
0x461: {  	v5 =	vadd.s32 s31, v5  }
0x462: {  	v5 =	vor.u32 v1, v5  }
0x463: {  	[tilespmem:s25+$0xFFFFFFE0] =	vst v5  }
0x464: {  	v5 =	vld [tilespmem:s26+$0xFFFFFFF0];
	_ =	sdelay $0x4  }
0x465: {  	s31 =	sadd.s32 $0x4030, s30;
	v5 =	vshll.u32 v5, $0x11  }
0x466: {  	v5 =	vadd.s32 s31, v5  }
0x467: {  	v5 =	vor.u32 v1, v5  }
0x468: {  	[tilespmem:s25+$0xFFFFFFF0] =	vst v5  }
0x469: {  	v5 =	vld [tilespmem:s26+$0x0];
	_ =	sdelay $0x4  }
0x46a: {  	s31 =	sadd.s32 $0x4040, s30;
	v5 =	vshll.u32 v5, $0x11  }
0x46b: {  	v5 =	vadd.s32 s31, v5  }
0x46c: {  	v5 =	vor.u32 v1, v5  }
0x46d: {  	[tilespmem:s25+$0x0] =	vst v5  }
0x46e: {  	v5 =	vld [tilespmem:s26+$0x10];
	_ =	sdelay $0x4  }
0x46f: {  	s31 =	sadd.s32 $0x4050, s30;
	v5 =	vshll.u32 v5, $0x11  }
0x470: {  	v5 =	vadd.s32 s31, v5  }
0x471: {  	v5 =	vor.u32 v1, v5  }
0x472: {  	[tilespmem:s25+$0x10] =	vst v5  }
0x473: {  	v5 =	vld [tilespmem:s26+$0x20];
	_ =	sdelay $0x4  }
0x474: {  	s31 =	sadd.s32 $0x4060, s30;
	v5 =	vshll.u32 v5, $0x11  }
0x475: {  	v5 =	vadd.s32 s31, v5  }
0x476: {  	v5 =	vor.u32 v1, v5  }
0x477: {  	[tilespmem:s25+$0x20] =	vst v5  }
0x478: {  	v5 =	vld [tilespmem:s26+$0x30];
	_ =	sdelay $0x4  }
.Ltmp6:
0x479: {  	s30 =	sadd.s32 $0x4070, s30;
	v5 =	vshll.u32 v5, $0x11;
	(pc) =	sbr.rel @p0 .LBB2_14-.Ltmp6, $4  }
0x47a: {  	v5 =	vadd.s32 s30, v5  }
0x47b: {  	v5 =	vor.u32 v1, v5  }
0x47c: {  	s26 =	sadd.s32 $0x80, s26;
	[tilespmem:s25+$0x30] =	vst v5  }
0x47d: {  	s29 =	sadd.s32 $0x400, s29;
	v5 =	vld [tilespmem:s26+$0xFFFFFFC0]  }
0x47e: {  	_ =	sdelay $0x2  }
0x47f: {  	s28 =	sadd.s32 s28, s8  }
0x480: {  	s29 =	sadd.s32 $0x4000, s28;
	v5 =	vshll.u32 v5, $0x11  }
0x481: {  	v5 =	vadd.s32 s29, v5  }
0x482: {  	s25 =	sadd.s32 $0x80, s25;
	v5 =	vor.u32 v1, v5  }
0x483: {  	[tilespmem:s25+$0xFFFFFFC0] =	vst v5  }
0x484: {  	v5 =	vld [tilespmem:s26+$0xFFFFFFD0];
	_ =	sdelay $0x4  }
0x485: {  	s29 =	sadd.s32 $0x4010, s28;
	v5 =	vshll.u32 v5, $0x11  }
0x486: {  	v5 =	vadd.s32 s29, v5  }
0x487: {  	v5 =	vor.u32 v1, v5  }
0x488: {  	[tilespmem:s25+$0xFFFFFFD0] =	vst v5  }
0x489: {  	v5 =	vld [tilespmem:s26+$0xFFFFFFE0];
	_ =	sdelay $0x4  }
0x48a: {  	s29 =	sadd.s32 $0x4020, s28;
	v5 =	vshll.u32 v5, $0x11  }
0x48b: {  	v5 =	vadd.s32 s29, v5  }
0x48c: {  	v5 =	vor.u32 v1, v5  }
0x48d: {  	[tilespmem:s25+$0xFFFFFFE0] =	vst v5  }
0x48e: {  	v5 =	vld [tilespmem:s26+$0xFFFFFFF0];
	_ =	sdelay $0x4  }
0x48f: {  	s29 =	sadd.s32 $0x4030, s28;
	v5 =	vshll.u32 v5, $0x11  }
0x490: {  	v5 =	vadd.s32 s29, v5  }
0x491: {  	v5 =	vor.u32 v1, v5  }
0x492: {  	[tilespmem:s25+$0xFFFFFFF0] =	vst v5  }
0x493: {  	v5 =	vld [tilespmem:s26+$0x0];
	_ =	sdelay $0x4  }
0x494: {  	s29 =	sadd.s32 $0x4040, s28;
	v5 =	vshll.u32 v5, $0x11  }
0x495: {  	v5 =	vadd.s32 s29, v5  }
0x496: {  	v5 =	vor.u32 v1, v5  }
0x497: {  	[tilespmem:s25+$0x0] =	vst v5  }
0x498: {  	v5 =	vld [tilespmem:s26+$0x10];
	_ =	sdelay $0x4  }
0x499: {  	s29 =	sadd.s32 $0x4050, s28;
	v5 =	vshll.u32 v5, $0x11  }
0x49a: {  	v5 =	vadd.s32 s29, v5  }
0x49b: {  	v5 =	vor.u32 v1, v5  }
0x49c: {  	[tilespmem:s25+$0x10] =	vst v5  }
0x49d: {  	v5 =	vld [tilespmem:s26+$0x20];
	_ =	sdelay $0x4  }
0x49e: {  	v4 =	vadd.f32 $0.0e+00, v4;
	s29 =	sadd.s32 $0x4060, s28;
	v5 =	vshll.u32 v5, $0x11  }
0x49f: {  	v5 =	vadd.s32 s29, v5  }
0x4a0: {  	v3 =	vadd.f32 v3, v4;
	v5 =	vor.u32 v1, v5  }
0x4a1: {  	[tilespmem:s25+$0x20] =	vst v5  }
0x4a2: {  	v2 =	vadd.f32 v2, v3;
	v5 =	vld [tilespmem:s26+$0x30];
	_ =	sdelay $0x1  }
0x4a3: {  	v2 =	vadd.f32 v62, v2;
	_ =	sdelay $0x1  }
0x4a4: {  	v2 =	vadd.f32 v61, v2  }
0x4a5: {  	s30 =	sadd.s32 $0x4070, s28;
	v5 =	vshll.u32 v5, $0x11  }
0x4a6: {  	v2 =	vadd.f32 v60, v2;
	v5 =	vadd.s32 s30, v5  }
0x4a7: {  	v5 =	vor.u32 v1, v5  }
0x4a8: {  	v2 =	vadd.f32 v59, v2;
	[tilespmem:s25+$0x30] =	vst v5  }
0x4a9: {  	[tilespmem:s17], [sflag:$0x3] =	stream.indirect.gather [hbm4b:s3+s10], $0x1, s16, s10, $0xb8;
	[tilespmem:$0x4080] =	vst v63  }
0x4aa: {  	v2 =	vadd.f32 v58, v2;
	_ =	swait.ge [sflag:s22], $0x400  }
0x4ab: {  	[sflag:s22] =	ssyncset.done $0x0  }
0x4ac: {  	v2 =	vadd.f32 v57, v2;
	[sflag:s22] =	ssyncadd.s32 $0xFFFFFC00  }
0x4ad: {  	v10 =	vld [tilespmem:$0x3C00]  }
0x4ae: {  	v2 =	vadd.f32 v56, v2;
	v11 =	vld [tilespmem:$0x3C10]  }
0x4af: {  	v12 =	vld [tilespmem:$0x3C20]  }
0x4b0: {  	v2 =	vadd.f32 v55, v2;
	v13 =	vld [tilespmem:$0x3C30]  }
0x4b1: {  	v14 =	vld [tilespmem:$0x3C40]  }
0x4b2: {  	v2 =	vadd.f32 v54, v2;
	v15 =	vld [tilespmem:$0x3C50]  }
0x4b3: {  	v16 =	vld [tilespmem:$0x3C60]  }
0x4b4: {  	v4 =	vadd.f32 v53, v2;
	v17 =	vld [tilespmem:$0x3C70]  }
0x4b5: {  	v18 =	vld [tilespmem:$0x3C80]  }
0x4b6: {  	v52 =	vadd.f32 v52, v4;
	v19 =	vld [tilespmem:$0x3C90]  }
0x4b7: {  	v20 =	vld [tilespmem:$0x3CA0]  }
0x4b8: {  	v51 =	vadd.f32 v51, v52;
	v21 =	vld [tilespmem:$0x3CB0]  }
0x4b9: {  	v22 =	vld [tilespmem:$0x3CC0]  }
0x4ba: {  	v50 =	vadd.f32 v50, v51;
	v24 =	vld [tilespmem:$0x3CD0]  }
0x4bb: {  	v25 =	vld [tilespmem:$0x3CE0]  }
0x4bc: {  	v49 =	vadd.f32 v49, v50;
	v29 =	vld [tilespmem:$0x3CF0]  }
0x4bd: {  	v30 =	vld [tilespmem:$0x3D00]  }
0x4be: {  	v48 =	vadd.f32 v48, v49;
	v31 =	vld [tilespmem:$0x3D10]  }
0x4bf: {  	v32 =	vld [tilespmem:$0x3D20]  }
0x4c0: {  	v47 =	vadd.f32 v47, v48;
	v33 =	vld [tilespmem:$0x3D30]  }
0x4c1: {  	v34 =	vld [tilespmem:$0x3D40]  }
0x4c2: {  	v46 =	vadd.f32 v46, v47;
	v36 =	vld [tilespmem:$0x3D50]  }
0x4c3: {  	v37 =	vld [tilespmem:$0x3D60]  }
0x4c4: {  	v45 =	vadd.f32 v45, v46;
	v38 =	vld [tilespmem:$0x3D70]  }
0x4c5: {  	v39 =	vld [tilespmem:$0x3D80]  }
0x4c6: {  	v44 =	vadd.f32 v44, v45;
	v41 =	vld [tilespmem:$0x3D90]  }
0x4c7: {  	v40 =	vld [tilespmem:$0x3DA0]  }
0x4c8: {  	v43 =	vadd.f32 v43, v44;
	v35 =	vld [tilespmem:$0x3DB0]  }
0x4c9: {  	v26 =	vld [tilespmem:$0x3DC0]  }
0x4ca: {  	v42 =	vadd.f32 v42, v43;
	v43 =	vld [tilespmem:$0x3FB0]  }
0x4cb: {  	v27 =	vld [tilespmem:$0x3DD0]  }
0x4cc: {  	v28 =	vld [tilespmem:$0x3DE0]  }
0x4cd: {  	v23 =	vld [tilespmem:$0x3DF0]  }
0x4ce: {  	v6 =	vld [tilespmem:$0x3E00]  }
0x4cf: {  	[tilespmem:$0x1FD30] =	vst v43;
	v43 =	vld [tilespmem:$0x3FC0]  }
0x4d0: {  	v7 =	vld [tilespmem:$0x3E10]  }
0x4d1: {  	v8 =	vld [tilespmem:$0x3E20]  }
0x4d2: {  	v9 =	vld [tilespmem:$0x3E30]  }
0x4d3: {  	v5 =	vld [tilespmem:$0x3E40]  }
0x4d4: {  	[tilespmem:$0x1FD40] =	vst v43;
	v43 =	vld [tilespmem:$0x1FD80]  }
0x4d5: {  	v3 =	vld [tilespmem:$0x3E50]  }
0x4d6: {  	v2 =	vld [tilespmem:$0x3E60]  }
0x4d7: {  	v4 =	vld [tilespmem:$0x3E70]  }
0x4d8: {  	v63 =	vld [tilespmem:$0x3E80]  }
0x4d9: {  	v42 =	vadd.f32 v43, v42;
	v43 =	vld [tilespmem:$0x3FD0]  }
0x4da: {  	v60 =	vld [tilespmem:$0x3E90]  }
0x4db: {  	v59 =	vld [tilespmem:$0x3EA0]  }
0x4dc: {  	v61 =	vld [tilespmem:$0x3EB0]  }
0x4dd: {  	v62 =	vld [tilespmem:$0x3EC0]  }
0x4de: {  	[tilespmem:$0x1FD50] =	vst v43;
	v43 =	vld [tilespmem:$0x3FE0]  }
0x4df: {  	v58 =	vld [tilespmem:$0x3ED0]  }
0x4e0: {  	v55 =	vld [tilespmem:$0x3EE0]  }
0x4e1: {  	v56 =	vld [tilespmem:$0x3EF0]  }
0x4e2: {  	v57 =	vld [tilespmem:$0x3F00]  }
0x4e3: {  	[tilespmem:$0x1FD60] =	vst v43;
	v43 =	vld [tilespmem:$0x1FD90]  }
0x4e4: {  	v54 =	vld [tilespmem:$0x3F10]  }
0x4e5: {  	v50 =	vld [tilespmem:$0x3F20]  }
0x4e6: {  	v51 =	vld [tilespmem:$0x3F30]  }
0x4e7: {  	v52 =	vld [tilespmem:$0x3F40]  }
0x4e8: {  	v42 =	vadd.f32 v43, v42;
	v43 =	vld [tilespmem:$0x3FF0]  }
0x4e9: {  	v53 =	vld [tilespmem:$0x3F50]  }
0x4ea: {  	v49 =	vld [tilespmem:$0x3F60]  }
0x4eb: {  	v47 =	vld [tilespmem:$0x3F70]  }
0x4ec: {  	v46 =	vld [tilespmem:$0x3F80]  }
0x4ed: {  	v48 =	vld [tilespmem:$0x3F90];
	[tilespmem:$0x1FD70] =	vst v43  }
0x4ee: {  	v45 =	vld [tilespmem:$0x3FA0];
	_ =	swait.ge [sflag:s18], $0x400  }
0x4ef: {  	v43 =	vld [tilespmem:$0x1FDA0];
	_ =	sdelay $0x4  }
0x4f0: {  	v42 =	vadd.f32 v43, v42;
	v43 =	vld [tilespmem:$0x1FDB0];
	_ =	sdelay $0x1  }
0x4f1: {  	v44 =	vld [tilespmem:$0x1FDC0];
	_ =	sdelay $0x2  }
0x4f2: {  	v42 =	vadd.f32 v43, v42;
	_ =	sdelay $0x1  }
0x4f3: {  	v42 =	vadd.f32 v44, v42;
	v44 =	vld [tilespmem:$0x1FDD0];
	_ =	sdelay $0x4  }
0x4f4: {  	v42 =	vadd.f32 v44, v42;
	v44 =	vld [tilespmem:$0x1FDE0];
	_ =	sdelay $0x4  }
0x4f5: {  	v42 =	vadd.f32 v44, v42;
	v44 =	vld [tilespmem:$0x1FDF0];
	_ =	sdelay $0x1  }
0x4f6: {  	[sflag:s18] =	ssyncset.done $0x0  }
0x4f7: {  	s31 =	simm.s32 $0x3440;
	[sflag:s18] =	ssyncadd.s32 $0xFFFFFC00  }
0x4f8: {  	v43 =	vld [tilespmem:s31+$0xFFFFFFC0]  }
0x4f9: {  	v42 =	vadd.f32 v44, v42;
	v44 =	vld [tilespmem:$0x1FE00];
	_ =	sdelay $0x3  }
0x4fa: {  	s28 =	sadd.s32 $0x0, s8  }
0x4fb: {  	s30 =	sadd.s32 $0x6000, s28;
	v43 =	vshll.u32 v43, $0x11;
	v42 =	vadd.f32 v44, v42;
	v44 =	vld [tilespmem:$0x1FE10]  }
0x4fc: {  	v43 =	vadd.s32 s30, v43  }
0x4fd: {  	s25 =	simm.s32 $0x2C40;
	v43 =	vor.u32 v1, v43  }
0x4fe: {  	[tilespmem:s25+$0xFFFFFFC0] =	vst v43  }
0x4ff: {  	v43 =	vld [tilespmem:s31+$0xFFFFFFD0]  }
0x500: {  	v42 =	vadd.f32 v44, v42;
	v44 =	vld [tilespmem:$0x1FE20];
	_ =	sdelay $0x4  }
0x501: {  	s29 =	sadd.s32 $0x6010, s28;
	v43 =	vshll.u32 v43, $0x11;
	v42 =	vadd.f32 v44, v42;
	v44 =	vld [tilespmem:$0x1FE30]  }
0x502: {  	v43 =	vadd.s32 s29, v43  }
0x503: {  	v43 =	vor.u32 v1, v43  }
0x504: {  	[tilespmem:s25+$0xFFFFFFD0] =	vst v43;
	v43 =	vld [tilespmem:$0x1FE40];
	_ =	sdelay $0x1  }
0x505: {  	v42 =	vadd.f32 v44, v42;
	v44 =	vld [tilespmem:$0x1FE50];
	_ =	sdelay $0x2  }
0x506: {  	v42 =	vadd.f32 v43, v42;
	_ =	sdelay $0x1  }
0x507: {  	v42 =	vadd.f32 v44, v42;
	v44 =	vld [tilespmem:$0x1FE60];
	_ =	sdelay $0x4  }
0x508: {  	v42 =	vadd.f32 v44, v42;
	v44 =	vld [tilespmem:$0x1FE70];
	_ =	sdelay $0x4  }
0x509: {  	v42 =	vadd.f32 v44, v42;
	v44 =	vld [tilespmem:$0x1FE80];
	_ =	sdelay $0x3  }
0x50a: {  	v43 =	vld [tilespmem:s31+$0xFFFFFFE0]  }
0x50b: {  	v42 =	vadd.f32 v44, v42;
	v44 =	vld [tilespmem:$0x1FE90];
	_ =	sdelay $0x4  }
0x50c: {  	s29 =	sadd.s32 $0x6020, s28;
	v43 =	vshll.u32 v43, $0x11;
	v42 =	vadd.f32 v44, v42;
	v44 =	vld [tilespmem:$0x1FEA0]  }
0x50d: {  	v43 =	vadd.s32 s29, v43  }
0x50e: {  	v43 =	vor.u32 v1, v43  }
0x50f: {  	[tilespmem:s25+$0xFFFFFFE0] =	vst v43  }
0x510: {  	v43 =	vld [tilespmem:s31+$0xFFFFFFF0]  }
0x511: {  	v42 =	vadd.f32 v44, v42;
	v44 =	vld [tilespmem:$0x1FEB0];
	_ =	sdelay $0x4  }
0x512: {  	s29 =	sadd.s32 $0x6030, s28;
	v43 =	vshll.u32 v43, $0x11;
	v42 =	vadd.f32 v44, v42;
	v44 =	vld [tilespmem:$0x1FEC0]  }
0x513: {  	v43 =	vadd.s32 s29, v43  }
0x514: {  	v43 =	vor.u32 v1, v43  }
0x515: {  	[tilespmem:s25+$0xFFFFFFF0] =	vst v43;
	v43 =	vld [tilespmem:$0x1FED0];
	_ =	sdelay $0x1  }
0x516: {  	v42 =	vadd.f32 v44, v42;
	v44 =	vld [tilespmem:$0x1FEE0];
	_ =	sdelay $0x2  }
0x517: {  	v42 =	vadd.f32 v43, v42;
	_ =	sdelay $0x1  }
0x518: {  	v42 =	vadd.f32 v44, v42;
	v44 =	vld [tilespmem:$0x1FEF0];
	_ =	sdelay $0x4  }
0x519: {  	v42 =	vadd.f32 v44, v42;
	v44 =	vld [tilespmem:$0x1FF00];
	_ =	sdelay $0x4  }
0x51a: {  	v42 =	vadd.f32 v44, v42;
	v44 =	vld [tilespmem:$0x1FF10];
	_ =	sdelay $0x3  }
0x51b: {  	v43 =	vld [tilespmem:s31+$0x0]  }
0x51c: {  	v42 =	vadd.f32 v44, v42;
	v44 =	vld [tilespmem:$0x1FF20];
	_ =	sdelay $0x4  }
0x51d: {  	s29 =	sadd.s32 $0x6040, s28;
	v43 =	vshll.u32 v43, $0x11;
	v42 =	vadd.f32 v44, v42;
	v44 =	vld [tilespmem:$0x1FF30]  }
0x51e: {  	v43 =	vadd.s32 s29, v43  }
0x51f: {  	v43 =	vor.u32 v1, v43  }
0x520: {  	[tilespmem:s25+$0x0] =	vst v43  }
0x521: {  	v43 =	vld [tilespmem:s31+$0x10]  }
0x522: {  	v42 =	vadd.f32 v44, v42;
	v44 =	vld [tilespmem:$0x1FF40];
	_ =	sdelay $0x4  }
0x523: {  	s29 =	sadd.s32 $0x6050, s28;
	v43 =	vshll.u32 v43, $0x11;
	v42 =	vadd.f32 v44, v42;
	v44 =	vld [tilespmem:$0x1FF50]  }
0x524: {  	v43 =	vadd.s32 s29, v43  }
0x525: {  	v43 =	vor.u32 v1, v43  }
0x526: {  	[tilespmem:s25+$0x10] =	vst v43;
	v43 =	vld [tilespmem:$0x1FF60];
	_ =	sdelay $0x1  }
0x527: {  	v42 =	vadd.f32 v44, v42;
	v44 =	vld [tilespmem:$0x1FF70];
	_ =	sdelay $0x2  }
0x528: {  	v42 =	vadd.f32 v43, v42;
	_ =	sdelay $0x1  }
0x529: {  	v42 =	vadd.f32 v44, v42;
	v44 =	vld [tilespmem:$0x1FF80];
	_ =	sdelay $0x4  }
0x52a: {  	v42 =	vadd.f32 v44, v42;
	v44 =	vld [tilespmem:$0x1FF90];
	_ =	sdelay $0x4  }
0x52b: {  	v42 =	vadd.f32 v44, v42;
	v44 =	vld [tilespmem:$0x1FFA0];
	_ =	sdelay $0x3  }
0x52c: {  	v43 =	vld [tilespmem:s31+$0x20]  }
0x52d: {  	v42 =	vadd.f32 v44, v42;
	v44 =	vld [tilespmem:$0x1FFB0];
	_ =	sdelay $0x4  }
0x52e: {  	s29 =	sadd.s32 $0x6060, s28;
	v43 =	vshll.u32 v43, $0x11;
	v42 =	vadd.f32 v44, v42;
	v44 =	vld [tilespmem:$0x1FFC0]  }
0x52f: {  	v43 =	vadd.s32 s29, v43  }
0x530: {  	v43 =	vor.u32 v1, v43  }
0x531: {  	[tilespmem:s25+$0x20] =	vst v43  }
0x532: {  	v43 =	vld [tilespmem:s31+$0x30]  }
0x533: {  	v42 =	vadd.f32 v44, v42;
	v44 =	vld [tilespmem:$0x1FFD0];
	_ =	sdelay $0x3  }
0x534: {  	s31 =	sadd.s32 $0x6070, s28;
	v43 =	vshll.u32 v43, $0x11  }
0x535: {  	v43 =	vadd.s32 s31, v43;
	v42 =	vadd.f32 v44, v42;
	v44 =	vld [tilespmem:$0x1FFE0]  }
0x536: {  	v43 =	vor.u32 v1, v43  }
0x537: {  	[tilespmem:s25+$0x30] =	vst v43;
	v43 =	vld [tilespmem:$0x1FFF0];
	_ =	sdelay $0x2  }
0x538: {  	v42 =	vadd.f32 v44, v42  }
0x539: {  	s26 =	simm.s32 $0x34C0  }
0x53a: {  	s29 =	simm.s32 $0x800;
	s28 =	simm.s32 $0x400;
	v42 =	vadd.f32 v43, v42;
	v43 =	vld [tilespmem:s26+$0xFFFFFFC0]  }
.LBB2_16:
0x53b: {  	p0 =	sne.s32 s29, $0x1C00;
	_ =	sdelay $0x2  }
0x53c: {  	s30 =	sadd.s32 s28, s8;
	s28 =	smov.u32 s29  }
0x53d: {  	s31 =	sadd.s32 $0x6000, s30;
	v43 =	vshll.u32 v43, $0x11  }
0x53e: {  	v43 =	vadd.s32 s31, v43  }
0x53f: {  	s25 =	sadd.s32 $0x80, s25;
	v43 =	vor.u32 v1, v43  }
0x540: {  	[tilespmem:s25+$0xFFFFFFC0] =	vst v43  }
0x541: {  	v43 =	vld [tilespmem:s26+$0xFFFFFFD0];
	_ =	sdelay $0x4  }
0x542: {  	s31 =	sadd.s32 $0x6010, s30;
	v43 =	vshll.u32 v43, $0x11  }
0x543: {  	v43 =	vadd.s32 s31, v43  }
0x544: {  	v43 =	vor.u32 v1, v43  }
0x545: {  	[tilespmem:s25+$0xFFFFFFD0] =	vst v43  }
0x546: {  	v43 =	vld [tilespmem:s26+$0xFFFFFFE0];
	_ =	sdelay $0x4  }
0x547: {  	s31 =	sadd.s32 $0x6020, s30;
	v43 =	vshll.u32 v43, $0x11  }
0x548: {  	v43 =	vadd.s32 s31, v43  }
0x549: {  	v43 =	vor.u32 v1, v43  }
0x54a: {  	[tilespmem:s25+$0xFFFFFFE0] =	vst v43  }
0x54b: {  	v43 =	vld [tilespmem:s26+$0xFFFFFFF0];
	_ =	sdelay $0x4  }
0x54c: {  	s31 =	sadd.s32 $0x6030, s30;
	v43 =	vshll.u32 v43, $0x11  }
0x54d: {  	v43 =	vadd.s32 s31, v43  }
0x54e: {  	v43 =	vor.u32 v1, v43  }
0x54f: {  	[tilespmem:s25+$0xFFFFFFF0] =	vst v43  }
0x550: {  	v43 =	vld [tilespmem:s26+$0x0];
	_ =	sdelay $0x4  }
0x551: {  	s31 =	sadd.s32 $0x6040, s30;
	v43 =	vshll.u32 v43, $0x11  }
0x552: {  	v43 =	vadd.s32 s31, v43  }
0x553: {  	v43 =	vor.u32 v1, v43  }
0x554: {  	[tilespmem:s25+$0x0] =	vst v43  }
0x555: {  	v43 =	vld [tilespmem:s26+$0x10];
	_ =	sdelay $0x4  }
0x556: {  	s31 =	sadd.s32 $0x6050, s30;
	v43 =	vshll.u32 v43, $0x11  }
0x557: {  	v43 =	vadd.s32 s31, v43  }
0x558: {  	v43 =	vor.u32 v1, v43  }
0x559: {  	[tilespmem:s25+$0x10] =	vst v43  }
0x55a: {  	v43 =	vld [tilespmem:s26+$0x20];
	_ =	sdelay $0x4  }
0x55b: {  	s31 =	sadd.s32 $0x6060, s30;
	v43 =	vshll.u32 v43, $0x11  }
0x55c: {  	v43 =	vadd.s32 s31, v43  }
0x55d: {  	v43 =	vor.u32 v1, v43  }
0x55e: {  	[tilespmem:s25+$0x20] =	vst v43  }
0x55f: {  	v43 =	vld [tilespmem:s26+$0x30];
	_ =	sdelay $0x4  }
.Ltmp7:
0x560: {  	s30 =	sadd.s32 $0x6070, s30;
	v43 =	vshll.u32 v43, $0x11;
	(pc) =	sbr.rel @p0 .LBB2_16-.Ltmp7, $4  }
0x561: {  	v43 =	vadd.s32 s30, v43  }
0x562: {  	v43 =	vor.u32 v1, v43  }
0x563: {  	s26 =	sadd.s32 $0x80, s26;
	[tilespmem:s25+$0x30] =	vst v43  }
0x564: {  	s29 =	sadd.s32 $0x400, s29;
	v43 =	vld [tilespmem:s26+$0xFFFFFFC0]  }
0x565: {  	v10 =	vadd.f32 v10, v42;
	_ =	sdelay $0x1  }
0x566: {  	v10 =	vadd.f32 v11, v10;
	_ =	sdelay $0x1  }
0x567: {  	v10 =	vadd.f32 v12, v10;
	_ =	sdelay $0x1  }
0x568: {  	v10 =	vadd.f32 v13, v10;
	_ =	sdelay $0x1  }
0x569: {  	v10 =	vadd.f32 v14, v10;
	_ =	sdelay $0x1  }
0x56a: {  	v10 =	vadd.f32 v15, v10;
	_ =	sdelay $0x1  }
0x56b: {  	v10 =	vadd.f32 v16, v10;
	_ =	sdelay $0x1  }
0x56c: {  	v10 =	vadd.f32 v17, v10;
	_ =	sdelay $0x1  }
0x56d: {  	v10 =	vadd.f32 v18, v10;
	_ =	sdelay $0x1  }
0x56e: {  	v10 =	vadd.f32 v19, v10;
	_ =	sdelay $0x1  }
0x56f: {  	v10 =	vadd.f32 v20, v10;
	_ =	sdelay $0x1  }
0x570: {  	v10 =	vadd.f32 v21, v10;
	_ =	sdelay $0x1  }
0x571: {  	v10 =	vadd.f32 v22, v10;
	_ =	sdelay $0x1  }
0x572: {  	v10 =	vadd.f32 v24, v10;
	_ =	sdelay $0x1  }
0x573: {  	v10 =	vadd.f32 v25, v10;
	_ =	sdelay $0x1  }
0x574: {  	v10 =	vadd.f32 v29, v10;
	_ =	sdelay $0x1  }
0x575: {  	v10 =	vadd.f32 v30, v10;
	_ =	sdelay $0x1  }
0x576: {  	v10 =	vadd.f32 v31, v10;
	_ =	sdelay $0x1  }
0x577: {  	v10 =	vadd.f32 v32, v10;
	_ =	sdelay $0x1  }
0x578: {  	v10 =	vadd.f32 v33, v10;
	_ =	sdelay $0x1  }
0x579: {  	v10 =	vadd.f32 v34, v10;
	_ =	sdelay $0x1  }
0x57a: {  	v10 =	vadd.f32 v36, v10;
	_ =	sdelay $0x1  }
0x57b: {  	v10 =	vadd.f32 v37, v10;
	_ =	sdelay $0x1  }
0x57c: {  	v10 =	vadd.f32 v38, v10;
	_ =	sdelay $0x1  }
0x57d: {  	s28 =	sadd.s32 s28, s8;
	v10 =	vadd.f32 v39, v10  }
0x57e: {  	s29 =	sadd.s32 $0x6000, s28;
	v25 =	vshll.u32 v43, $0x11  }
0x57f: {  	v11 =	vadd.s32 s29, v25;
	v10 =	vadd.f32 v41, v10  }
0x580: {  	s25 =	sadd.s32 $0x80, s25;
	v11 =	vor.u32 v1, v11  }
0x581: {  	[tilespmem:s25+$0xFFFFFFC0] =	vst v11;
	v10 =	vadd.f32 v40, v10  }
0x582: {  	v11 =	vld [tilespmem:s26+$0xFFFFFFD0]  }
0x583: {  	v10 =	vadd.f32 v35, v10;
	_ =	sdelay $0x1  }
0x584: {  	v10 =	vadd.f32 v26, v10;
	_ =	sdelay $0x1  }
0x585: {  	s31 =	sadd.s32 $0x6010, s28;
	v11 =	vshll.u32 v11, $0x11;
	v10 =	vadd.f32 v27, v10  }
0x586: {  	v11 =	vadd.s32 s31, v11  }
0x587: {  	v11 =	vor.u32 v1, v11;
	v10 =	vadd.f32 v28, v10  }
0x588: {  	[tilespmem:s25+$0xFFFFFFD0] =	vst v11  }
0x589: {  	v29 =	vld [tilespmem:s26+$0xFFFFFFE0];
	v10 =	vadd.f32 v23, v10;
	_ =	sdelay $0x1  }
0x58a: {  	v6 =	vadd.f32 v6, v10;
	_ =	sdelay $0x1  }
0x58b: {  	v6 =	vadd.f32 v7, v6  }
0x58c: {  	s30 =	sadd.s32 $0x6020, s28;
	v30 =	vshll.u32 v29, $0x11  }
0x58d: {  	v7 =	vadd.s32 s30, v30;
	v6 =	vadd.f32 v8, v6  }
0x58e: {  	v31 =	vor.u32 v1, v7  }
0x58f: {  	[tilespmem:s25+$0xFFFFFFE0] =	vst v31;
	v6 =	vadd.f32 v9, v6  }
0x590: {  	v32 =	vld [tilespmem:s26+$0xFFFFFFF0]  }
0x591: {  	v5 =	vadd.f32 v5, v6;
	_ =	sdelay $0x1  }
0x592: {  	v3 =	vadd.f32 v3, v5;
	_ =	sdelay $0x1  }
0x593: {  	s31 =	sadd.s32 $0x6030, s28;
	v2 =	vadd.f32 v2, v3;
	v3 =	vshll.u32 v32, $0x11  }
0x594: {  	v3 =	vadd.s32 s31, v3  }
0x595: {  	v3 =	vor.u32 v1, v3  }
0x596: {  	[tilespmem:s25+$0xFFFFFFF0] =	vst v3  }
0x597: {  	v2 =	vadd.f32 v4, v2;
	v3 =	vld [tilespmem:s26+$0x0];
	_ =	sdelay $0x1  }
0x598: {  	v2 =	vadd.f32 v63, v2;
	_ =	sdelay $0x1  }
0x599: {  	v2 =	vadd.f32 v60, v2  }
0x59a: {  	s30 =	sadd.s32 $0x6040, s28;
	v3 =	vshll.u32 v3, $0x11  }
0x59b: {  	v2 =	vadd.f32 v59, v2;
	v3 =	vadd.s32 s30, v3  }
0x59c: {  	v3 =	vor.u32 v1, v3  }
0x59d: {  	v2 =	vadd.f32 v61, v2;
	[tilespmem:s25+$0x0] =	vst v3  }
0x59e: {  	v3 =	vld [tilespmem:s26+$0x10]  }
0x59f: {  	v2 =	vadd.f32 v62, v2;
	_ =	sdelay $0x1  }
0x5a0: {  	v2 =	vadd.f32 v58, v2;
	_ =	sdelay $0x1  }
0x5a1: {  	s31 =	sadd.s32 $0x6050, s28;
	v2 =	vadd.f32 v55, v2;
	v3 =	vshll.u32 v3, $0x11  }
0x5a2: {  	v3 =	vadd.s32 s31, v3  }
0x5a3: {  	v2 =	vadd.f32 v56, v2;
	v3 =	vor.u32 v1, v3  }
0x5a4: {  	[tilespmem:s25+$0x10] =	vst v3  }
0x5a5: {  	v2 =	vadd.f32 v57, v2;
	v3 =	vld [tilespmem:s26+$0x20];
	_ =	sdelay $0x1  }
0x5a6: {  	v2 =	vadd.f32 v54, v2;
	_ =	sdelay $0x1  }
0x5a7: {  	v2 =	vadd.f32 v50, v2  }
0x5a8: {  	s30 =	sadd.s32 $0x6060, s28;
	v3 =	vshll.u32 v3, $0x11  }
0x5a9: {  	v2 =	vadd.f32 v51, v2;
	v3 =	vadd.s32 s30, v3  }
0x5aa: {  	v3 =	vor.u32 v1, v3  }
0x5ab: {  	v2 =	vadd.f32 v52, v2;
	[tilespmem:s25+$0x20] =	vst v3  }
0x5ac: {  	v3 =	vld [tilespmem:s26+$0x30]  }
0x5ad: {  	v2 =	vadd.f32 v53, v2;
	_ =	sdelay $0x1  }
0x5ae: {  	v2 =	vadd.f32 v49, v2;
	_ =	sdelay $0x1  }
0x5af: {  	s31 =	sadd.s32 $0x6070, s28;
	v2 =	vadd.f32 v47, v2;
	v3 =	vshll.u32 v3, $0x11  }
0x5b0: {  	v3 =	vadd.s32 s31, v3  }
0x5b1: {  	v2 =	vadd.f32 v46, v2;
	v3 =	vor.u32 v1, v3  }
0x5b2: {  	[tilespmem:s25+$0x30] =	vst v3;
	v3 =	vld [tilespmem:$0x1FD30]  }
0x5b3: {  	v2 =	vadd.f32 v48, v2;
	_ =	sdelay $0x1  }
0x5b4: {  	v2 =	vadd.f32 v45, v2;
	_ =	sdelay $0x1  }
0x5b5: {  	v2 =	vadd.f32 v3, v2;
	v3 =	vld [tilespmem:$0x1FD40];
	_ =	sdelay $0x2  }
0x5b6: {  	[tilespmem:s20], [sflag:$0x4] =	stream.indirect.gather [hbm4b:s3+s10], $0x1, s19, s10, $0xb8;
	[tilespmem:$0x4080] =	vst v63  }
0x5b7: {  	_ =	swait.ge [sflag:s21], $0x400  }
0x5b8: {  	v2 =	vadd.f32 v3, v2;
	v3 =	vld [tilespmem:$0x1FD50];
	_ =	sdelay $0x1  }
0x5b9: {  	v33 =	vld [tilespmem:$0x1FD60];
	_ =	sdelay $0x1  }
0x5ba: {  	[sflag:s21] =	ssyncset.done $0x0;
	v35 =	vld [tilespmem:$0x1FD70]  }
0x5bb: {  	[sflag:s21] =	ssyncadd.s32 $0xFFFFFC00;
	v2 =	vadd.f32 v3, v2  }
0x5bc: {  	v3 =	vld [tilespmem:$0x3800]  }
0x5bd: {  	v2 =	vadd.f32 v33, v2  }
0x5be: {  	v34 =	vld [tilespmem:$0x3810]  }
0x5bf: {  	v2 =	vadd.f32 v35, v2  }
0x5c0: {  	v36 =	vld [tilespmem:$0x3820]  }
0x5c1: {  	v2 =	vadd.f32 v3, v2  }
0x5c2: {  	v3 =	vld [tilespmem:$0x3830]  }
0x5c3: {  	v2 =	vadd.f32 v34, v2  }
0x5c4: {  	v37 =	vld [tilespmem:$0x3840]  }
0x5c5: {  	v2 =	vadd.f32 v36, v2  }
0x5c6: {  	v38 =	vld [tilespmem:$0x3850]  }
0x5c7: {  	v2 =	vadd.f32 v3, v2  }
0x5c8: {  	v3 =	vld [tilespmem:$0x3860]  }
0x5c9: {  	v2 =	vadd.f32 v37, v2  }
0x5ca: {  	v39 =	vld [tilespmem:$0x3870]  }
0x5cb: {  	v2 =	vadd.f32 v38, v2  }
0x5cc: {  	v40 =	vld [tilespmem:$0x3880]  }
0x5cd: {  	v2 =	vadd.f32 v3, v2  }
0x5ce: {  	v3 =	vld [tilespmem:$0x3890]  }
0x5cf: {  	v2 =	vadd.f32 v39, v2  }
0x5d0: {  	v41 =	vld [tilespmem:$0x38A0]  }
0x5d1: {  	v2 =	vadd.f32 v40, v2  }
0x5d2: {  	v42 =	vld [tilespmem:$0x38B0]  }
0x5d3: {  	v2 =	vadd.f32 v3, v2  }
0x5d4: {  	v3 =	vld [tilespmem:$0x38C0]  }
0x5d5: {  	v2 =	vadd.f32 v41, v2  }
0x5d6: {  	v43 =	vld [tilespmem:$0x38D0]  }
0x5d7: {  	v2 =	vadd.f32 v42, v2  }
0x5d8: {  	v44 =	vld [tilespmem:$0x38E0]  }
0x5d9: {  	v2 =	vadd.f32 v3, v2  }
0x5da: {  	v3 =	vld [tilespmem:$0x38F0]  }
0x5db: {  	v2 =	vadd.f32 v43, v2  }
0x5dc: {  	v45 =	vld [tilespmem:$0x3900]  }
0x5dd: {  	v2 =	vadd.f32 v44, v2  }
0x5de: {  	v46 =	vld [tilespmem:$0x3910]  }
0x5df: {  	v2 =	vadd.f32 v3, v2  }
0x5e0: {  	v3 =	vld [tilespmem:$0x3920]  }
0x5e1: {  	v2 =	vadd.f32 v45, v2  }
0x5e2: {  	v47 =	vld [tilespmem:$0x3930]  }
0x5e3: {  	v2 =	vadd.f32 v46, v2  }
0x5e4: {  	v48 =	vld [tilespmem:$0x3940]  }
0x5e5: {  	v2 =	vadd.f32 v3, v2  }
0x5e6: {  	v3 =	vld [tilespmem:$0x3950]  }
0x5e7: {  	v2 =	vadd.f32 v47, v2  }
0x5e8: {  	v49 =	vld [tilespmem:$0x3960]  }
0x5e9: {  	v2 =	vadd.f32 v48, v2  }
0x5ea: {  	v50 =	vld [tilespmem:$0x3970]  }
0x5eb: {  	v2 =	vadd.f32 v3, v2  }
0x5ec: {  	v3 =	vld [tilespmem:$0x3980]  }
0x5ed: {  	v2 =	vadd.f32 v49, v2  }
0x5ee: {  	v51 =	vld [tilespmem:$0x3990]  }
0x5ef: {  	v2 =	vadd.f32 v50, v2  }
0x5f0: {  	v52 =	vld [tilespmem:$0x39A0]  }
0x5f1: {  	v2 =	vadd.f32 v3, v2  }
0x5f2: {  	v3 =	vld [tilespmem:$0x39B0]  }
0x5f3: {  	v2 =	vadd.f32 v51, v2  }
0x5f4: {  	v53 =	vld [tilespmem:$0x39C0]  }
0x5f5: {  	v2 =	vadd.f32 v52, v2  }
0x5f6: {  	v54 =	vld [tilespmem:$0x39D0]  }
0x5f7: {  	v2 =	vadd.f32 v3, v2  }
0x5f8: {  	v3 =	vld [tilespmem:$0x39E0]  }
0x5f9: {  	v2 =	vadd.f32 v53, v2  }
0x5fa: {  	v55 =	vld [tilespmem:$0x39F0]  }
0x5fb: {  	v2 =	vadd.f32 v54, v2  }
0x5fc: {  	v56 =	vld [tilespmem:$0x3A00]  }
0x5fd: {  	v2 =	vadd.f32 v3, v2  }
0x5fe: {  	v3 =	vld [tilespmem:$0x3A10]  }
0x5ff: {  	v2 =	vadd.f32 v55, v2  }
0x600: {  	v57 =	vld [tilespmem:$0x3A20]  }
0x601: {  	v2 =	vadd.f32 v56, v2  }
0x602: {  	v58 =	vld [tilespmem:$0x3A30]  }
0x603: {  	v2 =	vadd.f32 v3, v2  }
0x604: {  	v3 =	vld [tilespmem:$0x3A40]  }
0x605: {  	v2 =	vadd.f32 v57, v2  }
0x606: {  	v59 =	vld [tilespmem:$0x3A50]  }
0x607: {  	v2 =	vadd.f32 v58, v2  }
0x608: {  	v60 =	vld [tilespmem:$0x3A60]  }
0x609: {  	v2 =	vadd.f32 v3, v2  }
0x60a: {  	v3 =	vld [tilespmem:$0x3A70]  }
0x60b: {  	v2 =	vadd.f32 v59, v2  }
0x60c: {  	v61 =	vld [tilespmem:$0x3A80]  }
0x60d: {  	v2 =	vadd.f32 v60, v2  }
0x60e: {  	v62 =	vld [tilespmem:$0x3A90]  }
0x60f: {  	v2 =	vadd.f32 v3, v2  }
0x610: {  	v3 =	vld [tilespmem:$0x3AA0]  }
0x611: {  	v2 =	vadd.f32 v61, v2  }
0x612: {  	v63 =	vld [tilespmem:$0x3AB0]  }
0x613: {  	v2 =	vadd.f32 v62, v2  }
0x614: {  	v8 =	vld [tilespmem:$0x3AC0]  }
0x615: {  	v2 =	vadd.f32 v3, v2  }
0x616: {  	v3 =	vld [tilespmem:$0x3AD0]  }
0x617: {  	v2 =	vadd.f32 v63, v2  }
0x618: {  	v9 =	vld [tilespmem:$0x3AE0]  }
0x619: {  	v2 =	vadd.f32 v8, v2  }
0x61a: {  	v10 =	vld [tilespmem:$0x3AF0]  }
0x61b: {  	v2 =	vadd.f32 v3, v2  }
0x61c: {  	v3 =	vld [tilespmem:$0x3B00]  }
0x61d: {  	v2 =	vadd.f32 v9, v2  }
0x61e: {  	v11 =	vld [tilespmem:$0x3B10]  }
0x61f: {  	v2 =	vadd.f32 v10, v2  }
0x620: {  	v12 =	vld [tilespmem:$0x3B20]  }
0x621: {  	v2 =	vadd.f32 v3, v2  }
0x622: {  	v3 =	vld [tilespmem:$0x3B30]  }
0x623: {  	v2 =	vadd.f32 v11, v2  }
0x624: {  	v13 =	vld [tilespmem:$0x3B40]  }
0x625: {  	v2 =	vadd.f32 v12, v2  }
0x626: {  	v14 =	vld [tilespmem:$0x3B50]  }
0x627: {  	v2 =	vadd.f32 v3, v2  }
0x628: {  	v3 =	vld [tilespmem:$0x3B60]  }
0x629: {  	v2 =	vadd.f32 v13, v2  }
0x62a: {  	v15 =	vld [tilespmem:$0x3B70]  }
0x62b: {  	v2 =	vadd.f32 v14, v2  }
0x62c: {  	v16 =	vld [tilespmem:$0x3B80]  }
0x62d: {  	v2 =	vadd.f32 v3, v2  }
0x62e: {  	v3 =	vld [tilespmem:$0x3B90]  }
0x62f: {  	v2 =	vadd.f32 v15, v2  }
0x630: {  	v17 =	vld [tilespmem:$0x3BA0]  }
0x631: {  	v2 =	vadd.f32 v16, v2  }
0x632: {  	v18 =	vld [tilespmem:$0x3BB0]  }
0x633: {  	v2 =	vadd.f32 v3, v2  }
0x634: {  	v3 =	vld [tilespmem:$0x3BC0]  }
0x635: {  	v2 =	vadd.f32 v17, v2  }
0x636: {  	v19 =	vld [tilespmem:$0x3BD0]  }
0x637: {  	v2 =	vadd.f32 v18, v2  }
0x638: {  	v20 =	vld [tilespmem:$0x3BE0]  }
0x639: {  	v21 =	vld [tilespmem:$0x3BF0];
	_ =	swait.ge [sflag:s22], $0x400;
	v2 =	vadd.f32 v3, v2  }
0x63a: {  	[sflag:s22] =	ssyncset.done $0x0  }
0x63b: {  	[sflag:s22] =	ssyncadd.s32 $0xFFFFFC00;
	v2 =	vadd.f32 v19, v2  }
0x63c: {  	v3 =	vld [tilespmem:$0x3C00]  }
0x63d: {  	v2 =	vadd.f32 v20, v2  }
0x63e: {  	v22 =	vld [tilespmem:$0x3C10]  }
0x63f: {  	v2 =	vadd.f32 v21, v2  }
0x640: {  	v23 =	vld [tilespmem:$0x3C20]  }
0x641: {  	v2 =	vadd.f32 v3, v2  }
0x642: {  	v3 =	vld [tilespmem:$0x3C30]  }
0x643: {  	v2 =	vadd.f32 v22, v2  }
0x644: {  	v24 =	vld [tilespmem:$0x3C40]  }
0x645: {  	v2 =	vadd.f32 v23, v2  }
0x646: {  	v25 =	vld [tilespmem:$0x3C50]  }
0x647: {  	v2 =	vadd.f32 v3, v2  }
0x648: {  	v3 =	vld [tilespmem:$0x3C60]  }
0x649: {  	v2 =	vadd.f32 v24, v2  }
0x64a: {  	v26 =	vld [tilespmem:$0x3C70]  }
0x64b: {  	v2 =	vadd.f32 v25, v2  }
0x64c: {  	v27 =	vld [tilespmem:$0x3C80]  }
0x64d: {  	v2 =	vadd.f32 v3, v2  }
0x64e: {  	v3 =	vld [tilespmem:$0x3C90]  }
0x64f: {  	v2 =	vadd.f32 v26, v2  }
0x650: {  	v28 =	vld [tilespmem:$0x3CA0]  }
0x651: {  	v2 =	vadd.f32 v27, v2  }
0x652: {  	v29 =	vld [tilespmem:$0x3CB0]  }
0x653: {  	v2 =	vadd.f32 v3, v2  }
0x654: {  	v3 =	vld [tilespmem:$0x3CC0]  }
0x655: {  	v2 =	vadd.f32 v28, v2  }
0x656: {  	v30 =	vld [tilespmem:$0x3CD0]  }
0x657: {  	v2 =	vadd.f32 v29, v2  }
0x658: {  	v31 =	vld [tilespmem:$0x3CE0]  }
0x659: {  	v2 =	vadd.f32 v3, v2  }
0x65a: {  	v3 =	vld [tilespmem:$0x3CF0]  }
0x65b: {  	v2 =	vadd.f32 v30, v2  }
0x65c: {  	v32 =	vld [tilespmem:$0x3D00]  }
0x65d: {  	v2 =	vadd.f32 v31, v2  }
0x65e: {  	v33 =	vld [tilespmem:$0x3D10]  }
0x65f: {  	v2 =	vadd.f32 v3, v2  }
0x660: {  	v3 =	vld [tilespmem:$0x3D20]  }
0x661: {  	v2 =	vadd.f32 v32, v2  }
0x662: {  	v34 =	vld [tilespmem:$0x3D30]  }
0x663: {  	v2 =	vadd.f32 v33, v2  }
0x664: {  	v35 =	vld [tilespmem:$0x3D40]  }
0x665: {  	v2 =	vadd.f32 v3, v2  }
0x666: {  	v3 =	vld [tilespmem:$0x3D50]  }
0x667: {  	v2 =	vadd.f32 v34, v2  }
0x668: {  	v36 =	vld [tilespmem:$0x3D60]  }
0x669: {  	v2 =	vadd.f32 v35, v2  }
0x66a: {  	v37 =	vld [tilespmem:$0x3D70]  }
0x66b: {  	v2 =	vadd.f32 v3, v2  }
0x66c: {  	v3 =	vld [tilespmem:$0x3D80]  }
0x66d: {  	v2 =	vadd.f32 v36, v2  }
0x66e: {  	v38 =	vld [tilespmem:$0x3D90]  }
0x66f: {  	v2 =	vadd.f32 v37, v2  }
0x670: {  	v39 =	vld [tilespmem:$0x3DA0]  }
0x671: {  	v2 =	vadd.f32 v3, v2  }
0x672: {  	v3 =	vld [tilespmem:$0x3DB0]  }
0x673: {  	v2 =	vadd.f32 v38, v2  }
0x674: {  	v40 =	vld [tilespmem:$0x3DC0]  }
0x675: {  	v2 =	vadd.f32 v39, v2  }
0x676: {  	v41 =	vld [tilespmem:$0x3DD0]  }
0x677: {  	v2 =	vadd.f32 v3, v2  }
0x678: {  	v3 =	vld [tilespmem:$0x3DE0]  }
0x679: {  	v2 =	vadd.f32 v40, v2  }
0x67a: {  	v42 =	vld [tilespmem:$0x3DF0]  }
0x67b: {  	v2 =	vadd.f32 v41, v2  }
0x67c: {  	v43 =	vld [tilespmem:$0x3E00]  }
0x67d: {  	v2 =	vadd.f32 v3, v2  }
0x67e: {  	v3 =	vld [tilespmem:$0x3E10]  }
0x67f: {  	v2 =	vadd.f32 v42, v2  }
0x680: {  	v44 =	vld [tilespmem:$0x3E20]  }
0x681: {  	v2 =	vadd.f32 v43, v2  }
0x682: {  	v45 =	vld [tilespmem:$0x3E30]  }
0x683: {  	v2 =	vadd.f32 v3, v2  }
0x684: {  	v3 =	vld [tilespmem:$0x3E40]  }
0x685: {  	v2 =	vadd.f32 v44, v2  }
0x686: {  	v46 =	vld [tilespmem:$0x3E50]  }
0x687: {  	v2 =	vadd.f32 v45, v2  }
0x688: {  	v47 =	vld [tilespmem:$0x3E60]  }
0x689: {  	v2 =	vadd.f32 v3, v2  }
0x68a: {  	v3 =	vld [tilespmem:$0x3E70]  }
0x68b: {  	v2 =	vadd.f32 v46, v2  }
0x68c: {  	v48 =	vld [tilespmem:$0x3E80]  }
0x68d: {  	v2 =	vadd.f32 v47, v2  }
0x68e: {  	v49 =	vld [tilespmem:$0x3E90]  }
0x68f: {  	v2 =	vadd.f32 v3, v2  }
0x690: {  	v3 =	vld [tilespmem:$0x3EA0]  }
0x691: {  	v2 =	vadd.f32 v48, v2  }
0x692: {  	v50 =	vld [tilespmem:$0x3EB0]  }
0x693: {  	v2 =	vadd.f32 v49, v2  }
0x694: {  	v51 =	vld [tilespmem:$0x3EC0]  }
0x695: {  	v2 =	vadd.f32 v3, v2  }
0x696: {  	v3 =	vld [tilespmem:$0x3ED0]  }
0x697: {  	v2 =	vadd.f32 v50, v2  }
0x698: {  	v52 =	vld [tilespmem:$0x3EE0]  }
0x699: {  	v2 =	vadd.f32 v51, v2  }
0x69a: {  	v53 =	vld [tilespmem:$0x3EF0]  }
0x69b: {  	v2 =	vadd.f32 v3, v2  }
0x69c: {  	v3 =	vld [tilespmem:$0x3F00]  }
0x69d: {  	v2 =	vadd.f32 v52, v2  }
0x69e: {  	v54 =	vld [tilespmem:$0x3F10]  }
0x69f: {  	v2 =	vadd.f32 v53, v2  }
0x6a0: {  	v55 =	vld [tilespmem:$0x3F20]  }
0x6a1: {  	v2 =	vadd.f32 v3, v2  }
0x6a2: {  	v3 =	vld [tilespmem:$0x3F30]  }
0x6a3: {  	v2 =	vadd.f32 v54, v2  }
0x6a4: {  	v56 =	vld [tilespmem:$0x3F40]  }
0x6a5: {  	v2 =	vadd.f32 v55, v2  }
0x6a6: {  	v57 =	vld [tilespmem:$0x3F50]  }
0x6a7: {  	v2 =	vadd.f32 v3, v2  }
0x6a8: {  	v3 =	vld [tilespmem:$0x3F60]  }
0x6a9: {  	v2 =	vadd.f32 v56, v2  }
0x6aa: {  	v58 =	vld [tilespmem:$0x3F70]  }
0x6ab: {  	v2 =	vadd.f32 v57, v2  }
0x6ac: {  	v59 =	vld [tilespmem:$0x3F80]  }
0x6ad: {  	v2 =	vadd.f32 v3, v2  }
0x6ae: {  	v3 =	vld [tilespmem:$0x3F90]  }
0x6af: {  	v2 =	vadd.f32 v58, v2  }
0x6b0: {  	v60 =	vld [tilespmem:$0x3FA0]  }
0x6b1: {  	v2 =	vadd.f32 v59, v2  }
0x6b2: {  	v61 =	vld [tilespmem:$0x3FB0]  }
0x6b3: {  	v2 =	vadd.f32 v3, v2  }
0x6b4: {  	v3 =	vld [tilespmem:$0x3FC0]  }
0x6b5: {  	v2 =	vadd.f32 v60, v2  }
0x6b6: {  	v62 =	vld [tilespmem:$0x3FD0]  }
0x6b7: {  	v2 =	vadd.f32 v61, v2  }
0x6b8: {  	v63 =	vld [tilespmem:$0x3FE0]  }
0x6b9: {  	v2 =	vadd.f32 v3, v2  }
0x6ba: {  	v3 =	vld [tilespmem:$0x3FF0]  }
0x6bb: {  	v2 =	vadd.f32 v62, v2;
	_ =	sdelay $0x1  }
0x6bc: {  	v2 =	vadd.f32 v63, v2;
	_ =	sdelay $0x1  }
0x6bd: {  	s24 =	sadd.s32 $0x1, s24;
	v2 =	vadd.f32 v3, v2  }
0x6be: {  	p0 =	sne.s32 s24, s7  }
.Ltmp8:
0x6bf: {  	[tilespmem:$0x4000] =	vst v2;
	(pc) =	sbr.rel @p0 .LBB2_1-.Ltmp8, $4  }
0x6c0: {  	[hbm4b:s6+s4] =	stream.linear.scatter [tilespmem:s23], [sflag:$0x5], $0x80, $0x38;
	[tilespmem:$0x4080] =	vst v63  }
0x6c1: {  	_ =	swait.ge [sflag:s9], $0x80  }
0x6c2: {  	[sflag:s9] =	ssyncset.done $0x0  }
0x6c3: {  	[sflag:s9] =	ssyncadd.s32 $0xFFFFFF80  }
0x6c4: {  	_ =	sfence.sel $0x180000  }
0x6c5: {  	[bflag:$0x0] =	sbarrier.arrive $0xFFFF  }
0x6c6: {  	p0 =	sne.s32 s0, $0x0;
	_ =	strace $0x90000047  }
0x6c7: {  	s0 =	sadd.s32 @!p0 $0x100000, s2;
	[bflag:$0x2] =	sbarrier.arrive $0xFFFF  }
0x6c8: {  	[sflag:s0] =	ssyncadd.tile.s32 @!p0 $0x1;
	_ =	shalt  }
.Lfunc_end2:
_tile_overlayer_lowered:
.L_overlay_start_2:
0x6c9: {  	(tag) =	ssettag $0x2  }
0x6ca: {  	s0 =	rddreg [dreg:$0x0];
	s2 =	stileid.u32  }
0x6cb: {  	s1 =	rddreg [dreg:$0x1];
	p0 =	sne.s32 s2, $0x0  }
0x6cc: {  	s3 =	rddreg [dreg:$0x2];
	[bflag:$0x3] =	sbarrier.arrive $0xFFFF;
	s2 =	simm.s32 @!p0 $0x1C05  }
0x6cd: {  	[timem:s3], [sflag:s2] =	dma.local @!p0 [hbm:s0], s1  }
0x6ce: {  	s0 =	simm.s32 @!p0 $0x5  }
0x6cf: {  	_ =	swait.ge @!p0 [sflag:s0], s1  }
0x6d0: {  	s1 =	ssub.s32 @!p0 $0x0, s1;
	[sflag:s0] =	ssyncset.done @!p0 $0x0  }
0x6d1: {  	[sflag:s0] =	ssyncadd.s32 @!p0 s1  }
0x6d2: {  	[bflag:$0x3] =	sbarrier.arrive $0xFFFF  }
0x6d3: {  	_ =	shalt  }

</sc_bundles>
